<compile_context>
chip_gen: v7x
topology: tpu7x:2x2x1
jax: 0.10.2.dev20260603
libtpu: 0.0.44.dev20260713+nightly
codegen_flags: <defaults>
</compile_context>

<pallas_src>
import functools
import math

import jax
import jax.numpy as jnp
from jax import lax
from jax.experimental import pallas as pl
from jax.experimental.pallas import tpu as pltpu
from jax.experimental.pallas import tpu_sc as plsc

DIM = 128
NO = 10000
NNODE = 10000
E = 320000
ROW = 144
NROWS = 10112
NS = 16
K = 80
NB = 3
IB = 25
NBLK = 10
NCHUNK = NBLK * IB
EPT = NCHUNK * K
ROWS_PER_TILE = NROWS // NS
_INV_SQRT_D = 1.0 / math.sqrt(DIM)


def _tables_body(ox, xw, xt,
                 wq_w, bq_w, wk_w, bk_w, wv_w, bv_w, wo_w,
                 wq_t, bq_t, wk_t, bk_t, wv_t, bv_t, wo_t,
                 tw_ref, tt_ref):
    o = ox[...]
    cw = xw[...]
    ct = xt[...]
    col = lax.broadcasted_iota(jnp.int32, (NO, 16), 1)

    def one(wq, bq, wk, bk, wv, bv, wo, out_ref):
        Wq = wq[...]
        Wk = wk[...]
        Wv = wv[...]
        Wo = wo[...]
        f32 = jnp.float32
        cq = (jnp.dot(cw, Wq[0:DIM], preferred_element_type=f32)
              + jnp.dot(ct, Wq[DIM:2 * DIM], preferred_element_type=f32)
              + bq[...])
        ck = (jnp.dot(cw, Wk[0:DIM], preferred_element_type=f32)
              + jnp.dot(ct, Wk[DIM:2 * DIM], preferred_element_type=f32)
              + bk[...])
        q = jnp.dot(o, Wq[2 * DIM:3 * DIM], preferred_element_type=f32) + cq
        k = jnp.dot(o, Wk[2 * DIM:3 * DIM], preferred_element_type=f32) + ck
        s = jnp.sum(q * k, axis=1, keepdims=True) * _INV_SQRT_D
        g = jnp.exp(s - jnp.max(s))
        cv = (jnp.dot(cw, Wv[0:DIM], preferred_element_type=f32)
              + jnp.dot(ct, Wv[DIM:2 * DIM], preferred_element_type=f32)
              + bv[...])
        cu = jnp.dot(cv, Wo, preferred_element_type=f32)
        M = jnp.dot(Wv[2 * DIM:3 * DIM], Wo, preferred_element_type=f32)
        u = jnp.dot(o, M, preferred_element_type=f32) + cu
        out_ref[:, 0:DIM] = g * u
        out_ref[:, DIM:ROW] = jnp.where(col == 0, g,
                                        jnp.where(col == 1, 1.0, 0.0))

    one(wq_w, bq_w, wk_w, bk_w, wv_w, bv_w, wo_w, tw_ref)
    one(wq_t, bq_t, wk_t, bk_t, wv_t, bv_t, wo_t, tt_ref)


def _build_tables(ox, xw, xt, args_w, args_t):
    out_sd = jax.ShapeDtypeStruct((NO, ROW), jnp.float32)
    return pl.pallas_call(
        _tables_body,
        out_shape=[out_sd, out_sd],
    )(ox, xw, xt, *args_w, *args_t)


def _edge_body(oidx_hbm, widx_hbm, tidx_hbm, tab_w_hbm, tab_t_hbm, zeros_hbm,
               out_w_hbm, out_t_hbm,
               oidx_v, didx_v, bufs, acc, gsems, ssems):
    c = lax.axis_index("c")
    s = lax.axis_index("s")

    @pl.when(s == 0)
    def _():
        pltpu.sync_copy(zeros_hbm, acc)

    def run(didx_hbm, tab_hbm, out_hbm):
        plsc.subcore_barrier()

        @pl.loop(0, NBLK)
        def _blk(b):
            pltpu.sync_copy(oidx_hbm.at[s, pl.ds(b * IB, IB)], oidx_v)
            pltpu.sync_copy(didx_hbm.at[s, pl.ds(b * IB, IB)], didx_v)
            gd = [None] * IB
            sd = [None] * IB

            def fire_gather(j):
                gd[j] = pltpu.async_copy(tab_hbm.at[oidx_v.at[j]],
                                         bufs[j % NB], gsems[j % NB])

            for j in range(NB - 1):
                fire_gather(j)
            for j in range(IB):
                p = j % NB
                gd[j].wait()
                if j + NB - 1 < IB:
                    if j >= 1:
                        sd[j - 1].wait()
                    fire_gather(j + NB - 1)
                sd[j] = pltpu.async_copy(bufs[p], acc.at[didx_v.at[j]],
                                         ssems[p], add=True)
            for j in range(max(IB - NB, 0), IB):
                sd[j].wait()

        plsc.subcore_barrier()
        rbase = s * ROWS_PER_TILE
        pltpu.sync_copy(acc.at[pl.ds(rbase, ROWS_PER_TILE)],
                        out_hbm.at[pl.ds(rbase, ROWS_PER_TILE)])

    @pl.when(c == 0)
    def _():
        run(widx_hbm, tab_w_hbm, out_w_hbm)

    @pl.when(c == 1)
    def _():
        run(tidx_hbm, tab_t_hbm, out_t_hbm)


def _edge_scatter(oidx, widx, tidx, tab_w, tab_t, zeros):
    mesh = plsc.VectorSubcoreMesh(core_axis_name="c", subcore_axis_name="s")
    acc_sd = jax.ShapeDtypeStruct((NROWS, ROW), jnp.float32)
    fn = pl.kernel(
        _edge_body,
        out_type=[acc_sd, acc_sd],
        mesh=mesh,
        scratch_types=[
            pltpu.VMEM((IB, K), jnp.int32),
            pltpu.VMEM((IB, K), jnp.int32),
            [pltpu.VMEM((K, ROW), jnp.float32) for _ in range(NB)],
            pltpu.VMEM_SHARED((NROWS, ROW), jnp.float32),
            [pltpu.SemaphoreType.DMA for _ in range(NB)],
            [pltpu.SemaphoreType.DMA for _ in range(NB)],
        ],
        compiler_params=pltpu.CompilerParams(use_tc_tiling_on_sc=False),
    )
    return fn(oidx, widx, tidx, tab_w, tab_t, zeros)


def _finalize_body(aw, at, xw, xt, bo_w, bo_t, ln_g, ln_b, zw_ref, zt_ref):
    def one(acc_ref, x, bo, out_ref):
        P = acc_ref[0:NNODE, 0:DIM]
        dc = acc_ref[0:NNODE, DIM:ROW]
        D = dc[:, 0:1]
        C = dc[:, 1:2]
        h = x[...] + P / (D + 1e-16) + C * bo[...]
        mu = jnp.mean(h, axis=1, keepdims=True)
        hc = h - mu
        var = jnp.mean(hc * hc, axis=1, keepdims=True)
        out_ref[...] = hc * lax.rsqrt(var + 1e-5) * ln_g[...] + ln_b[...]

    one(aw, xw, bo_w, zw_ref)
    one(at, xt, bo_t, zt_ref)


def _finalize(acc_w, acc_t, xw, xt, bo_w, bo_t, ln_g, ln_b):
    out_sd = jax.ShapeDtypeStruct((NNODE, DIM), jnp.float32)
    return pl.pallas_call(
        _finalize_body,
        out_shape=[out_sd, out_sd],
    )(acc_w, acc_t, xw, xt, bo_w, bo_t, ln_g, ln_b)


def kernel(triple, option_x, num_worker, num_task, x_worker, x_task,
           Wq_w, bq_w, Wk_w, bk_w, Wv_w, bv_w, Wo_w, bo_w,
           Wq_t, bq_t, Wk_t, bk_t, Wv_t, bv_t, Wo_t, bo_t, ln_g, ln_b):
    xw = x_worker.reshape(1, DIM)
    xt = x_task.reshape(1, DIM)
    tab_w, tab_t = _build_tables(
        option_x, xw, xt,
        (Wq_w, bq_w.reshape(1, -1), Wk_w, bk_w.reshape(1, -1),
         Wv_w, bv_w.reshape(1, -1), Wo_w),
        (Wq_t, bq_t.reshape(1, -1), Wk_t, bk_t.reshape(1, -1),
         Wv_t, bv_t.reshape(1, -1), Wo_t))

    w_ids = triple[0] + (num_worker - NNODE)
    t_ids = triple[2] + (num_task - NNODE)
    o_ids = triple[1]

    def shape_idx(ids, pad):
        a = ids.reshape(NS, E // NS)
        a = jnp.pad(a, ((0, 0), (0, EPT - E // NS)), constant_values=pad)
        return a.reshape(NS, NCHUNK, K).astype(jnp.int32)

    oidx = shape_idx(o_ids, 0)
    widx = shape_idx(w_ids, NNODE)
    tidx = shape_idx(t_ids, NNODE)
    zeros = jnp.zeros((NROWS, ROW), jnp.float32)

    acc_w, acc_t = _edge_scatter(oidx, widx, tidx, tab_w, tab_t, zeros)

    z_w, z_t = _finalize(acc_w, acc_t, xw, xt,
                         bo_w.reshape(1, -1), bo_t.reshape(1, -1),
                         ln_g.reshape(1, -1), ln_b.reshape(1, -1))
    return (z_w, z_t, option_x)

# --- scband reference (transcript-rebuilt; emitter-appended) ---
"""Pipeline reference for scband-cfmencoder-80272938762375 (READ-ONLY COPY).

The authoritative reference and input builder live on the scoring server;
editing this copy changes nothing except your own understanding.
"""

import math
import jax, jax.numpy as jnp
import numpy as np

DIM = 128
HEAD = 1
E = 320000
NW = 10000
NT = 10000
NO = 10000


def _lin(k, fin, fout):
    k1, k2 = jax.random.split(k)
    bound = 1.0 / np.sqrt(fin)
    W = jax.random.uniform(k1, (fin, fout), minval=-bound, maxval=bound, dtype=jnp.float32)
    b = jax.random.uniform(k2, (fout,), minval=-bound, maxval=bound, dtype=jnp.float32)
    return W, b


def setup_inputs(seed: int = 0):
    key = jax.random.key(seed)
    ks = jax.random.split(key, 16)
    inp = {}
    inp["triple"] = jax.random.randint(ks[0], (3, E), 0, NW, dtype=jnp.int32)
    inp["option_x"] = jax.random.normal(ks[1], (NO, DIM), dtype=jnp.float32)
    inp["num_worker"] = NW
    inp["num_task"] = NT
    inp["x_worker"] = jax.random.normal(ks[2], (DIM,), dtype=jnp.float32)
    inp["x_task"] = jax.random.normal(ks[3], (DIM,), dtype=jnp.float32)
    names = ["q_w", "k_w", "v_w", "o_w", "q_t", "k_t", "v_t", "o_t"]
    for i, nm in enumerate(names):
        if nm[0] == "o":
            fin, fout = HEAD * DIM, DIM
        else:
            fin, fout = 3 * DIM, HEAD * DIM
        W, b = _lin(ks[4 + i], fin, fout)
        inp["W" + nm] = W
        inp["b" + nm] = b
    inp["ln_g"] = jnp.ones((DIM,), jnp.float32)
    inp["ln_b"] = jnp.zeros((DIM,), jnp.float32)
    return inp


def _segment_softmax(scores, seg, num_segments):
    smax = jax.ops.segment_max(scores, seg, num_segments=num_segments)
    smax = jnp.where(jnp.isfinite(smax), smax, 0.0)
    e = jnp.exp(scores - smax[seg])
    denom = jax.ops.segment_sum(e, seg, num_segments=num_segments)
    return e / (denom[seg] + 1e-16)


def _layer_norm(x, g, b, eps=1e-5):
    mu = x.mean(-1, keepdims=True)
    var = ((x - mu) ** 2).mean(-1, keepdims=True)
    return (x - mu) / jnp.sqrt(var + eps) * g + b


def reference(triple, option_x, num_worker, num_task, x_worker, x_task, Wq_w, bq_w, Wk_w, bk_w, Wv_w, bv_w, Wo_w, bo_w, Wq_t, bq_t, Wk_t, bk_t, Wv_t, bv_t, Wo_t, bo_t, ln_g, ln_b):
    worker_ids = triple[0] + (num_worker - NW)
    option_ids = triple[1]
    task_ids = triple[2] + (num_task - NT)
    dim = x_worker.shape[0]
    head = Wq_w.shape[1] // dim
    inv_sqrt_d = 1.0 / math.sqrt(dim)
    z_w = jnp.broadcast_to(x_worker, (NW, dim))
    z_t = jnp.broadcast_to(x_task, (NT, dim))
    z_o = option_x
    z = jnp.concatenate([z_w[worker_ids], z_t[task_ids], z_o[option_ids]], axis=-1)
    q_w = (z @ Wq_w + bq_w).reshape(-1, head, dim)
    k_w = (z @ Wk_w + bk_w).reshape(-1, head, dim)
    v_w = (z @ Wv_w + bv_w).reshape(-1, head, dim)
    s_w = (q_w * k_w).sum(-1) * inv_sqrt_d
    a_w = _segment_softmax(s_w, worker_ids, NW)
    m_w = (a_w[:, :, None] * v_w).reshape(-1, head * dim) @ Wo_w + bo_w
    q_t = (z @ Wq_t + bq_t).reshape(-1, head, dim)
    k_t = (z @ Wk_t + bk_t).reshape(-1, head, dim)
    v_t = (z @ Wv_t + bv_t).reshape(-1, head, dim)
    s_t = (q_t * k_t).sum(-1) * inv_sqrt_d
    a_t = _segment_softmax(s_t, task_ids, NT)
    m_t = (a_t[:, :, None] * v_t).reshape(-1, head * dim) @ Wo_t + bo_t
    agg_w = jax.ops.segment_sum(m_w, worker_ids, num_segments=NW)
    agg_t = jax.ops.segment_sum(m_t, task_ids, num_segments=NT)
    z_w = _layer_norm(z_w + agg_w, ln_g, ln_b)
    z_t = _layer_norm(z_t + agg_t, ln_g, ln_b)
    return (z_w, z_t, z_o)

if __name__ == "__main__":
    import jax
    _d = setup_inputs()
    print(jax.jit(kernel)(*tuple(_d.values())))

</pallas_src>

<mosaic_0001>
#map = affine_map<(d0, d1) -> (0, 0, 0)>
#map1 = affine_map<(d0, d1) -> (0, 0)>
module attributes {stable_mosaic.version = 14 : i64} {
  func.func @_edge_body(%arg0: i32, %arg1: i32, %arg2: memref<16x250x80xi32, #tpu.memory_space<hbm>>, %arg3: memref<16x250x80xi32, #tpu.memory_space<hbm>>, %arg4: memref<16x250x80xi32, #tpu.memory_space<hbm>>, %arg5: memref<10000x144xf32, #tpu.memory_space<hbm>>, %arg6: memref<10000x144xf32, #tpu.memory_space<hbm>>, %arg7: memref<10112x144xf32, #tpu.memory_space<hbm>>, %arg8: memref<10112x144xf32, #tpu.memory_space<hbm>>, %arg9: memref<10112x144xf32, #tpu.memory_space<hbm>>, %arg10: memref<25x80xi32, #tpu.memory_space<vmem>>, %arg11: memref<25x80xi32, #tpu.memory_space<vmem>>, %arg12: memref<80x144xf32, #tpu.memory_space<vmem>>, %arg13: memref<80x144xf32, #tpu.memory_space<vmem>>, %arg14: memref<80x144xf32, #tpu.memory_space<vmem>>, %arg15: memref<10112x144xf32, #tpu.memory_space<vmem_shared>>, %arg16: memref<!tpu.dma_semaphore, #tpu.memory_space<semaphore_mem>>, %arg17: memref<!tpu.dma_semaphore, #tpu.memory_space<semaphore_mem>>, %arg18: memref<!tpu.dma_semaphore, #tpu.memory_space<semaphore_mem>>, %arg19: memref<!tpu.dma_semaphore, #tpu.memory_space<semaphore_mem>>, %arg20: memref<!tpu.dma_semaphore, #tpu.memory_space<semaphore_mem>>, %arg21: memref<!tpu.dma_semaphore, #tpu.memory_space<semaphore_mem>>) attributes {dimension_semantics = [#tpu.dimension_semantics<core_parallel>, #tpu.dimension_semantics<subcore_parallel>], iteration_bounds = array<i64: 2, 16>, scalar_prefetch = 0 : i64, scratch_operands = 12 : i64, tpu.core_type = #tpu.core_type<sc_vector_subcore>, window_params = [{transform_indices = #map}, {transform_indices = #map}, {transform_indices = #map}, {transform_indices = #map1}, {transform_indices = #map1}, {transform_indices = #map1}, {transform_indices = #map1}, {transform_indices = #map1}]} {
    %eq3A = arith.constant 0 : i32
    %eq3A_0 = arith.cmpi eq, %arg1, %eq3A : i32
    %convert_element_type3A = arith.extui %eq3A_0 : i1 to i32
    %cond3A = arith.constant 0 : i32
    %cond3A_1 = arith.cmpi ne, %convert_element_type3A, %cond3A : i32
    scf.if %cond3A_1 {
      "tpu.region"() ({
        %run_scoped3A = tpu.sem_alloc : memref<!tpu.dma_semaphore, #tpu.memory_space<semaphore_mem>>
        tpu.enqueue_dma source(%arg7 : memref<10112x144xf32, #tpu.memory_space<hbm>>) target(%arg15 : memref<10112x144xf32, #tpu.memory_space<vmem_shared>>) target_semaphore(%run_scoped3A : memref<!tpu.dma_semaphore, #tpu.memory_space<semaphore_mem>>)
        tpu.wait_dma2 semaphore(%run_scoped3A : memref<!tpu.dma_semaphore, #tpu.memory_space<semaphore_mem>>) src(%arg7 : memref<10112x144xf32, #tpu.memory_space<hbm>>) dst(%arg15 : memref<10112x144xf32, #tpu.memory_space<vmem_shared>>)
        tpu.yield
      }) : () -> ()
    } else {
    }
    %eq3A_2 = arith.constant 0 : i32
    %eq3A_3 = arith.cmpi eq, %arg0, %eq3A_2 : i32
    %convert_element_type3A_4 = arith.extui %eq3A_3 : i1 to i32
    %cond3A_5 = arith.constant 0 : i32
    %cond3A_6 = arith.cmpi ne, %convert_element_type3A_4, %cond3A_5 : i32
    scf.if %cond3A_6 {
      %barrier3A = arith.constant 0 : index
      tpu.barrier barrier_id(%barrier3A)
      %scan3A = arith.constant 0 : i32
      %scan3A_12 = arith.constant 10 : i32
      %scan3A_13 = arith.addi %scan3A, %scan3A_12 : i32
      %scan3A_14 = arith.constant 1 : i32
      scf.for %scan3A_18 = %scan3A to %scan3A_13 step %scan3A_14  : i32 {
        %mul3A_19 = arith.constant 1 : i32
        %mul3A_20 = arith.muli %scan3A_18, %mul3A_19 : i32
        %add3A = arith.constant 0 : i32
        %add3A_21 = arith.addi %add3A, %mul3A_20 : i32
        %mul3A_22 = arith.constant 25 : i32
        %mul3A_23 = arith.muli %add3A_21, %mul3A_22 : i32
        "tpu.region"() ({
          %run_scoped3A = tpu.sem_alloc : memref<!tpu.dma_semaphore, #tpu.memory_space<semaphore_mem>>
          %dma_start3A_724 = arith.constant 0 : i32
          %dma_start3A_725 = tpu.memref_slice %arg2[%arg1, %mul3A_23, %dma_start3A_724] : memref<16x250x80xi32, #tpu.memory_space<hbm>> -> memref<1x25x80xi32, #tpu.memory_space<hbm>>
          %dma_start3A_726 = tpu.memref_squeeze %dma_start3A_725 : memref<1x25x80xi32, #tpu.memory_space<hbm>> -> memref<25x80xi32, #tpu.memory_space<hbm>>
          %dma_start3A_727 = arith.constant 0 : i32
          %dma_start3A_728 = tpu.memref_slice %arg2[%arg1, %mul3A_23, %dma_start3A_727] : memref<16x250x80xi32, #tpu.memory_space<hbm>> -> memref<1x25x80xi32, #tpu.memory_space<hbm>>
          %dma_start3A_729 = tpu.memref_squeeze %dma_start3A_728 : memref<1x25x80xi32, #tpu.memory_space<hbm>> -> memref<25x80xi32, #tpu.memory_space<hbm>>
          tpu.enqueue_dma source(%dma_start3A_729 : memref<25x80xi32, #tpu.memory_space<hbm>>) target(%arg10 : memref<25x80xi32, #tpu.memory_space<vmem>>) target_semaphore(%run_scoped3A : memref<!tpu.dma_semaphore, #tpu.memory_space<semaphore_mem>>)
          %dma_wait3A_730 = arith.constant 0 : i32
          %dma_wait3A_731 = tpu.memref_slice %arg2[%arg1, %mul3A_23, %dma_wait3A_730] : memref<16x250x80xi32, #tpu.memory_space<hbm>> -> memref<1x25x80xi32, #tpu.memory_space<hbm>>
          %dma_wait3A_732 = tpu.memref_squeeze %dma_wait3A_731 : memref<1x25x80xi32, #tpu.memory_space<hbm>> -> memref<25x80xi32, #tpu.memory_space<hbm>>
          %dma_wait3A_733 = arith.constant 0 : i32
          %dma_wait3A_734 = tpu.memref_slice %arg2[%arg1, %mul3A_23, %dma_wait3A_733] : memref<16x250x80xi32, #tpu.memory_space<hbm>> -> memref<1x25x80xi32, #tpu.memory_space<hbm>>
          %dma_wait3A_735 = tpu.memref_squeeze %dma_wait3A_734 : memref<1x25x80xi32, #tpu.memory_space<hbm>> -> memref<25x80xi32, #tpu.memory_space<hbm>>
          tpu.wait_dma2 semaphore(%run_scoped3A : memref<!tpu.dma_semaphore, #tpu.memory_space<semaphore_mem>>) src(%dma_wait3A_735 : memref<25x80xi32, #tpu.memory_space<hbm>>) dst(%arg10 : memref<25x80xi32, #tpu.memory_space<vmem>>)
          tpu.yield
        }) : () -> ()
        %mul3A_24 = arith.constant 25 : i32
        %mul3A_25 = arith.muli %add3A_21, %mul3A_24 : i32
        "tpu.region"() ({
          %run_scoped3A = tpu.sem_alloc : memref<!tpu.dma_semaphore, #tpu.memory_space<semaphore_mem>>
          %dma_start3A_724 = arith.constant 0 : i32
          %dma_start3A_725 = tpu.memref_slice %arg3[%arg1, %mul3A_25, %dma_start3A_724] : memref<16x250x80xi32, #tpu.memory_space<hbm>> -> memref<1x25x80xi32, #tpu.memory_space<hbm>>
          %dma_start3A_726 = tpu.memref_squeeze %dma_start3A_725 : memref<1x25x80xi32, #tpu.memory_space<hbm>> -> memref<25x80xi32, #tpu.memory_space<hbm>>
          %dma_start3A_727 = arith.constant 0 : i32
          %dma_start3A_728 = tpu.memref_slice %arg3[%arg1, %mul3A_25, %dma_start3A_727] : memref<16x250x80xi32, #tpu.memory_space<hbm>> -> memref<1x25x80xi32, #tpu.memory_space<hbm>>
          %dma_start3A_729 = tpu.memref_squeeze %dma_start3A_728 : memref<1x25x80xi32, #tpu.memory_space<hbm>> -> memref<25x80xi32, #tpu.memory_space<hbm>>
          tpu.enqueue_dma source(%dma_start3A_729 : memref<25x80xi32, #tpu.memory_space<hbm>>) target(%arg11 : memref<25x80xi32, #tpu.memory_space<vmem>>) target_semaphore(%run_scoped3A : memref<!tpu.dma_semaphore, #tpu.memory_space<semaphore_mem>>)
          %dma_wait3A_730 = arith.constant 0 : i32
          %dma_wait3A_731 = tpu.memref_slice %arg3[%arg1, %mul3A_25, %dma_wait3A_730] : memref<16x250x80xi32, #tpu.memory_space<hbm>> -> memref<1x25x80xi32, #tpu.memory_space<hbm>>
          %dma_wait3A_732 = tpu.memref_squeeze %dma_wait3A_731 : memref<1x25x80xi32, #tpu.memory_space<hbm>> -> memref<25x80xi32, #tpu.memory_space<hbm>>
          %dma_wait3A_733 = arith.constant 0 : i32
          %dma_wait3A_734 = tpu.memref_slice %arg3[%arg1, %mul3A_25, %dma_wait3A_733] : memref<16x250x80xi32, #tpu.memory_space<hbm>> -> memref<1x25x80xi32, #tpu.memory_space<hbm>>
          %dma_wait3A_735 = tpu.memref_squeeze %dma_wait3A_734 : memref<1x25x80xi32, #tpu.memory_space<hbm>> -> memref<25x80xi32, #tpu.memory_space<hbm>>
          tpu.wait_dma2 semaphore(%run_scoped3A : memref<!tpu.dma_semaphore, #tpu.memory_space<semaphore_mem>>) src(%dma_wait3A_735 : memref<25x80xi32, #tpu.memory_space<hbm>>) dst(%arg11 : memref<25x80xi32, #tpu.memory_space<vmem>>)
          tpu.yield
        }) : () -> ()
        %dma_start3A = arith.constant 0 : i32
        %dma_start3A_26 = arith.constant 0 : i32
        %dma_start3A_27 = tpu.memref_slice %arg10[%dma_start3A, %dma_start3A_26] : memref<25x80xi32, #tpu.memory_space<vmem>> -> memref<1x80xi32, #tpu.memory_space<vmem>>
        %dma_start3A_28 = tpu.memref_squeeze %dma_start3A_27 : memref<1x80xi32, #tpu.memory_space<vmem>> -> memref<80xi32, #tpu.memory_space<vmem>>
        %dma_start3A_29 = arith.constant 0 : i32
        %dma_start3A_30 = arith.constant 0 : i32
        %dma_start3A_31 = tpu.memref_slice %arg5[%dma_start3A_29, %dma_start3A_30] : memref<10000x144xf32, #tpu.memory_space<hbm>> -> memref<10000x144xf32, #tpu.memory_space<hbm>>
        tpu.enqueue_indirect_dma source(%dma_start3A_31 : memref<10000x144xf32, #tpu.memory_space<hbm>>) target(%arg12 : memref<80x144xf32, #tpu.memory_space<vmem>>) offsets(%dma_start3A_28 : memref<80xi32, #tpu.memory_space<vmem>>) semaphore(%arg16 : memref<!tpu.dma_semaphore, #tpu.memory_space<semaphore_mem>>)
        %dma_start3A_32 = arith.constant 1 : i32
        %dma_start3A_33 = arith.constant 0 : i32
        %dma_start3A_34 = tpu.memref_slice %arg10[%dma_start3A_32, %dma_start3A_33] : memref<25x80xi32, #tpu.memory_space<vmem>> -> memref<1x80xi32, #tpu.memory_space<vmem>>
        %dma_start3A_35 = tpu.memref_squeeze %dma_start3A_34 : memref<1x80xi32, #tpu.memory_space<vmem>> -> memref<80xi32, #tpu.memory_space<vmem>>
        %dma_start3A_36 = arith.constant 0 : i32
        %dma_start3A_37 = arith.constant 0 : i32
        %dma_start3A_38 = tpu.memref_slice %arg5[%dma_start3A_36, %dma_start3A_37] : memref<10000x144xf32, #tpu.memory_space<hbm>> -> memref<10000x144xf32, #tpu.memory_space<hbm>>
        tpu.enqueue_indirect_dma source(%dma_start3A_38 : memref<10000x144xf32, #tpu.memory_space<hbm>>) target(%arg13 : memref<80x144xf32, #tpu.memory_space<vmem>>) offsets(%dma_start3A_35 : memref<80xi32, #tpu.memory_space<vmem>>) semaphore(%arg17 : memref<!tpu.dma_semaphore, #tpu.memory_space<semaphore_mem>>)
        %dma_wait3A = arith.constant 0 : i32
        %dma_wait3A_39 = arith.constant 0 : i32
        %dma_wait3A_40 = tpu.memref_slice %arg10[%dma_wait3A, %dma_wait3A_39] : memref<25x80xi32, #tpu.memory_space<vmem>> -> memref<1x80xi32, #tpu.memory_space<vmem>>
        %dma_wait3A_41 = tpu.memref_squeeze %dma_wait3A_40 : memref<1x80xi32, #tpu.memory_space<vmem>> -> memref<80xi32, #tpu.memory_space<vmem>>
        %dma_wait3A_42 = arith.constant 0 : i32
        %dma_wait3A_43 = arith.constant 0 : i32
        %dma_wait3A_44 = tpu.memref_slice %arg5[%dma_wait3A_42, %dma_wait3A_43] : memref<10000x144xf32, #tpu.memory_space<hbm>> -> memref<10000x144xf32, #tpu.memory_space<hbm>>
        tpu.wait_indirect_dma semaphore(%arg16 : memref<!tpu.dma_semaphore, #tpu.memory_space<semaphore_mem>>) src(%dma_wait3A_44 : memref<10000x144xf32, #tpu.memory_space<hbm>>) dst(%arg12 : memref<80x144xf32, #tpu.memory_space<vmem>>)
        %dma_start3A_45 = arith.constant 2 : i32
        %dma_start3A_46 = arith.constant 0 : i32
        %dma_start3A_47 = tpu.memref_slice %arg10[%dma_start3A_45, %dma_start3A_46] : memref<25x80xi32, #tpu.memory_space<vmem>> -> memref<1x80xi32, #tpu.memory_space<vmem>>
        %dma_start3A_48 = tpu.memref_squeeze %dma_start3A_47 : memref<1x80xi32, #tpu.memory_space<vmem>> -> memref<80xi32, #tpu.memory_space<vmem>>
        %dma_start3A_49 = arith.constant 0 : i32
        %dma_start3A_50 = arith.constant 0 : i32
        %dma_start3A_51 = tpu.memref_slice %arg5[%dma_start3A_49, %dma_start3A_50] : memref<10000x144xf32, #tpu.memory_space<hbm>> -> memref<10000x144xf32, #tpu.memory_space<hbm>>
        tpu.enqueue_indirect_dma source(%dma_start3A_51 : memref<10000x144xf32, #tpu.memory_space<hbm>>) target(%arg14 : memref<80x144xf32, #tpu.memory_space<vmem>>) offsets(%dma_start3A_48 : memref<80xi32, #tpu.memory_space<vmem>>) semaphore(%arg18 : memref<!tpu.dma_semaphore, #tpu.memory_space<semaphore_mem>>)
        %dma_start3A_52 = arith.constant 0 : i32
        %dma_start3A_53 = arith.constant 0 : i32
        %dma_start3A_54 = tpu.memref_slice %arg11[%dma_start3A_52, %dma_start3A_53] : memref<25x80xi32, #tpu.memory_space<vmem>> -> memref<1x80xi32, #tpu.memory_space<vmem>>
        %dma_start3A_55 = tpu.memref_squeeze %dma_start3A_54 : memref<1x80xi32, #tpu.memory_space<vmem>> -> memref<80xi32, #tpu.memory_space<vmem>>
        %dma_start3A_56 = arith.constant 0 : i32
        %dma_start3A_57 = arith.constant 0 : i32
        %dma_start3A_58 = tpu.memref_slice %arg15[%dma_start3A_56, %dma_start3A_57] : memref<10112x144xf32, #tpu.memory_space<vmem_shared>> -> memref<10112x144xf32, #tpu.memory_space<vmem_shared>>
        tpu.enqueue_indirect_dma source(%arg12 : memref<80x144xf32, #tpu.memory_space<vmem>>) target(%dma_start3A_58 : memref<10112x144xf32, #tpu.memory_space<vmem_shared>>) offsets(%dma_start3A_55 : memref<80xi32, #tpu.memory_space<vmem>>) semaphore(%arg19 : memref<!tpu.dma_semaphore, #tpu.memory_space<semaphore_mem>>) {add = true}
        %dma_wait3A_59 = arith.constant 1 : i32
        %dma_wait3A_60 = arith.constant 0 : i32
        %dma_wait3A_61 = tpu.memref_slice %arg10[%dma_wait3A_59, %dma_wait3A_60] : memref<25x80xi32, #tpu.memory_space<vmem>> -> memref<1x80xi32, #tpu.memory_space<vmem>>
        %dma_wait3A_62 = tpu.memref_squeeze %dma_wait3A_61 : memref<1x80xi32, #tpu.memory_space<vmem>> -> memref<80xi32, #tpu.memory_space<vmem>>
        %dma_wait3A_63 = arith.constant 0 : i32
        %dma_wait3A_64 = arith.constant 0 : i32
        %dma_wait3A_65 = tpu.memref_slice %arg5[%dma_wait3A_63, %dma_wait3A_64] : memref<10000x144xf32, #tpu.memory_space<hbm>> -> memref<10000x144xf32, #tpu.memory_space<hbm>>
        tpu.wait_indirect_dma semaphore(%arg17 : memref<!tpu.dma_semaphore, #tpu.memory_space<semaphore_mem>>) src(%dma_wait3A_65 : memref<10000x144xf32, #tpu.memory_space<hbm>>) dst(%arg13 : memref<80x144xf32, #tpu.memory_space<vmem>>)
        %dma_wait3A_66 = arith.constant 0 : i32
        %dma_wait3A_67 = arith.constant 0 : i32
        %dma_wait3A_68 = tpu.memref_slice %arg11[%dma_wait3A_66, %dma_wait3A_67] : memref<25x80xi32, #tpu.memory_space<vmem>> -> memref<1x80xi32, #tpu.memory_space<vmem>>
        %dma_wait3A_69 = tpu.memref_squeeze %dma_wait3A_68 : memref<1x80xi32, #tpu.memory_space<vmem>> -> memref<80xi32, #tpu.memory_space<vmem>>
        %dma_wait3A_70 = arith.constant 0 : i32
        %dma_wait3A_71 = arith.constant 0 : i32
        %dma_wait3A_72 = tpu.memref_slice %arg15[%dma_wait3A_70, %dma_wait3A_71] : memref<10112x144xf32, #tpu.memory_space<vmem_shared>> -> memref<10112x144xf32, #tpu.memory_space<vmem_shared>>
        tpu.wait_indirect_dma semaphore(%arg19 : memref<!tpu.dma_semaphore, #tpu.memory_space<semaphore_mem>>) src(%arg12 : memref<80x144xf32, #tpu.memory_space<vmem>>) dst(%dma_wait3A_72 : memref<10112x144xf32, #tpu.memory_space<vmem_shared>>)
        %dma_start3A_73 = arith.constant 3 : i32
        %dma_start3A_74 = arith.constant 0 : i32
        %dma_start3A_75 = tpu.memref_slice %arg10[%dma_start3A_73, %dma_start3A_74] : memref<25x80xi32, #tpu.memory_space<vmem>> -> memref<1x80xi32, #tpu.memory_space<vmem>>
        %dma_start3A_76 = tpu.memref_squeeze %dma_start3A_75 : memref<1x80xi32, #tpu.memory_space<vmem>> -> memref<80xi32, #tpu.memory_space<vmem>>
        %dma_start3A_77 = arith.constant 0 : i32
        %dma_start3A_78 = arith.constant 0 : i32
        %dma_start3A_79 = tpu.memref_slice %arg5[%dma_start3A_77, %dma_start3A_78] : memref<10000x144xf32, #tpu.memory_space<hbm>> -> memref<10000x144xf32, #tpu.memory_space<hbm>>
        tpu.enqueue_indirect_dma source(%dma_start3A_79 : memref<10000x144xf32, #tpu.memory_space<hbm>>) target(%arg12 : memref<80x144xf32, #tpu.memory_space<vmem>>) offsets(%dma_start3A_76 : memref<80xi32, #tpu.memory_space<vmem>>) semaphore(%arg16 : memref<!tpu.dma_semaphore, #tpu.memory_space<semaphore_mem>>)
        %dma_start3A_80 = arith.constant 1 : i32
        %dma_start3A_81 = arith.constant 0 : i32
        %dma_start3A_82 = tpu.memref_slice %arg11[%dma_start3A_80, %dma_start3A_81] : memref<25x80xi32, #tpu.memory_space<vmem>> -> memref<1x80xi32, #tpu.memory_space<vmem>>
        %dma_start3A_83 = tpu.memref_squeeze %dma_start3A_82 : memref<1x80xi32, #tpu.memory_space<vmem>> -> memref<80xi32, #tpu.memory_space<vmem>>
        %dma_start3A_84 = arith.constant 0 : i32
        %dma_start3A_85 = arith.constant 0 : i32
        %dma_start3A_86 = tpu.memref_slice %arg15[%dma_start3A_84, %dma_start3A_85] : memref<10112x144xf32, #tpu.memory_space<vmem_shared>> -> memref<10112x144xf32, #tpu.memory_space<vmem_shared>>
        tpu.enqueue_indirect_dma source(%arg13 : memref<80x144xf32, #tpu.memory_space<vmem>>) target(%dma_start3A_86 : memref<10112x144xf32, #tpu.memory_space<vmem_shared>>) offsets(%dma_start3A_83 : memref<80xi32, #tpu.memory_space<vmem>>) semaphore(%arg20 : memref<!tpu.dma_semaphore, #tpu.memory_space<semaphore_mem>>) {add = true}
        %dma_wait3A_87 = arith.constant 2 : i32
        %dma_wait3A_88 = arith.constant 0 : i32
        %dma_wait3A_89 = tpu.memref_slice %arg10[%dma_wait3A_87, %dma_wait3A_88] : memref<25x80xi32, #tpu.memory_space<vmem>> -> memref<1x80xi32, #tpu.memory_space<vmem>>
        %dma_wait3A_90 = tpu.memref_squeeze %dma_wait3A_89 : memref<1x80xi32, #tpu.memory_space<vmem>> -> memref<80xi32, #tpu.memory_space<vmem>>
        %dma_wait3A_91 = arith.constant 0 : i32
        %dma_wait3A_92 = arith.constant 0 : i32
        %dma_wait3A_93 = tpu.memref_slice %arg5[%dma_wait3A_91, %dma_wait3A_92] : memref<10000x144xf32, #tpu.memory_space<hbm>> -> memref<10000x144xf32, #tpu.memory_space<hbm>>
        tpu.wait_indirect_dma semaphore(%arg18 : memref<!tpu.dma_semaphore, #tpu.memory_space<semaphore_mem>>) src(%dma_wait3A_93 : memref<10000x144xf32, #tpu.memory_space<hbm>>) dst(%arg14 : memref<80x144xf32, #tpu.memory_space<vmem>>)
        %dma_wait3A_94 = arith.constant 1 : i32
        %dma_wait3A_95 = arith.constant 0 : i32
        %dma_wait3A_96 = tpu.memref_slice %arg11[%dma_wait3A_94, %dma_wait3A_95] : memref<25x80xi32, #tpu.memory_space<vmem>> -> memref<1x80xi32, #tpu.memory_space<vmem>>
        %dma_wait3A_97 = tpu.memref_squeeze %dma_wait3A_96 : memref<1x80xi32, #tpu.memory_space<vmem>> -> memref<80xi32, #tpu.memory_space<vmem>>
        %dma_wait3A_98 = arith.constant 0 : i32
        %dma_wait3A_99 = arith.constant 0 : i32
        %dma_wait3A_100 = tpu.memref_slice %arg15[%dma_wait3A_98, %dma_wait3A_99] : memref<10112x144xf32, #tpu.memory_space<vmem_shared>> -> memref<10112x144xf32, #tpu.memory_space<vmem_shared>>
        tpu.wait_indirect_dma semaphore(%arg20 : memref<!tpu.dma_semaphore, #tpu.memory_space<semaphore_mem>>) src(%arg13 : memref<80x144xf32, #tpu.memory_space<vmem>>) dst(%dma_wait3A_100 : memref<10112x144xf32, #tpu.memory_space<vmem_shared>>)
        %dma_start3A_101 = arith.constant 4 : i32
        %dma_start3A_102 = arith.constant 0 : i32
        %dma_start3A_103 = tpu.memref_slice %arg10[%dma_start3A_101, %dma_start3A_102] : memref<25x80xi32, #tpu.memory_space<vmem>> -> memref<1x80xi32, #tpu.memory_space<vmem>>
        %dma_start3A_104 = tpu.memref_squeeze %dma_start3A_103 : memref<1x80xi32, #tpu.memory_space<vmem>> -> memref<80xi32, #tpu.memory_space<vmem>>
        %dma_start3A_105 = arith.constant 0 : i32
        %dma_start3A_106 = arith.constant 0 : i32
        %dma_start3A_107 = tpu.memref_slice %arg5[%dma_start3A_105, %dma_start3A_106] : memref<10000x144xf32, #tpu.memory_space<hbm>> -> memref<10000x144xf32, #tpu.memory_space<hbm>>
        tpu.enqueue_indirect_dma source(%dma_start3A_107 : memref<10000x144xf32, #tpu.memory_space<hbm>>) target(%arg13 : memref<80x144xf32, #tpu.memory_space<vmem>>) offsets(%dma_start3A_104 : memref<80xi32, #tpu.memory_space<vmem>>) semaphore(%arg17 : memref<!tpu.dma_semaphore, #tpu.memory_space<semaphore_mem>>)
        %dma_start3A_108 = arith.constant 2 : i32
        %dma_start3A_109 = arith.constant 0 : i32
        %dma_start3A_110 = tpu.memref_slice %arg11[%dma_start3A_108, %dma_start3A_109] : memref<25x80xi32, #tpu.memory_space<vmem>> -> memref<1x80xi32, #tpu.memory_space<vmem>>
        %dma_start3A_111 = tpu.memref_squeeze %dma_start3A_110 : memref<1x80xi32, #tpu.memory_space<vmem>> -> memref<80xi32, #tpu.memory_space<vmem>>
        %dma_start3A_112 = arith.constant 0 : i32
        %dma_start3A_113 = arith.constant 0 : i32
        %dma_start3A_114 = tpu.memref_slice %arg15[%dma_start3A_112, %dma_start3A_113] : memref<10112x144xf32, #tpu.memory_space<vmem_shared>> -> memref<10112x144xf32, #tpu.memory_space<vmem_shared>>
        tpu.enqueue_indirect_dma source(%arg14 : memref<80x144xf32, #tpu.memory_space<vmem>>) target(%dma_start3A_114 : memref<10112x144xf32, #tpu.memory_space<vmem_shared>>) offsets(%dma_start3A_111 : memref<80xi32, #tpu.memory_space<vmem>>) semaphore(%arg21 : memref<!tpu.dma_semaphore, #tpu.memory_space<semaphore_mem>>) {add = true}
        %dma_wait3A_115 = arith.constant 3 : i32
        %dma_wait3A_116 = arith.constant 0 : i32
        %dma_wait3A_117 = tpu.memref_slice %arg10[%dma_wait3A_115, %dma_wait3A_116] : memref<25x80xi32, #tpu.memory_space<vmem>> -> memref<1x80xi32, #tpu.memory_space<vmem>>
        %dma_wait3A_118 = tpu.memref_squeeze %dma_wait3A_117 : memref<1x80xi32, #tpu.memory_space<vmem>> -> memref<80xi32, #tpu.memory_space<vmem>>
        %dma_wait3A_119 = arith.constant 0 : i32
        %dma_wait3A_120 = arith.constant 0 : i32
        %dma_wait3A_121 = tpu.memref_slice %arg5[%dma_wait3A_119, %dma_wait3A_120] : memref<10000x144xf32, #tpu.memory_space<hbm>> -> memref<10000x144xf32, #tpu.memory_space<hbm>>
        tpu.wait_indirect_dma semaphore(%arg16 : memref<!tpu.dma_semaphore, #tpu.memory_space<semaphore_mem>>) src(%dma_wait3A_121 : memref<10000x144xf32, #tpu.memory_space<hbm>>) dst(%arg12 : memref<80x144xf32, #tpu.memory_space<vmem>>)
        %dma_wait3A_122 = arith.constant 2 : i32
        %dma_wait3A_123 = arith.constant 0 : i32
        %dma_wait3A_124 = tpu.memref_slice %arg11[%dma_wait3A_122, %dma_wait3A_123] : memref<25x80xi32, #tpu.memory_space<vmem>> -> memref<1x80xi32, #tpu.memory_space<vmem>>
        %dma_wait3A_125 = tpu.memref_squeeze %dma_wait3A_124 : memref<1x80xi32, #tpu.memory_space<vmem>> -> memref<80xi32, #tpu.memory_space<vmem>>
        %dma_wait3A_126 = arith.constant 0 : i32
        %dma_wait3A_127 = arith.constant 0 : i32
        %dma_wait3A_128 = tpu.memref_slice %arg15[%dma_wait3A_126, %dma_wait3A_127] : memref<10112x144xf32, #tpu.memory_space<vmem_shared>> -> memref<10112x144xf32, #tpu.memory_space<vmem_shared>>
        tpu.wait_indirect_dma semaphore(%arg21 : memref<!tpu.dma_semaphore, #tpu.memory_space<semaphore_mem>>) src(%arg14 : memref<80x144xf32, #tpu.memory_space<vmem>>) dst(%dma_wait3A_128 : memref<10112x144xf32, #tpu.memory_space<vmem_shared>>)
        %dma_start3A_129 = arith.constant 5 : i32
        %dma_start3A_130 = arith.constant 0 : i32
        %dma_start3A_131 = tpu.memref_slice %arg10[%dma_start3A_129, %dma_start3A_130] : memref<25x80xi32, #tpu.memory_space<vmem>> -> memref<1x80xi32, #tpu.memory_space<vmem>>
        %dma_start3A_132 = tpu.memref_squeeze %dma_start3A_131 : memref<1x80xi32, #tpu.memory_space<vmem>> -> memref<80xi32, #tpu.memory_space<vmem>>
        %dma_start3A_133 = arith.constant 0 : i32
        %dma_start3A_134 = arith.constant 0 : i32
        %dma_start3A_135 = tpu.memref_slice %arg5[%dma_start3A_133, %dma_start3A_134] : memref<10000x144xf32, #tpu.memory_space<hbm>> -> memref<10000x144xf32, #tpu.memory_space<hbm>>
        tpu.enqueue_indirect_dma source(%dma_start3A_135 : memref<10000x144xf32, #tpu.memory_space<hbm>>) target(%arg14 : memref<80x144xf32, #tpu.memory_space<vmem>>) offsets(%dma_start3A_132 : memref<80xi32, #tpu.memory_space<vmem>>) semaphore(%arg18 : memref<!tpu.dma_semaphore, #tpu.memory_space<semaphore_mem>>)
        %dma_start3A_136 = arith.constant 3 : i32
        %dma_start3A_137 = arith.constant 0 : i32
        %dma_start3A_138 = tpu.memref_slice %arg11[%dma_start3A_136, %dma_start3A_137] : memref<25x80xi32, #tpu.memory_space<vmem>> -> memref<1x80xi32, #tpu.memory_space<vmem>>
        %dma_start3A_139 = tpu.memref_squeeze %dma_start3A_138 : memref<1x80xi32, #tpu.memory_space<vmem>> -> memref<80xi32, #tpu.memory_space<vmem>>
        %dma_start3A_140 = arith.constant 0 : i32
        %dma_start3A_141 = arith.constant 0 : i32
        %dma_start3A_142 = tpu.memref_slice %arg15[%dma_start3A_140, %dma_start3A_141] : memref<10112x144xf32, #tpu.memory_space<vmem_shared>> -> memref<10112x144xf32, #tpu.memory_space<vmem_shared>>
        tpu.enqueue_indirect_dma source(%arg12 : memref<80x144xf32, #tpu.memory_space<vmem>>) target(%dma_start3A_142 : memref<10112x144xf32, #tpu.memory_space<vmem_shared>>) offsets(%dma_start3A_139 : memref<80xi32, #tpu.memory_space<vmem>>) semaphore(%arg19 : memref<!tpu.dma_semaphore, #tpu.memory_space<semaphore_mem>>) {add = true}
        %dma_wait3A_143 = arith.constant 4 : i32
        %dma_wait3A_144 = arith.constant 0 : i32
        %dma_wait3A_145 = tpu.memref_slice %arg10[%dma_wait3A_143, %dma_wait3A_144] : memref<25x80xi32, #tpu.memory_space<vmem>> -> memref<1x80xi32, #tpu.memory_space<vmem>>
        %dma_wait3A_146 = tpu.memref_squeeze %dma_wait3A_145 : memref<1x80xi32, #tpu.memory_space<vmem>> -> memref<80xi32, #tpu.memory_space<vmem>>
        %dma_wait3A_147 = arith.constant 0 : i32
        %dma_wait3A_148 = arith.constant 0 : i32
        %dma_wait3A_149 = tpu.memref_slice %arg5[%dma_wait3A_147, %dma_wait3A_148] : memref<10000x144xf32, #tpu.memory_space<hbm>> -> memref<10000x144xf32, #tpu.memory_space<hbm>>
        tpu.wait_indirect_dma semaphore(%arg17 : memref<!tpu.dma_semaphore, #tpu.memory_space<semaphore_mem>>) src(%dma_wait3A_149 : memref<10000x144xf32, #tpu.memory_space<hbm>>) dst(%arg13 : memref<80x144xf32, #tpu.memory_space<vmem>>)
        %dma_wait3A_150 = arith.constant 3 : i32
        %dma_wait3A_151 = arith.constant 0 : i32
        %dma_wait3A_152 = tpu.memref_slice %arg11[%dma_wait3A_150, %dma_wait3A_151] : memref<25x80xi32, #tpu.memory_space<vmem>> -> memref<1x80xi32, #tpu.memory_space<vmem>>
        %dma_wait3A_153 = tpu.memref_squeeze %dma_wait3A_152 : memref<1x80xi32, #tpu.memory_space<vmem>> -> memref<80xi32, #tpu.memory_space<vmem>>
        %dma_wait3A_154 = arith.constant 0 : i32
        %dma_wait3A_155 = arith.constant 0 : i32
        %dma_wait3A_156 = tpu.memref_slice %arg15[%dma_wait3A_154, %dma_wait3A_155] : memref<10112x144xf32, #tpu.memory_space<vmem_shared>> -> memref<10112x144xf32, #tpu.memory_space<vmem_shared>>
        tpu.wait_indirect_dma semaphore(%arg19 : memref<!tpu.dma_semaphore, #tpu.memory_space<semaphore_mem>>) src(%arg12 : memref<80x144xf32, #tpu.memory_space<vmem>>) dst(%dma_wait3A_156 : memref<10112x144xf32, #tpu.memory_space<vmem_shared>>)
        %dma_start3A_157 = arith.constant 6 : i32
        %dma_start3A_158 = arith.constant 0 : i32
        %dma_start3A_159 = tpu.memref_slice %arg10[%dma_start3A_157, %dma_start3A_158] : memref<25x80xi32, #tpu.memory_space<vmem>> -> memref<1x80xi32, #tpu.memory_space<vmem>>
        %dma_start3A_160 = tpu.memref_squeeze %dma_start3A_159 : memref<1x80xi32, #tpu.memory_space<vmem>> -> memref<80xi32, #tpu.memory_space<vmem>>
        %dma_start3A_161 = arith.constant 0 : i32
        %dma_start3A_162 = arith.constant 0 : i32
        %dma_start3A_163 = tpu.memref_slice %arg5[%dma_start3A_161, %dma_start3A_162] : memref<10000x144xf32, #tpu.memory_space<hbm>> -> memref<10000x144xf32, #tpu.memory_space<hbm>>
        tpu.enqueue_indirect_dma source(%dma_start3A_163 : memref<10000x144xf32, #tpu.memory_space<hbm>>) target(%arg12 : memref<80x144xf32, #tpu.memory_space<vmem>>) offsets(%dma_start3A_160 : memref<80xi32, #tpu.memory_space<vmem>>) semaphore(%arg16 : memref<!tpu.dma_semaphore, #tpu.memory_space<semaphore_mem>>)
        %dma_start3A_164 = arith.constant 4 : i32
        %dma_start3A_165 = arith.constant 0 : i32
        %dma_start3A_166 = tpu.memref_slice %arg11[%dma_start3A_164, %dma_start3A_165] : memref<25x80xi32, #tpu.memory_space<vmem>> -> memref<1x80xi32, #tpu.memory_space<vmem>>
        %dma_start3A_167 = tpu.memref_squeeze %dma_start3A_166 : memref<1x80xi32, #tpu.memory_space<vmem>> -> memref<80xi32, #tpu.memory_space<vmem>>
        %dma_start3A_168 = arith.constant 0 : i32
        %dma_start3A_169 = arith.constant 0 : i32
        %dma_start3A_170 = tpu.memref_slice %arg15[%dma_start3A_168, %dma_start3A_169] : memref<10112x144xf32, #tpu.memory_space<vmem_shared>> -> memref<10112x144xf32, #tpu.memory_space<vmem_shared>>
        tpu.enqueue_indirect_dma source(%arg13 : memref<80x144xf32, #tpu.memory_space<vmem>>) target(%dma_start3A_170 : memref<10112x144xf32, #tpu.memory_space<vmem_shared>>) offsets(%dma_start3A_167 : memref<80xi32, #tpu.memory_space<vmem>>) semaphore(%arg20 : memref<!tpu.dma_semaphore, #tpu.memory_space<semaphore_mem>>) {add = true}
        %dma_wait3A_171 = arith.constant 5 : i32
        %dma_wait3A_172 = arith.constant 0 : i32
        %dma_wait3A_173 = tpu.memref_slice %arg10[%dma_wait3A_171, %dma_wait3A_172] : memref<25x80xi32, #tpu.memory_space<vmem>> -> memref<1x80xi32, #tpu.memory_space<vmem>>
        %dma_wait3A_174 = tpu.memref_squeeze %dma_wait3A_173 : memref<1x80xi32, #tpu.memory_space<vmem>> -> memref<80xi32, #tpu.memory_space<vmem>>
        %dma_wait3A_175 = arith.constant 0 : i32
        %dma_wait3A_176 = arith.constant 0 : i32
        %dma_wait3A_177 = tpu.memref_slice %arg5[%dma_wait3A_175, %dma_wait3A_176] : memref<10000x144xf32, #tpu.memory_space<hbm>> -> memref<10000x144xf32, #tpu.memory_space<hbm>>
        tpu.wait_indirect_dma semaphore(%arg18 : memref<!tpu.dma_semaphore, #tpu.memory_space<semaphore_mem>>) src(%dma_wait3A_177 : memref<10000x144xf32, #tpu.memory_space<hbm>>) dst(%arg14 : memref<80x144xf32, #tpu.memory_space<vmem>>)
        %dma_wait3A_178 = arith.constant 4 : i32
        %dma_wait3A_179 = arith.constant 0 : i32
        %dma_wait3A_180 = tpu.memref_slice %arg11[%dma_wait3A_178, %dma_wait3A_179] : memref<25x80xi32, #tpu.memory_space<vmem>> -> memref<1x80xi32, #tpu.memory_space<vmem>>
        %dma_wait3A_181 = tpu.memref_squeeze %dma_wait3A_180 : memref<1x80xi32, #tpu.memory_space<vmem>> -> memref<80xi32, #tpu.memory_space<vmem>>
        %dma_wait3A_182 = arith.constant 0 : i32
        %dma_wait3A_183 = arith.constant 0 : i32
        %dma_wait3A_184 = tpu.memref_slice %arg15[%dma_wait3A_182, %dma_wait3A_183] : memref<10112x144xf32, #tpu.memory_space<vmem_shared>> -> memref<10112x144xf32, #tpu.memory_space<vmem_shared>>
        tpu.wait_indirect_dma semaphore(%arg20 : memref<!tpu.dma_semaphore, #tpu.memory_space<semaphore_mem>>) src(%arg13 : memref<80x144xf32, #tpu.memory_space<vmem>>) dst(%dma_wait3A_184 : memref<10112x144xf32, #tpu.memory_space<vmem_shared>>)
        %dma_start3A_185 = arith.constant 7 : i32
        %dma_start3A_186 = arith.constant 0 : i32
        %dma_start3A_187 = tpu.memref_slice %arg10[%dma_start3A_185, %dma_start3A_186] : memref<25x80xi32, #tpu.memory_space<vmem>> -> memref<1x80xi32, #tpu.memory_space<vmem>>
        %dma_start3A_188 = tpu.memref_squeeze %dma_start3A_187 : memref<1x80xi32, #tpu.memory_space<vmem>> -> memref<80xi32, #tpu.memory_space<vmem>>
        %dma_start3A_189 = arith.constant 0 : i32
        %dma_start3A_190 = arith.constant 0 : i32
        %dma_start3A_191 = tpu.memref_slice %arg5[%dma_start3A_189, %dma_start3A_190] : memref<10000x144xf32, #tpu.memory_space<hbm>> -> memref<10000x144xf32, #tpu.memory_space<hbm>>
        tpu.enqueue_indirect_dma source(%dma_start3A_191 : memref<10000x144xf32, #tpu.memory_space<hbm>>) target(%arg13 : memref<80x144xf32, #tpu.memory_space<vmem>>) offsets(%dma_start3A_188 : memref<80xi32, #tpu.memory_space<vmem>>) semaphore(%arg17 : memref<!tpu.dma_semaphore, #tpu.memory_space<semaphore_mem>>)
        %dma_start3A_192 = arith.constant 5 : i32
        %dma_start3A_193 = arith.constant 0 : i32
        %dma_start3A_194 = tpu.memref_slice %arg11[%dma_start3A_192, %dma_start3A_193] : memref<25x80xi32, #tpu.memory_space<vmem>> -> memref<1x80xi32, #tpu.memory_space<vmem>>
        %dma_start3A_195 = tpu.memref_squeeze %dma_start3A_194 : memref<1x80xi32, #tpu.memory_space<vmem>> -> memref<80xi32, #tpu.memory_space<vmem>>
        %dma_start3A_196 = arith.constant 0 : i32
        %dma_start3A_197 = arith.constant 0 : i32
        %dma_start3A_198 = tpu.memref_slice %arg15[%dma_start3A_196, %dma_start3A_197] : memref<10112x144xf32, #tpu.memory_space<vmem_shared>> -> memref<10112x144xf32, #tpu.memory_space<vmem_shared>>
        tpu.enqueue_indirect_dma source(%arg14 : memref<80x144xf32, #tpu.memory_space<vmem>>) target(%dma_start3A_198 : memref<10112x144xf32, #tpu.memory_space<vmem_shared>>) offsets(%dma_start3A_195 : memref<80xi32, #tpu.memory_space<vmem>>) semaphore(%arg21 : memref<!tpu.dma_semaphore, #tpu.memory_space<semaphore_mem>>) {add = true}
        %dma_wait3A_199 = arith.constant 6 : i32
        %dma_wait3A_200 = arith.constant 0 : i32
        %dma_wait3A_201 = tpu.memref_slice %arg10[%dma_wait3A_199, %dma_wait3A_200] : memref<25x80xi32, #tpu.memory_space<vmem>> -> memref<1x80xi32, #tpu.memory_space<vmem>>
        %dma_wait3A_202 = tpu.memref_squeeze %dma_wait3A_201 : memref<1x80xi32, #tpu.memory_space<vmem>> -> memref<80xi32, #tpu.memory_space<vmem>>
        %dma_wait3A_203 = arith.constant 0 : i32
        %dma_wait3A_204 = arith.constant 0 : i32
        %dma_wait3A_205 = tpu.memref_slice %arg5[%dma_wait3A_203, %dma_wait3A_204] : memref<10000x144xf32, #tpu.memory_space<hbm>> -> memref<10000x144xf32, #tpu.memory_space<hbm>>
        tpu.wait_indirect_dma semaphore(%arg16 : memref<!tpu.dma_semaphore, #tpu.memory_space<semaphore_mem>>) src(%dma_wait3A_205 : memref<10000x144xf32, #tpu.memory_space<hbm>>) dst(%arg12 : memref<80x144xf32, #tpu.memory_space<vmem>>)
        %dma_wait3A_206 = arith.constant 5 : i32
        %dma_wait3A_207 = arith.constant 0 : i32
        %dma_wait3A_208 = tpu.memref_slice %arg11[%dma_wait3A_206, %dma_wait3A_207] : memref<25x80xi32, #tpu.memory_space<vmem>> -> memref<1x80xi32, #tpu.memory_space<vmem>>
        %dma_wait3A_209 = tpu.memref_squeeze %dma_wait3A_208 : memref<1x80xi32, #tpu.memory_space<vmem>> -> memref<80xi32, #tpu.memory_space<vmem>>
        %dma_wait3A_210 = arith.constant 0 : i32
        %dma_wait3A_211 = arith.constant 0 : i32
        %dma_wait3A_212 = tpu.memref_slice %arg15[%dma_wait3A_210, %dma_wait3A_211] : memref<10112x144xf32, #tpu.memory_space<vmem_shared>> -> memref<10112x144xf32, #tpu.memory_space<vmem_shared>>
        tpu.wait_indirect_dma semaphore(%arg21 : memref<!tpu.dma_semaphore, #tpu.memory_space<semaphore_mem>>) src(%arg14 : memref<80x144xf32, #tpu.memory_space<vmem>>) dst(%dma_wait3A_212 : memref<10112x144xf32, #tpu.memory_space<vmem_shared>>)
        %dma_start3A_213 = arith.constant 8 : i32
        %dma_start3A_214 = arith.constant 0 : i32
        %dma_start3A_215 = tpu.memref_slice %arg10[%dma_start3A_213, %dma_start3A_214] : memref<25x80xi32, #tpu.memory_space<vmem>> -> memref<1x80xi32, #tpu.memory_space<vmem>>
        %dma_start3A_216 = tpu.memref_squeeze %dma_start3A_215 : memref<1x80xi32, #tpu.memory_space<vmem>> -> memref<80xi32, #tpu.memory_space<vmem>>
        %dma_start3A_217 = arith.constant 0 : i32
        %dma_start3A_218 = arith.constant 0 : i32
        %dma_start3A_219 = tpu.memref_slice %arg5[%dma_start3A_217, %dma_start3A_218] : memref<10000x144xf32, #tpu.memory_space<hbm>> -> memref<10000x144xf32, #tpu.memory_space<hbm>>
        tpu.enqueue_indirect_dma source(%dma_start3A_219 : memref<10000x144xf32, #tpu.memory_space<hbm>>) target(%arg14 : memref<80x144xf32, #tpu.memory_space<vmem>>) offsets(%dma_start3A_216 : memref<80xi32, #tpu.memory_space<vmem>>) semaphore(%arg18 : memref<!tpu.dma_semaphore, #tpu.memory_space<semaphore_mem>>)
        %dma_start3A_220 = arith.constant 6 : i32
        %dma_start3A_221 = arith.constant 0 : i32
        %dma_start3A_222 = tpu.memref_slice %arg11[%dma_start3A_220, %dma_start3A_221] : memref<25x80xi32, #tpu.memory_space<vmem>> -> memref<1x80xi32, #tpu.memory_space<vmem>>
        %dma_start3A_223 = tpu.memref_squeeze %dma_start3A_222 : memref<1x80xi32, #tpu.memory_space<vmem>> -> memref<80xi32, #tpu.memory_space<vmem>>
        %dma_start3A_224 = arith.constant 0 : i32
        %dma_start3A_225 = arith.constant 0 : i32
        %dma_start3A_226 = tpu.memref_slice %arg15[%dma_start3A_224, %dma_start3A_225] : memref<10112x144xf32, #tpu.memory_space<vmem_shared>> -> memref<10112x144xf32, #tpu.memory_space<vmem_shared>>
        tpu.enqueue_indirect_dma source(%arg12 : memref<80x144xf32, #tpu.memory_space<vmem>>) target(%dma_start3A_226 : memref<10112x144xf32, #tpu.memory_space<vmem_shared>>) offsets(%dma_start3A_223 : memref<80xi32, #tpu.memory_space<vmem>>) semaphore(%arg19 : memref<!tpu.dma_semaphore, #tpu.memory_space<semaphore_mem>>) {add = true}
        %dma_wait3A_227 = arith.constant 7 : i32
        %dma_wait3A_228 = arith.constant 0 : i32
        %dma_wait3A_229 = tpu.memref_slice %arg10[%dma_wait3A_227, %dma_wait3A_228] : memref<25x80xi32, #tpu.memory_space<vmem>> -> memref<1x80xi32, #tpu.memory_space<vmem>>
        %dma_wait3A_230 = tpu.memref_squeeze %dma_wait3A_229 : memref<1x80xi32, #tpu.memory_space<vmem>> -> memref<80xi32, #tpu.memory_space<vmem>>
        %dma_wait3A_231 = arith.constant 0 : i32
        %dma_wait3A_232 = arith.constant 0 : i32
        %dma_wait3A_233 = tpu.memref_slice %arg5[%dma_wait3A_231, %dma_wait3A_232] : memref<10000x144xf32, #tpu.memory_space<hbm>> -> memref<10000x144xf32, #tpu.memory_space<hbm>>
        tpu.wait_indirect_dma semaphore(%arg17 : memref<!tpu.dma_semaphore, #tpu.memory_space<semaphore_mem>>) src(%dma_wait3A_233 : memref<10000x144xf32, #tpu.memory_space<hbm>>) dst(%arg13 : memref<80x144xf32, #tpu.memory_space<vmem>>)
        %dma_wait3A_234 = arith.constant 6 : i32
        %dma_wait3A_235 = arith.constant 0 : i32
        %dma_wait3A_236 = tpu.memref_slice %arg11[%dma_wait3A_234, %dma_wait3A_235] : memref<25x80xi32, #tpu.memory_space<vmem>> -> memref<1x80xi32, #tpu.memory_space<vmem>>
        %dma_wait3A_237 = tpu.memref_squeeze %dma_wait3A_236 : memref<1x80xi32, #tpu.memory_space<vmem>> -> memref<80xi32, #tpu.memory_space<vmem>>
        %dma_wait3A_238 = arith.constant 0 : i32
        %dma_wait3A_239 = arith.constant 0 : i32
        %dma_wait3A_240 = tpu.memref_slice %arg15[%dma_wait3A_238, %dma_wait3A_239] : memref<10112x144xf32, #tpu.memory_space<vmem_shared>> -> memref<10112x144xf32, #tpu.memory_space<vmem_shared>>
        tpu.wait_indirect_dma semaphore(%arg19 : memref<!tpu.dma_semaphore, #tpu.memory_space<semaphore_mem>>) src(%arg12 : memref<80x144xf32, #tpu.memory_space<vmem>>) dst(%dma_wait3A_240 : memref<10112x144xf32, #tpu.memory_space<vmem_shared>>)
        %dma_start3A_241 = arith.constant 9 : i32
        %dma_start3A_242 = arith.constant 0 : i32
        %dma_start3A_243 = tpu.memref_slice %arg10[%dma_start3A_241, %dma_start3A_242] : memref<25x80xi32, #tpu.memory_space<vmem>> -> memref<1x80xi32, #tpu.memory_space<vmem>>
        %dma_start3A_244 = tpu.memref_squeeze %dma_start3A_243 : memref<1x80xi32, #tpu.memory_space<vmem>> -> memref<80xi32, #tpu.memory_space<vmem>>
        %dma_start3A_245 = arith.constant 0 : i32
        %dma_start3A_246 = arith.constant 0 : i32
        %dma_start3A_247 = tpu.memref_slice %arg5[%dma_start3A_245, %dma_start3A_246] : memref<10000x144xf32, #tpu.memory_space<hbm>> -> memref<10000x144xf32, #tpu.memory_space<hbm>>
        tpu.enqueue_indirect_dma source(%dma_start3A_247 : memref<10000x144xf32, #tpu.memory_space<hbm>>) target(%arg12 : memref<80x144xf32, #tpu.memory_space<vmem>>) offsets(%dma_start3A_244 : memref<80xi32, #tpu.memory_space<vmem>>) semaphore(%arg16 : memref<!tpu.dma_semaphore, #tpu.memory_space<semaphore_mem>>)
        %dma_start3A_248 = arith.constant 7 : i32
        %dma_start3A_249 = arith.constant 0 : i32
        %dma_start3A_250 = tpu.memref_slice %arg11[%dma_start3A_248, %dma_start3A_249] : memref<25x80xi32, #tpu.memory_space<vmem>> -> memref<1x80xi32, #tpu.memory_space<vmem>>
        %dma_start3A_251 = tpu.memref_squeeze %dma_start3A_250 : memref<1x80xi32, #tpu.memory_space<vmem>> -> memref<80xi32, #tpu.memory_space<vmem>>
        %dma_start3A_252 = arith.constant 0 : i32
        %dma_start3A_253 = arith.constant 0 : i32
        %dma_start3A_254 = tpu.memref_slice %arg15[%dma_start3A_252, %dma_start3A_253] : memref<10112x144xf32, #tpu.memory_space<vmem_shared>> -> memref<10112x144xf32, #tpu.memory_space<vmem_shared>>
        tpu.enqueue_indirect_dma source(%arg13 : memref<80x144xf32, #tpu.memory_space<vmem>>) target(%dma_start3A_254 : memref<10112x144xf32, #tpu.memory_space<vmem_shared>>) offsets(%dma_start3A_251 : memref<80xi32, #tpu.memory_space<vmem>>) semaphore(%arg20 : memref<!tpu.dma_semaphore, #tpu.memory_space<semaphore_mem>>) {add = true}
        %dma_wait3A_255 = arith.constant 8 : i32
        %dma_wait3A_256 = arith.constant 0 : i32
        %dma_wait3A_257 = tpu.memref_slice %arg10[%dma_wait3A_255, %dma_wait3A_256] : memref<25x80xi32, #tpu.memory_space<vmem>> -> memref<1x80xi32, #tpu.memory_space<vmem>>
        %dma_wait3A_258 = tpu.memref_squeeze %dma_wait3A_257 : memref<1x80xi32, #tpu.memory_space<vmem>> -> memref<80xi32, #tpu.memory_space<vmem>>
        %dma_wait3A_259 = arith.constant 0 : i32
        %dma_wait3A_260 = arith.constant 0 : i32
        %dma_wait3A_261 = tpu.memref_slice %arg5[%dma_wait3A_259, %dma_wait3A_260] : memref<10000x144xf32, #tpu.memory_space<hbm>> -> memref<10000x144xf32, #tpu.memory_space<hbm>>
        tpu.wait_indirect_dma semaphore(%arg18 : memref<!tpu.dma_semaphore, #tpu.memory_space<semaphore_mem>>) src(%dma_wait3A_261 : memref<10000x144xf32, #tpu.memory_space<hbm>>) dst(%arg14 : memref<80x144xf32, #tpu.memory_space<vmem>>)
        %dma_wait3A_262 = arith.constant 7 : i32
        %dma_wait3A_263 = arith.constant 0 : i32
        %dma_wait3A_264 = tpu.memref_slice %arg11[%dma_wait3A_262, %dma_wait3A_263] : memref<25x80xi32, #tpu.memory_space<vmem>> -> memref<1x80xi32, #tpu.memory_space<vmem>>
        %dma_wait3A_265 = tpu.memref_squeeze %dma_wait3A_264 : memref<1x80xi32, #tpu.memory_space<vmem>> -> memref<80xi32, #tpu.memory_space<vmem>>
        %dma_wait3A_266 = arith.constant 0 : i32
        %dma_wait3A_267 = arith.constant 0 : i32
        %dma_wait3A_268 = tpu.memref_slice %arg15[%dma_wait3A_266, %dma_wait3A_267] : memref<10112x144xf32, #tpu.memory_space<vmem_shared>> -> memref<10112x144xf32, #tpu.memory_space<vmem_shared>>
        tpu.wait_indirect_dma semaphore(%arg20 : memref<!tpu.dma_semaphore, #tpu.memory_space<semaphore_mem>>) src(%arg13 : memref<80x144xf32, #tpu.memory_space<vmem>>) dst(%dma_wait3A_268 : memref<10112x144xf32, #tpu.memory_space<vmem_shared>>)
        %dma_start3A_269 = arith.constant 10 : i32
        %dma_start3A_270 = arith.constant 0 : i32
        %dma_start3A_271 = tpu.memref_slice %arg10[%dma_start3A_269, %dma_start3A_270] : memref<25x80xi32, #tpu.memory_space<vmem>> -> memref<1x80xi32, #tpu.memory_space<vmem>>
        %dma_start3A_272 = tpu.memref_squeeze %dma_start3A_271 : memref<1x80xi32, #tpu.memory_space<vmem>> -> memref<80xi32, #tpu.memory_space<vmem>>
        %dma_start3A_273 = arith.constant 0 : i32
        %dma_start3A_274 = arith.constant 0 : i32
        %dma_start3A_275 = tpu.memref_slice %arg5[%dma_start3A_273, %dma_start3A_274] : memref<10000x144xf32, #tpu.memory_space<hbm>> -> memref<10000x144xf32, #tpu.memory_space<hbm>>
        tpu.enqueue_indirect_dma source(%dma_start3A_275 : memref<10000x144xf32, #tpu.memory_space<hbm>>) target(%arg13 : memref<80x144xf32, #tpu.memory_space<vmem>>) offsets(%dma_start3A_272 : memref<80xi32, #tpu.memory_space<vmem>>) semaphore(%arg17 : memref<!tpu.dma_semaphore, #tpu.memory_space<semaphore_mem>>)
        %dma_start3A_276 = arith.constant 8 : i32
        %dma_start3A_277 = arith.constant 0 : i32
        %dma_start3A_278 = tpu.memref_slice %arg11[%dma_start3A_276, %dma_start3A_277] : memref<25x80xi32, #tpu.memory_space<vmem>> -> memref<1x80xi32, #tpu.memory_space<vmem>>
        %dma_start3A_279 = tpu.memref_squeeze %dma_start3A_278 : memref<1x80xi32, #tpu.memory_space<vmem>> -> memref<80xi32, #tpu.memory_space<vmem>>
        %dma_start3A_280 = arith.constant 0 : i32
        %dma_start3A_281 = arith.constant 0 : i32
        %dma_start3A_282 = tpu.memref_slice %arg15[%dma_start3A_280, %dma_start3A_281] : memref<10112x144xf32, #tpu.memory_space<vmem_shared>> -> memref<10112x144xf32, #tpu.memory_space<vmem_shared>>
        tpu.enqueue_indirect_dma source(%arg14 : memref<80x144xf32, #tpu.memory_space<vmem>>) target(%dma_start3A_282 : memref<10112x144xf32, #tpu.memory_space<vmem_shared>>) offsets(%dma_start3A_279 : memref<80xi32, #tpu.memory_space<vmem>>) semaphore(%arg21 : memref<!tpu.dma_semaphore, #tpu.memory_space<semaphore_mem>>) {add = true}
        %dma_wait3A_283 = arith.constant 9 : i32
        %dma_wait3A_284 = arith.constant 0 : i32
        %dma_wait3A_285 = tpu.memref_slice %arg10[%dma_wait3A_283, %dma_wait3A_284] : memref<25x80xi32, #tpu.memory_space<vmem>> -> memref<1x80xi32, #tpu.memory_space<vmem>>
        %dma_wait3A_286 = tpu.memref_squeeze %dma_wait3A_285 : memref<1x80xi32, #tpu.memory_space<vmem>> -> memref<80xi32, #tpu.memory_space<vmem>>
        %dma_wait3A_287 = arith.constant 0 : i32
        %dma_wait3A_288 = arith.constant 0 : i32
        %dma_wait3A_289 = tpu.memref_slice %arg5[%dma_wait3A_287, %dma_wait3A_288] : memref<10000x144xf32, #tpu.memory_space<hbm>> -> memref<10000x144xf32, #tpu.memory_space<hbm>>
        tpu.wait_indirect_dma semaphore(%arg16 : memref<!tpu.dma_semaphore, #tpu.memory_space<semaphore_mem>>) src(%dma_wait3A_289 : memref<10000x144xf32, #tpu.memory_space<hbm>>) dst(%arg12 : memref<80x144xf32, #tpu.memory_space<vmem>>)
        %dma_wait3A_290 = arith.constant 8 : i32
        %dma_wait3A_291 = arith.constant 0 : i32
        %dma_wait3A_292 = tpu.memref_slice %arg11[%dma_wait3A_290, %dma_wait3A_291] : memref<25x80xi32, #tpu.memory_space<vmem>> -> memref<1x80xi32, #tpu.memory_space<vmem>>
        %dma_wait3A_293 = tpu.memref_squeeze %dma_wait3A_292 : memref<1x80xi32, #tpu.memory_space<vmem>> -> memref<80xi32, #tpu.memory_space<vmem>>
        %dma_wait3A_294 = arith.constant 0 : i32
        %dma_wait3A_295 = arith.constant 0 : i32
        %dma_wait3A_296 = tpu.memref_slice %arg15[%dma_wait3A_294, %dma_wait3A_295] : memref<10112x144xf32, #tpu.memory_space<vmem_shared>> -> memref<10112x144xf32, #tpu.memory_space<vmem_shared>>
        tpu.wait_indirect_dma semaphore(%arg21 : memref<!tpu.dma_semaphore, #tpu.memory_space<semaphore_mem>>) src(%arg14 : memref<80x144xf32, #tpu.memory_space<vmem>>) dst(%dma_wait3A_296 : memref<10112x144xf32, #tpu.memory_space<vmem_shared>>)
        %dma_start3A_297 = arith.constant 11 : i32
        %dma_start3A_298 = arith.constant 0 : i32
        %dma_start3A_299 = tpu.memref_slice %arg10[%dma_start3A_297, %dma_start3A_298] : memref<25x80xi32, #tpu.memory_space<vmem>> -> memref<1x80xi32, #tpu.memory_space<vmem>>
        %dma_start3A_300 = tpu.memref_squeeze %dma_start3A_299 : memref<1x80xi32, #tpu.memory_space<vmem>> -> memref<80xi32, #tpu.memory_space<vmem>>
        %dma_start3A_301 = arith.constant 0 : i32
        %dma_start3A_302 = arith.constant 0 : i32
        %dma_start3A_303 = tpu.memref_slice %arg5[%dma_start3A_301, %dma_start3A_302] : memref<10000x144xf32, #tpu.memory_space<hbm>> -> memref<10000x144xf32, #tpu.memory_space<hbm>>
        tpu.enqueue_indirect_dma source(%dma_start3A_303 : memref<10000x144xf32, #tpu.memory_space<hbm>>) target(%arg14 : memref<80x144xf32, #tpu.memory_space<vmem>>) offsets(%dma_start3A_300 : memref<80xi32, #tpu.memory_space<vmem>>) semaphore(%arg18 : memref<!tpu.dma_semaphore, #tpu.memory_space<semaphore_mem>>)
        %dma_start3A_304 = arith.constant 9 : i32
        %dma_start3A_305 = arith.constant 0 : i32
        %dma_start3A_306 = tpu.memref_slice %arg11[%dma_start3A_304, %dma_start3A_305] : memref<25x80xi32, #tpu.memory_space<vmem>> -> memref<1x80xi32, #tpu.memory_space<vmem>>
        %dma_start3A_307 = tpu.memref_squeeze %dma_start3A_306 : memref<1x80xi32, #tpu.memory_space<vmem>> -> memref<80xi32, #tpu.memory_space<vmem>>
        %dma_start3A_308 = arith.constant 0 : i32
        %dma_start3A_309 = arith.constant 0 : i32
        %dma_start3A_310 = tpu.memref_slice %arg15[%dma_start3A_308, %dma_start3A_309] : memref<10112x144xf32, #tpu.memory_space<vmem_shared>> -> memref<10112x144xf32, #tpu.memory_space<vmem_shared>>
        tpu.enqueue_indirect_dma source(%arg12 : memref<80x144xf32, #tpu.memory_space<vmem>>) target(%dma_start3A_310 : memref<10112x144xf32, #tpu.memory_space<vmem_shared>>) offsets(%dma_start3A_307 : memref<80xi32, #tpu.memory_space<vmem>>) semaphore(%arg19 : memref<!tpu.dma_semaphore, #tpu.memory_space<semaphore_mem>>) {add = true}
        %dma_wait3A_311 = arith.constant 10 : i32
        %dma_wait3A_312 = arith.constant 0 : i32
        %dma_wait3A_313 = tpu.memref_slice %arg10[%dma_wait3A_311, %dma_wait3A_312] : memref<25x80xi32, #tpu.memory_space<vmem>> -> memref<1x80xi32, #tpu.memory_space<vmem>>
        %dma_wait3A_314 = tpu.memref_squeeze %dma_wait3A_313 : memref<1x80xi32, #tpu.memory_space<vmem>> -> memref<80xi32, #tpu.memory_space<vmem>>
        %dma_wait3A_315 = arith.constant 0 : i32
        %dma_wait3A_316 = arith.constant 0 : i32
        %dma_wait3A_317 = tpu.memref_slice %arg5[%dma_wait3A_315, %dma_wait3A_316] : memref<10000x144xf32, #tpu.memory_space<hbm>> -> memref<10000x144xf32, #tpu.memory_space<hbm>>
        tpu.wait_indirect_dma semaphore(%arg17 : memref<!tpu.dma_semaphore, #tpu.memory_space<semaphore_mem>>) src(%dma_wait3A_317 : memref<10000x144xf32, #tpu.memory_space<hbm>>) dst(%arg13 : memref<80x144xf32, #tpu.memory_space<vmem>>)
        %dma_wait3A_318 = arith.constant 9 : i32
        %dma_wait3A_319 = arith.constant 0 : i32
        %dma_wait3A_320 = tpu.memref_slice %arg11[%dma_wait3A_318, %dma_wait3A_319] : memref<25x80xi32, #tpu.memory_space<vmem>> -> memref<1x80xi32, #tpu.memory_space<vmem>>
        %dma_wait3A_321 = tpu.memref_squeeze %dma_wait3A_320 : memref<1x80xi32, #tpu.memory_space<vmem>> -> memref<80xi32, #tpu.memory_space<vmem>>
        %dma_wait3A_322 = arith.constant 0 : i32
        %dma_wait3A_323 = arith.constant 0 : i32
        %dma_wait3A_324 = tpu.memref_slice %arg15[%dma_wait3A_322, %dma_wait3A_323] : memref<10112x144xf32, #tpu.memory_space<vmem_shared>> -> memref<10112x144xf32, #tpu.memory_space<vmem_shared>>
        tpu.wait_indirect_dma semaphore(%arg19 : memref<!tpu.dma_semaphore, #tpu.memory_space<semaphore_mem>>) src(%arg12 : memref<80x144xf32, #tpu.memory_space<vmem>>) dst(%dma_wait3A_324 : memref<10112x144xf32, #tpu.memory_space<vmem_shared>>)
        %dma_start3A_325 = arith.constant 12 : i32
        %dma_start3A_326 = arith.constant 0 : i32
        %dma_start3A_327 = tpu.memref_slice %arg10[%dma_start3A_325, %dma_start3A_326] : memref<25x80xi32, #tpu.memory_space<vmem>> -> memref<1x80xi32, #tpu.memory_space<vmem>>
        %dma_start3A_328 = tpu.memref_squeeze %dma_start3A_327 : memref<1x80xi32, #tpu.memory_space<vmem>> -> memref<80xi32, #tpu.memory_space<vmem>>
        %dma_start3A_329 = arith.constant 0 : i32
        %dma_start3A_330 = arith.constant 0 : i32
        %dma_start3A_331 = tpu.memref_slice %arg5[%dma_start3A_329, %dma_start3A_330] : memref<10000x144xf32, #tpu.memory_space<hbm>> -> memref<10000x144xf32, #tpu.memory_space<hbm>>
        tpu.enqueue_indirect_dma source(%dma_start3A_331 : memref<10000x144xf32, #tpu.memory_space<hbm>>) target(%arg12 : memref<80x144xf32, #tpu.memory_space<vmem>>) offsets(%dma_start3A_328 : memref<80xi32, #tpu.memory_space<vmem>>) semaphore(%arg16 : memref<!tpu.dma_semaphore, #tpu.memory_space<semaphore_mem>>)
        %dma_start3A_332 = arith.constant 10 : i32
        %dma_start3A_333 = arith.constant 0 : i32
        %dma_start3A_334 = tpu.memref_slice %arg11[%dma_start3A_332, %dma_start3A_333] : memref<25x80xi32, #tpu.memory_space<vmem>> -> memref<1x80xi32, #tpu.memory_space<vmem>>
        %dma_start3A_335 = tpu.memref_squeeze %dma_start3A_334 : memref<1x80xi32, #tpu.memory_space<vmem>> -> memref<80xi32, #tpu.memory_space<vmem>>
        %dma_start3A_336 = arith.constant 0 : i32
        %dma_start3A_337 = arith.constant 0 : i32
        %dma_start3A_338 = tpu.memref_slice %arg15[%dma_start3A_336, %dma_start3A_337] : memref<10112x144xf32, #tpu.memory_space<vmem_shared>> -> memref<10112x144xf32, #tpu.memory_space<vmem_shared>>
        tpu.enqueue_indirect_dma source(%arg13 : memref<80x144xf32, #tpu.memory_space<vmem>>) target(%dma_start3A_338 : memref<10112x144xf32, #tpu.memory_space<vmem_shared>>) offsets(%dma_start3A_335 : memref<80xi32, #tpu.memory_space<vmem>>) semaphore(%arg20 : memref<!tpu.dma_semaphore, #tpu.memory_space<semaphore_mem>>) {add = true}
        %dma_wait3A_339 = arith.constant 11 : i32
        %dma_wait3A_340 = arith.constant 0 : i32
        %dma_wait3A_341 = tpu.memref_slice %arg10[%dma_wait3A_339, %dma_wait3A_340] : memref<25x80xi32, #tpu.memory_space<vmem>> -> memref<1x80xi32, #tpu.memory_space<vmem>>
        %dma_wait3A_342 = tpu.memref_squeeze %dma_wait3A_341 : memref<1x80xi32, #tpu.memory_space<vmem>> -> memref<80xi32, #tpu.memory_space<vmem>>
        %dma_wait3A_343 = arith.constant 0 : i32
        %dma_wait3A_344 = arith.constant 0 : i32
        %dma_wait3A_345 = tpu.memref_slice %arg5[%dma_wait3A_343, %dma_wait3A_344] : memref<10000x144xf32, #tpu.memory_space<hbm>> -> memref<10000x144xf32, #tpu.memory_space<hbm>>
        tpu.wait_indirect_dma semaphore(%arg18 : memref<!tpu.dma_semaphore, #tpu.memory_space<semaphore_mem>>) src(%dma_wait3A_345 : memref<10000x144xf32, #tpu.memory_space<hbm>>) dst(%arg14 : memref<80x144xf32, #tpu.memory_space<vmem>>)
        %dma_wait3A_346 = arith.constant 10 : i32
        %dma_wait3A_347 = arith.constant 0 : i32
        %dma_wait3A_348 = tpu.memref_slice %arg11[%dma_wait3A_346, %dma_wait3A_347] : memref<25x80xi32, #tpu.memory_space<vmem>> -> memref<1x80xi32, #tpu.memory_space<vmem>>
        %dma_wait3A_349 = tpu.memref_squeeze %dma_wait3A_348 : memref<1x80xi32, #tpu.memory_space<vmem>> -> memref<80xi32, #tpu.memory_space<vmem>>
        %dma_wait3A_350 = arith.constant 0 : i32
        %dma_wait3A_351 = arith.constant 0 : i32
        %dma_wait3A_352 = tpu.memref_slice %arg15[%dma_wait3A_350, %dma_wait3A_351] : memref<10112x144xf32, #tpu.memory_space<vmem_shared>> -> memref<10112x144xf32, #tpu.memory_space<vmem_shared>>
        tpu.wait_indirect_dma semaphore(%arg20 : memref<!tpu.dma_semaphore, #tpu.memory_space<semaphore_mem>>) src(%arg13 : memref<80x144xf32, #tpu.memory_space<vmem>>) dst(%dma_wait3A_352 : memref<10112x144xf32, #tpu.memory_space<vmem_shared>>)
        %dma_start3A_353 = arith.constant 13 : i32
        %dma_start3A_354 = arith.constant 0 : i32
        %dma_start3A_355 = tpu.memref_slice %arg10[%dma_start3A_353, %dma_start3A_354] : memref<25x80xi32, #tpu.memory_space<vmem>> -> memref<1x80xi32, #tpu.memory_space<vmem>>
        %dma_start3A_356 = tpu.memref_squeeze %dma_start3A_355 : memref<1x80xi32, #tpu.memory_space<vmem>> -> memref<80xi32, #tpu.memory_space<vmem>>
        %dma_start3A_357 = arith.constant 0 : i32
        %dma_start3A_358 = arith.constant 0 : i32
        %dma_start3A_359 = tpu.memref_slice %arg5[%dma_start3A_357, %dma_start3A_358] : memref<10000x144xf32, #tpu.memory_space<hbm>> -> memref<10000x144xf32, #tpu.memory_space<hbm>>
        tpu.enqueue_indirect_dma source(%dma_start3A_359 : memref<10000x144xf32, #tpu.memory_space<hbm>>) target(%arg13 : memref<80x144xf32, #tpu.memory_space<vmem>>) offsets(%dma_start3A_356 : memref<80xi32, #tpu.memory_space<vmem>>) semaphore(%arg17 : memref<!tpu.dma_semaphore, #tpu.memory_space<semaphore_mem>>)
        %dma_start3A_360 = arith.constant 11 : i32
        %dma_start3A_361 = arith.constant 0 : i32
        %dma_start3A_362 = tpu.memref_slice %arg11[%dma_start3A_360, %dma_start3A_361] : memref<25x80xi32, #tpu.memory_space<vmem>> -> memref<1x80xi32, #tpu.memory_space<vmem>>
        %dma_start3A_363 = tpu.memref_squeeze %dma_start3A_362 : memref<1x80xi32, #tpu.memory_space<vmem>> -> memref<80xi32, #tpu.memory_space<vmem>>
        %dma_start3A_364 = arith.constant 0 : i32
        %dma_start3A_365 = arith.constant 0 : i32
        %dma_start3A_366 = tpu.memref_slice %arg15[%dma_start3A_364, %dma_start3A_365] : memref<10112x144xf32, #tpu.memory_space<vmem_shared>> -> memref<10112x144xf32, #tpu.memory_space<vmem_shared>>
        tpu.enqueue_indirect_dma source(%arg14 : memref<80x144xf32, #tpu.memory_space<vmem>>) target(%dma_start3A_366 : memref<10112x144xf32, #tpu.memory_space<vmem_shared>>) offsets(%dma_start3A_363 : memref<80xi32, #tpu.memory_space<vmem>>) semaphore(%arg21 : memref<!tpu.dma_semaphore, #tpu.memory_space<semaphore_mem>>) {add = true}
        %dma_wait3A_367 = arith.constant 12 : i32
        %dma_wait3A_368 = arith.constant 0 : i32
        %dma_wait3A_369 = tpu.memref_slice %arg10[%dma_wait3A_367, %dma_wait3A_368] : memref<25x80xi32, #tpu.memory_space<vmem>> -> memref<1x80xi32, #tpu.memory_space<vmem>>
        %dma_wait3A_370 = tpu.memref_squeeze %dma_wait3A_369 : memref<1x80xi32, #tpu.memory_space<vmem>> -> memref<80xi32, #tpu.memory_space<vmem>>
        %dma_wait3A_371 = arith.constant 0 : i32
        %dma_wait3A_372 = arith.constant 0 : i32
        %dma_wait3A_373 = tpu.memref_slice %arg5[%dma_wait3A_371, %dma_wait3A_372] : memref<10000x144xf32, #tpu.memory_space<hbm>> -> memref<10000x144xf32, #tpu.memory_space<hbm>>
        tpu.wait_indirect_dma semaphore(%arg16 : memref<!tpu.dma_semaphore, #tpu.memory_space<semaphore_mem>>) src(%dma_wait3A_373 : memref<10000x144xf32, #tpu.memory_space<hbm>>) dst(%arg12 : memref<80x144xf32, #tpu.memory_space<vmem>>)
        %dma_wait3A_374 = arith.constant 11 : i32
        %dma_wait3A_375 = arith.constant 0 : i32
        %dma_wait3A_376 = tpu.memref_slice %arg11[%dma_wait3A_374, %dma_wait3A_375] : memref<25x80xi32, #tpu.memory_space<vmem>> -> memref<1x80xi32, #tpu.memory_space<vmem>>
        %dma_wait3A_377 = tpu.memref_squeeze %dma_wait3A_376 : memref<1x80xi32, #tpu.memory_space<vmem>> -> memref<80xi32, #tpu.memory_space<vmem>>
        %dma_wait3A_378 = arith.constant 0 : i32
        %dma_wait3A_379 = arith.constant 0 : i32
        %dma_wait3A_380 = tpu.memref_slice %arg15[%dma_wait3A_378, %dma_wait3A_379] : memref<10112x144xf32, #tpu.memory_space<vmem_shared>> -> memref<10112x144xf32, #tpu.memory_space<vmem_shared>>
        tpu.wait_indirect_dma semaphore(%arg21 : memref<!tpu.dma_semaphore, #tpu.memory_space<semaphore_mem>>) src(%arg14 : memref<80x144xf32, #tpu.memory_space<vmem>>) dst(%dma_wait3A_380 : memref<10112x144xf32, #tpu.memory_space<vmem_shared>>)
        %dma_start3A_381 = arith.constant 14 : i32
        %dma_start3A_382 = arith.constant 0 : i32
        %dma_start3A_383 = tpu.memref_slice %arg10[%dma_start3A_381, %dma_start3A_382] : memref<25x80xi32, #tpu.memory_space<vmem>> -> memref<1x80xi32, #tpu.memory_space<vmem>>
        %dma_start3A_384 = tpu.memref_squeeze %dma_start3A_383 : memref<1x80xi32, #tpu.memory_space<vmem>> -> memref<80xi32, #tpu.memory_space<vmem>>
        %dma_start3A_385 = arith.constant 0 : i32
        %dma_start3A_386 = arith.constant 0 : i32
        %dma_start3A_387 = tpu.memref_slice %arg5[%dma_start3A_385, %dma_start3A_386] : memref<10000x144xf32, #tpu.memory_space<hbm>> -> memref<10000x144xf32, #tpu.memory_space<hbm>>
        tpu.enqueue_indirect_dma source(%dma_start3A_387 : memref<10000x144xf32, #tpu.memory_space<hbm>>) target(%arg14 : memref<80x144xf32, #tpu.memory_space<vmem>>) offsets(%dma_start3A_384 : memref<80xi32, #tpu.memory_space<vmem>>) semaphore(%arg18 : memref<!tpu.dma_semaphore, #tpu.memory_space<semaphore_mem>>)
        %dma_start3A_388 = arith.constant 12 : i32
        %dma_start3A_389 = arith.constant 0 : i32
        %dma_start3A_390 = tpu.memref_slice %arg11[%dma_start3A_388, %dma_start3A_389] : memref<25x80xi32, #tpu.memory_space<vmem>> -> memref<1x80xi32, #tpu.memory_space<vmem>>
        %dma_start3A_391 = tpu.memref_squeeze %dma_start3A_390 : memref<1x80xi32, #tpu.memory_space<vmem>> -> memref<80xi32, #tpu.memory_space<vmem>>
        %dma_start3A_392 = arith.constant 0 : i32
        %dma_start3A_393 = arith.constant 0 : i32
        %dma_start3A_394 = tpu.memref_slice %arg15[%dma_start3A_392, %dma_start3A_393] : memref<10112x144xf32, #tpu.memory_space<vmem_shared>> -> memref<10112x144xf32, #tpu.memory_space<vmem_shared>>
        tpu.enqueue_indirect_dma source(%arg12 : memref<80x144xf32, #tpu.memory_space<vmem>>) target(%dma_start3A_394 : memref<10112x144xf32, #tpu.memory_space<vmem_shared>>) offsets(%dma_start3A_391 : memref<80xi32, #tpu.memory_space<vmem>>) semaphore(%arg19 : memref<!tpu.dma_semaphore, #tpu.memory_space<semaphore_mem>>) {add = true}
        %dma_wait3A_395 = arith.constant 13 : i32
        %dma_wait3A_396 = arith.constant 0 : i32
        %dma_wait3A_397 = tpu.memref_slice %arg10[%dma_wait3A_395, %dma_wait3A_396] : memref<25x80xi32, #tpu.memory_space<vmem>> -> memref<1x80xi32, #tpu.memory_space<vmem>>
        %dma_wait3A_398 = tpu.memref_squeeze %dma_wait3A_397 : memref<1x80xi32, #tpu.memory_space<vmem>> -> memref<80xi32, #tpu.memory_space<vmem>>
        %dma_wait3A_399 = arith.constant 0 : i32
        %dma_wait3A_400 = arith.constant 0 : i32
        %dma_wait3A_401 = tpu.memref_slice %arg5[%dma_wait3A_399, %dma_wait3A_400] : memref<10000x144xf32, #tpu.memory_space<hbm>> -> memref<10000x144xf32, #tpu.memory_space<hbm>>
        tpu.wait_indirect_dma semaphore(%arg17 : memref<!tpu.dma_semaphore, #tpu.memory_space<semaphore_mem>>) src(%dma_wait3A_401 : memref<10000x144xf32, #tpu.memory_space<hbm>>) dst(%arg13 : memref<80x144xf32, #tpu.memory_space<vmem>>)
        %dma_wait3A_402 = arith.constant 12 : i32
        %dma_wait3A_403 = arith.constant 0 : i32
        %dma_wait3A_404 = tpu.memref_slice %arg11[%dma_wait3A_402, %dma_wait3A_403] : memref<25x80xi32, #tpu.memory_space<vmem>> -> memref<1x80xi32, #tpu.memory_space<vmem>>
        %dma_wait3A_405 = tpu.memref_squeeze %dma_wait3A_404 : memref<1x80xi32, #tpu.memory_space<vmem>> -> memref<80xi32, #tpu.memory_space<vmem>>
        %dma_wait3A_406 = arith.constant 0 : i32
        %dma_wait3A_407 = arith.constant 0 : i32
        %dma_wait3A_408 = tpu.memref_slice %arg15[%dma_wait3A_406, %dma_wait3A_407] : memref<10112x144xf32, #tpu.memory_space<vmem_shared>> -> memref<10112x144xf32, #tpu.memory_space<vmem_shared>>
        tpu.wait_indirect_dma semaphore(%arg19 : memref<!tpu.dma_semaphore, #tpu.memory_space<semaphore_mem>>) src(%arg12 : memref<80x144xf32, #tpu.memory_space<vmem>>) dst(%dma_wait3A_408 : memref<10112x144xf32, #tpu.memory_space<vmem_shared>>)
        %dma_start3A_409 = arith.constant 15 : i32
        %dma_start3A_410 = arith.constant 0 : i32
        %dma_start3A_411 = tpu.memref_slice %arg10[%dma_start3A_409, %dma_start3A_410] : memref<25x80xi32, #tpu.memory_space<vmem>> -> memref<1x80xi32, #tpu.memory_space<vmem>>
        %dma_start3A_412 = tpu.memref_squeeze %dma_start3A_411 : memref<1x80xi32, #tpu.memory_space<vmem>> -> memref<80xi32, #tpu.memory_space<vmem>>
        %dma_start3A_413 = arith.constant 0 : i32
        %dma_start3A_414 = arith.constant 0 : i32
        %dma_start3A_415 = tpu.memref_slice %arg5[%dma_start3A_413, %dma_start3A_414] : memref<10000x144xf32, #tpu.memory_space<hbm>> -> memref<10000x144xf32, #tpu.memory_space<hbm>>
        tpu.enqueue_indirect_dma source(%dma_start3A_415 : memref<10000x144xf32, #tpu.memory_space<hbm>>) target(%arg12 : memref<80x144xf32, #tpu.memory_space<vmem>>) offsets(%dma_start3A_412 : memref<80xi32, #tpu.memory_space<vmem>>) semaphore(%arg16 : memref<!tpu.dma_semaphore, #tpu.memory_space<semaphore_mem>>)
        %dma_start3A_416 = arith.constant 13 : i32
        %dma_start3A_417 = arith.constant 0 : i32
        %dma_start3A_418 = tpu.memref_slice %arg11[%dma_start3A_416, %dma_start3A_417] : memref<25x80xi32, #tpu.memory_space<vmem>> -> memref<1x80xi32, #tpu.memory_space<vmem>>
        %dma_start3A_419 = tpu.memref_squeeze %dma_start3A_418 : memref<1x80xi32, #tpu.memory_space<vmem>> -> memref<80xi32, #tpu.memory_space<vmem>>
        %dma_start3A_420 = arith.constant 0 : i32
        %dma_start3A_421 = arith.constant 0 : i32
        %dma_start3A_422 = tpu.memref_slice %arg15[%dma_start3A_420, %dma_start3A_421] : memref<10112x144xf32, #tpu.memory_space<vmem_shared>> -> memref<10112x144xf32, #tpu.memory_space<vmem_shared>>
        tpu.enqueue_indirect_dma source(%arg13 : memref<80x144xf32, #tpu.memory_space<vmem>>) target(%dma_start3A_422 : memref<10112x144xf32, #tpu.memory_space<vmem_shared>>) offsets(%dma_start3A_419 : memref<80xi32, #tpu.memory_space<vmem>>) semaphore(%arg20 : memref<!tpu.dma_semaphore, #tpu.memory_space<semaphore_mem>>) {add = true}
        %dma_wait3A_423 = arith.constant 14 : i32
        %dma_wait3A_424 = arith.constant 0 : i32
        %dma_wait3A_425 = tpu.memref_slice %arg10[%dma_wait3A_423, %dma_wait3A_424] : memref<25x80xi32, #tpu.memory_space<vmem>> -> memref<1x80xi32, #tpu.memory_space<vmem>>
        %dma_wait3A_426 = tpu.memref_squeeze %dma_wait3A_425 : memref<1x80xi32, #tpu.memory_space<vmem>> -> memref<80xi32, #tpu.memory_space<vmem>>
        %dma_wait3A_427 = arith.constant 0 : i32
        %dma_wait3A_428 = arith.constant 0 : i32
        %dma_wait3A_429 = tpu.memref_slice %arg5[%dma_wait3A_427, %dma_wait3A_428] : memref<10000x144xf32, #tpu.memory_space<hbm>> -> memref<10000x144xf32, #tpu.memory_space<hbm>>
        tpu.wait_indirect_dma semaphore(%arg18 : memref<!tpu.dma_semaphore, #tpu.memory_space<semaphore_mem>>) src(%dma_wait3A_429 : memref<10000x144xf32, #tpu.memory_space<hbm>>) dst(%arg14 : memref<80x144xf32, #tpu.memory_space<vmem>>)
        %dma_wait3A_430 = arith.constant 13 : i32
        %dma_wait3A_431 = arith.constant 0 : i32
        %dma_wait3A_432 = tpu.memref_slice %arg11[%dma_wait3A_430, %dma_wait3A_431] : memref<25x80xi32, #tpu.memory_space<vmem>> -> memref<1x80xi32, #tpu.memory_space<vmem>>
        %dma_wait3A_433 = tpu.memref_squeeze %dma_wait3A_432 : memref<1x80xi32, #tpu.memory_space<vmem>> -> memref<80xi32, #tpu.memory_space<vmem>>
        %dma_wait3A_434 = arith.constant 0 : i32
        %dma_wait3A_435 = arith.constant 0 : i32
        %dma_wait3A_436 = tpu.memref_slice %arg15[%dma_wait3A_434, %dma_wait3A_435] : memref<10112x144xf32, #tpu.memory_space<vmem_shared>> -> memref<10112x144xf32, #tpu.memory_space<vmem_shared>>
        tpu.wait_indirect_dma semaphore(%arg20 : memref<!tpu.dma_semaphore, #tpu.memory_space<semaphore_mem>>) src(%arg13 : memref<80x144xf32, #tpu.memory_space<vmem>>) dst(%dma_wait3A_436 : memref<10112x144xf32, #tpu.memory_space<vmem_shared>>)
        %dma_start3A_437 = arith.constant 16 : i32
        %dma_start3A_438 = arith.constant 0 : i32
        %dma_start3A_439 = tpu.memref_slice %arg10[%dma_start3A_437, %dma_start3A_438] : memref<25x80xi32, #tpu.memory_space<vmem>> -> memref<1x80xi32, #tpu.memory_space<vmem>>
        %dma_start3A_440 = tpu.memref_squeeze %dma_start3A_439 : memref<1x80xi32, #tpu.memory_space<vmem>> -> memref<80xi32, #tpu.memory_space<vmem>>
        %dma_start3A_441 = arith.constant 0 : i32
        %dma_start3A_442 = arith.constant 0 : i32
        %dma_start3A_443 = tpu.memref_slice %arg5[%dma_start3A_441, %dma_start3A_442] : memref<10000x144xf32, #tpu.memory_space<hbm>> -> memref<10000x144xf32, #tpu.memory_space<hbm>>
        tpu.enqueue_indirect_dma source(%dma_start3A_443 : memref<10000x144xf32, #tpu.memory_space<hbm>>) target(%arg13 : memref<80x144xf32, #tpu.memory_space<vmem>>) offsets(%dma_start3A_440 : memref<80xi32, #tpu.memory_space<vmem>>) semaphore(%arg17 : memref<!tpu.dma_semaphore, #tpu.memory_space<semaphore_mem>>)
        %dma_start3A_444 = arith.constant 14 : i32
        %dma_start3A_445 = arith.constant 0 : i32
        %dma_start3A_446 = tpu.memref_slice %arg11[%dma_start3A_444, %dma_start3A_445] : memref<25x80xi32, #tpu.memory_space<vmem>> -> memref<1x80xi32, #tpu.memory_space<vmem>>
        %dma_start3A_447 = tpu.memref_squeeze %dma_start3A_446 : memref<1x80xi32, #tpu.memory_space<vmem>> -> memref<80xi32, #tpu.memory_space<vmem>>
        %dma_start3A_448 = arith.constant 0 : i32
        %dma_start3A_449 = arith.constant 0 : i32
        %dma_start3A_450 = tpu.memref_slice %arg15[%dma_start3A_448, %dma_start3A_449] : memref<10112x144xf32, #tpu.memory_space<vmem_shared>> -> memref<10112x144xf32, #tpu.memory_space<vmem_shared>>
        tpu.enqueue_indirect_dma source(%arg14 : memref<80x144xf32, #tpu.memory_space<vmem>>) target(%dma_start3A_450 : memref<10112x144xf32, #tpu.memory_space<vmem_shared>>) offsets(%dma_start3A_447 : memref<80xi32, #tpu.memory_space<vmem>>) semaphore(%arg21 : memref<!tpu.dma_semaphore, #tpu.memory_space<semaphore_mem>>) {add = true}
        %dma_wait3A_451 = arith.constant 15 : i32
        %dma_wait3A_452 = arith.constant 0 : i32
        %dma_wait3A_453 = tpu.memref_slice %arg10[%dma_wait3A_451, %dma_wait3A_452] : memref<25x80xi32, #tpu.memory_space<vmem>> -> memref<1x80xi32, #tpu.memory_space<vmem>>
        %dma_wait3A_454 = tpu.memref_squeeze %dma_wait3A_453 : memref<1x80xi32, #tpu.memory_space<vmem>> -> memref<80xi32, #tpu.memory_space<vmem>>
        %dma_wait3A_455 = arith.constant 0 : i32
        %dma_wait3A_456 = arith.constant 0 : i32
        %dma_wait3A_457 = tpu.memref_slice %arg5[%dma_wait3A_455, %dma_wait3A_456] : memref<10000x144xf32, #tpu.memory_space<hbm>> -> memref<10000x144xf32, #tpu.memory_space<hbm>>
        tpu.wait_indirect_dma semaphore(%arg16 : memref<!tpu.dma_semaphore, #tpu.memory_space<semaphore_mem>>) src(%dma_wait3A_457 : memref<10000x144xf32, #tpu.memory_space<hbm>>) dst(%arg12 : memref<80x144xf32, #tpu.memory_space<vmem>>)
        %dma_wait3A_458 = arith.constant 14 : i32
        %dma_wait3A_459 = arith.constant 0 : i32
        %dma_wait3A_460 = tpu.memref_slice %arg11[%dma_wait3A_458, %dma_wait3A_459] : memref<25x80xi32, #tpu.memory_space<vmem>> -> memref<1x80xi32, #tpu.memory_space<vmem>>
        %dma_wait3A_461 = tpu.memref_squeeze %dma_wait3A_460 : memref<1x80xi32, #tpu.memory_space<vmem>> -> memref<80xi32, #tpu.memory_space<vmem>>
        %dma_wait3A_462 = arith.constant 0 : i32
        %dma_wait3A_463 = arith.constant 0 : i32
        %dma_wait3A_464 = tpu.memref_slice %arg15[%dma_wait3A_462, %dma_wait3A_463] : memref<10112x144xf32, #tpu.memory_space<vmem_shared>> -> memref<10112x144xf32, #tpu.memory_space<vmem_shared>>
        tpu.wait_indirect_dma semaphore(%arg21 : memref<!tpu.dma_semaphore, #tpu.memory_space<semaphore_mem>>) src(%arg14 : memref<80x144xf32, #tpu.memory_space<vmem>>) dst(%dma_wait3A_464 : memref<10112x144xf32, #tpu.memory_space<vmem_shared>>)
        %dma_start3A_465 = arith.constant 17 : i32
        %dma_start3A_466 = arith.constant 0 : i32
        %dma_start3A_467 = tpu.memref_slice %arg10[%dma_start3A_465, %dma_start3A_466] : memref<25x80xi32, #tpu.memory_space<vmem>> -> memref<1x80xi32, #tpu.memory_space<vmem>>
        %dma_start3A_468 = tpu.memref_squeeze %dma_start3A_467 : memref<1x80xi32, #tpu.memory_space<vmem>> -> memref<80xi32, #tpu.memory_space<vmem>>
        %dma_start3A_469 = arith.constant 0 : i32
        %dma_start3A_470 = arith.constant 0 : i32
        %dma_start3A_471 = tpu.memref_slice %arg5[%dma_start3A_469, %dma_start3A_470] : memref<10000x144xf32, #tpu.memory_space<hbm>> -> memref<10000x144xf32, #tpu.memory_space<hbm>>
        tpu.enqueue_indirect_dma source(%dma_start3A_471 : memref<10000x144xf32, #tpu.memory_space<hbm>>) target(%arg14 : memref<80x144xf32, #tpu.memory_space<vmem>>) offsets(%dma_start3A_468 : memref<80xi32, #tpu.memory_space<vmem>>) semaphore(%arg18 : memref<!tpu.dma_semaphore, #tpu.memory_space<semaphore_mem>>)
        %dma_start3A_472 = arith.constant 15 : i32
        %dma_start3A_473 = arith.constant 0 : i32
        %dma_start3A_474 = tpu.memref_slice %arg11[%dma_start3A_472, %dma_start3A_473] : memref<25x80xi32, #tpu.memory_space<vmem>> -> memref<1x80xi32, #tpu.memory_space<vmem>>
        %dma_start3A_475 = tpu.memref_squeeze %dma_start3A_474 : memref<1x80xi32, #tpu.memory_space<vmem>> -> memref<80xi32, #tpu.memory_space<vmem>>
        %dma_start3A_476 = arith.constant 0 : i32
        %dma_start3A_477 = arith.constant 0 : i32
        %dma_start3A_478 = tpu.memref_slice %arg15[%dma_start3A_476, %dma_start3A_477] : memref<10112x144xf32, #tpu.memory_space<vmem_shared>> -> memref<10112x144xf32, #tpu.memory_space<vmem_shared>>
        tpu.enqueue_indirect_dma source(%arg12 : memref<80x144xf32, #tpu.memory_space<vmem>>) target(%dma_start3A_478 : memref<10112x144xf32, #tpu.memory_space<vmem_shared>>) offsets(%dma_start3A_475 : memref<80xi32, #tpu.memory_space<vmem>>) semaphore(%arg19 : memref<!tpu.dma_semaphore, #tpu.memory_space<semaphore_mem>>) {add = true}
        %dma_wait3A_479 = arith.constant 16 : i32
        %dma_wait3A_480 = arith.constant 0 : i32
        %dma_wait3A_481 = tpu.memref_slice %arg10[%dma_wait3A_479, %dma_wait3A_480] : memref<25x80xi32, #tpu.memory_space<vmem>> -> memref<1x80xi32, #tpu.memory_space<vmem>>
        %dma_wait3A_482 = tpu.memref_squeeze %dma_wait3A_481 : memref<1x80xi32, #tpu.memory_space<vmem>> -> memref<80xi32, #tpu.memory_space<vmem>>
        %dma_wait3A_483 = arith.constant 0 : i32
        %dma_wait3A_484 = arith.constant 0 : i32
        %dma_wait3A_485 = tpu.memref_slice %arg5[%dma_wait3A_483, %dma_wait3A_484] : memref<10000x144xf32, #tpu.memory_space<hbm>> -> memref<10000x144xf32, #tpu.memory_space<hbm>>
        tpu.wait_indirect_dma semaphore(%arg17 : memref<!tpu.dma_semaphore, #tpu.memory_space<semaphore_mem>>) src(%dma_wait3A_485 : memref<10000x144xf32, #tpu.memory_space<hbm>>) dst(%arg13 : memref<80x144xf32, #tpu.memory_space<vmem>>)
        %dma_wait3A_486 = arith.constant 15 : i32
        %dma_wait3A_487 = arith.constant 0 : i32
        %dma_wait3A_488 = tpu.memref_slice %arg11[%dma_wait3A_486, %dma_wait3A_487] : memref<25x80xi32, #tpu.memory_space<vmem>> -> memref<1x80xi32, #tpu.memory_space<vmem>>
        %dma_wait3A_489 = tpu.memref_squeeze %dma_wait3A_488 : memref<1x80xi32, #tpu.memory_space<vmem>> -> memref<80xi32, #tpu.memory_space<vmem>>
        %dma_wait3A_490 = arith.constant 0 : i32
        %dma_wait3A_491 = arith.constant 0 : i32
        %dma_wait3A_492 = tpu.memref_slice %arg15[%dma_wait3A_490, %dma_wait3A_491] : memref<10112x144xf32, #tpu.memory_space<vmem_shared>> -> memref<10112x144xf32, #tpu.memory_space<vmem_shared>>
        tpu.wait_indirect_dma semaphore(%arg19 : memref<!tpu.dma_semaphore, #tpu.memory_space<semaphore_mem>>) src(%arg12 : memref<80x144xf32, #tpu.memory_space<vmem>>) dst(%dma_wait3A_492 : memref<10112x144xf32, #tpu.memory_space<vmem_shared>>)
        %dma_start3A_493 = arith.constant 18 : i32
        %dma_start3A_494 = arith.constant 0 : i32
        %dma_start3A_495 = tpu.memref_slice %arg10[%dma_start3A_493, %dma_start3A_494] : memref<25x80xi32, #tpu.memory_space<vmem>> -> memref<1x80xi32, #tpu.memory_space<vmem>>
        %dma_start3A_496 = tpu.memref_squeeze %dma_start3A_495 : memref<1x80xi32, #tpu.memory_space<vmem>> -> memref<80xi32, #tpu.memory_space<vmem>>
        %dma_start3A_497 = arith.constant 0 : i32
        %dma_start3A_498 = arith.constant 0 : i32
        %dma_start3A_499 = tpu.memref_slice %arg5[%dma_start3A_497, %dma_start3A_498] : memref<10000x144xf32, #tpu.memory_space<hbm>> -> memref<10000x144xf32, #tpu.memory_space<hbm>>
        tpu.enqueue_indirect_dma source(%dma_start3A_499 : memref<10000x144xf32, #tpu.memory_space<hbm>>) target(%arg12 : memref<80x144xf32, #tpu.memory_space<vmem>>) offsets(%dma_start3A_496 : memref<80xi32, #tpu.memory_space<vmem>>) semaphore(%arg16 : memref<!tpu.dma_semaphore, #tpu.memory_space<semaphore_mem>>)
        %dma_start3A_500 = arith.constant 16 : i32
        %dma_start3A_501 = arith.constant 0 : i32
        %dma_start3A_502 = tpu.memref_slice %arg11[%dma_start3A_500, %dma_start3A_501] : memref<25x80xi32, #tpu.memory_space<vmem>> -> memref<1x80xi32, #tpu.memory_space<vmem>>
        %dma_start3A_503 = tpu.memref_squeeze %dma_start3A_502 : memref<1x80xi32, #tpu.memory_space<vmem>> -> memref<80xi32, #tpu.memory_space<vmem>>
        %dma_start3A_504 = arith.constant 0 : i32
        %dma_start3A_505 = arith.constant 0 : i32
        %dma_start3A_506 = tpu.memref_slice %arg15[%dma_start3A_504, %dma_start3A_505] : memref<10112x144xf32, #tpu.memory_space<vmem_shared>> -> memref<10112x144xf32, #tpu.memory_space<vmem_shared>>
        tpu.enqueue_indirect_dma source(%arg13 : memref<80x144xf32, #tpu.memory_space<vmem>>) target(%dma_start3A_506 : memref<10112x144xf32, #tpu.memory_space<vmem_shared>>) offsets(%dma_start3A_503 : memref<80xi32, #tpu.memory_space<vmem>>) semaphore(%arg20 : memref<!tpu.dma_semaphore, #tpu.memory_space<semaphore_mem>>) {add = true}
        %dma_wait3A_507 = arith.constant 17 : i32
        %dma_wait3A_508 = arith.constant 0 : i32
        %dma_wait3A_509 = tpu.memref_slice %arg10[%dma_wait3A_507, %dma_wait3A_508] : memref<25x80xi32, #tpu.memory_space<vmem>> -> memref<1x80xi32, #tpu.memory_space<vmem>>
        %dma_wait3A_510 = tpu.memref_squeeze %dma_wait3A_509 : memref<1x80xi32, #tpu.memory_space<vmem>> -> memref<80xi32, #tpu.memory_space<vmem>>
        %dma_wait3A_511 = arith.constant 0 : i32
        %dma_wait3A_512 = arith.constant 0 : i32
        %dma_wait3A_513 = tpu.memref_slice %arg5[%dma_wait3A_511, %dma_wait3A_512] : memref<10000x144xf32, #tpu.memory_space<hbm>> -> memref<10000x144xf32, #tpu.memory_space<hbm>>
        tpu.wait_indirect_dma semaphore(%arg18 : memref<!tpu.dma_semaphore, #tpu.memory_space<semaphore_mem>>) src(%dma_wait3A_513 : memref<10000x144xf32, #tpu.memory_space<hbm>>) dst(%arg14 : memref<80x144xf32, #tpu.memory_space<vmem>>)
        %dma_wait3A_514 = arith.constant 16 : i32
        %dma_wait3A_515 = arith.constant 0 : i32
        %dma_wait3A_516 = tpu.memref_slice %arg11[%dma_wait3A_514, %dma_wait3A_515] : memref<25x80xi32, #tpu.memory_space<vmem>> -> memref<1x80xi32, #tpu.memory_space<vmem>>
        %dma_wait3A_517 = tpu.memref_squeeze %dma_wait3A_516 : memref<1x80xi32, #tpu.memory_space<vmem>> -> memref<80xi32, #tpu.memory_space<vmem>>
        %dma_wait3A_518 = arith.constant 0 : i32
        %dma_wait3A_519 = arith.constant 0 : i32
        %dma_wait3A_520 = tpu.memref_slice %arg15[%dma_wait3A_518, %dma_wait3A_519] : memref<10112x144xf32, #tpu.memory_space<vmem_shared>> -> memref<10112x144xf32, #tpu.memory_space<vmem_shared>>
        tpu.wait_indirect_dma semaphore(%arg20 : memref<!tpu.dma_semaphore, #tpu.memory_space<semaphore_mem>>) src(%arg13 : memref<80x144xf32, #tpu.memory_space<vmem>>) dst(%dma_wait3A_520 : memref<10112x144xf32, #tpu.memory_space<vmem_shared>>)
        %dma_start3A_521 = arith.constant 19 : i32
        %dma_start3A_522 = arith.constant 0 : i32
        %dma_start3A_523 = tpu.memref_slice %arg10[%dma_start3A_521, %dma_start3A_522] : memref<25x80xi32, #tpu.memory_space<vmem>> -> memref<1x80xi32, #tpu.memory_space<vmem>>
        %dma_start3A_524 = tpu.memref_squeeze %dma_start3A_523 : memref<1x80xi32, #tpu.memory_space<vmem>> -> memref<80xi32, #tpu.memory_space<vmem>>
        %dma_start3A_525 = arith.constant 0 : i32
        %dma_start3A_526 = arith.constant 0 : i32
        %dma_start3A_527 = tpu.memref_slice %arg5[%dma_start3A_525, %dma_start3A_526] : memref<10000x144xf32, #tpu.memory_space<hbm>> -> memref<10000x144xf32, #tpu.memory_space<hbm>>
        tpu.enqueue_indirect_dma source(%dma_start3A_527 : memref<10000x144xf32, #tpu.memory_space<hbm>>) target(%arg13 : memref<80x144xf32, #tpu.memory_space<vmem>>) offsets(%dma_start3A_524 : memref<80xi32, #tpu.memory_space<vmem>>) semaphore(%arg17 : memref<!tpu.dma_semaphore, #tpu.memory_space<semaphore_mem>>)
        %dma_start3A_528 = arith.constant 17 : i32
        %dma_start3A_529 = arith.constant 0 : i32
        %dma_start3A_530 = tpu.memref_slice %arg11[%dma_start3A_528, %dma_start3A_529] : memref<25x80xi32, #tpu.memory_space<vmem>> -> memref<1x80xi32, #tpu.memory_space<vmem>>
        %dma_start3A_531 = tpu.memref_squeeze %dma_start3A_530 : memref<1x80xi32, #tpu.memory_space<vmem>> -> memref<80xi32, #tpu.memory_space<vmem>>
        %dma_start3A_532 = arith.constant 0 : i32
        %dma_start3A_533 = arith.constant 0 : i32
        %dma_start3A_534 = tpu.memref_slice %arg15[%dma_start3A_532, %dma_start3A_533] : memref<10112x144xf32, #tpu.memory_space<vmem_shared>> -> memref<10112x144xf32, #tpu.memory_space<vmem_shared>>
        tpu.enqueue_indirect_dma source(%arg14 : memref<80x144xf32, #tpu.memory_space<vmem>>) target(%dma_start3A_534 : memref<10112x144xf32, #tpu.memory_space<vmem_shared>>) offsets(%dma_start3A_531 : memref<80xi32, #tpu.memory_space<vmem>>) semaphore(%arg21 : memref<!tpu.dma_semaphore, #tpu.memory_space<semaphore_mem>>) {add = true}
        %dma_wait3A_535 = arith.constant 18 : i32
        %dma_wait3A_536 = arith.constant 0 : i32
        %dma_wait3A_537 = tpu.memref_slice %arg10[%dma_wait3A_535, %dma_wait3A_536] : memref<25x80xi32, #tpu.memory_space<vmem>> -> memref<1x80xi32, #tpu.memory_space<vmem>>
        %dma_wait3A_538 = tpu.memref_squeeze %dma_wait3A_537 : memref<1x80xi32, #tpu.memory_space<vmem>> -> memref<80xi32, #tpu.memory_space<vmem>>
        %dma_wait3A_539 = arith.constant 0 : i32
        %dma_wait3A_540 = arith.constant 0 : i32
        %dma_wait3A_541 = tpu.memref_slice %arg5[%dma_wait3A_539, %dma_wait3A_540] : memref<10000x144xf32, #tpu.memory_space<hbm>> -> memref<10000x144xf32, #tpu.memory_space<hbm>>
        tpu.wait_indirect_dma semaphore(%arg16 : memref<!tpu.dma_semaphore, #tpu.memory_space<semaphore_mem>>) src(%dma_wait3A_541 : memref<10000x144xf32, #tpu.memory_space<hbm>>) dst(%arg12 : memref<80x144xf32, #tpu.memory_space<vmem>>)
        %dma_wait3A_542 = arith.constant 17 : i32
        %dma_wait3A_543 = arith.constant 0 : i32
        %dma_wait3A_544 = tpu.memref_slice %arg11[%dma_wait3A_542, %dma_wait3A_543] : memref<25x80xi32, #tpu.memory_space<vmem>> -> memref<1x80xi32, #tpu.memory_space<vmem>>
        %dma_wait3A_545 = tpu.memref_squeeze %dma_wait3A_544 : memref<1x80xi32, #tpu.memory_space<vmem>> -> memref<80xi32, #tpu.memory_space<vmem>>
        %dma_wait3A_546 = arith.constant 0 : i32
        %dma_wait3A_547 = arith.constant 0 : i32
        %dma_wait3A_548 = tpu.memref_slice %arg15[%dma_wait3A_546, %dma_wait3A_547] : memref<10112x144xf32, #tpu.memory_space<vmem_shared>> -> memref<10112x144xf32, #tpu.memory_space<vmem_shared>>
        tpu.wait_indirect_dma semaphore(%arg21 : memref<!tpu.dma_semaphore, #tpu.memory_space<semaphore_mem>>) src(%arg14 : memref<80x144xf32, #tpu.memory_space<vmem>>) dst(%dma_wait3A_548 : memref<10112x144xf32, #tpu.memory_space<vmem_shared>>)
        %dma_start3A_549 = arith.constant 20 : i32
        %dma_start3A_550 = arith.constant 0 : i32
        %dma_start3A_551 = tpu.memref_slice %arg10[%dma_start3A_549, %dma_start3A_550] : memref<25x80xi32, #tpu.memory_space<vmem>> -> memref<1x80xi32, #tpu.memory_space<vmem>>
        %dma_start3A_552 = tpu.memref_squeeze %dma_start3A_551 : memref<1x80xi32, #tpu.memory_space<vmem>> -> memref<80xi32, #tpu.memory_space<vmem>>
        %dma_start3A_553 = arith.constant 0 : i32
        %dma_start3A_554 = arith.constant 0 : i32
        %dma_start3A_555 = tpu.memref_slice %arg5[%dma_start3A_553, %dma_start3A_554] : memref<10000x144xf32, #tpu.memory_space<hbm>> -> memref<10000x144xf32, #tpu.memory_space<hbm>>
        tpu.enqueue_indirect_dma source(%dma_start3A_555 : memref<10000x144xf32, #tpu.memory_space<hbm>>) target(%arg14 : memref<80x144xf32, #tpu.memory_space<vmem>>) offsets(%dma_start3A_552 : memref<80xi32, #tpu.memory_space<vmem>>) semaphore(%arg18 : memref<!tpu.dma_semaphore, #tpu.memory_space<semaphore_mem>>)
        %dma_start3A_556 = arith.constant 18 : i32
        %dma_start3A_557 = arith.constant 0 : i32
        %dma_start3A_558 = tpu.memref_slice %arg11[%dma_start3A_556, %dma_start3A_557] : memref<25x80xi32, #tpu.memory_space<vmem>> -> memref<1x80xi32, #tpu.memory_space<vmem>>
        %dma_start3A_559 = tpu.memref_squeeze %dma_start3A_558 : memref<1x80xi32, #tpu.memory_space<vmem>> -> memref<80xi32, #tpu.memory_space<vmem>>
        %dma_start3A_560 = arith.constant 0 : i32
        %dma_start3A_561 = arith.constant 0 : i32
        %dma_start3A_562 = tpu.memref_slice %arg15[%dma_start3A_560, %dma_start3A_561] : memref<10112x144xf32, #tpu.memory_space<vmem_shared>> -> memref<10112x144xf32, #tpu.memory_space<vmem_shared>>
        tpu.enqueue_indirect_dma source(%arg12 : memref<80x144xf32, #tpu.memory_space<vmem>>) target(%dma_start3A_562 : memref<10112x144xf32, #tpu.memory_space<vmem_shared>>) offsets(%dma_start3A_559 : memref<80xi32, #tpu.memory_space<vmem>>) semaphore(%arg19 : memref<!tpu.dma_semaphore, #tpu.memory_space<semaphore_mem>>) {add = true}
        %dma_wait3A_563 = arith.constant 19 : i32
        %dma_wait3A_564 = arith.constant 0 : i32
        %dma_wait3A_565 = tpu.memref_slice %arg10[%dma_wait3A_563, %dma_wait3A_564] : memref<25x80xi32, #tpu.memory_space<vmem>> -> memref<1x80xi32, #tpu.memory_space<vmem>>
        %dma_wait3A_566 = tpu.memref_squeeze %dma_wait3A_565 : memref<1x80xi32, #tpu.memory_space<vmem>> -> memref<80xi32, #tpu.memory_space<vmem>>
        %dma_wait3A_567 = arith.constant 0 : i32
        %dma_wait3A_568 = arith.constant 0 : i32
        %dma_wait3A_569 = tpu.memref_slice %arg5[%dma_wait3A_567, %dma_wait3A_568] : memref<10000x144xf32, #tpu.memory_space<hbm>> -> memref<10000x144xf32, #tpu.memory_space<hbm>>
        tpu.wait_indirect_dma semaphore(%arg17 : memref<!tpu.dma_semaphore, #tpu.memory_space<semaphore_mem>>) src(%dma_wait3A_569 : memref<10000x144xf32, #tpu.memory_space<hbm>>) dst(%arg13 : memref<80x144xf32, #tpu.memory_space<vmem>>)
        %dma_wait3A_570 = arith.constant 18 : i32
        %dma_wait3A_571 = arith.constant 0 : i32
        %dma_wait3A_572 = tpu.memref_slice %arg11[%dma_wait3A_570, %dma_wait3A_571] : memref<25x80xi32, #tpu.memory_space<vmem>> -> memref<1x80xi32, #tpu.memory_space<vmem>>
        %dma_wait3A_573 = tpu.memref_squeeze %dma_wait3A_572 : memref<1x80xi32, #tpu.memory_space<vmem>> -> memref<80xi32, #tpu.memory_space<vmem>>
        %dma_wait3A_574 = arith.constant 0 : i32
        %dma_wait3A_575 = arith.constant 0 : i32
        %dma_wait3A_576 = tpu.memref_slice %arg15[%dma_wait3A_574, %dma_wait3A_575] : memref<10112x144xf32, #tpu.memory_space<vmem_shared>> -> memref<10112x144xf32, #tpu.memory_space<vmem_shared>>
        tpu.wait_indirect_dma semaphore(%arg19 : memref<!tpu.dma_semaphore, #tpu.memory_space<semaphore_mem>>) src(%arg12 : memref<80x144xf32, #tpu.memory_space<vmem>>) dst(%dma_wait3A_576 : memref<10112x144xf32, #tpu.memory_space<vmem_shared>>)
        %dma_start3A_577 = arith.constant 21 : i32
        %dma_start3A_578 = arith.constant 0 : i32
        %dma_start3A_579 = tpu.memref_slice %arg10[%dma_start3A_577, %dma_start3A_578] : memref<25x80xi32, #tpu.memory_space<vmem>> -> memref<1x80xi32, #tpu.memory_space<vmem>>
        %dma_start3A_580 = tpu.memref_squeeze %dma_start3A_579 : memref<1x80xi32, #tpu.memory_space<vmem>> -> memref<80xi32, #tpu.memory_space<vmem>>
        %dma_start3A_581 = arith.constant 0 : i32
        %dma_start3A_582 = arith.constant 0 : i32
        %dma_start3A_583 = tpu.memref_slice %arg5[%dma_start3A_581, %dma_start3A_582] : memref<10000x144xf32, #tpu.memory_space<hbm>> -> memref<10000x144xf32, #tpu.memory_space<hbm>>
        tpu.enqueue_indirect_dma source(%dma_start3A_583 : memref<10000x144xf32, #tpu.memory_space<hbm>>) target(%arg12 : memref<80x144xf32, #tpu.memory_space<vmem>>) offsets(%dma_start3A_580 : memref<80xi32, #tpu.memory_space<vmem>>) semaphore(%arg16 : memref<!tpu.dma_semaphore, #tpu.memory_space<semaphore_mem>>)
        %dma_start3A_584 = arith.constant 19 : i32
        %dma_start3A_585 = arith.constant 0 : i32
        %dma_start3A_586 = tpu.memref_slice %arg11[%dma_start3A_584, %dma_start3A_585] : memref<25x80xi32, #tpu.memory_space<vmem>> -> memref<1x80xi32, #tpu.memory_space<vmem>>
        %dma_start3A_587 = tpu.memref_squeeze %dma_start3A_586 : memref<1x80xi32, #tpu.memory_space<vmem>> -> memref<80xi32, #tpu.memory_space<vmem>>
        %dma_start3A_588 = arith.constant 0 : i32
        %dma_start3A_589 = arith.constant 0 : i32
        %dma_start3A_590 = tpu.memref_slice %arg15[%dma_start3A_588, %dma_start3A_589] : memref<10112x144xf32, #tpu.memory_space<vmem_shared>> -> memref<10112x144xf32, #tpu.memory_space<vmem_shared>>
        tpu.enqueue_indirect_dma source(%arg13 : memref<80x144xf32, #tpu.memory_space<vmem>>) target(%dma_start3A_590 : memref<10112x144xf32, #tpu.memory_space<vmem_shared>>) offsets(%dma_start3A_587 : memref<80xi32, #tpu.memory_space<vmem>>) semaphore(%arg20 : memref<!tpu.dma_semaphore, #tpu.memory_space<semaphore_mem>>) {add = true}
        %dma_wait3A_591 = arith.constant 20 : i32
        %dma_wait3A_592 = arith.constant 0 : i32
        %dma_wait3A_593 = tpu.memref_slice %arg10[%dma_wait3A_591, %dma_wait3A_592] : memref<25x80xi32, #tpu.memory_space<vmem>> -> memref<1x80xi32, #tpu.memory_space<vmem>>
        %dma_wait3A_594 = tpu.memref_squeeze %dma_wait3A_593 : memref<1x80xi32, #tpu.memory_space<vmem>> -> memref<80xi32, #tpu.memory_space<vmem>>
        %dma_wait3A_595 = arith.constant 0 : i32
        %dma_wait3A_596 = arith.constant 0 : i32
        %dma_wait3A_597 = tpu.memref_slice %arg5[%dma_wait3A_595, %dma_wait3A_596] : memref<10000x144xf32, #tpu.memory_space<hbm>> -> memref<10000x144xf32, #tpu.memory_space<hbm>>
        tpu.wait_indirect_dma semaphore(%arg18 : memref<!tpu.dma_semaphore, #tpu.memory_space<semaphore_mem>>) src(%dma_wait3A_597 : memref<10000x144xf32, #tpu.memory_space<hbm>>) dst(%arg14 : memref<80x144xf32, #tpu.memory_space<vmem>>)
        %dma_wait3A_598 = arith.constant 19 : i32
        %dma_wait3A_599 = arith.constant 0 : i32
        %dma_wait3A_600 = tpu.memref_slice %arg11[%dma_wait3A_598, %dma_wait3A_599] : memref<25x80xi32, #tpu.memory_space<vmem>> -> memref<1x80xi32, #tpu.memory_space<vmem>>
        %dma_wait3A_601 = tpu.memref_squeeze %dma_wait3A_600 : memref<1x80xi32, #tpu.memory_space<vmem>> -> memref<80xi32, #tpu.memory_space<vmem>>
        %dma_wait3A_602 = arith.constant 0 : i32
        %dma_wait3A_603 = arith.constant 0 : i32
        %dma_wait3A_604 = tpu.memref_slice %arg15[%dma_wait3A_602, %dma_wait3A_603] : memref<10112x144xf32, #tpu.memory_space<vmem_shared>> -> memref<10112x144xf32, #tpu.memory_space<vmem_shared>>
        tpu.wait_indirect_dma semaphore(%arg20 : memref<!tpu.dma_semaphore, #tpu.memory_space<semaphore_mem>>) src(%arg13 : memref<80x144xf32, #tpu.memory_space<vmem>>) dst(%dma_wait3A_604 : memref<10112x144xf32, #tpu.memory_space<vmem_shared>>)
        %dma_start3A_605 = arith.constant 22 : i32
        %dma_start3A_606 = arith.constant 0 : i32
        %dma_start3A_607 = tpu.memref_slice %arg10[%dma_start3A_605, %dma_start3A_606] : memref<25x80xi32, #tpu.memory_space<vmem>> -> memref<1x80xi32, #tpu.memory_space<vmem>>
        %dma_start3A_608 = tpu.memref_squeeze %dma_start3A_607 : memref<1x80xi32, #tpu.memory_space<vmem>> -> memref<80xi32, #tpu.memory_space<vmem>>
        %dma_start3A_609 = arith.constant 0 : i32
        %dma_start3A_610 = arith.constant 0 : i32
        %dma_start3A_611 = tpu.memref_slice %arg5[%dma_start3A_609, %dma_start3A_610] : memref<10000x144xf32, #tpu.memory_space<hbm>> -> memref<10000x144xf32, #tpu.memory_space<hbm>>
        tpu.enqueue_indirect_dma source(%dma_start3A_611 : memref<10000x144xf32, #tpu.memory_space<hbm>>) target(%arg13 : memref<80x144xf32, #tpu.memory_space<vmem>>) offsets(%dma_start3A_608 : memref<80xi32, #tpu.memory_space<vmem>>) semaphore(%arg17 : memref<!tpu.dma_semaphore, #tpu.memory_space<semaphore_mem>>)
        %dma_start3A_612 = arith.constant 20 : i32
        %dma_start3A_613 = arith.constant 0 : i32
        %dma_start3A_614 = tpu.memref_slice %arg11[%dma_start3A_612, %dma_start3A_613] : memref<25x80xi32, #tpu.memory_space<vmem>> -> memref<1x80xi32, #tpu.memory_space<vmem>>
        %dma_start3A_615 = tpu.memref_squeeze %dma_start3A_614 : memref<1x80xi32, #tpu.memory_space<vmem>> -> memref<80xi32, #tpu.memory_space<vmem>>
        %dma_start3A_616 = arith.constant 0 : i32
        %dma_start3A_617 = arith.constant 0 : i32
        %dma_start3A_618 = tpu.memref_slice %arg15[%dma_start3A_616, %dma_start3A_617] : memref<10112x144xf32, #tpu.memory_space<vmem_shared>> -> memref<10112x144xf32, #tpu.memory_space<vmem_shared>>
        tpu.enqueue_indirect_dma source(%arg14 : memref<80x144xf32, #tpu.memory_space<vmem>>) target(%dma_start3A_618 : memref<10112x144xf32, #tpu.memory_space<vmem_shared>>) offsets(%dma_start3A_615 : memref<80xi32, #tpu.memory_space<vmem>>) semaphore(%arg21 : memref<!tpu.dma_semaphore, #tpu.memory_space<semaphore_mem>>) {add = true}
        %dma_wait3A_619 = arith.constant 21 : i32
        %dma_wait3A_620 = arith.constant 0 : i32
        %dma_wait3A_621 = tpu.memref_slice %arg10[%dma_wait3A_619, %dma_wait3A_620] : memref<25x80xi32, #tpu.memory_space<vmem>> -> memref<1x80xi32, #tpu.memory_space<vmem>>
        %dma_wait3A_622 = tpu.memref_squeeze %dma_wait3A_621 : memref<1x80xi32, #tpu.memory_space<vmem>> -> memref<80xi32, #tpu.memory_space<vmem>>
        %dma_wait3A_623 = arith.constant 0 : i32
        %dma_wait3A_624 = arith.constant 0 : i32
        %dma_wait3A_625 = tpu.memref_slice %arg5[%dma_wait3A_623, %dma_wait3A_624] : memref<10000x144xf32, #tpu.memory_space<hbm>> -> memref<10000x144xf32, #tpu.memory_space<hbm>>
        tpu.wait_indirect_dma semaphore(%arg16 : memref<!tpu.dma_semaphore, #tpu.memory_space<semaphore_mem>>) src(%dma_wait3A_625 : memref<10000x144xf32, #tpu.memory_space<hbm>>) dst(%arg12 : memref<80x144xf32, #tpu.memory_space<vmem>>)
        %dma_wait3A_626 = arith.constant 20 : i32
        %dma_wait3A_627 = arith.constant 0 : i32
        %dma_wait3A_628 = tpu.memref_slice %arg11[%dma_wait3A_626, %dma_wait3A_627] : memref<25x80xi32, #tpu.memory_space<vmem>> -> memref<1x80xi32, #tpu.memory_space<vmem>>
        %dma_wait3A_629 = tpu.memref_squeeze %dma_wait3A_628 : memref<1x80xi32, #tpu.memory_space<vmem>> -> memref<80xi32, #tpu.memory_space<vmem>>
        %dma_wait3A_630 = arith.constant 0 : i32
        %dma_wait3A_631 = arith.constant 0 : i32
        %dma_wait3A_632 = tpu.memref_slice %arg15[%dma_wait3A_630, %dma_wait3A_631] : memref<10112x144xf32, #tpu.memory_space<vmem_shared>> -> memref<10112x144xf32, #tpu.memory_space<vmem_shared>>
        tpu.wait_indirect_dma semaphore(%arg21 : memref<!tpu.dma_semaphore, #tpu.memory_space<semaphore_mem>>) src(%arg14 : memref<80x144xf32, #tpu.memory_space<vmem>>) dst(%dma_wait3A_632 : memref<10112x144xf32, #tpu.memory_space<vmem_shared>>)
        %dma_start3A_633 = arith.constant 23 : i32
        %dma_start3A_634 = arith.constant 0 : i32
        %dma_start3A_635 = tpu.memref_slice %arg10[%dma_start3A_633, %dma_start3A_634] : memref<25x80xi32, #tpu.memory_space<vmem>> -> memref<1x80xi32, #tpu.memory_space<vmem>>
        %dma_start3A_636 = tpu.memref_squeeze %dma_start3A_635 : memref<1x80xi32, #tpu.memory_space<vmem>> -> memref<80xi32, #tpu.memory_space<vmem>>
        %dma_start3A_637 = arith.constant 0 : i32
        %dma_start3A_638 = arith.constant 0 : i32
        %dma_start3A_639 = tpu.memref_slice %arg5[%dma_start3A_637, %dma_start3A_638] : memref<10000x144xf32, #tpu.memory_space<hbm>> -> memref<10000x144xf32, #tpu.memory_space<hbm>>
        tpu.enqueue_indirect_dma source(%dma_start3A_639 : memref<10000x144xf32, #tpu.memory_space<hbm>>) target(%arg14 : memref<80x144xf32, #tpu.memory_space<vmem>>) offsets(%dma_start3A_636 : memref<80xi32, #tpu.memory_space<vmem>>) semaphore(%arg18 : memref<!tpu.dma_semaphore, #tpu.memory_space<semaphore_mem>>)
        %dma_start3A_640 = arith.constant 21 : i32
        %dma_start3A_641 = arith.constant 0 : i32
        %dma_start3A_642 = tpu.memref_slice %arg11[%dma_start3A_640, %dma_start3A_641] : memref<25x80xi32, #tpu.memory_space<vmem>> -> memref<1x80xi32, #tpu.memory_space<vmem>>
        %dma_start3A_643 = tpu.memref_squeeze %dma_start3A_642 : memref<1x80xi32, #tpu.memory_space<vmem>> -> memref<80xi32, #tpu.memory_space<vmem>>
        %dma_start3A_644 = arith.constant 0 : i32
        %dma_start3A_645 = arith.constant 0 : i32
        %dma_start3A_646 = tpu.memref_slice %arg15[%dma_start3A_644, %dma_start3A_645] : memref<10112x144xf32, #tpu.memory_space<vmem_shared>> -> memref<10112x144xf32, #tpu.memory_space<vmem_shared>>
        tpu.enqueue_indirect_dma source(%arg12 : memref<80x144xf32, #tpu.memory_space<vmem>>) target(%dma_start3A_646 : memref<10112x144xf32, #tpu.memory_space<vmem_shared>>) offsets(%dma_start3A_643 : memref<80xi32, #tpu.memory_space<vmem>>) semaphore(%arg19 : memref<!tpu.dma_semaphore, #tpu.memory_space<semaphore_mem>>) {add = true}
        %dma_wait3A_647 = arith.constant 22 : i32
        %dma_wait3A_648 = arith.constant 0 : i32
        %dma_wait3A_649 = tpu.memref_slice %arg10[%dma_wait3A_647, %dma_wait3A_648] : memref<25x80xi32, #tpu.memory_space<vmem>> -> memref<1x80xi32, #tpu.memory_space<vmem>>
        %dma_wait3A_650 = tpu.memref_squeeze %dma_wait3A_649 : memref<1x80xi32, #tpu.memory_space<vmem>> -> memref<80xi32, #tpu.memory_space<vmem>>
        %dma_wait3A_651 = arith.constant 0 : i32
        %dma_wait3A_652 = arith.constant 0 : i32
        %dma_wait3A_653 = tpu.memref_slice %arg5[%dma_wait3A_651, %dma_wait3A_652] : memref<10000x144xf32, #tpu.memory_space<hbm>> -> memref<10000x144xf32, #tpu.memory_space<hbm>>
        tpu.wait_indirect_dma semaphore(%arg17 : memref<!tpu.dma_semaphore, #tpu.memory_space<semaphore_mem>>) src(%dma_wait3A_653 : memref<10000x144xf32, #tpu.memory_space<hbm>>) dst(%arg13 : memref<80x144xf32, #tpu.memory_space<vmem>>)
        %dma_wait3A_654 = arith.constant 21 : i32
        %dma_wait3A_655 = arith.constant 0 : i32
        %dma_wait3A_656 = tpu.memref_slice %arg11[%dma_wait3A_654, %dma_wait3A_655] : memref<25x80xi32, #tpu.memory_space<vmem>> -> memref<1x80xi32, #tpu.memory_space<vmem>>
        %dma_wait3A_657 = tpu.memref_squeeze %dma_wait3A_656 : memref<1x80xi32, #tpu.memory_space<vmem>> -> memref<80xi32, #tpu.memory_space<vmem>>
        %dma_wait3A_658 = arith.constant 0 : i32
        %dma_wait3A_659 = arith.constant 0 : i32
        %dma_wait3A_660 = tpu.memref_slice %arg15[%dma_wait3A_658, %dma_wait3A_659] : memref<10112x144xf32, #tpu.memory_space<vmem_shared>> -> memref<10112x144xf32, #tpu.memory_space<vmem_shared>>
        tpu.wait_indirect_dma semaphore(%arg19 : memref<!tpu.dma_semaphore, #tpu.memory_space<semaphore_mem>>) src(%arg12 : memref<80x144xf32, #tpu.memory_space<vmem>>) dst(%dma_wait3A_660 : memref<10112x144xf32, #tpu.memory_space<vmem_shared>>)
        %dma_start3A_661 = arith.constant 24 : i32
        %dma_start3A_662 = arith.constant 0 : i32
        %dma_start3A_663 = tpu.memref_slice %arg10[%dma_start3A_661, %dma_start3A_662] : memref<25x80xi32, #tpu.memory_space<vmem>> -> memref<1x80xi32, #tpu.memory_space<vmem>>
        %dma_start3A_664 = tpu.memref_squeeze %dma_start3A_663 : memref<1x80xi32, #tpu.memory_space<vmem>> -> memref<80xi32, #tpu.memory_space<vmem>>
        %dma_start3A_665 = arith.constant 0 : i32
        %dma_start3A_666 = arith.constant 0 : i32
        %dma_start3A_667 = tpu.memref_slice %arg5[%dma_start3A_665, %dma_start3A_666] : memref<10000x144xf32, #tpu.memory_space<hbm>> -> memref<10000x144xf32, #tpu.memory_space<hbm>>
        tpu.enqueue_indirect_dma source(%dma_start3A_667 : memref<10000x144xf32, #tpu.memory_space<hbm>>) target(%arg12 : memref<80x144xf32, #tpu.memory_space<vmem>>) offsets(%dma_start3A_664 : memref<80xi32, #tpu.memory_space<vmem>>) semaphore(%arg16 : memref<!tpu.dma_semaphore, #tpu.memory_space<semaphore_mem>>)
        %dma_start3A_668 = arith.constant 22 : i32
        %dma_start3A_669 = arith.constant 0 : i32
        %dma_start3A_670 = tpu.memref_slice %arg11[%dma_start3A_668, %dma_start3A_669] : memref<25x80xi32, #tpu.memory_space<vmem>> -> memref<1x80xi32, #tpu.memory_space<vmem>>
        %dma_start3A_671 = tpu.memref_squeeze %dma_start3A_670 : memref<1x80xi32, #tpu.memory_space<vmem>> -> memref<80xi32, #tpu.memory_space<vmem>>
        %dma_start3A_672 = arith.constant 0 : i32
        %dma_start3A_673 = arith.constant 0 : i32
        %dma_start3A_674 = tpu.memref_slice %arg15[%dma_start3A_672, %dma_start3A_673] : memref<10112x144xf32, #tpu.memory_space<vmem_shared>> -> memref<10112x144xf32, #tpu.memory_space<vmem_shared>>
        tpu.enqueue_indirect_dma source(%arg13 : memref<80x144xf32, #tpu.memory_space<vmem>>) target(%dma_start3A_674 : memref<10112x144xf32, #tpu.memory_space<vmem_shared>>) offsets(%dma_start3A_671 : memref<80xi32, #tpu.memory_space<vmem>>) semaphore(%arg20 : memref<!tpu.dma_semaphore, #tpu.memory_space<semaphore_mem>>) {add = true}
        %dma_wait3A_675 = arith.constant 23 : i32
        %dma_wait3A_676 = arith.constant 0 : i32
        %dma_wait3A_677 = tpu.memref_slice %arg10[%dma_wait3A_675, %dma_wait3A_676] : memref<25x80xi32, #tpu.memory_space<vmem>> -> memref<1x80xi32, #tpu.memory_space<vmem>>
        %dma_wait3A_678 = tpu.memref_squeeze %dma_wait3A_677 : memref<1x80xi32, #tpu.memory_space<vmem>> -> memref<80xi32, #tpu.memory_space<vmem>>
        %dma_wait3A_679 = arith.constant 0 : i32
        %dma_wait3A_680 = arith.constant 0 : i32
        %dma_wait3A_681 = tpu.memref_slice %arg5[%dma_wait3A_679, %dma_wait3A_680] : memref<10000x144xf32, #tpu.memory_space<hbm>> -> memref<10000x144xf32, #tpu.memory_space<hbm>>
        tpu.wait_indirect_dma semaphore(%arg18 : memref<!tpu.dma_semaphore, #tpu.memory_space<semaphore_mem>>) src(%dma_wait3A_681 : memref<10000x144xf32, #tpu.memory_space<hbm>>) dst(%arg14 : memref<80x144xf32, #tpu.memory_space<vmem>>)
        %dma_start3A_682 = arith.constant 23 : i32
        %dma_start3A_683 = arith.constant 0 : i32
        %dma_start3A_684 = tpu.memref_slice %arg11[%dma_start3A_682, %dma_start3A_683] : memref<25x80xi32, #tpu.memory_space<vmem>> -> memref<1x80xi32, #tpu.memory_space<vmem>>
        %dma_start3A_685 = tpu.memref_squeeze %dma_start3A_684 : memref<1x80xi32, #tpu.memory_space<vmem>> -> memref<80xi32, #tpu.memory_space<vmem>>
        %dma_start3A_686 = arith.constant 0 : i32
        %dma_start3A_687 = arith.constant 0 : i32
        %dma_start3A_688 = tpu.memref_slice %arg15[%dma_start3A_686, %dma_start3A_687] : memref<10112x144xf32, #tpu.memory_space<vmem_shared>> -> memref<10112x144xf32, #tpu.memory_space<vmem_shared>>
        tpu.enqueue_indirect_dma source(%arg14 : memref<80x144xf32, #tpu.memory_space<vmem>>) target(%dma_start3A_688 : memref<10112x144xf32, #tpu.memory_space<vmem_shared>>) offsets(%dma_start3A_685 : memref<80xi32, #tpu.memory_space<vmem>>) semaphore(%arg21 : memref<!tpu.dma_semaphore, #tpu.memory_space<semaphore_mem>>) {add = true}
        %dma_wait3A_689 = arith.constant 24 : i32
        %dma_wait3A_690 = arith.constant 0 : i32
        %dma_wait3A_691 = tpu.memref_slice %arg10[%dma_wait3A_689, %dma_wait3A_690] : memref<25x80xi32, #tpu.memory_space<vmem>> -> memref<1x80xi32, #tpu.memory_space<vmem>>
        %dma_wait3A_692 = tpu.memref_squeeze %dma_wait3A_691 : memref<1x80xi32, #tpu.memory_space<vmem>> -> memref<80xi32, #tpu.memory_space<vmem>>
        %dma_wait3A_693 = arith.constant 0 : i32
        %dma_wait3A_694 = arith.constant 0 : i32
        %dma_wait3A_695 = tpu.memref_slice %arg5[%dma_wait3A_693, %dma_wait3A_694] : memref<10000x144xf32, #tpu.memory_space<hbm>> -> memref<10000x144xf32, #tpu.memory_space<hbm>>
        tpu.wait_indirect_dma semaphore(%arg16 : memref<!tpu.dma_semaphore, #tpu.memory_space<semaphore_mem>>) src(%dma_wait3A_695 : memref<10000x144xf32, #tpu.memory_space<hbm>>) dst(%arg12 : memref<80x144xf32, #tpu.memory_space<vmem>>)
        %dma_start3A_696 = arith.constant 24 : i32
        %dma_start3A_697 = arith.constant 0 : i32
        %dma_start3A_698 = tpu.memref_slice %arg11[%dma_start3A_696, %dma_start3A_697] : memref<25x80xi32, #tpu.memory_space<vmem>> -> memref<1x80xi32, #tpu.memory_space<vmem>>
        %dma_start3A_699 = tpu.memref_squeeze %dma_start3A_698 : memref<1x80xi32, #tpu.memory_space<vmem>> -> memref<80xi32, #tpu.memory_space<vmem>>
        %dma_start3A_700 = arith.constant 0 : i32
        %dma_start3A_701 = arith.constant 0 : i32
        %dma_start3A_702 = tpu.memref_slice %arg15[%dma_start3A_700, %dma_start3A_701] : memref<10112x144xf32, #tpu.memory_space<vmem_shared>> -> memref<10112x144xf32, #tpu.memory_space<vmem_shared>>
        tpu.enqueue_indirect_dma source(%arg12 : memref<80x144xf32, #tpu.memory_space<vmem>>) target(%dma_start3A_702 : memref<10112x144xf32, #tpu.memory_space<vmem_shared>>) offsets(%dma_start3A_699 : memref<80xi32, #tpu.memory_space<vmem>>) semaphore(%arg19 : memref<!tpu.dma_semaphore, #tpu.memory_space<semaphore_mem>>) {add = true}
        %dma_wait3A_703 = arith.constant 22 : i32
        %dma_wait3A_704 = arith.constant 0 : i32
        %dma_wait3A_705 = tpu.memref_slice %arg11[%dma_wait3A_703, %dma_wait3A_704] : memref<25x80xi32, #tpu.memory_space<vmem>> -> memref<1x80xi32, #tpu.memory_space<vmem>>
        %dma_wait3A_706 = tpu.memref_squeeze %dma_wait3A_705 : memref<1x80xi32, #tpu.memory_space<vmem>> -> memref<80xi32, #tpu.memory_space<vmem>>
        %dma_wait3A_707 = arith.constant 0 : i32
        %dma_wait3A_708 = arith.constant 0 : i32
        %dma_wait3A_709 = tpu.memref_slice %arg15[%dma_wait3A_707, %dma_wait3A_708] : memref<10112x144xf32, #tpu.memory_space<vmem_shared>> -> memref<10112x144xf32, #tpu.memory_space<vmem_shared>>
        tpu.wait_indirect_dma semaphore(%arg20 : memref<!tpu.dma_semaphore, #tpu.memory_space<semaphore_mem>>) src(%arg13 : memref<80x144xf32, #tpu.memory_space<vmem>>) dst(%dma_wait3A_709 : memref<10112x144xf32, #tpu.memory_space<vmem_shared>>)
        %dma_wait3A_710 = arith.constant 23 : i32
        %dma_wait3A_711 = arith.constant 0 : i32
        %dma_wait3A_712 = tpu.memref_slice %arg11[%dma_wait3A_710, %dma_wait3A_711] : memref<25x80xi32, #tpu.memory_space<vmem>> -> memref<1x80xi32, #tpu.memory_space<vmem>>
        %dma_wait3A_713 = tpu.memref_squeeze %dma_wait3A_712 : memref<1x80xi32, #tpu.memory_space<vmem>> -> memref<80xi32, #tpu.memory_space<vmem>>
        %dma_wait3A_714 = arith.constant 0 : i32
        %dma_wait3A_715 = arith.constant 0 : i32
        %dma_wait3A_716 = tpu.memref_slice %arg15[%dma_wait3A_714, %dma_wait3A_715] : memref<10112x144xf32, #tpu.memory_space<vmem_shared>> -> memref<10112x144xf32, #tpu.memory_space<vmem_shared>>
        tpu.wait_indirect_dma semaphore(%arg21 : memref<!tpu.dma_semaphore, #tpu.memory_space<semaphore_mem>>) src(%arg14 : memref<80x144xf32, #tpu.memory_space<vmem>>) dst(%dma_wait3A_716 : memref<10112x144xf32, #tpu.memory_space<vmem_shared>>)
        %dma_wait3A_717 = arith.constant 24 : i32
        %dma_wait3A_718 = arith.constant 0 : i32
        %dma_wait3A_719 = tpu.memref_slice %arg11[%dma_wait3A_717, %dma_wait3A_718] : memref<25x80xi32, #tpu.memory_space<vmem>> -> memref<1x80xi32, #tpu.memory_space<vmem>>
        %dma_wait3A_720 = tpu.memref_squeeze %dma_wait3A_719 : memref<1x80xi32, #tpu.memory_space<vmem>> -> memref<80xi32, #tpu.memory_space<vmem>>
        %dma_wait3A_721 = arith.constant 0 : i32
        %dma_wait3A_722 = arith.constant 0 : i32
        %dma_wait3A_723 = tpu.memref_slice %arg15[%dma_wait3A_721, %dma_wait3A_722] : memref<10112x144xf32, #tpu.memory_space<vmem_shared>> -> memref<10112x144xf32, #tpu.memory_space<vmem_shared>>
        tpu.wait_indirect_dma semaphore(%arg19 : memref<!tpu.dma_semaphore, #tpu.memory_space<semaphore_mem>>) src(%arg12 : memref<80x144xf32, #tpu.memory_space<vmem>>) dst(%dma_wait3A_723 : memref<10112x144xf32, #tpu.memory_space<vmem_shared>>)
      }
      %scan3A_15 = arith.constant 10 : i32
      %barrier3A_16 = arith.constant 0 : index
      tpu.barrier barrier_id(%barrier3A_16)
      %mul3A = arith.constant 632 : i32
      %mul3A_17 = arith.muli %arg1, %mul3A : i32
      "tpu.region"() ({
        %run_scoped3A = tpu.sem_alloc : memref<!tpu.dma_semaphore, #tpu.memory_space<semaphore_mem>>
        %dma_start3A = arith.constant 0 : i32
        %dma_start3A_18 = tpu.memref_slice %arg8[%mul3A_17, %dma_start3A] : memref<10112x144xf32, #tpu.memory_space<hbm>> -> memref<632x144xf32, #tpu.memory_space<hbm>>
        %dma_start3A_19 = arith.constant 0 : i32
        %dma_start3A_20 = tpu.memref_slice %arg15[%mul3A_17, %dma_start3A_19] : memref<10112x144xf32, #tpu.memory_space<vmem_shared>> -> memref<632x144xf32, #tpu.memory_space<vmem_shared>>
        tpu.enqueue_dma source(%dma_start3A_20 : memref<632x144xf32, #tpu.memory_space<vmem_shared>>) target(%dma_start3A_18 : memref<632x144xf32, #tpu.memory_space<hbm>>) target_semaphore(%run_scoped3A : memref<!tpu.dma_semaphore, #tpu.memory_space<semaphore_mem>>)
        %dma_wait3A = arith.constant 0 : i32
        %dma_wait3A_21 = tpu.memref_slice %arg8[%mul3A_17, %dma_wait3A] : memref<10112x144xf32, #tpu.memory_space<hbm>> -> memref<632x144xf32, #tpu.memory_space<hbm>>
        %dma_wait3A_22 = arith.constant 0 : i32
        %dma_wait3A_23 = tpu.memref_slice %arg15[%mul3A_17, %dma_wait3A_22] : memref<10112x144xf32, #tpu.memory_space<vmem_shared>> -> memref<632x144xf32, #tpu.memory_space<vmem_shared>>
        tpu.wait_dma2 semaphore(%run_scoped3A : memref<!tpu.dma_semaphore, #tpu.memory_space<semaphore_mem>>) src(%dma_wait3A_23 : memref<632x144xf32, #tpu.memory_space<vmem_shared>>) dst(%dma_wait3A_21 : memref<632x144xf32, #tpu.memory_space<hbm>>)
        tpu.yield
      }) : () -> ()
    } else {
    }
    %eq3A_7 = arith.constant 1 : i32
    %eq3A_8 = arith.cmpi eq, %arg0, %eq3A_7 : i32
    %convert_element_type3A_9 = arith.extui %eq3A_8 : i1 to i32
    %cond3A_10 = arith.constant 0 : i32
    %cond3A_11 = arith.cmpi ne, %convert_element_type3A_9, %cond3A_10 : i32
    scf.if %cond3A_11 {
      %barrier3A = arith.constant 0 : index
      tpu.barrier barrier_id(%barrier3A)
      %scan3A = arith.constant 0 : i32
      %scan3A_12 = arith.constant 10 : i32
      %scan3A_13 = arith.addi %scan3A, %scan3A_12 : i32
      %scan3A_14 = arith.constant 1 : i32
      scf.for %scan3A_18 = %scan3A to %scan3A_13 step %scan3A_14  : i32 {
        %mul3A_19 = arith.constant 1 : i32
        %mul3A_20 = arith.muli %scan3A_18, %mul3A_19 : i32
        %add3A = arith.constant 0 : i32
        %add3A_21 = arith.addi %add3A, %mul3A_20 : i32
        %mul3A_22 = arith.constant 25 : i32
        %mul3A_23 = arith.muli %add3A_21, %mul3A_22 : i32
        "tpu.region"() ({
          %run_scoped3A = tpu.sem_alloc : memref<!tpu.dma_semaphore, #tpu.memory_space<semaphore_mem>>
          %dma_start3A_724 = arith.constant 0 : i32
          %dma_start3A_725 = tpu.memref_slice %arg2[%arg1, %mul3A_23, %dma_start3A_724] : memref<16x250x80xi32, #tpu.memory_space<hbm>> -> memref<1x25x80xi32, #tpu.memory_space<hbm>>
          %dma_start3A_726 = tpu.memref_squeeze %dma_start3A_725 : memref<1x25x80xi32, #tpu.memory_space<hbm>> -> memref<25x80xi32, #tpu.memory_space<hbm>>
          %dma_start3A_727 = arith.constant 0 : i32
          %dma_start3A_728 = tpu.memref_slice %arg2[%arg1, %mul3A_23, %dma_start3A_727] : memref<16x250x80xi32, #tpu.memory_space<hbm>> -> memref<1x25x80xi32, #tpu.memory_space<hbm>>
          %dma_start3A_729 = tpu.memref_squeeze %dma_start3A_728 : memref<1x25x80xi32, #tpu.memory_space<hbm>> -> memref<25x80xi32, #tpu.memory_space<hbm>>
          tpu.enqueue_dma source(%dma_start3A_729 : memref<25x80xi32, #tpu.memory_space<hbm>>) target(%arg10 : memref<25x80xi32, #tpu.memory_space<vmem>>) target_semaphore(%run_scoped3A : memref<!tpu.dma_semaphore, #tpu.memory_space<semaphore_mem>>)
          %dma_wait3A_730 = arith.constant 0 : i32
          %dma_wait3A_731 = tpu.memref_slice %arg2[%arg1, %mul3A_23, %dma_wait3A_730] : memref<16x250x80xi32, #tpu.memory_space<hbm>> -> memref<1x25x80xi32, #tpu.memory_space<hbm>>
          %dma_wait3A_732 = tpu.memref_squeeze %dma_wait3A_731 : memref<1x25x80xi32, #tpu.memory_space<hbm>> -> memref<25x80xi32, #tpu.memory_space<hbm>>
          %dma_wait3A_733 = arith.constant 0 : i32
          %dma_wait3A_734 = tpu.memref_slice %arg2[%arg1, %mul3A_23, %dma_wait3A_733] : memref<16x250x80xi32, #tpu.memory_space<hbm>> -> memref<1x25x80xi32, #tpu.memory_space<hbm>>
          %dma_wait3A_735 = tpu.memref_squeeze %dma_wait3A_734 : memref<1x25x80xi32, #tpu.memory_space<hbm>> -> memref<25x80xi32, #tpu.memory_space<hbm>>
          tpu.wait_dma2 semaphore(%run_scoped3A : memref<!tpu.dma_semaphore, #tpu.memory_space<semaphore_mem>>) src(%dma_wait3A_735 : memref<25x80xi32, #tpu.memory_space<hbm>>) dst(%arg10 : memref<25x80xi32, #tpu.memory_space<vmem>>)
          tpu.yield
        }) : () -> ()
        %mul3A_24 = arith.constant 25 : i32
        %mul3A_25 = arith.muli %add3A_21, %mul3A_24 : i32
        "tpu.region"() ({
          %run_scoped3A = tpu.sem_alloc : memref<!tpu.dma_semaphore, #tpu.memory_space<semaphore_mem>>
          %dma_start3A_724 = arith.constant 0 : i32
          %dma_start3A_725 = tpu.memref_slice %arg4[%arg1, %mul3A_25, %dma_start3A_724] : memref<16x250x80xi32, #tpu.memory_space<hbm>> -> memref<1x25x80xi32, #tpu.memory_space<hbm>>
          %dma_start3A_726 = tpu.memref_squeeze %dma_start3A_725 : memref<1x25x80xi32, #tpu.memory_space<hbm>> -> memref<25x80xi32, #tpu.memory_space<hbm>>
          %dma_start3A_727 = arith.constant 0 : i32
          %dma_start3A_728 = tpu.memref_slice %arg4[%arg1, %mul3A_25, %dma_start3A_727] : memref<16x250x80xi32, #tpu.memory_space<hbm>> -> memref<1x25x80xi32, #tpu.memory_space<hbm>>
          %dma_start3A_729 = tpu.memref_squeeze %dma_start3A_728 : memref<1x25x80xi32, #tpu.memory_space<hbm>> -> memref<25x80xi32, #tpu.memory_space<hbm>>
          tpu.enqueue_dma source(%dma_start3A_729 : memref<25x80xi32, #tpu.memory_space<hbm>>) target(%arg11 : memref<25x80xi32, #tpu.memory_space<vmem>>) target_semaphore(%run_scoped3A : memref<!tpu.dma_semaphore, #tpu.memory_space<semaphore_mem>>)
          %dma_wait3A_730 = arith.constant 0 : i32
          %dma_wait3A_731 = tpu.memref_slice %arg4[%arg1, %mul3A_25, %dma_wait3A_730] : memref<16x250x80xi32, #tpu.memory_space<hbm>> -> memref<1x25x80xi32, #tpu.memory_space<hbm>>
          %dma_wait3A_732 = tpu.memref_squeeze %dma_wait3A_731 : memref<1x25x80xi32, #tpu.memory_space<hbm>> -> memref<25x80xi32, #tpu.memory_space<hbm>>
          %dma_wait3A_733 = arith.constant 0 : i32
          %dma_wait3A_734 = tpu.memref_slice %arg4[%arg1, %mul3A_25, %dma_wait3A_733] : memref<16x250x80xi32, #tpu.memory_space<hbm>> -> memref<1x25x80xi32, #tpu.memory_space<hbm>>
          %dma_wait3A_735 = tpu.memref_squeeze %dma_wait3A_734 : memref<1x25x80xi32, #tpu.memory_space<hbm>> -> memref<25x80xi32, #tpu.memory_space<hbm>>
          tpu.wait_dma2 semaphore(%run_scoped3A : memref<!tpu.dma_semaphore, #tpu.memory_space<semaphore_mem>>) src(%dma_wait3A_735 : memref<25x80xi32, #tpu.memory_space<hbm>>) dst(%arg11 : memref<25x80xi32, #tpu.memory_space<vmem>>)
          tpu.yield
        }) : () -> ()
        %dma_start3A = arith.constant 0 : i32
        %dma_start3A_26 = arith.constant 0 : i32
        %dma_start3A_27 = tpu.memref_slice %arg10[%dma_start3A, %dma_start3A_26] : memref<25x80xi32, #tpu.memory_space<vmem>> -> memref<1x80xi32, #tpu.memory_space<vmem>>
        %dma_start3A_28 = tpu.memref_squeeze %dma_start3A_27 : memref<1x80xi32, #tpu.memory_space<vmem>> -> memref<80xi32, #tpu.memory_space<vmem>>
        %dma_start3A_29 = arith.constant 0 : i32
        %dma_start3A_30 = arith.constant 0 : i32
        %dma_start3A_31 = tpu.memref_slice %arg6[%dma_start3A_29, %dma_start3A_30] : memref<10000x144xf32, #tpu.memory_space<hbm>> -> memref<10000x144xf32, #tpu.memory_space<hbm>>
        tpu.enqueue_indirect_dma source(%dma_start3A_31 : memref<10000x144xf32, #tpu.memory_space<hbm>>) target(%arg12 : memref<80x144xf32, #tpu.memory_space<vmem>>) offsets(%dma_start3A_28 : memref<80xi32, #tpu.memory_space<vmem>>) semaphore(%arg16 : memref<!tpu.dma_semaphore, #tpu.memory_space<semaphore_mem>>)
        %dma_start3A_32 = arith.constant 1 : i32
        %dma_start3A_33 = arith.constant 0 : i32
        %dma_start3A_34 = tpu.memref_slice %arg10[%dma_start3A_32, %dma_start3A_33] : memref<25x80xi32, #tpu.memory_space<vmem>> -> memref<1x80xi32, #tpu.memory_space<vmem>>
        %dma_start3A_35 = tpu.memref_squeeze %dma_start3A_34 : memref<1x80xi32, #tpu.memory_space<vmem>> -> memref<80xi32, #tpu.memory_space<vmem>>
        %dma_start3A_36 = arith.constant 0 : i32
        %dma_start3A_37 = arith.constant 0 : i32
        %dma_start3A_38 = tpu.memref_slice %arg6[%dma_start3A_36, %dma_start3A_37] : memref<10000x144xf32, #tpu.memory_space<hbm>> -> memref<10000x144xf32, #tpu.memory_space<hbm>>
        tpu.enqueue_indirect_dma source(%dma_start3A_38 : memref<10000x144xf32, #tpu.memory_space<hbm>>) target(%arg13 : memref<80x144xf32, #tpu.memory_space<vmem>>) offsets(%dma_start3A_35 : memref<80xi32, #tpu.memory_space<vmem>>) semaphore(%arg17 : memref<!tpu.dma_semaphore, #tpu.memory_space<semaphore_mem>>)
        %dma_wait3A = arith.constant 0 : i32
        %dma_wait3A_39 = arith.constant 0 : i32
        %dma_wait3A_40 = tpu.memref_slice %arg10[%dma_wait3A, %dma_wait3A_39] : memref<25x80xi32, #tpu.memory_space<vmem>> -> memref<1x80xi32, #tpu.memory_space<vmem>>
        %dma_wait3A_41 = tpu.memref_squeeze %dma_wait3A_40 : memref<1x80xi32, #tpu.memory_space<vmem>> -> memref<80xi32, #tpu.memory_space<vmem>>
        %dma_wait3A_42 = arith.constant 0 : i32
        %dma_wait3A_43 = arith.constant 0 : i32
        %dma_wait3A_44 = tpu.memref_slice %arg6[%dma_wait3A_42, %dma_wait3A_43] : memref<10000x144xf32, #tpu.memory_space<hbm>> -> memref<10000x144xf32, #tpu.memory_space<hbm>>
        tpu.wait_indirect_dma semaphore(%arg16 : memref<!tpu.dma_semaphore, #tpu.memory_space<semaphore_mem>>) src(%dma_wait3A_44 : memref<10000x144xf32, #tpu.memory_space<hbm>>) dst(%arg12 : memref<80x144xf32, #tpu.memory_space<vmem>>)
        %dma_start3A_45 = arith.constant 2 : i32
        %dma_start3A_46 = arith.constant 0 : i32
        %dma_start3A_47 = tpu.memref_slice %arg10[%dma_start3A_45, %dma_start3A_46] : memref<25x80xi32, #tpu.memory_space<vmem>> -> memref<1x80xi32, #tpu.memory_space<vmem>>
        %dma_start3A_48 = tpu.memref_squeeze %dma_start3A_47 : memref<1x80xi32, #tpu.memory_space<vmem>> -> memref<80xi32, #tpu.memory_space<vmem>>
        %dma_start3A_49 = arith.constant 0 : i32
        %dma_start3A_50 = arith.constant 0 : i32
        %dma_start3A_51 = tpu.memref_slice %arg6[%dma_start3A_49, %dma_start3A_50] : memref<10000x144xf32, #tpu.memory_space<hbm>> -> memref<10000x144xf32, #tpu.memory_space<hbm>>
        tpu.enqueue_indirect_dma source(%dma_start3A_51 : memref<10000x144xf32, #tpu.memory_space<hbm>>) target(%arg14 : memref<80x144xf32, #tpu.memory_space<vmem>>) offsets(%dma_start3A_48 : memref<80xi32, #tpu.memory_space<vmem>>) semaphore(%arg18 : memref<!tpu.dma_semaphore, #tpu.memory_space<semaphore_mem>>)
        %dma_start3A_52 = arith.constant 0 : i32
        %dma_start3A_53 = arith.constant 0 : i32
        %dma_start3A_54 = tpu.memref_slice %arg11[%dma_start3A_52, %dma_start3A_53] : memref<25x80xi32, #tpu.memory_space<vmem>> -> memref<1x80xi32, #tpu.memory_space<vmem>>
        %dma_start3A_55 = tpu.memref_squeeze %dma_start3A_54 : memref<1x80xi32, #tpu.memory_space<vmem>> -> memref<80xi32, #tpu.memory_space<vmem>>
        %dma_start3A_56 = arith.constant 0 : i32
        %dma_start3A_57 = arith.constant 0 : i32
        %dma_start3A_58 = tpu.memref_slice %arg15[%dma_start3A_56, %dma_start3A_57] : memref<10112x144xf32, #tpu.memory_space<vmem_shared>> -> memref<10112x144xf32, #tpu.memory_space<vmem_shared>>
        tpu.enqueue_indirect_dma source(%arg12 : memref<80x144xf32, #tpu.memory_space<vmem>>) target(%dma_start3A_58 : memref<10112x144xf32, #tpu.memory_space<vmem_shared>>) offsets(%dma_start3A_55 : memref<80xi32, #tpu.memory_space<vmem>>) semaphore(%arg19 : memref<!tpu.dma_semaphore, #tpu.memory_space<semaphore_mem>>) {add = true}
        %dma_wait3A_59 = arith.constant 1 : i32
        %dma_wait3A_60 = arith.constant 0 : i32
        %dma_wait3A_61 = tpu.memref_slice %arg10[%dma_wait3A_59, %dma_wait3A_60] : memref<25x80xi32, #tpu.memory_space<vmem>> -> memref<1x80xi32, #tpu.memory_space<vmem>>
        %dma_wait3A_62 = tpu.memref_squeeze %dma_wait3A_61 : memref<1x80xi32, #tpu.memory_space<vmem>> -> memref<80xi32, #tpu.memory_space<vmem>>
        %dma_wait3A_63 = arith.constant 0 : i32
        %dma_wait3A_64 = arith.constant 0 : i32
        %dma_wait3A_65 = tpu.memref_slice %arg6[%dma_wait3A_63, %dma_wait3A_64] : memref<10000x144xf32, #tpu.memory_space<hbm>> -> memref<10000x144xf32, #tpu.memory_space<hbm>>
        tpu.wait_indirect_dma semaphore(%arg17 : memref<!tpu.dma_semaphore, #tpu.memory_space<semaphore_mem>>) src(%dma_wait3A_65 : memref<10000x144xf32, #tpu.memory_space<hbm>>) dst(%arg13 : memref<80x144xf32, #tpu.memory_space<vmem>>)
        %dma_wait3A_66 = arith.constant 0 : i32
        %dma_wait3A_67 = arith.constant 0 : i32
        %dma_wait3A_68 = tpu.memref_slice %arg11[%dma_wait3A_66, %dma_wait3A_67] : memref<25x80xi32, #tpu.memory_space<vmem>> -> memref<1x80xi32, #tpu.memory_space<vmem>>
        %dma_wait3A_69 = tpu.memref_squeeze %dma_wait3A_68 : memref<1x80xi32, #tpu.memory_space<vmem>> -> memref<80xi32, #tpu.memory_space<vmem>>
        %dma_wait3A_70 = arith.constant 0 : i32
        %dma_wait3A_71 = arith.constant 0 : i32
        %dma_wait3A_72 = tpu.memref_slice %arg15[%dma_wait3A_70, %dma_wait3A_71] : memref<10112x144xf32, #tpu.memory_space<vmem_shared>> -> memref<10112x144xf32, #tpu.memory_space<vmem_shared>>
        tpu.wait_indirect_dma semaphore(%arg19 : memref<!tpu.dma_semaphore, #tpu.memory_space<semaphore_mem>>) src(%arg12 : memref<80x144xf32, #tpu.memory_space<vmem>>) dst(%dma_wait3A_72 : memref<10112x144xf32, #tpu.memory_space<vmem_shared>>)
        %dma_start3A_73 = arith.constant 3 : i32
        %dma_start3A_74 = arith.constant 0 : i32
        %dma_start3A_75 = tpu.memref_slice %arg10[%dma_start3A_73, %dma_start3A_74] : memref<25x80xi32, #tpu.memory_space<vmem>> -> memref<1x80xi32, #tpu.memory_space<vmem>>
        %dma_start3A_76 = tpu.memref_squeeze %dma_start3A_75 : memref<1x80xi32, #tpu.memory_space<vmem>> -> memref<80xi32, #tpu.memory_space<vmem>>
        %dma_start3A_77 = arith.constant 0 : i32
        %dma_start3A_78 = arith.constant 0 : i32
        %dma_start3A_79 = tpu.memref_slice %arg6[%dma_start3A_77, %dma_start3A_78] : memref<10000x144xf32, #tpu.memory_space<hbm>> -> memref<10000x144xf32, #tpu.memory_space<hbm>>
        tpu.enqueue_indirect_dma source(%dma_start3A_79 : memref<10000x144xf32, #tpu.memory_space<hbm>>) target(%arg12 : memref<80x144xf32, #tpu.memory_space<vmem>>) offsets(%dma_start3A_76 : memref<80xi32, #tpu.memory_space<vmem>>) semaphore(%arg16 : memref<!tpu.dma_semaphore, #tpu.memory_space<semaphore_mem>>)
        %dma_start3A_80 = arith.constant 1 : i32
        %dma_start3A_81 = arith.constant 0 : i32
        %dma_start3A_82 = tpu.memref_slice %arg11[%dma_start3A_80, %dma_start3A_81] : memref<25x80xi32, #tpu.memory_space<vmem>> -> memref<1x80xi32, #tpu.memory_space<vmem>>
        %dma_start3A_83 = tpu.memref_squeeze %dma_start3A_82 : memref<1x80xi32, #tpu.memory_space<vmem>> -> memref<80xi32, #tpu.memory_space<vmem>>
        %dma_start3A_84 = arith.constant 0 : i32
        %dma_start3A_85 = arith.constant 0 : i32
        %dma_start3A_86 = tpu.memref_slice %arg15[%dma_start3A_84, %dma_start3A_85] : memref<10112x144xf32, #tpu.memory_space<vmem_shared>> -> memref<10112x144xf32, #tpu.memory_space<vmem_shared>>
        tpu.enqueue_indirect_dma source(%arg13 : memref<80x144xf32, #tpu.memory_space<vmem>>) target(%dma_start3A_86 : memref<10112x144xf32, #tpu.memory_space<vmem_shared>>) offsets(%dma_start3A_83 : memref<80xi32, #tpu.memory_space<vmem>>) semaphore(%arg20 : memref<!tpu.dma_semaphore, #tpu.memory_space<semaphore_mem>>) {add = true}
        %dma_wait3A_87 = arith.constant 2 : i32
        %dma_wait3A_88 = arith.constant 0 : i32
        %dma_wait3A_89 = tpu.memref_slice %arg10[%dma_wait3A_87, %dma_wait3A_88] : memref<25x80xi32, #tpu.memory_space<vmem>> -> memref<1x80xi32, #tpu.memory_space<vmem>>
        %dma_wait3A_90 = tpu.memref_squeeze %dma_wait3A_89 : memref<1x80xi32, #tpu.memory_space<vmem>> -> memref<80xi32, #tpu.memory_space<vmem>>
        %dma_wait3A_91 = arith.constant 0 : i32
        %dma_wait3A_92 = arith.constant 0 : i32
        %dma_wait3A_93 = tpu.memref_slice %arg6[%dma_wait3A_91, %dma_wait3A_92] : memref<10000x144xf32, #tpu.memory_space<hbm>> -> memref<10000x144xf32, #tpu.memory_space<hbm>>
        tpu.wait_indirect_dma semaphore(%arg18 : memref<!tpu.dma_semaphore, #tpu.memory_space<semaphore_mem>>) src(%dma_wait3A_93 : memref<10000x144xf32, #tpu.memory_space<hbm>>) dst(%arg14 : memref<80x144xf32, #tpu.memory_space<vmem>>)
        %dma_wait3A_94 = arith.constant 1 : i32
        %dma_wait3A_95 = arith.constant 0 : i32
        %dma_wait3A_96 = tpu.memref_slice %arg11[%dma_wait3A_94, %dma_wait3A_95] : memref<25x80xi32, #tpu.memory_space<vmem>> -> memref<1x80xi32, #tpu.memory_space<vmem>>
        %dma_wait3A_97 = tpu.memref_squeeze %dma_wait3A_96 : memref<1x80xi32, #tpu.memory_space<vmem>> -> memref<80xi32, #tpu.memory_space<vmem>>
        %dma_wait3A_98 = arith.constant 0 : i32
        %dma_wait3A_99 = arith.constant 0 : i32
        %dma_wait3A_100 = tpu.memref_slice %arg15[%dma_wait3A_98, %dma_wait3A_99] : memref<10112x144xf32, #tpu.memory_space<vmem_shared>> -> memref<10112x144xf32, #tpu.memory_space<vmem_shared>>
        tpu.wait_indirect_dma semaphore(%arg20 : memref<!tpu.dma_semaphore, #tpu.memory_space<semaphore_mem>>) src(%arg13 : memref<80x144xf32, #tpu.memory_space<vmem>>) dst(%dma_wait3A_100 : memref<10112x144xf32, #tpu.memory_space<vmem_shared>>)
        %dma_start3A_101 = arith.constant 4 : i32
        %dma_start3A_102 = arith.constant 0 : i32
        %dma_start3A_103 = tpu.memref_slice %arg10[%dma_start3A_101, %dma_start3A_102] : memref<25x80xi32, #tpu.memory_space<vmem>> -> memref<1x80xi32, #tpu.memory_space<vmem>>
        %dma_start3A_104 = tpu.memref_squeeze %dma_start3A_103 : memref<1x80xi32, #tpu.memory_space<vmem>> -> memref<80xi32, #tpu.memory_space<vmem>>
        %dma_start3A_105 = arith.constant 0 : i32
        %dma_start3A_106 = arith.constant 0 : i32
        %dma_start3A_107 = tpu.memref_slice %arg6[%dma_start3A_105, %dma_start3A_106] : memref<10000x144xf32, #tpu.memory_space<hbm>> -> memref<10000x144xf32, #tpu.memory_space<hbm>>
        tpu.enqueue_indirect_dma source(%dma_start3A_107 : memref<10000x144xf32, #tpu.memory_space<hbm>>) target(%arg13 : memref<80x144xf32, #tpu.memory_space<vmem>>) offsets(%dma_start3A_104 : memref<80xi32, #tpu.memory_space<vmem>>) semaphore(%arg17 : memref<!tpu.dma_semaphore, #tpu.memory_space<semaphore_mem>>)
        %dma_start3A_108 = arith.constant 2 : i32
        %dma_start3A_109 = arith.constant 0 : i32
        %dma_start3A_110 = tpu.memref_slice %arg11[%dma_start3A_108, %dma_start3A_109] : memref<25x80xi32, #tpu.memory_space<vmem>> -> memref<1x80xi32, #tpu.memory_space<vmem>>
        %dma_start3A_111 = tpu.memref_squeeze %dma_start3A_110 : memref<1x80xi32, #tpu.memory_space<vmem>> -> memref<80xi32, #tpu.memory_space<vmem>>
        %dma_start3A_112 = arith.constant 0 : i32
        %dma_start3A_113 = arith.constant 0 : i32
        %dma_start3A_114 = tpu.memref_slice %arg15[%dma_start3A_112, %dma_start3A_113] : memref<10112x144xf32, #tpu.memory_space<vmem_shared>> -> memref<10112x144xf32, #tpu.memory_space<vmem_shared>>
        tpu.enqueue_indirect_dma source(%arg14 : memref<80x144xf32, #tpu.memory_space<vmem>>) target(%dma_start3A_114 : memref<10112x144xf32, #tpu.memory_space<vmem_shared>>) offsets(%dma_start3A_111 : memref<80xi32, #tpu.memory_space<vmem>>) semaphore(%arg21 : memref<!tpu.dma_semaphore, #tpu.memory_space<semaphore_mem>>) {add = true}
        %dma_wait3A_115 = arith.constant 3 : i32
        %dma_wait3A_116 = arith.constant 0 : i32
        %dma_wait3A_117 = tpu.memref_slice %arg10[%dma_wait3A_115, %dma_wait3A_116] : memref<25x80xi32, #tpu.memory_space<vmem>> -> memref<1x80xi32, #tpu.memory_space<vmem>>
        %dma_wait3A_118 = tpu.memref_squeeze %dma_wait3A_117 : memref<1x80xi32, #tpu.memory_space<vmem>> -> memref<80xi32, #tpu.memory_space<vmem>>
        %dma_wait3A_119 = arith.constant 0 : i32
        %dma_wait3A_120 = arith.constant 0 : i32
        %dma_wait3A_121 = tpu.memref_slice %arg6[%dma_wait3A_119, %dma_wait3A_120] : memref<10000x144xf32, #tpu.memory_space<hbm>> -> memref<10000x144xf32, #tpu.memory_space<hbm>>
        tpu.wait_indirect_dma semaphore(%arg16 : memref<!tpu.dma_semaphore, #tpu.memory_space<semaphore_mem>>) src(%dma_wait3A_121 : memref<10000x144xf32, #tpu.memory_space<hbm>>) dst(%arg12 : memref<80x144xf32, #tpu.memory_space<vmem>>)
        %dma_wait3A_122 = arith.constant 2 : i32
        %dma_wait3A_123 = arith.constant 0 : i32
        %dma_wait3A_124 = tpu.memref_slice %arg11[%dma_wait3A_122, %dma_wait3A_123] : memref<25x80xi32, #tpu.memory_space<vmem>> -> memref<1x80xi32, #tpu.memory_space<vmem>>
        %dma_wait3A_125 = tpu.memref_squeeze %dma_wait3A_124 : memref<1x80xi32, #tpu.memory_space<vmem>> -> memref<80xi32, #tpu.memory_space<vmem>>
        %dma_wait3A_126 = arith.constant 0 : i32
        %dma_wait3A_127 = arith.constant 0 : i32
        %dma_wait3A_128 = tpu.memref_slice %arg15[%dma_wait3A_126, %dma_wait3A_127] : memref<10112x144xf32, #tpu.memory_space<vmem_shared>> -> memref<10112x144xf32, #tpu.memory_space<vmem_shared>>
        tpu.wait_indirect_dma semaphore(%arg21 : memref<!tpu.dma_semaphore, #tpu.memory_space<semaphore_mem>>) src(%arg14 : memref<80x144xf32, #tpu.memory_space<vmem>>) dst(%dma_wait3A_128 : memref<10112x144xf32, #tpu.memory_space<vmem_shared>>)
        %dma_start3A_129 = arith.constant 5 : i32
        %dma_start3A_130 = arith.constant 0 : i32
        %dma_start3A_131 = tpu.memref_slice %arg10[%dma_start3A_129, %dma_start3A_130] : memref<25x80xi32, #tpu.memory_space<vmem>> -> memref<1x80xi32, #tpu.memory_space<vmem>>
        %dma_start3A_132 = tpu.memref_squeeze %dma_start3A_131 : memref<1x80xi32, #tpu.memory_space<vmem>> -> memref<80xi32, #tpu.memory_space<vmem>>
        %dma_start3A_133 = arith.constant 0 : i32
        %dma_start3A_134 = arith.constant 0 : i32
        %dma_start3A_135 = tpu.memref_slice %arg6[%dma_start3A_133, %dma_start3A_134] : memref<10000x144xf32, #tpu.memory_space<hbm>> -> memref<10000x144xf32, #tpu.memory_space<hbm>>
        tpu.enqueue_indirect_dma source(%dma_start3A_135 : memref<10000x144xf32, #tpu.memory_space<hbm>>) target(%arg14 : memref<80x144xf32, #tpu.memory_space<vmem>>) offsets(%dma_start3A_132 : memref<80xi32, #tpu.memory_space<vmem>>) semaphore(%arg18 : memref<!tpu.dma_semaphore, #tpu.memory_space<semaphore_mem>>)
        %dma_start3A_136 = arith.constant 3 : i32
        %dma_start3A_137 = arith.constant 0 : i32
        %dma_start3A_138 = tpu.memref_slice %arg11[%dma_start3A_136, %dma_start3A_137] : memref<25x80xi32, #tpu.memory_space<vmem>> -> memref<1x80xi32, #tpu.memory_space<vmem>>
        %dma_start3A_139 = tpu.memref_squeeze %dma_start3A_138 : memref<1x80xi32, #tpu.memory_space<vmem>> -> memref<80xi32, #tpu.memory_space<vmem>>
        %dma_start3A_140 = arith.constant 0 : i32
        %dma_start3A_141 = arith.constant 0 : i32
        %dma_start3A_142 = tpu.memref_slice %arg15[%dma_start3A_140, %dma_start3A_141] : memref<10112x144xf32, #tpu.memory_space<vmem_shared>> -> memref<10112x144xf32, #tpu.memory_space<vmem_shared>>
        tpu.enqueue_indirect_dma source(%arg12 : memref<80x144xf32, #tpu.memory_space<vmem>>) target(%dma_start3A_142 : memref<10112x144xf32, #tpu.memory_space<vmem_shared>>) offsets(%dma_start3A_139 : memref<80xi32, #tpu.memory_space<vmem>>) semaphore(%arg19 : memref<!tpu.dma_semaphore, #tpu.memory_space<semaphore_mem>>) {add = true}
        %dma_wait3A_143 = arith.constant 4 : i32
        %dma_wait3A_144 = arith.constant 0 : i32
        %dma_wait3A_145 = tpu.memref_slice %arg10[%dma_wait3A_143, %dma_wait3A_144] : memref<25x80xi32, #tpu.memory_space<vmem>> -> memref<1x80xi32, #tpu.memory_space<vmem>>
        %dma_wait3A_146 = tpu.memref_squeeze %dma_wait3A_145 : memref<1x80xi32, #tpu.memory_space<vmem>> -> memref<80xi32, #tpu.memory_space<vmem>>
        %dma_wait3A_147 = arith.constant 0 : i32
        %dma_wait3A_148 = arith.constant 0 : i32
        %dma_wait3A_149 = tpu.memref_slice %arg6[%dma_wait3A_147, %dma_wait3A_148] : memref<10000x144xf32, #tpu.memory_space<hbm>> -> memref<10000x144xf32, #tpu.memory_space<hbm>>
        tpu.wait_indirect_dma semaphore(%arg17 : memref<!tpu.dma_semaphore, #tpu.memory_space<semaphore_mem>>) src(%dma_wait3A_149 : memref<10000x144xf32, #tpu.memory_space<hbm>>) dst(%arg13 : memref<80x144xf32, #tpu.memory_space<vmem>>)
        %dma_wait3A_150 = arith.constant 3 : i32
        %dma_wait3A_151 = arith.constant 0 : i32
        %dma_wait3A_152 = tpu.memref_slice %arg11[%dma_wait3A_150, %dma_wait3A_151] : memref<25x80xi32, #tpu.memory_space<vmem>> -> memref<1x80xi32, #tpu.memory_space<vmem>>
        %dma_wait3A_153 = tpu.memref_squeeze %dma_wait3A_152 : memref<1x80xi32, #tpu.memory_space<vmem>> -> memref<80xi32, #tpu.memory_space<vmem>>
        %dma_wait3A_154 = arith.constant 0 : i32
        %dma_wait3A_155 = arith.constant 0 : i32
        %dma_wait3A_156 = tpu.memref_slice %arg15[%dma_wait3A_154, %dma_wait3A_155] : memref<10112x144xf32, #tpu.memory_space<vmem_shared>> -> memref<10112x144xf32, #tpu.memory_space<vmem_shared>>
        tpu.wait_indirect_dma semaphore(%arg19 : memref<!tpu.dma_semaphore, #tpu.memory_space<semaphore_mem>>) src(%arg12 : memref<80x144xf32, #tpu.memory_space<vmem>>) dst(%dma_wait3A_156 : memref<10112x144xf32, #tpu.memory_space<vmem_shared>>)
        %dma_start3A_157 = arith.constant 6 : i32
        %dma_start3A_158 = arith.constant 0 : i32
        %dma_start3A_159 = tpu.memref_slice %arg10[%dma_start3A_157, %dma_start3A_158] : memref<25x80xi32, #tpu.memory_space<vmem>> -> memref<1x80xi32, #tpu.memory_space<vmem>>
        %dma_start3A_160 = tpu.memref_squeeze %dma_start3A_159 : memref<1x80xi32, #tpu.memory_space<vmem>> -> memref<80xi32, #tpu.memory_space<vmem>>
        %dma_start3A_161 = arith.constant 0 : i32
        %dma_start3A_162 = arith.constant 0 : i32
        %dma_start3A_163 = tpu.memref_slice %arg6[%dma_start3A_161, %dma_start3A_162] : memref<10000x144xf32, #tpu.memory_space<hbm>> -> memref<10000x144xf32, #tpu.memory_space<hbm>>
        tpu.enqueue_indirect_dma source(%dma_start3A_163 : memref<10000x144xf32, #tpu.memory_space<hbm>>) target(%arg12 : memref<80x144xf32, #tpu.memory_space<vmem>>) offsets(%dma_start3A_160 : memref<80xi32, #tpu.memory_space<vmem>>) semaphore(%arg16 : memref<!tpu.dma_semaphore, #tpu.memory_space<semaphore_mem>>)
        %dma_start3A_164 = arith.constant 4 : i32
        %dma_start3A_165 = arith.constant 0 : i32
        %dma_start3A_166 = tpu.memref_slice %arg11[%dma_start3A_164, %dma_start3A_165] : memref<25x80xi32, #tpu.memory_space<vmem>> -> memref<1x80xi32, #tpu.memory_space<vmem>>
        %dma_start3A_167 = tpu.memref_squeeze %dma_start3A_166 : memref<1x80xi32, #tpu.memory_space<vmem>> -> memref<80xi32, #tpu.memory_space<vmem>>
        %dma_start3A_168 = arith.constant 0 : i32
        %dma_start3A_169 = arith.constant 0 : i32
        %dma_start3A_170 = tpu.memref_slice %arg15[%dma_start3A_168, %dma_start3A_169] : memref<10112x144xf32, #tpu.memory_space<vmem_shared>> -> memref<10112x144xf32, #tpu.memory_space<vmem_shared>>
        tpu.enqueue_indirect_dma source(%arg13 : memref<80x144xf32, #tpu.memory_space<vmem>>) target(%dma_start3A_170 : memref<10112x144xf32, #tpu.memory_space<vmem_shared>>) offsets(%dma_start3A_167 : memref<80xi32, #tpu.memory_space<vmem>>) semaphore(%arg20 : memref<!tpu.dma_semaphore, #tpu.memory_space<semaphore_mem>>) {add = true}
        %dma_wait3A_171 = arith.constant 5 : i32
        %dma_wait3A_172 = arith.constant 0 : i32
        %dma_wait3A_173 = tpu.memref_slice %arg10[%dma_wait3A_171, %dma_wait3A_172] : memref<25x80xi32, #tpu.memory_space<vmem>> -> memref<1x80xi32, #tpu.memory_space<vmem>>
        %dma_wait3A_174 = tpu.memref_squeeze %dma_wait3A_173 : memref<1x80xi32, #tpu.memory_space<vmem>> -> memref<80xi32, #tpu.memory_space<vmem>>
        %dma_wait3A_175 = arith.constant 0 : i32
        %dma_wait3A_176 = arith.constant 0 : i32
        %dma_wait3A_177 = tpu.memref_slice %arg6[%dma_wait3A_175, %dma_wait3A_176] : memref<10000x144xf32, #tpu.memory_space<hbm>> -> memref<10000x144xf32, #tpu.memory_space<hbm>>
        tpu.wait_indirect_dma semaphore(%arg18 : memref<!tpu.dma_semaphore, #tpu.memory_space<semaphore_mem>>) src(%dma_wait3A_177 : memref<10000x144xf32, #tpu.memory_space<hbm>>) dst(%arg14 : memref<80x144xf32, #tpu.memory_space<vmem>>)
        %dma_wait3A_178 = arith.constant 4 : i32
        %dma_wait3A_179 = arith.constant 0 : i32
        %dma_wait3A_180 = tpu.memref_slice %arg11[%dma_wait3A_178, %dma_wait3A_179] : memref<25x80xi32, #tpu.memory_space<vmem>> -> memref<1x80xi32, #tpu.memory_space<vmem>>
        %dma_wait3A_181 = tpu.memref_squeeze %dma_wait3A_180 : memref<1x80xi32, #tpu.memory_space<vmem>> -> memref<80xi32, #tpu.memory_space<vmem>>
        %dma_wait3A_182 = arith.constant 0 : i32
        %dma_wait3A_183 = arith.constant 0 : i32
        %dma_wait3A_184 = tpu.memref_slice %arg15[%dma_wait3A_182, %dma_wait3A_183] : memref<10112x144xf32, #tpu.memory_space<vmem_shared>> -> memref<10112x144xf32, #tpu.memory_space<vmem_shared>>
        tpu.wait_indirect_dma semaphore(%arg20 : memref<!tpu.dma_semaphore, #tpu.memory_space<semaphore_mem>>) src(%arg13 : memref<80x144xf32, #tpu.memory_space<vmem>>) dst(%dma_wait3A_184 : memref<10112x144xf32, #tpu.memory_space<vmem_shared>>)
        %dma_start3A_185 = arith.constant 7 : i32
        %dma_start3A_186 = arith.constant 0 : i32
        %dma_start3A_187 = tpu.memref_slice %arg10[%dma_start3A_185, %dma_start3A_186] : memref<25x80xi32, #tpu.memory_space<vmem>> -> memref<1x80xi32, #tpu.memory_space<vmem>>
        %dma_start3A_188 = tpu.memref_squeeze %dma_start3A_187 : memref<1x80xi32, #tpu.memory_space<vmem>> -> memref<80xi32, #tpu.memory_space<vmem>>
        %dma_start3A_189 = arith.constant 0 : i32
        %dma_start3A_190 = arith.constant 0 : i32
        %dma_start3A_191 = tpu.memref_slice %arg6[%dma_start3A_189, %dma_start3A_190] : memref<10000x144xf32, #tpu.memory_space<hbm>> -> memref<10000x144xf32, #tpu.memory_space<hbm>>
        tpu.enqueue_indirect_dma source(%dma_start3A_191 : memref<10000x144xf32, #tpu.memory_space<hbm>>) target(%arg13 : memref<80x144xf32, #tpu.memory_space<vmem>>) offsets(%dma_start3A_188 : memref<80xi32, #tpu.memory_space<vmem>>) semaphore(%arg17 : memref<!tpu.dma_semaphore, #tpu.memory_space<semaphore_mem>>)
        %dma_start3A_192 = arith.constant 5 : i32
        %dma_start3A_193 = arith.constant 0 : i32
        %dma_start3A_194 = tpu.memref_slice %arg11[%dma_start3A_192, %dma_start3A_193] : memref<25x80xi32, #tpu.memory_space<vmem>> -> memref<1x80xi32, #tpu.memory_space<vmem>>
        %dma_start3A_195 = tpu.memref_squeeze %dma_start3A_194 : memref<1x80xi32, #tpu.memory_space<vmem>> -> memref<80xi32, #tpu.memory_space<vmem>>
        %dma_start3A_196 = arith.constant 0 : i32
        %dma_start3A_197 = arith.constant 0 : i32
        %dma_start3A_198 = tpu.memref_slice %arg15[%dma_start3A_196, %dma_start3A_197] : memref<10112x144xf32, #tpu.memory_space<vmem_shared>> -> memref<10112x144xf32, #tpu.memory_space<vmem_shared>>
        tpu.enqueue_indirect_dma source(%arg14 : memref<80x144xf32, #tpu.memory_space<vmem>>) target(%dma_start3A_198 : memref<10112x144xf32, #tpu.memory_space<vmem_shared>>) offsets(%dma_start3A_195 : memref<80xi32, #tpu.memory_space<vmem>>) semaphore(%arg21 : memref<!tpu.dma_semaphore, #tpu.memory_space<semaphore_mem>>) {add = true}
        %dma_wait3A_199 = arith.constant 6 : i32
        %dma_wait3A_200 = arith.constant 0 : i32
        %dma_wait3A_201 = tpu.memref_slice %arg10[%dma_wait3A_199, %dma_wait3A_200] : memref<25x80xi32, #tpu.memory_space<vmem>> -> memref<1x80xi32, #tpu.memory_space<vmem>>
        %dma_wait3A_202 = tpu.memref_squeeze %dma_wait3A_201 : memref<1x80xi32, #tpu.memory_space<vmem>> -> memref<80xi32, #tpu.memory_space<vmem>>
        %dma_wait3A_203 = arith.constant 0 : i32
        %dma_wait3A_204 = arith.constant 0 : i32
        %dma_wait3A_205 = tpu.memref_slice %arg6[%dma_wait3A_203, %dma_wait3A_204] : memref<10000x144xf32, #tpu.memory_space<hbm>> -> memref<10000x144xf32, #tpu.memory_space<hbm>>
        tpu.wait_indirect_dma semaphore(%arg16 : memref<!tpu.dma_semaphore, #tpu.memory_space<semaphore_mem>>) src(%dma_wait3A_205 : memref<10000x144xf32, #tpu.memory_space<hbm>>) dst(%arg12 : memref<80x144xf32, #tpu.memory_space<vmem>>)
        %dma_wait3A_206 = arith.constant 5 : i32
        %dma_wait3A_207 = arith.constant 0 : i32
        %dma_wait3A_208 = tpu.memref_slice %arg11[%dma_wait3A_206, %dma_wait3A_207] : memref<25x80xi32, #tpu.memory_space<vmem>> -> memref<1x80xi32, #tpu.memory_space<vmem>>
        %dma_wait3A_209 = tpu.memref_squeeze %dma_wait3A_208 : memref<1x80xi32, #tpu.memory_space<vmem>> -> memref<80xi32, #tpu.memory_space<vmem>>
        %dma_wait3A_210 = arith.constant 0 : i32
        %dma_wait3A_211 = arith.constant 0 : i32
        %dma_wait3A_212 = tpu.memref_slice %arg15[%dma_wait3A_210, %dma_wait3A_211] : memref<10112x144xf32, #tpu.memory_space<vmem_shared>> -> memref<10112x144xf32, #tpu.memory_space<vmem_shared>>
        tpu.wait_indirect_dma semaphore(%arg21 : memref<!tpu.dma_semaphore, #tpu.memory_space<semaphore_mem>>) src(%arg14 : memref<80x144xf32, #tpu.memory_space<vmem>>) dst(%dma_wait3A_212 : memref<10112x144xf32, #tpu.memory_space<vmem_shared>>)
        %dma_start3A_213 = arith.constant 8 : i32
        %dma_start3A_214 = arith.constant 0 : i32
        %dma_start3A_215 = tpu.memref_slice %arg10[%dma_start3A_213, %dma_start3A_214] : memref<25x80xi32, #tpu.memory_space<vmem>> -> memref<1x80xi32, #tpu.memory_space<vmem>>
        %dma_start3A_216 = tpu.memref_squeeze %dma_start3A_215 : memref<1x80xi32, #tpu.memory_space<vmem>> -> memref<80xi32, #tpu.memory_space<vmem>>
        %dma_start3A_217 = arith.constant 0 : i32
        %dma_start3A_218 = arith.constant 0 : i32
        %dma_start3A_219 = tpu.memref_slice %arg6[%dma_start3A_217, %dma_start3A_218] : memref<10000x144xf32, #tpu.memory_space<hbm>> -> memref<10000x144xf32, #tpu.memory_space<hbm>>
        tpu.enqueue_indirect_dma source(%dma_start3A_219 : memref<10000x144xf32, #tpu.memory_space<hbm>>) target(%arg14 : memref<80x144xf32, #tpu.memory_space<vmem>>) offsets(%dma_start3A_216 : memref<80xi32, #tpu.memory_space<vmem>>) semaphore(%arg18 : memref<!tpu.dma_semaphore, #tpu.memory_space<semaphore_mem>>)
        %dma_start3A_220 = arith.constant 6 : i32
        %dma_start3A_221 = arith.constant 0 : i32
        %dma_start3A_222 = tpu.memref_slice %arg11[%dma_start3A_220, %dma_start3A_221] : memref<25x80xi32, #tpu.memory_space<vmem>> -> memref<1x80xi32, #tpu.memory_space<vmem>>
        %dma_start3A_223 = tpu.memref_squeeze %dma_start3A_222 : memref<1x80xi32, #tpu.memory_space<vmem>> -> memref<80xi32, #tpu.memory_space<vmem>>
        %dma_start3A_224 = arith.constant 0 : i32
        %dma_start3A_225 = arith.constant 0 : i32
        %dma_start3A_226 = tpu.memref_slice %arg15[%dma_start3A_224, %dma_start3A_225] : memref<10112x144xf32, #tpu.memory_space<vmem_shared>> -> memref<10112x144xf32, #tpu.memory_space<vmem_shared>>
        tpu.enqueue_indirect_dma source(%arg12 : memref<80x144xf32, #tpu.memory_space<vmem>>) target(%dma_start3A_226 : memref<10112x144xf32, #tpu.memory_space<vmem_shared>>) offsets(%dma_start3A_223 : memref<80xi32, #tpu.memory_space<vmem>>) semaphore(%arg19 : memref<!tpu.dma_semaphore, #tpu.memory_space<semaphore_mem>>) {add = true}
        %dma_wait3A_227 = arith.constant 7 : i32
        %dma_wait3A_228 = arith.constant 0 : i32
        %dma_wait3A_229 = tpu.memref_slice %arg10[%dma_wait3A_227, %dma_wait3A_228] : memref<25x80xi32, #tpu.memory_space<vmem>> -> memref<1x80xi32, #tpu.memory_space<vmem>>
        %dma_wait3A_230 = tpu.memref_squeeze %dma_wait3A_229 : memref<1x80xi32, #tpu.memory_space<vmem>> -> memref<80xi32, #tpu.memory_space<vmem>>
        %dma_wait3A_231 = arith.constant 0 : i32
        %dma_wait3A_232 = arith.constant 0 : i32
        %dma_wait3A_233 = tpu.memref_slice %arg6[%dma_wait3A_231, %dma_wait3A_232] : memref<10000x144xf32, #tpu.memory_space<hbm>> -> memref<10000x144xf32, #tpu.memory_space<hbm>>
        tpu.wait_indirect_dma semaphore(%arg17 : memref<!tpu.dma_semaphore, #tpu.memory_space<semaphore_mem>>) src(%dma_wait3A_233 : memref<10000x144xf32, #tpu.memory_space<hbm>>) dst(%arg13 : memref<80x144xf32, #tpu.memory_space<vmem>>)
        %dma_wait3A_234 = arith.constant 6 : i32
        %dma_wait3A_235 = arith.constant 0 : i32
        %dma_wait3A_236 = tpu.memref_slice %arg11[%dma_wait3A_234, %dma_wait3A_235] : memref<25x80xi32, #tpu.memory_space<vmem>> -> memref<1x80xi32, #tpu.memory_space<vmem>>
        %dma_wait3A_237 = tpu.memref_squeeze %dma_wait3A_236 : memref<1x80xi32, #tpu.memory_space<vmem>> -> memref<80xi32, #tpu.memory_space<vmem>>
        %dma_wait3A_238 = arith.constant 0 : i32
        %dma_wait3A_239 = arith.constant 0 : i32
        %dma_wait3A_240 = tpu.memref_slice %arg15[%dma_wait3A_238, %dma_wait3A_239] : memref<10112x144xf32, #tpu.memory_space<vmem_shared>> -> memref<10112x144xf32, #tpu.memory_space<vmem_shared>>
        tpu.wait_indirect_dma semaphore(%arg19 : memref<!tpu.dma_semaphore, #tpu.memory_space<semaphore_mem>>) src(%arg12 : memref<80x144xf32, #tpu.memory_space<vmem>>) dst(%dma_wait3A_240 : memref<10112x144xf32, #tpu.memory_space<vmem_shared>>)
        %dma_start3A_241 = arith.constant 9 : i32
        %dma_start3A_242 = arith.constant 0 : i32
        %dma_start3A_243 = tpu.memref_slice %arg10[%dma_start3A_241, %dma_start3A_242] : memref<25x80xi32, #tpu.memory_space<vmem>> -> memref<1x80xi32, #tpu.memory_space<vmem>>
        %dma_start3A_244 = tpu.memref_squeeze %dma_start3A_243 : memref<1x80xi32, #tpu.memory_space<vmem>> -> memref<80xi32, #tpu.memory_space<vmem>>
        %dma_start3A_245 = arith.constant 0 : i32
        %dma_start3A_246 = arith.constant 0 : i32
        %dma_start3A_247 = tpu.memref_slice %arg6[%dma_start3A_245, %dma_start3A_246] : memref<10000x144xf32, #tpu.memory_space<hbm>> -> memref<10000x144xf32, #tpu.memory_space<hbm>>
        tpu.enqueue_indirect_dma source(%dma_start3A_247 : memref<10000x144xf32, #tpu.memory_space<hbm>>) target(%arg12 : memref<80x144xf32, #tpu.memory_space<vmem>>) offsets(%dma_start3A_244 : memref<80xi32, #tpu.memory_space<vmem>>) semaphore(%arg16 : memref<!tpu.dma_semaphore, #tpu.memory_space<semaphore_mem>>)
        %dma_start3A_248 = arith.constant 7 : i32
        %dma_start3A_249 = arith.constant 0 : i32
        %dma_start3A_250 = tpu.memref_slice %arg11[%dma_start3A_248, %dma_start3A_249] : memref<25x80xi32, #tpu.memory_space<vmem>> -> memref<1x80xi32, #tpu.memory_space<vmem>>
        %dma_start3A_251 = tpu.memref_squeeze %dma_start3A_250 : memref<1x80xi32, #tpu.memory_space<vmem>> -> memref<80xi32, #tpu.memory_space<vmem>>
        %dma_start3A_252 = arith.constant 0 : i32
        %dma_start3A_253 = arith.constant 0 : i32
        %dma_start3A_254 = tpu.memref_slice %arg15[%dma_start3A_252, %dma_start3A_253] : memref<10112x144xf32, #tpu.memory_space<vmem_shared>> -> memref<10112x144xf32, #tpu.memory_space<vmem_shared>>
        tpu.enqueue_indirect_dma source(%arg13 : memref<80x144xf32, #tpu.memory_space<vmem>>) target(%dma_start3A_254 : memref<10112x144xf32, #tpu.memory_space<vmem_shared>>) offsets(%dma_start3A_251 : memref<80xi32, #tpu.memory_space<vmem>>) semaphore(%arg20 : memref<!tpu.dma_semaphore, #tpu.memory_space<semaphore_mem>>) {add = true}
        %dma_wait3A_255 = arith.constant 8 : i32
        %dma_wait3A_256 = arith.constant 0 : i32
        %dma_wait3A_257 = tpu.memref_slice %arg10[%dma_wait3A_255, %dma_wait3A_256] : memref<25x80xi32, #tpu.memory_space<vmem>> -> memref<1x80xi32, #tpu.memory_space<vmem>>
        %dma_wait3A_258 = tpu.memref_squeeze %dma_wait3A_257 : memref<1x80xi32, #tpu.memory_space<vmem>> -> memref<80xi32, #tpu.memory_space<vmem>>
        %dma_wait3A_259 = arith.constant 0 : i32
        %dma_wait3A_260 = arith.constant 0 : i32
        %dma_wait3A_261 = tpu.memref_slice %arg6[%dma_wait3A_259, %dma_wait3A_260] : memref<10000x144xf32, #tpu.memory_space<hbm>> -> memref<10000x144xf32, #tpu.memory_space<hbm>>
        tpu.wait_indirect_dma semaphore(%arg18 : memref<!tpu.dma_semaphore, #tpu.memory_space<semaphore_mem>>) src(%dma_wait3A_261 : memref<10000x144xf32, #tpu.memory_space<hbm>>) dst(%arg14 : memref<80x144xf32, #tpu.memory_space<vmem>>)
        %dma_wait3A_262 = arith.constant 7 : i32
        %dma_wait3A_263 = arith.constant 0 : i32
        %dma_wait3A_264 = tpu.memref_slice %arg11[%dma_wait3A_262, %dma_wait3A_263] : memref<25x80xi32, #tpu.memory_space<vmem>> -> memref<1x80xi32, #tpu.memory_space<vmem>>
        %dma_wait3A_265 = tpu.memref_squeeze %dma_wait3A_264 : memref<1x80xi32, #tpu.memory_space<vmem>> -> memref<80xi32, #tpu.memory_space<vmem>>
        %dma_wait3A_266 = arith.constant 0 : i32
        %dma_wait3A_267 = arith.constant 0 : i32
        %dma_wait3A_268 = tpu.memref_slice %arg15[%dma_wait3A_266, %dma_wait3A_267] : memref<10112x144xf32, #tpu.memory_space<vmem_shared>> -> memref<10112x144xf32, #tpu.memory_space<vmem_shared>>
        tpu.wait_indirect_dma semaphore(%arg20 : memref<!tpu.dma_semaphore, #tpu.memory_space<semaphore_mem>>) src(%arg13 : memref<80x144xf32, #tpu.memory_space<vmem>>) dst(%dma_wait3A_268 : memref<10112x144xf32, #tpu.memory_space<vmem_shared>>)
        %dma_start3A_269 = arith.constant 10 : i32
        %dma_start3A_270 = arith.constant 0 : i32
        %dma_start3A_271 = tpu.memref_slice %arg10[%dma_start3A_269, %dma_start3A_270] : memref<25x80xi32, #tpu.memory_space<vmem>> -> memref<1x80xi32, #tpu.memory_space<vmem>>
        %dma_start3A_272 = tpu.memref_squeeze %dma_start3A_271 : memref<1x80xi32, #tpu.memory_space<vmem>> -> memref<80xi32, #tpu.memory_space<vmem>>
        %dma_start3A_273 = arith.constant 0 : i32
        %dma_start3A_274 = arith.constant 0 : i32
        %dma_start3A_275 = tpu.memref_slice %arg6[%dma_start3A_273, %dma_start3A_274] : memref<10000x144xf32, #tpu.memory_space<hbm>> -> memref<10000x144xf32, #tpu.memory_space<hbm>>
        tpu.enqueue_indirect_dma source(%dma_start3A_275 : memref<10000x144xf32, #tpu.memory_space<hbm>>) target(%arg13 : memref<80x144xf32, #tpu.memory_space<vmem>>) offsets(%dma_start3A_272 : memref<80xi32, #tpu.memory_space<vmem>>) semaphore(%arg17 : memref<!tpu.dma_semaphore, #tpu.memory_space<semaphore_mem>>)
        %dma_start3A_276 = arith.constant 8 : i32
        %dma_start3A_277 = arith.constant 0 : i32
        %dma_start3A_278 = tpu.memref_slice %arg11[%dma_start3A_276, %dma_start3A_277] : memref<25x80xi32, #tpu.memory_space<vmem>> -> memref<1x80xi32, #tpu.memory_space<vmem>>
        %dma_start3A_279 = tpu.memref_squeeze %dma_start3A_278 : memref<1x80xi32, #tpu.memory_space<vmem>> -> memref<80xi32, #tpu.memory_space<vmem>>
        %dma_start3A_280 = arith.constant 0 : i32
        %dma_start3A_281 = arith.constant 0 : i32
        %dma_start3A_282 = tpu.memref_slice %arg15[%dma_start3A_280, %dma_start3A_281] : memref<10112x144xf32, #tpu.memory_space<vmem_shared>> -> memref<10112x144xf32, #tpu.memory_space<vmem_shared>>
        tpu.enqueue_indirect_dma source(%arg14 : memref<80x144xf32, #tpu.memory_space<vmem>>) target(%dma_start3A_282 : memref<10112x144xf32, #tpu.memory_space<vmem_shared>>) offsets(%dma_start3A_279 : memref<80xi32, #tpu.memory_space<vmem>>) semaphore(%arg21 : memref<!tpu.dma_semaphore, #tpu.memory_space<semaphore_mem>>) {add = true}
        %dma_wait3A_283 = arith.constant 9 : i32
        %dma_wait3A_284 = arith.constant 0 : i32
        %dma_wait3A_285 = tpu.memref_slice %arg10[%dma_wait3A_283, %dma_wait3A_284] : memref<25x80xi32, #tpu.memory_space<vmem>> -> memref<1x80xi32, #tpu.memory_space<vmem>>
        %dma_wait3A_286 = tpu.memref_squeeze %dma_wait3A_285 : memref<1x80xi32, #tpu.memory_space<vmem>> -> memref<80xi32, #tpu.memory_space<vmem>>
        %dma_wait3A_287 = arith.constant 0 : i32
        %dma_wait3A_288 = arith.constant 0 : i32
        %dma_wait3A_289 = tpu.memref_slice %arg6[%dma_wait3A_287, %dma_wait3A_288] : memref<10000x144xf32, #tpu.memory_space<hbm>> -> memref<10000x144xf32, #tpu.memory_space<hbm>>
        tpu.wait_indirect_dma semaphore(%arg16 : memref<!tpu.dma_semaphore, #tpu.memory_space<semaphore_mem>>) src(%dma_wait3A_289 : memref<10000x144xf32, #tpu.memory_space<hbm>>) dst(%arg12 : memref<80x144xf32, #tpu.memory_space<vmem>>)
        %dma_wait3A_290 = arith.constant 8 : i32
        %dma_wait3A_291 = arith.constant 0 : i32
        %dma_wait3A_292 = tpu.memref_slice %arg11[%dma_wait3A_290, %dma_wait3A_291] : memref<25x80xi32, #tpu.memory_space<vmem>> -> memref<1x80xi32, #tpu.memory_space<vmem>>
        %dma_wait3A_293 = tpu.memref_squeeze %dma_wait3A_292 : memref<1x80xi32, #tpu.memory_space<vmem>> -> memref<80xi32, #tpu.memory_space<vmem>>
        %dma_wait3A_294 = arith.constant 0 : i32
        %dma_wait3A_295 = arith.constant 0 : i32
        %dma_wait3A_296 = tpu.memref_slice %arg15[%dma_wait3A_294, %dma_wait3A_295] : memref<10112x144xf32, #tpu.memory_space<vmem_shared>> -> memref<10112x144xf32, #tpu.memory_space<vmem_shared>>
        tpu.wait_indirect_dma semaphore(%arg21 : memref<!tpu.dma_semaphore, #tpu.memory_space<semaphore_mem>>) src(%arg14 : memref<80x144xf32, #tpu.memory_space<vmem>>) dst(%dma_wait3A_296 : memref<10112x144xf32, #tpu.memory_space<vmem_shared>>)
        %dma_start3A_297 = arith.constant 11 : i32
        %dma_start3A_298 = arith.constant 0 : i32
        %dma_start3A_299 = tpu.memref_slice %arg10[%dma_start3A_297, %dma_start3A_298] : memref<25x80xi32, #tpu.memory_space<vmem>> -> memref<1x80xi32, #tpu.memory_space<vmem>>
        %dma_start3A_300 = tpu.memref_squeeze %dma_start3A_299 : memref<1x80xi32, #tpu.memory_space<vmem>> -> memref<80xi32, #tpu.memory_space<vmem>>
        %dma_start3A_301 = arith.constant 0 : i32
        %dma_start3A_302 = arith.constant 0 : i32
        %dma_start3A_303 = tpu.memref_slice %arg6[%dma_start3A_301, %dma_start3A_302] : memref<10000x144xf32, #tpu.memory_space<hbm>> -> memref<10000x144xf32, #tpu.memory_space<hbm>>
        tpu.enqueue_indirect_dma source(%dma_start3A_303 : memref<10000x144xf32, #tpu.memory_space<hbm>>) target(%arg14 : memref<80x144xf32, #tpu.memory_space<vmem>>) offsets(%dma_start3A_300 : memref<80xi32, #tpu.memory_space<vmem>>) semaphore(%arg18 : memref<!tpu.dma_semaphore, #tpu.memory_space<semaphore_mem>>)
        %dma_start3A_304 = arith.constant 9 : i32
        %dma_start3A_305 = arith.constant 0 : i32
        %dma_start3A_306 = tpu.memref_slice %arg11[%dma_start3A_304, %dma_start3A_305] : memref<25x80xi32, #tpu.memory_space<vmem>> -> memref<1x80xi32, #tpu.memory_space<vmem>>
        %dma_start3A_307 = tpu.memref_squeeze %dma_start3A_306 : memref<1x80xi32, #tpu.memory_space<vmem>> -> memref<80xi32, #tpu.memory_space<vmem>>
        %dma_start3A_308 = arith.constant 0 : i32
        %dma_start3A_309 = arith.constant 0 : i32
        %dma_start3A_310 = tpu.memref_slice %arg15[%dma_start3A_308, %dma_start3A_309] : memref<10112x144xf32, #tpu.memory_space<vmem_shared>> -> memref<10112x144xf32, #tpu.memory_space<vmem_shared>>
        tpu.enqueue_indirect_dma source(%arg12 : memref<80x144xf32, #tpu.memory_space<vmem>>) target(%dma_start3A_310 : memref<10112x144xf32, #tpu.memory_space<vmem_shared>>) offsets(%dma_start3A_307 : memref<80xi32, #tpu.memory_space<vmem>>) semaphore(%arg19 : memref<!tpu.dma_semaphore, #tpu.memory_space<semaphore_mem>>) {add = true}
        %dma_wait3A_311 = arith.constant 10 : i32
        %dma_wait3A_312 = arith.constant 0 : i32
        %dma_wait3A_313 = tpu.memref_slice %arg10[%dma_wait3A_311, %dma_wait3A_312] : memref<25x80xi32, #tpu.memory_space<vmem>> -> memref<1x80xi32, #tpu.memory_space<vmem>>
        %dma_wait3A_314 = tpu.memref_squeeze %dma_wait3A_313 : memref<1x80xi32, #tpu.memory_space<vmem>> -> memref<80xi32, #tpu.memory_space<vmem>>
        %dma_wait3A_315 = arith.constant 0 : i32
        %dma_wait3A_316 = arith.constant 0 : i32
        %dma_wait3A_317 = tpu.memref_slice %arg6[%dma_wait3A_315, %dma_wait3A_316] : memref<10000x144xf32, #tpu.memory_space<hbm>> -> memref<10000x144xf32, #tpu.memory_space<hbm>>
        tpu.wait_indirect_dma semaphore(%arg17 : memref<!tpu.dma_semaphore, #tpu.memory_space<semaphore_mem>>) src(%dma_wait3A_317 : memref<10000x144xf32, #tpu.memory_space<hbm>>) dst(%arg13 : memref<80x144xf32, #tpu.memory_space<vmem>>)
        %dma_wait3A_318 = arith.constant 9 : i32
        %dma_wait3A_319 = arith.constant 0 : i32
        %dma_wait3A_320 = tpu.memref_slice %arg11[%dma_wait3A_318, %dma_wait3A_319] : memref<25x80xi32, #tpu.memory_space<vmem>> -> memref<1x80xi32, #tpu.memory_space<vmem>>
        %dma_wait3A_321 = tpu.memref_squeeze %dma_wait3A_320 : memref<1x80xi32, #tpu.memory_space<vmem>> -> memref<80xi32, #tpu.memory_space<vmem>>
        %dma_wait3A_322 = arith.constant 0 : i32
        %dma_wait3A_323 = arith.constant 0 : i32
        %dma_wait3A_324 = tpu.memref_slice %arg15[%dma_wait3A_322, %dma_wait3A_323] : memref<10112x144xf32, #tpu.memory_space<vmem_shared>> -> memref<10112x144xf32, #tpu.memory_space<vmem_shared>>
        tpu.wait_indirect_dma semaphore(%arg19 : memref<!tpu.dma_semaphore, #tpu.memory_space<semaphore_mem>>) src(%arg12 : memref<80x144xf32, #tpu.memory_space<vmem>>) dst(%dma_wait3A_324 : memref<10112x144xf32, #tpu.memory_space<vmem_shared>>)
        %dma_start3A_325 = arith.constant 12 : i32
        %dma_start3A_326 = arith.constant 0 : i32
        %dma_start3A_327 = tpu.memref_slice %arg10[%dma_start3A_325, %dma_start3A_326] : memref<25x80xi32, #tpu.memory_space<vmem>> -> memref<1x80xi32, #tpu.memory_space<vmem>>
        %dma_start3A_328 = tpu.memref_squeeze %dma_start3A_327 : memref<1x80xi32, #tpu.memory_space<vmem>> -> memref<80xi32, #tpu.memory_space<vmem>>
        %dma_start3A_329 = arith.constant 0 : i32
        %dma_start3A_330 = arith.constant 0 : i32
        %dma_start3A_331 = tpu.memref_slice %arg6[%dma_start3A_329, %dma_start3A_330] : memref<10000x144xf32, #tpu.memory_space<hbm>> -> memref<10000x144xf32, #tpu.memory_space<hbm>>
        tpu.enqueue_indirect_dma source(%dma_start3A_331 : memref<10000x144xf32, #tpu.memory_space<hbm>>) target(%arg12 : memref<80x144xf32, #tpu.memory_space<vmem>>) offsets(%dma_start3A_328 : memref<80xi32, #tpu.memory_space<vmem>>) semaphore(%arg16 : memref<!tpu.dma_semaphore, #tpu.memory_space<semaphore_mem>>)
        %dma_start3A_332 = arith.constant 10 : i32
        %dma_start3A_333 = arith.constant 0 : i32
        %dma_start3A_334 = tpu.memref_slice %arg11[%dma_start3A_332, %dma_start3A_333] : memref<25x80xi32, #tpu.memory_space<vmem>> -> memref<1x80xi32, #tpu.memory_space<vmem>>
        %dma_start3A_335 = tpu.memref_squeeze %dma_start3A_334 : memref<1x80xi32, #tpu.memory_space<vmem>> -> memref<80xi32, #tpu.memory_space<vmem>>
        %dma_start3A_336 = arith.constant 0 : i32
        %dma_start3A_337 = arith.constant 0 : i32
        %dma_start3A_338 = tpu.memref_slice %arg15[%dma_start3A_336, %dma_start3A_337] : memref<10112x144xf32, #tpu.memory_space<vmem_shared>> -> memref<10112x144xf32, #tpu.memory_space<vmem_shared>>
        tpu.enqueue_indirect_dma source(%arg13 : memref<80x144xf32, #tpu.memory_space<vmem>>) target(%dma_start3A_338 : memref<10112x144xf32, #tpu.memory_space<vmem_shared>>) offsets(%dma_start3A_335 : memref<80xi32, #tpu.memory_space<vmem>>) semaphore(%arg20 : memref<!tpu.dma_semaphore, #tpu.memory_space<semaphore_mem>>) {add = true}
        %dma_wait3A_339 = arith.constant 11 : i32
        %dma_wait3A_340 = arith.constant 0 : i32
        %dma_wait3A_341 = tpu.memref_slice %arg10[%dma_wait3A_339, %dma_wait3A_340] : memref<25x80xi32, #tpu.memory_space<vmem>> -> memref<1x80xi32, #tpu.memory_space<vmem>>
        %dma_wait3A_342 = tpu.memref_squeeze %dma_wait3A_341 : memref<1x80xi32, #tpu.memory_space<vmem>> -> memref<80xi32, #tpu.memory_space<vmem>>
        %dma_wait3A_343 = arith.constant 0 : i32
        %dma_wait3A_344 = arith.constant 0 : i32
        %dma_wait3A_345 = tpu.memref_slice %arg6[%dma_wait3A_343, %dma_wait3A_344] : memref<10000x144xf32, #tpu.memory_space<hbm>> -> memref<10000x144xf32, #tpu.memory_space<hbm>>
        tpu.wait_indirect_dma semaphore(%arg18 : memref<!tpu.dma_semaphore, #tpu.memory_space<semaphore_mem>>) src(%dma_wait3A_345 : memref<10000x144xf32, #tpu.memory_space<hbm>>) dst(%arg14 : memref<80x144xf32, #tpu.memory_space<vmem>>)
        %dma_wait3A_346 = arith.constant 10 : i32
        %dma_wait3A_347 = arith.constant 0 : i32
        %dma_wait3A_348 = tpu.memref_slice %arg11[%dma_wait3A_346, %dma_wait3A_347] : memref<25x80xi32, #tpu.memory_space<vmem>> -> memref<1x80xi32, #tpu.memory_space<vmem>>
        %dma_wait3A_349 = tpu.memref_squeeze %dma_wait3A_348 : memref<1x80xi32, #tpu.memory_space<vmem>> -> memref<80xi32, #tpu.memory_space<vmem>>
        %dma_wait3A_350 = arith.constant 0 : i32
        %dma_wait3A_351 = arith.constant 0 : i32
        %dma_wait3A_352 = tpu.memref_slice %arg15[%dma_wait3A_350, %dma_wait3A_351] : memref<10112x144xf32, #tpu.memory_space<vmem_shared>> -> memref<10112x144xf32, #tpu.memory_space<vmem_shared>>
        tpu.wait_indirect_dma semaphore(%arg20 : memref<!tpu.dma_semaphore, #tpu.memory_space<semaphore_mem>>) src(%arg13 : memref<80x144xf32, #tpu.memory_space<vmem>>) dst(%dma_wait3A_352 : memref<10112x144xf32, #tpu.memory_space<vmem_shared>>)
        %dma_start3A_353 = arith.constant 13 : i32
        %dma_start3A_354 = arith.constant 0 : i32
        %dma_start3A_355 = tpu.memref_slice %arg10[%dma_start3A_353, %dma_start3A_354] : memref<25x80xi32, #tpu.memory_space<vmem>> -> memref<1x80xi32, #tpu.memory_space<vmem>>
        %dma_start3A_356 = tpu.memref_squeeze %dma_start3A_355 : memref<1x80xi32, #tpu.memory_space<vmem>> -> memref<80xi32, #tpu.memory_space<vmem>>
        %dma_start3A_357 = arith.constant 0 : i32
        %dma_start3A_358 = arith.constant 0 : i32
        %dma_start3A_359 = tpu.memref_slice %arg6[%dma_start3A_357, %dma_start3A_358] : memref<10000x144xf32, #tpu.memory_space<hbm>> -> memref<10000x144xf32, #tpu.memory_space<hbm>>
        tpu.enqueue_indirect_dma source(%dma_start3A_359 : memref<10000x144xf32, #tpu.memory_space<hbm>>) target(%arg13 : memref<80x144xf32, #tpu.memory_space<vmem>>) offsets(%dma_start3A_356 : memref<80xi32, #tpu.memory_space<vmem>>) semaphore(%arg17 : memref<!tpu.dma_semaphore, #tpu.memory_space<semaphore_mem>>)
        %dma_start3A_360 = arith.constant 11 : i32
        %dma_start3A_361 = arith.constant 0 : i32
        %dma_start3A_362 = tpu.memref_slice %arg11[%dma_start3A_360, %dma_start3A_361] : memref<25x80xi32, #tpu.memory_space<vmem>> -> memref<1x80xi32, #tpu.memory_space<vmem>>
        %dma_start3A_363 = tpu.memref_squeeze %dma_start3A_362 : memref<1x80xi32, #tpu.memory_space<vmem>> -> memref<80xi32, #tpu.memory_space<vmem>>
        %dma_start3A_364 = arith.constant 0 : i32
        %dma_start3A_365 = arith.constant 0 : i32
        %dma_start3A_366 = tpu.memref_slice %arg15[%dma_start3A_364, %dma_start3A_365] : memref<10112x144xf32, #tpu.memory_space<vmem_shared>> -> memref<10112x144xf32, #tpu.memory_space<vmem_shared>>
        tpu.enqueue_indirect_dma source(%arg14 : memref<80x144xf32, #tpu.memory_space<vmem>>) target(%dma_start3A_366 : memref<10112x144xf32, #tpu.memory_space<vmem_shared>>) offsets(%dma_start3A_363 : memref<80xi32, #tpu.memory_space<vmem>>) semaphore(%arg21 : memref<!tpu.dma_semaphore, #tpu.memory_space<semaphore_mem>>) {add = true}
        %dma_wait3A_367 = arith.constant 12 : i32
        %dma_wait3A_368 = arith.constant 0 : i32
        %dma_wait3A_369 = tpu.memref_slice %arg10[%dma_wait3A_367, %dma_wait3A_368] : memref<25x80xi32, #tpu.memory_space<vmem>> -> memref<1x80xi32, #tpu.memory_space<vmem>>
        %dma_wait3A_370 = tpu.memref_squeeze %dma_wait3A_369 : memref<1x80xi32, #tpu.memory_space<vmem>> -> memref<80xi32, #tpu.memory_space<vmem>>
        %dma_wait3A_371 = arith.constant 0 : i32
        %dma_wait3A_372 = arith.constant 0 : i32
        %dma_wait3A_373 = tpu.memref_slice %arg6[%dma_wait3A_371, %dma_wait3A_372] : memref<10000x144xf32, #tpu.memory_space<hbm>> -> memref<10000x144xf32, #tpu.memory_space<hbm>>
        tpu.wait_indirect_dma semaphore(%arg16 : memref<!tpu.dma_semaphore, #tpu.memory_space<semaphore_mem>>) src(%dma_wait3A_373 : memref<10000x144xf32, #tpu.memory_space<hbm>>) dst(%arg12 : memref<80x144xf32, #tpu.memory_space<vmem>>)
        %dma_wait3A_374 = arith.constant 11 : i32
        %dma_wait3A_375 = arith.constant 0 : i32
        %dma_wait3A_376 = tpu.memref_slice %arg11[%dma_wait3A_374, %dma_wait3A_375] : memref<25x80xi32, #tpu.memory_space<vmem>> -> memref<1x80xi32, #tpu.memory_space<vmem>>
        %dma_wait3A_377 = tpu.memref_squeeze %dma_wait3A_376 : memref<1x80xi32, #tpu.memory_space<vmem>> -> memref<80xi32, #tpu.memory_space<vmem>>
        %dma_wait3A_378 = arith.constant 0 : i32
        %dma_wait3A_379 = arith.constant 0 : i32
        %dma_wait3A_380 = tpu.memref_slice %arg15[%dma_wait3A_378, %dma_wait3A_379] : memref<10112x144xf32, #tpu.memory_space<vmem_shared>> -> memref<10112x144xf32, #tpu.memory_space<vmem_shared>>
        tpu.wait_indirect_dma semaphore(%arg21 : memref<!tpu.dma_semaphore, #tpu.memory_space<semaphore_mem>>) src(%arg14 : memref<80x144xf32, #tpu.memory_space<vmem>>) dst(%dma_wait3A_380 : memref<10112x144xf32, #tpu.memory_space<vmem_shared>>)
        %dma_start3A_381 = arith.constant 14 : i32
        %dma_start3A_382 = arith.constant 0 : i32
        %dma_start3A_383 = tpu.memref_slice %arg10[%dma_start3A_381, %dma_start3A_382] : memref<25x80xi32, #tpu.memory_space<vmem>> -> memref<1x80xi32, #tpu.memory_space<vmem>>
        %dma_start3A_384 = tpu.memref_squeeze %dma_start3A_383 : memref<1x80xi32, #tpu.memory_space<vmem>> -> memref<80xi32, #tpu.memory_space<vmem>>
        %dma_start3A_385 = arith.constant 0 : i32
        %dma_start3A_386 = arith.constant 0 : i32
        %dma_start3A_387 = tpu.memref_slice %arg6[%dma_start3A_385, %dma_start3A_386] : memref<10000x144xf32, #tpu.memory_space<hbm>> -> memref<10000x144xf32, #tpu.memory_space<hbm>>
        tpu.enqueue_indirect_dma source(%dma_start3A_387 : memref<10000x144xf32, #tpu.memory_space<hbm>>) target(%arg14 : memref<80x144xf32, #tpu.memory_space<vmem>>) offsets(%dma_start3A_384 : memref<80xi32, #tpu.memory_space<vmem>>) semaphore(%arg18 : memref<!tpu.dma_semaphore, #tpu.memory_space<semaphore_mem>>)
        %dma_start3A_388 = arith.constant 12 : i32
        %dma_start3A_389 = arith.constant 0 : i32
        %dma_start3A_390 = tpu.memref_slice %arg11[%dma_start3A_388, %dma_start3A_389] : memref<25x80xi32, #tpu.memory_space<vmem>> -> memref<1x80xi32, #tpu.memory_space<vmem>>
        %dma_start3A_391 = tpu.memref_squeeze %dma_start3A_390 : memref<1x80xi32, #tpu.memory_space<vmem>> -> memref<80xi32, #tpu.memory_space<vmem>>
        %dma_start3A_392 = arith.constant 0 : i32
        %dma_start3A_393 = arith.constant 0 : i32
        %dma_start3A_394 = tpu.memref_slice %arg15[%dma_start3A_392, %dma_start3A_393] : memref<10112x144xf32, #tpu.memory_space<vmem_shared>> -> memref<10112x144xf32, #tpu.memory_space<vmem_shared>>
        tpu.enqueue_indirect_dma source(%arg12 : memref<80x144xf32, #tpu.memory_space<vmem>>) target(%dma_start3A_394 : memref<10112x144xf32, #tpu.memory_space<vmem_shared>>) offsets(%dma_start3A_391 : memref<80xi32, #tpu.memory_space<vmem>>) semaphore(%arg19 : memref<!tpu.dma_semaphore, #tpu.memory_space<semaphore_mem>>) {add = true}
        %dma_wait3A_395 = arith.constant 13 : i32
        %dma_wait3A_396 = arith.constant 0 : i32
        %dma_wait3A_397 = tpu.memref_slice %arg10[%dma_wait3A_395, %dma_wait3A_396] : memref<25x80xi32, #tpu.memory_space<vmem>> -> memref<1x80xi32, #tpu.memory_space<vmem>>
        %dma_wait3A_398 = tpu.memref_squeeze %dma_wait3A_397 : memref<1x80xi32, #tpu.memory_space<vmem>> -> memref<80xi32, #tpu.memory_space<vmem>>
        %dma_wait3A_399 = arith.constant 0 : i32
        %dma_wait3A_400 = arith.constant 0 : i32
        %dma_wait3A_401 = tpu.memref_slice %arg6[%dma_wait3A_399, %dma_wait3A_400] : memref<10000x144xf32, #tpu.memory_space<hbm>> -> memref<10000x144xf32, #tpu.memory_space<hbm>>
        tpu.wait_indirect_dma semaphore(%arg17 : memref<!tpu.dma_semaphore, #tpu.memory_space<semaphore_mem>>) src(%dma_wait3A_401 : memref<10000x144xf32, #tpu.memory_space<hbm>>) dst(%arg13 : memref<80x144xf32, #tpu.memory_space<vmem>>)
        %dma_wait3A_402 = arith.constant 12 : i32
        %dma_wait3A_403 = arith.constant 0 : i32
        %dma_wait3A_404 = tpu.memref_slice %arg11[%dma_wait3A_402, %dma_wait3A_403] : memref<25x80xi32, #tpu.memory_space<vmem>> -> memref<1x80xi32, #tpu.memory_space<vmem>>
        %dma_wait3A_405 = tpu.memref_squeeze %dma_wait3A_404 : memref<1x80xi32, #tpu.memory_space<vmem>> -> memref<80xi32, #tpu.memory_space<vmem>>
        %dma_wait3A_406 = arith.constant 0 : i32
        %dma_wait3A_407 = arith.constant 0 : i32
        %dma_wait3A_408 = tpu.memref_slice %arg15[%dma_wait3A_406, %dma_wait3A_407] : memref<10112x144xf32, #tpu.memory_space<vmem_shared>> -> memref<10112x144xf32, #tpu.memory_space<vmem_shared>>
        tpu.wait_indirect_dma semaphore(%arg19 : memref<!tpu.dma_semaphore, #tpu.memory_space<semaphore_mem>>) src(%arg12 : memref<80x144xf32, #tpu.memory_space<vmem>>) dst(%dma_wait3A_408 : memref<10112x144xf32, #tpu.memory_space<vmem_shared>>)
        %dma_start3A_409 = arith.constant 15 : i32
        %dma_start3A_410 = arith.constant 0 : i32
        %dma_start3A_411 = tpu.memref_slice %arg10[%dma_start3A_409, %dma_start3A_410] : memref<25x80xi32, #tpu.memory_space<vmem>> -> memref<1x80xi32, #tpu.memory_space<vmem>>
        %dma_start3A_412 = tpu.memref_squeeze %dma_start3A_411 : memref<1x80xi32, #tpu.memory_space<vmem>> -> memref<80xi32, #tpu.memory_space<vmem>>
        %dma_start3A_413 = arith.constant 0 : i32
        %dma_start3A_414 = arith.constant 0 : i32
        %dma_start3A_415 = tpu.memref_slice %arg6[%dma_start3A_413, %dma_start3A_414] : memref<10000x144xf32, #tpu.memory_space<hbm>> -> memref<10000x144xf32, #tpu.memory_space<hbm>>
        tpu.enqueue_indirect_dma source(%dma_start3A_415 : memref<10000x144xf32, #tpu.memory_space<hbm>>) target(%arg12 : memref<80x144xf32, #tpu.memory_space<vmem>>) offsets(%dma_start3A_412 : memref<80xi32, #tpu.memory_space<vmem>>) semaphore(%arg16 : memref<!tpu.dma_semaphore, #tpu.memory_space<semaphore_mem>>)
        %dma_start3A_416 = arith.constant 13 : i32
        %dma_start3A_417 = arith.constant 0 : i32
        %dma_start3A_418 = tpu.memref_slice %arg11[%dma_start3A_416, %dma_start3A_417] : memref<25x80xi32, #tpu.memory_space<vmem>> -> memref<1x80xi32, #tpu.memory_space<vmem>>
        %dma_start3A_419 = tpu.memref_squeeze %dma_start3A_418 : memref<1x80xi32, #tpu.memory_space<vmem>> -> memref<80xi32, #tpu.memory_space<vmem>>
        %dma_start3A_420 = arith.constant 0 : i32
        %dma_start3A_421 = arith.constant 0 : i32
        %dma_start3A_422 = tpu.memref_slice %arg15[%dma_start3A_420, %dma_start3A_421] : memref<10112x144xf32, #tpu.memory_space<vmem_shared>> -> memref<10112x144xf32, #tpu.memory_space<vmem_shared>>
        tpu.enqueue_indirect_dma source(%arg13 : memref<80x144xf32, #tpu.memory_space<vmem>>) target(%dma_start3A_422 : memref<10112x144xf32, #tpu.memory_space<vmem_shared>>) offsets(%dma_start3A_419 : memref<80xi32, #tpu.memory_space<vmem>>) semaphore(%arg20 : memref<!tpu.dma_semaphore, #tpu.memory_space<semaphore_mem>>) {add = true}
        %dma_wait3A_423 = arith.constant 14 : i32
        %dma_wait3A_424 = arith.constant 0 : i32
        %dma_wait3A_425 = tpu.memref_slice %arg10[%dma_wait3A_423, %dma_wait3A_424] : memref<25x80xi32, #tpu.memory_space<vmem>> -> memref<1x80xi32, #tpu.memory_space<vmem>>
        %dma_wait3A_426 = tpu.memref_squeeze %dma_wait3A_425 : memref<1x80xi32, #tpu.memory_space<vmem>> -> memref<80xi32, #tpu.memory_space<vmem>>
        %dma_wait3A_427 = arith.constant 0 : i32
        %dma_wait3A_428 = arith.constant 0 : i32
        %dma_wait3A_429 = tpu.memref_slice %arg6[%dma_wait3A_427, %dma_wait3A_428] : memref<10000x144xf32, #tpu.memory_space<hbm>> -> memref<10000x144xf32, #tpu.memory_space<hbm>>
        tpu.wait_indirect_dma semaphore(%arg18 : memref<!tpu.dma_semaphore, #tpu.memory_space<semaphore_mem>>) src(%dma_wait3A_429 : memref<10000x144xf32, #tpu.memory_space<hbm>>) dst(%arg14 : memref<80x144xf32, #tpu.memory_space<vmem>>)
        %dma_wait3A_430 = arith.constant 13 : i32
        %dma_wait3A_431 = arith.constant 0 : i32
        %dma_wait3A_432 = tpu.memref_slice %arg11[%dma_wait3A_430, %dma_wait3A_431] : memref<25x80xi32, #tpu.memory_space<vmem>> -> memref<1x80xi32, #tpu.memory_space<vmem>>
        %dma_wait3A_433 = tpu.memref_squeeze %dma_wait3A_432 : memref<1x80xi32, #tpu.memory_space<vmem>> -> memref<80xi32, #tpu.memory_space<vmem>>
        %dma_wait3A_434 = arith.constant 0 : i32
        %dma_wait3A_435 = arith.constant 0 : i32
        %dma_wait3A_436 = tpu.memref_slice %arg15[%dma_wait3A_434, %dma_wait3A_435] : memref<10112x144xf32, #tpu.memory_space<vmem_shared>> -> memref<10112x144xf32, #tpu.memory_space<vmem_shared>>
        tpu.wait_indirect_dma semaphore(%arg20 : memref<!tpu.dma_semaphore, #tpu.memory_space<semaphore_mem>>) src(%arg13 : memref<80x144xf32, #tpu.memory_space<vmem>>) dst(%dma_wait3A_436 : memref<10112x144xf32, #tpu.memory_space<vmem_shared>>)
        %dma_start3A_437 = arith.constant 16 : i32
        %dma_start3A_438 = arith.constant 0 : i32
        %dma_start3A_439 = tpu.memref_slice %arg10[%dma_start3A_437, %dma_start3A_438] : memref<25x80xi32, #tpu.memory_space<vmem>> -> memref<1x80xi32, #tpu.memory_space<vmem>>
        %dma_start3A_440 = tpu.memref_squeeze %dma_start3A_439 : memref<1x80xi32, #tpu.memory_space<vmem>> -> memref<80xi32, #tpu.memory_space<vmem>>
        %dma_start3A_441 = arith.constant 0 : i32
        %dma_start3A_442 = arith.constant 0 : i32
        %dma_start3A_443 = tpu.memref_slice %arg6[%dma_start3A_441, %dma_start3A_442] : memref<10000x144xf32, #tpu.memory_space<hbm>> -> memref<10000x144xf32, #tpu.memory_space<hbm>>
        tpu.enqueue_indirect_dma source(%dma_start3A_443 : memref<10000x144xf32, #tpu.memory_space<hbm>>) target(%arg13 : memref<80x144xf32, #tpu.memory_space<vmem>>) offsets(%dma_start3A_440 : memref<80xi32, #tpu.memory_space<vmem>>) semaphore(%arg17 : memref<!tpu.dma_semaphore, #tpu.memory_space<semaphore_mem>>)
        %dma_start3A_444 = arith.constant 14 : i32
        %dma_start3A_445 = arith.constant 0 : i32
        %dma_start3A_446 = tpu.memref_slice %arg11[%dma_start3A_444, %dma_start3A_445] : memref<25x80xi32, #tpu.memory_space<vmem>> -> memref<1x80xi32, #tpu.memory_space<vmem>>
        %dma_start3A_447 = tpu.memref_squeeze %dma_start3A_446 : memref<1x80xi32, #tpu.memory_space<vmem>> -> memref<80xi32, #tpu.memory_space<vmem>>
        %dma_start3A_448 = arith.constant 0 : i32
        %dma_start3A_449 = arith.constant 0 : i32
        %dma_start3A_450 = tpu.memref_slice %arg15[%dma_start3A_448, %dma_start3A_449] : memref<10112x144xf32, #tpu.memory_space<vmem_shared>> -> memref<10112x144xf32, #tpu.memory_space<vmem_shared>>
        tpu.enqueue_indirect_dma source(%arg14 : memref<80x144xf32, #tpu.memory_space<vmem>>) target(%dma_start3A_450 : memref<10112x144xf32, #tpu.memory_space<vmem_shared>>) offsets(%dma_start3A_447 : memref<80xi32, #tpu.memory_space<vmem>>) semaphore(%arg21 : memref<!tpu.dma_semaphore, #tpu.memory_space<semaphore_mem>>) {add = true}
        %dma_wait3A_451 = arith.constant 15 : i32
        %dma_wait3A_452 = arith.constant 0 : i32
        %dma_wait3A_453 = tpu.memref_slice %arg10[%dma_wait3A_451, %dma_wait3A_452] : memref<25x80xi32, #tpu.memory_space<vmem>> -> memref<1x80xi32, #tpu.memory_space<vmem>>
        %dma_wait3A_454 = tpu.memref_squeeze %dma_wait3A_453 : memref<1x80xi32, #tpu.memory_space<vmem>> -> memref<80xi32, #tpu.memory_space<vmem>>
        %dma_wait3A_455 = arith.constant 0 : i32
        %dma_wait3A_456 = arith.constant 0 : i32
        %dma_wait3A_457 = tpu.memref_slice %arg6[%dma_wait3A_455, %dma_wait3A_456] : memref<10000x144xf32, #tpu.memory_space<hbm>> -> memref<10000x144xf32, #tpu.memory_space<hbm>>
        tpu.wait_indirect_dma semaphore(%arg16 : memref<!tpu.dma_semaphore, #tpu.memory_space<semaphore_mem>>) src(%dma_wait3A_457 : memref<10000x144xf32, #tpu.memory_space<hbm>>) dst(%arg12 : memref<80x144xf32, #tpu.memory_space<vmem>>)
        %dma_wait3A_458 = arith.constant 14 : i32
        %dma_wait3A_459 = arith.constant 0 : i32
        %dma_wait3A_460 = tpu.memref_slice %arg11[%dma_wait3A_458, %dma_wait3A_459] : memref<25x80xi32, #tpu.memory_space<vmem>> -> memref<1x80xi32, #tpu.memory_space<vmem>>
        %dma_wait3A_461 = tpu.memref_squeeze %dma_wait3A_460 : memref<1x80xi32, #tpu.memory_space<vmem>> -> memref<80xi32, #tpu.memory_space<vmem>>
        %dma_wait3A_462 = arith.constant 0 : i32
        %dma_wait3A_463 = arith.constant 0 : i32
        %dma_wait3A_464 = tpu.memref_slice %arg15[%dma_wait3A_462, %dma_wait3A_463] : memref<10112x144xf32, #tpu.memory_space<vmem_shared>> -> memref<10112x144xf32, #tpu.memory_space<vmem_shared>>
        tpu.wait_indirect_dma semaphore(%arg21 : memref<!tpu.dma_semaphore, #tpu.memory_space<semaphore_mem>>) src(%arg14 : memref<80x144xf32, #tpu.memory_space<vmem>>) dst(%dma_wait3A_464 : memref<10112x144xf32, #tpu.memory_space<vmem_shared>>)
        %dma_start3A_465 = arith.constant 17 : i32
        %dma_start3A_466 = arith.constant 0 : i32
        %dma_start3A_467 = tpu.memref_slice %arg10[%dma_start3A_465, %dma_start3A_466] : memref<25x80xi32, #tpu.memory_space<vmem>> -> memref<1x80xi32, #tpu.memory_space<vmem>>
        %dma_start3A_468 = tpu.memref_squeeze %dma_start3A_467 : memref<1x80xi32, #tpu.memory_space<vmem>> -> memref<80xi32, #tpu.memory_space<vmem>>
        %dma_start3A_469 = arith.constant 0 : i32
        %dma_start3A_470 = arith.constant 0 : i32
        %dma_start3A_471 = tpu.memref_slice %arg6[%dma_start3A_469, %dma_start3A_470] : memref<10000x144xf32, #tpu.memory_space<hbm>> -> memref<10000x144xf32, #tpu.memory_space<hbm>>
        tpu.enqueue_indirect_dma source(%dma_start3A_471 : memref<10000x144xf32, #tpu.memory_space<hbm>>) target(%arg14 : memref<80x144xf32, #tpu.memory_space<vmem>>) offsets(%dma_start3A_468 : memref<80xi32, #tpu.memory_space<vmem>>) semaphore(%arg18 : memref<!tpu.dma_semaphore, #tpu.memory_space<semaphore_mem>>)
        %dma_start3A_472 = arith.constant 15 : i32
        %dma_start3A_473 = arith.constant 0 : i32
        %dma_start3A_474 = tpu.memref_slice %arg11[%dma_start3A_472, %dma_start3A_473] : memref<25x80xi32, #tpu.memory_space<vmem>> -> memref<1x80xi32, #tpu.memory_space<vmem>>
        %dma_start3A_475 = tpu.memref_squeeze %dma_start3A_474 : memref<1x80xi32, #tpu.memory_space<vmem>> -> memref<80xi32, #tpu.memory_space<vmem>>
        %dma_start3A_476 = arith.constant 0 : i32
        %dma_start3A_477 = arith.constant 0 : i32
        %dma_start3A_478 = tpu.memref_slice %arg15[%dma_start3A_476, %dma_start3A_477] : memref<10112x144xf32, #tpu.memory_space<vmem_shared>> -> memref<10112x144xf32, #tpu.memory_space<vmem_shared>>
        tpu.enqueue_indirect_dma source(%arg12 : memref<80x144xf32, #tpu.memory_space<vmem>>) target(%dma_start3A_478 : memref<10112x144xf32, #tpu.memory_space<vmem_shared>>) offsets(%dma_start3A_475 : memref<80xi32, #tpu.memory_space<vmem>>) semaphore(%arg19 : memref<!tpu.dma_semaphore, #tpu.memory_space<semaphore_mem>>) {add = true}
        %dma_wait3A_479 = arith.constant 16 : i32
        %dma_wait3A_480 = arith.constant 0 : i32
        %dma_wait3A_481 = tpu.memref_slice %arg10[%dma_wait3A_479, %dma_wait3A_480] : memref<25x80xi32, #tpu.memory_space<vmem>> -> memref<1x80xi32, #tpu.memory_space<vmem>>
        %dma_wait3A_482 = tpu.memref_squeeze %dma_wait3A_481 : memref<1x80xi32, #tpu.memory_space<vmem>> -> memref<80xi32, #tpu.memory_space<vmem>>
        %dma_wait3A_483 = arith.constant 0 : i32
        %dma_wait3A_484 = arith.constant 0 : i32
        %dma_wait3A_485 = tpu.memref_slice %arg6[%dma_wait3A_483, %dma_wait3A_484] : memref<10000x144xf32, #tpu.memory_space<hbm>> -> memref<10000x144xf32, #tpu.memory_space<hbm>>
        tpu.wait_indirect_dma semaphore(%arg17 : memref<!tpu.dma_semaphore, #tpu.memory_space<semaphore_mem>>) src(%dma_wait3A_485 : memref<10000x144xf32, #tpu.memory_space<hbm>>) dst(%arg13 : memref<80x144xf32, #tpu.memory_space<vmem>>)
        %dma_wait3A_486 = arith.constant 15 : i32
        %dma_wait3A_487 = arith.constant 0 : i32
        %dma_wait3A_488 = tpu.memref_slice %arg11[%dma_wait3A_486, %dma_wait3A_487] : memref<25x80xi32, #tpu.memory_space<vmem>> -> memref<1x80xi32, #tpu.memory_space<vmem>>
        %dma_wait3A_489 = tpu.memref_squeeze %dma_wait3A_488 : memref<1x80xi32, #tpu.memory_space<vmem>> -> memref<80xi32, #tpu.memory_space<vmem>>
        %dma_wait3A_490 = arith.constant 0 : i32
        %dma_wait3A_491 = arith.constant 0 : i32
        %dma_wait3A_492 = tpu.memref_slice %arg15[%dma_wait3A_490, %dma_wait3A_491] : memref<10112x144xf32, #tpu.memory_space<vmem_shared>> -> memref<10112x144xf32, #tpu.memory_space<vmem_shared>>
        tpu.wait_indirect_dma semaphore(%arg19 : memref<!tpu.dma_semaphore, #tpu.memory_space<semaphore_mem>>) src(%arg12 : memref<80x144xf32, #tpu.memory_space<vmem>>) dst(%dma_wait3A_492 : memref<10112x144xf32, #tpu.memory_space<vmem_shared>>)
        %dma_start3A_493 = arith.constant 18 : i32
        %dma_start3A_494 = arith.constant 0 : i32
        %dma_start3A_495 = tpu.memref_slice %arg10[%dma_start3A_493, %dma_start3A_494] : memref<25x80xi32, #tpu.memory_space<vmem>> -> memref<1x80xi32, #tpu.memory_space<vmem>>
        %dma_start3A_496 = tpu.memref_squeeze %dma_start3A_495 : memref<1x80xi32, #tpu.memory_space<vmem>> -> memref<80xi32, #tpu.memory_space<vmem>>
        %dma_start3A_497 = arith.constant 0 : i32
        %dma_start3A_498 = arith.constant 0 : i32
        %dma_start3A_499 = tpu.memref_slice %arg6[%dma_start3A_497, %dma_start3A_498] : memref<10000x144xf32, #tpu.memory_space<hbm>> -> memref<10000x144xf32, #tpu.memory_space<hbm>>
        tpu.enqueue_indirect_dma source(%dma_start3A_499 : memref<10000x144xf32, #tpu.memory_space<hbm>>) target(%arg12 : memref<80x144xf32, #tpu.memory_space<vmem>>) offsets(%dma_start3A_496 : memref<80xi32, #tpu.memory_space<vmem>>) semaphore(%arg16 : memref<!tpu.dma_semaphore, #tpu.memory_space<semaphore_mem>>)
        %dma_start3A_500 = arith.constant 16 : i32
        %dma_start3A_501 = arith.constant 0 : i32
        %dma_start3A_502 = tpu.memref_slice %arg11[%dma_start3A_500, %dma_start3A_501] : memref<25x80xi32, #tpu.memory_space<vmem>> -> memref<1x80xi32, #tpu.memory_space<vmem>>
        %dma_start3A_503 = tpu.memref_squeeze %dma_start3A_502 : memref<1x80xi32, #tpu.memory_space<vmem>> -> memref<80xi32, #tpu.memory_space<vmem>>
        %dma_start3A_504 = arith.constant 0 : i32
        %dma_start3A_505 = arith.constant 0 : i32
        %dma_start3A_506 = tpu.memref_slice %arg15[%dma_start3A_504, %dma_start3A_505] : memref<10112x144xf32, #tpu.memory_space<vmem_shared>> -> memref<10112x144xf32, #tpu.memory_space<vmem_shared>>
        tpu.enqueue_indirect_dma source(%arg13 : memref<80x144xf32, #tpu.memory_space<vmem>>) target(%dma_start3A_506 : memref<10112x144xf32, #tpu.memory_space<vmem_shared>>) offsets(%dma_start3A_503 : memref<80xi32, #tpu.memory_space<vmem>>) semaphore(%arg20 : memref<!tpu.dma_semaphore, #tpu.memory_space<semaphore_mem>>) {add = true}
        %dma_wait3A_507 = arith.constant 17 : i32
        %dma_wait3A_508 = arith.constant 0 : i32
        %dma_wait3A_509 = tpu.memref_slice %arg10[%dma_wait3A_507, %dma_wait3A_508] : memref<25x80xi32, #tpu.memory_space<vmem>> -> memref<1x80xi32, #tpu.memory_space<vmem>>
        %dma_wait3A_510 = tpu.memref_squeeze %dma_wait3A_509 : memref<1x80xi32, #tpu.memory_space<vmem>> -> memref<80xi32, #tpu.memory_space<vmem>>
        %dma_wait3A_511 = arith.constant 0 : i32
        %dma_wait3A_512 = arith.constant 0 : i32
        %dma_wait3A_513 = tpu.memref_slice %arg6[%dma_wait3A_511, %dma_wait3A_512] : memref<10000x144xf32, #tpu.memory_space<hbm>> -> memref<10000x144xf32, #tpu.memory_space<hbm>>
        tpu.wait_indirect_dma semaphore(%arg18 : memref<!tpu.dma_semaphore, #tpu.memory_space<semaphore_mem>>) src(%dma_wait3A_513 : memref<10000x144xf32, #tpu.memory_space<hbm>>) dst(%arg14 : memref<80x144xf32, #tpu.memory_space<vmem>>)
        %dma_wait3A_514 = arith.constant 16 : i32
        %dma_wait3A_515 = arith.constant 0 : i32
        %dma_wait3A_516 = tpu.memref_slice %arg11[%dma_wait3A_514, %dma_wait3A_515] : memref<25x80xi32, #tpu.memory_space<vmem>> -> memref<1x80xi32, #tpu.memory_space<vmem>>
        %dma_wait3A_517 = tpu.memref_squeeze %dma_wait3A_516 : memref<1x80xi32, #tpu.memory_space<vmem>> -> memref<80xi32, #tpu.memory_space<vmem>>
        %dma_wait3A_518 = arith.constant 0 : i32
        %dma_wait3A_519 = arith.constant 0 : i32
        %dma_wait3A_520 = tpu.memref_slice %arg15[%dma_wait3A_518, %dma_wait3A_519] : memref<10112x144xf32, #tpu.memory_space<vmem_shared>> -> memref<10112x144xf32, #tpu.memory_space<vmem_shared>>
        tpu.wait_indirect_dma semaphore(%arg20 : memref<!tpu.dma_semaphore, #tpu.memory_space<semaphore_mem>>) src(%arg13 : memref<80x144xf32, #tpu.memory_space<vmem>>) dst(%dma_wait3A_520 : memref<10112x144xf32, #tpu.memory_space<vmem_shared>>)
        %dma_start3A_521 = arith.constant 19 : i32
        %dma_start3A_522 = arith.constant 0 : i32
        %dma_start3A_523 = tpu.memref_slice %arg10[%dma_start3A_521, %dma_start3A_522] : memref<25x80xi32, #tpu.memory_space<vmem>> -> memref<1x80xi32, #tpu.memory_space<vmem>>
        %dma_start3A_524 = tpu.memref_squeeze %dma_start3A_523 : memref<1x80xi32, #tpu.memory_space<vmem>> -> memref<80xi32, #tpu.memory_space<vmem>>
        %dma_start3A_525 = arith.constant 0 : i32
        %dma_start3A_526 = arith.constant 0 : i32
        %dma_start3A_527 = tpu.memref_slice %arg6[%dma_start3A_525, %dma_start3A_526] : memref<10000x144xf32, #tpu.memory_space<hbm>> -> memref<10000x144xf32, #tpu.memory_space<hbm>>
        tpu.enqueue_indirect_dma source(%dma_start3A_527 : memref<10000x144xf32, #tpu.memory_space<hbm>>) target(%arg13 : memref<80x144xf32, #tpu.memory_space<vmem>>) offsets(%dma_start3A_524 : memref<80xi32, #tpu.memory_space<vmem>>) semaphore(%arg17 : memref<!tpu.dma_semaphore, #tpu.memory_space<semaphore_mem>>)
        %dma_start3A_528 = arith.constant 17 : i32
        %dma_start3A_529 = arith.constant 0 : i32
        %dma_start3A_530 = tpu.memref_slice %arg11[%dma_start3A_528, %dma_start3A_529] : memref<25x80xi32, #tpu.memory_space<vmem>> -> memref<1x80xi32, #tpu.memory_space<vmem>>
        %dma_start3A_531 = tpu.memref_squeeze %dma_start3A_530 : memref<1x80xi32, #tpu.memory_space<vmem>> -> memref<80xi32, #tpu.memory_space<vmem>>
        %dma_start3A_532 = arith.constant 0 : i32
        %dma_start3A_533 = arith.constant 0 : i32
        %dma_start3A_534 = tpu.memref_slice %arg15[%dma_start3A_532, %dma_start3A_533] : memref<10112x144xf32, #tpu.memory_space<vmem_shared>> -> memref<10112x144xf32, #tpu.memory_space<vmem_shared>>
        tpu.enqueue_indirect_dma source(%arg14 : memref<80x144xf32, #tpu.memory_space<vmem>>) target(%dma_start3A_534 : memref<10112x144xf32, #tpu.memory_space<vmem_shared>>) offsets(%dma_start3A_531 : memref<80xi32, #tpu.memory_space<vmem>>) semaphore(%arg21 : memref<!tpu.dma_semaphore, #tpu.memory_space<semaphore_mem>>) {add = true}
        %dma_wait3A_535 = arith.constant 18 : i32
        %dma_wait3A_536 = arith.constant 0 : i32
        %dma_wait3A_537 = tpu.memref_slice %arg10[%dma_wait3A_535, %dma_wait3A_536] : memref<25x80xi32, #tpu.memory_space<vmem>> -> memref<1x80xi32, #tpu.memory_space<vmem>>
        %dma_wait3A_538 = tpu.memref_squeeze %dma_wait3A_537 : memref<1x80xi32, #tpu.memory_space<vmem>> -> memref<80xi32, #tpu.memory_space<vmem>>
        %dma_wait3A_539 = arith.constant 0 : i32
        %dma_wait3A_540 = arith.constant 0 : i32
        %dma_wait3A_541 = tpu.memref_slice %arg6[%dma_wait3A_539, %dma_wait3A_540] : memref<10000x144xf32, #tpu.memory_space<hbm>> -> memref<10000x144xf32, #tpu.memory_space<hbm>>
        tpu.wait_indirect_dma semaphore(%arg16 : memref<!tpu.dma_semaphore, #tpu.memory_space<semaphore_mem>>) src(%dma_wait3A_541 : memref<10000x144xf32, #tpu.memory_space<hbm>>) dst(%arg12 : memref<80x144xf32, #tpu.memory_space<vmem>>)
        %dma_wait3A_542 = arith.constant 17 : i32
        %dma_wait3A_543 = arith.constant 0 : i32
        %dma_wait3A_544 = tpu.memref_slice %arg11[%dma_wait3A_542, %dma_wait3A_543] : memref<25x80xi32, #tpu.memory_space<vmem>> -> memref<1x80xi32, #tpu.memory_space<vmem>>
        %dma_wait3A_545 = tpu.memref_squeeze %dma_wait3A_544 : memref<1x80xi32, #tpu.memory_space<vmem>> -> memref<80xi32, #tpu.memory_space<vmem>>
        %dma_wait3A_546 = arith.constant 0 : i32
        %dma_wait3A_547 = arith.constant 0 : i32
        %dma_wait3A_548 = tpu.memref_slice %arg15[%dma_wait3A_546, %dma_wait3A_547] : memref<10112x144xf32, #tpu.memory_space<vmem_shared>> -> memref<10112x144xf32, #tpu.memory_space<vmem_shared>>
        tpu.wait_indirect_dma semaphore(%arg21 : memref<!tpu.dma_semaphore, #tpu.memory_space<semaphore_mem>>) src(%arg14 : memref<80x144xf32, #tpu.memory_space<vmem>>) dst(%dma_wait3A_548 : memref<10112x144xf32, #tpu.memory_space<vmem_shared>>)
        %dma_start3A_549 = arith.constant 20 : i32
        %dma_start3A_550 = arith.constant 0 : i32
        %dma_start3A_551 = tpu.memref_slice %arg10[%dma_start3A_549, %dma_start3A_550] : memref<25x80xi32, #tpu.memory_space<vmem>> -> memref<1x80xi32, #tpu.memory_space<vmem>>
        %dma_start3A_552 = tpu.memref_squeeze %dma_start3A_551 : memref<1x80xi32, #tpu.memory_space<vmem>> -> memref<80xi32, #tpu.memory_space<vmem>>
        %dma_start3A_553 = arith.constant 0 : i32
        %dma_start3A_554 = arith.constant 0 : i32
        %dma_start3A_555 = tpu.memref_slice %arg6[%dma_start3A_553, %dma_start3A_554] : memref<10000x144xf32, #tpu.memory_space<hbm>> -> memref<10000x144xf32, #tpu.memory_space<hbm>>
        tpu.enqueue_indirect_dma source(%dma_start3A_555 : memref<10000x144xf32, #tpu.memory_space<hbm>>) target(%arg14 : memref<80x144xf32, #tpu.memory_space<vmem>>) offsets(%dma_start3A_552 : memref<80xi32, #tpu.memory_space<vmem>>) semaphore(%arg18 : memref<!tpu.dma_semaphore, #tpu.memory_space<semaphore_mem>>)
        %dma_start3A_556 = arith.constant 18 : i32
        %dma_start3A_557 = arith.constant 0 : i32
        %dma_start3A_558 = tpu.memref_slice %arg11[%dma_start3A_556, %dma_start3A_557] : memref<25x80xi32, #tpu.memory_space<vmem>> -> memref<1x80xi32, #tpu.memory_space<vmem>>
        %dma_start3A_559 = tpu.memref_squeeze %dma_start3A_558 : memref<1x80xi32, #tpu.memory_space<vmem>> -> memref<80xi32, #tpu.memory_space<vmem>>
        %dma_start3A_560 = arith.constant 0 : i32
        %dma_start3A_561 = arith.constant 0 : i32
        %dma_start3A_562 = tpu.memref_slice %arg15[%dma_start3A_560, %dma_start3A_561] : memref<10112x144xf32, #tpu.memory_space<vmem_shared>> -> memref<10112x144xf32, #tpu.memory_space<vmem_shared>>
        tpu.enqueue_indirect_dma source(%arg12 : memref<80x144xf32, #tpu.memory_space<vmem>>) target(%dma_start3A_562 : memref<10112x144xf32, #tpu.memory_space<vmem_shared>>) offsets(%dma_start3A_559 : memref<80xi32, #tpu.memory_space<vmem>>) semaphore(%arg19 : memref<!tpu.dma_semaphore, #tpu.memory_space<semaphore_mem>>) {add = true}
        %dma_wait3A_563 = arith.constant 19 : i32
        %dma_wait3A_564 = arith.constant 0 : i32
        %dma_wait3A_565 = tpu.memref_slice %arg10[%dma_wait3A_563, %dma_wait3A_564] : memref<25x80xi32, #tpu.memory_space<vmem>> -> memref<1x80xi32, #tpu.memory_space<vmem>>
        %dma_wait3A_566 = tpu.memref_squeeze %dma_wait3A_565 : memref<1x80xi32, #tpu.memory_space<vmem>> -> memref<80xi32, #tpu.memory_space<vmem>>
        %dma_wait3A_567 = arith.constant 0 : i32
        %dma_wait3A_568 = arith.constant 0 : i32
        %dma_wait3A_569 = tpu.memref_slice %arg6[%dma_wait3A_567, %dma_wait3A_568] : memref<10000x144xf32, #tpu.memory_space<hbm>> -> memref<10000x144xf32, #tpu.memory_space<hbm>>
        tpu.wait_indirect_dma semaphore(%arg17 : memref<!tpu.dma_semaphore, #tpu.memory_space<semaphore_mem>>) src(%dma_wait3A_569 : memref<10000x144xf32, #tpu.memory_space<hbm>>) dst(%arg13 : memref<80x144xf32, #tpu.memory_space<vmem>>)
        %dma_wait3A_570 = arith.constant 18 : i32
        %dma_wait3A_571 = arith.constant 0 : i32
        %dma_wait3A_572 = tpu.memref_slice %arg11[%dma_wait3A_570, %dma_wait3A_571] : memref<25x80xi32, #tpu.memory_space<vmem>> -> memref<1x80xi32, #tpu.memory_space<vmem>>
        %dma_wait3A_573 = tpu.memref_squeeze %dma_wait3A_572 : memref<1x80xi32, #tpu.memory_space<vmem>> -> memref<80xi32, #tpu.memory_space<vmem>>
        %dma_wait3A_574 = arith.constant 0 : i32
        %dma_wait3A_575 = arith.constant 0 : i32
        %dma_wait3A_576 = tpu.memref_slice %arg15[%dma_wait3A_574, %dma_wait3A_575] : memref<10112x144xf32, #tpu.memory_space<vmem_shared>> -> memref<10112x144xf32, #tpu.memory_space<vmem_shared>>
        tpu.wait_indirect_dma semaphore(%arg19 : memref<!tpu.dma_semaphore, #tpu.memory_space<semaphore_mem>>) src(%arg12 : memref<80x144xf32, #tpu.memory_space<vmem>>) dst(%dma_wait3A_576 : memref<10112x144xf32, #tpu.memory_space<vmem_shared>>)
        %dma_start3A_577 = arith.constant 21 : i32
        %dma_start3A_578 = arith.constant 0 : i32
        %dma_start3A_579 = tpu.memref_slice %arg10[%dma_start3A_577, %dma_start3A_578] : memref<25x80xi32, #tpu.memory_space<vmem>> -> memref<1x80xi32, #tpu.memory_space<vmem>>
        %dma_start3A_580 = tpu.memref_squeeze %dma_start3A_579 : memref<1x80xi32, #tpu.memory_space<vmem>> -> memref<80xi32, #tpu.memory_space<vmem>>
        %dma_start3A_581 = arith.constant 0 : i32
        %dma_start3A_582 = arith.constant 0 : i32
        %dma_start3A_583 = tpu.memref_slice %arg6[%dma_start3A_581, %dma_start3A_582] : memref<10000x144xf32, #tpu.memory_space<hbm>> -> memref<10000x144xf32, #tpu.memory_space<hbm>>
        tpu.enqueue_indirect_dma source(%dma_start3A_583 : memref<10000x144xf32, #tpu.memory_space<hbm>>) target(%arg12 : memref<80x144xf32, #tpu.memory_space<vmem>>) offsets(%dma_start3A_580 : memref<80xi32, #tpu.memory_space<vmem>>) semaphore(%arg16 : memref<!tpu.dma_semaphore, #tpu.memory_space<semaphore_mem>>)
        %dma_start3A_584 = arith.constant 19 : i32
        %dma_start3A_585 = arith.constant 0 : i32
        %dma_start3A_586 = tpu.memref_slice %arg11[%dma_start3A_584, %dma_start3A_585] : memref<25x80xi32, #tpu.memory_space<vmem>> -> memref<1x80xi32, #tpu.memory_space<vmem>>
        %dma_start3A_587 = tpu.memref_squeeze %dma_start3A_586 : memref<1x80xi32, #tpu.memory_space<vmem>> -> memref<80xi32, #tpu.memory_space<vmem>>
        %dma_start3A_588 = arith.constant 0 : i32
        %dma_start3A_589 = arith.constant 0 : i32
        %dma_start3A_590 = tpu.memref_slice %arg15[%dma_start3A_588, %dma_start3A_589] : memref<10112x144xf32, #tpu.memory_space<vmem_shared>> -> memref<10112x144xf32, #tpu.memory_space<vmem_shared>>
        tpu.enqueue_indirect_dma source(%arg13 : memref<80x144xf32, #tpu.memory_space<vmem>>) target(%dma_start3A_590 : memref<10112x144xf32, #tpu.memory_space<vmem_shared>>) offsets(%dma_start3A_587 : memref<80xi32, #tpu.memory_space<vmem>>) semaphore(%arg20 : memref<!tpu.dma_semaphore, #tpu.memory_space<semaphore_mem>>) {add = true}
        %dma_wait3A_591 = arith.constant 20 : i32
        %dma_wait3A_592 = arith.constant 0 : i32
        %dma_wait3A_593 = tpu.memref_slice %arg10[%dma_wait3A_591, %dma_wait3A_592] : memref<25x80xi32, #tpu.memory_space<vmem>> -> memref<1x80xi32, #tpu.memory_space<vmem>>
        %dma_wait3A_594 = tpu.memref_squeeze %dma_wait3A_593 : memref<1x80xi32, #tpu.memory_space<vmem>> -> memref<80xi32, #tpu.memory_space<vmem>>
        %dma_wait3A_595 = arith.constant 0 : i32
        %dma_wait3A_596 = arith.constant 0 : i32
        %dma_wait3A_597 = tpu.memref_slice %arg6[%dma_wait3A_595, %dma_wait3A_596] : memref<10000x144xf32, #tpu.memory_space<hbm>> -> memref<10000x144xf32, #tpu.memory_space<hbm>>
        tpu.wait_indirect_dma semaphore(%arg18 : memref<!tpu.dma_semaphore, #tpu.memory_space<semaphore_mem>>) src(%dma_wait3A_597 : memref<10000x144xf32, #tpu.memory_space<hbm>>) dst(%arg14 : memref<80x144xf32, #tpu.memory_space<vmem>>)
        %dma_wait3A_598 = arith.constant 19 : i32
        %dma_wait3A_599 = arith.constant 0 : i32
        %dma_wait3A_600 = tpu.memref_slice %arg11[%dma_wait3A_598, %dma_wait3A_599] : memref<25x80xi32, #tpu.memory_space<vmem>> -> memref<1x80xi32, #tpu.memory_space<vmem>>
        %dma_wait3A_601 = tpu.memref_squeeze %dma_wait3A_600 : memref<1x80xi32, #tpu.memory_space<vmem>> -> memref<80xi32, #tpu.memory_space<vmem>>
        %dma_wait3A_602 = arith.constant 0 : i32
        %dma_wait3A_603 = arith.constant 0 : i32
        %dma_wait3A_604 = tpu.memref_slice %arg15[%dma_wait3A_602, %dma_wait3A_603] : memref<10112x144xf32, #tpu.memory_space<vmem_shared>> -> memref<10112x144xf32, #tpu.memory_space<vmem_shared>>
        tpu.wait_indirect_dma semaphore(%arg20 : memref<!tpu.dma_semaphore, #tpu.memory_space<semaphore_mem>>) src(%arg13 : memref<80x144xf32, #tpu.memory_space<vmem>>) dst(%dma_wait3A_604 : memref<10112x144xf32, #tpu.memory_space<vmem_shared>>)
        %dma_start3A_605 = arith.constant 22 : i32
        %dma_start3A_606 = arith.constant 0 : i32
        %dma_start3A_607 = tpu.memref_slice %arg10[%dma_start3A_605, %dma_start3A_606] : memref<25x80xi32, #tpu.memory_space<vmem>> -> memref<1x80xi32, #tpu.memory_space<vmem>>
        %dma_start3A_608 = tpu.memref_squeeze %dma_start3A_607 : memref<1x80xi32, #tpu.memory_space<vmem>> -> memref<80xi32, #tpu.memory_space<vmem>>
        %dma_start3A_609 = arith.constant 0 : i32
        %dma_start3A_610 = arith.constant 0 : i32
        %dma_start3A_611 = tpu.memref_slice %arg6[%dma_start3A_609, %dma_start3A_610] : memref<10000x144xf32, #tpu.memory_space<hbm>> -> memref<10000x144xf32, #tpu.memory_space<hbm>>
        tpu.enqueue_indirect_dma source(%dma_start3A_611 : memref<10000x144xf32, #tpu.memory_space<hbm>>) target(%arg13 : memref<80x144xf32, #tpu.memory_space<vmem>>) offsets(%dma_start3A_608 : memref<80xi32, #tpu.memory_space<vmem>>) semaphore(%arg17 : memref<!tpu.dma_semaphore, #tpu.memory_space<semaphore_mem>>)
        %dma_start3A_612 = arith.constant 20 : i32
        %dma_start3A_613 = arith.constant 0 : i32
        %dma_start3A_614 = tpu.memref_slice %arg11[%dma_start3A_612, %dma_start3A_613] : memref<25x80xi32, #tpu.memory_space<vmem>> -> memref<1x80xi32, #tpu.memory_space<vmem>>
        %dma_start3A_615 = tpu.memref_squeeze %dma_start3A_614 : memref<1x80xi32, #tpu.memory_space<vmem>> -> memref<80xi32, #tpu.memory_space<vmem>>
        %dma_start3A_616 = arith.constant 0 : i32
        %dma_start3A_617 = arith.constant 0 : i32
        %dma_start3A_618 = tpu.memref_slice %arg15[%dma_start3A_616, %dma_start3A_617] : memref<10112x144xf32, #tpu.memory_space<vmem_shared>> -> memref<10112x144xf32, #tpu.memory_space<vmem_shared>>
        tpu.enqueue_indirect_dma source(%arg14 : memref<80x144xf32, #tpu.memory_space<vmem>>) target(%dma_start3A_618 : memref<10112x144xf32, #tpu.memory_space<vmem_shared>>) offsets(%dma_start3A_615 : memref<80xi32, #tpu.memory_space<vmem>>) semaphore(%arg21 : memref<!tpu.dma_semaphore, #tpu.memory_space<semaphore_mem>>) {add = true}
        %dma_wait3A_619 = arith.constant 21 : i32
        %dma_wait3A_620 = arith.constant 0 : i32
        %dma_wait3A_621 = tpu.memref_slice %arg10[%dma_wait3A_619, %dma_wait3A_620] : memref<25x80xi32, #tpu.memory_space<vmem>> -> memref<1x80xi32, #tpu.memory_space<vmem>>
        %dma_wait3A_622 = tpu.memref_squeeze %dma_wait3A_621 : memref<1x80xi32, #tpu.memory_space<vmem>> -> memref<80xi32, #tpu.memory_space<vmem>>
        %dma_wait3A_623 = arith.constant 0 : i32
        %dma_wait3A_624 = arith.constant 0 : i32
        %dma_wait3A_625 = tpu.memref_slice %arg6[%dma_wait3A_623, %dma_wait3A_624] : memref<10000x144xf32, #tpu.memory_space<hbm>> -> memref<10000x144xf32, #tpu.memory_space<hbm>>
        tpu.wait_indirect_dma semaphore(%arg16 : memref<!tpu.dma_semaphore, #tpu.memory_space<semaphore_mem>>) src(%dma_wait3A_625 : memref<10000x144xf32, #tpu.memory_space<hbm>>) dst(%arg12 : memref<80x144xf32, #tpu.memory_space<vmem>>)
        %dma_wait3A_626 = arith.constant 20 : i32
        %dma_wait3A_627 = arith.constant 0 : i32
        %dma_wait3A_628 = tpu.memref_slice %arg11[%dma_wait3A_626, %dma_wait3A_627] : memref<25x80xi32, #tpu.memory_space<vmem>> -> memref<1x80xi32, #tpu.memory_space<vmem>>
        %dma_wait3A_629 = tpu.memref_squeeze %dma_wait3A_628 : memref<1x80xi32, #tpu.memory_space<vmem>> -> memref<80xi32, #tpu.memory_space<vmem>>
        %dma_wait3A_630 = arith.constant 0 : i32
        %dma_wait3A_631 = arith.constant 0 : i32
        %dma_wait3A_632 = tpu.memref_slice %arg15[%dma_wait3A_630, %dma_wait3A_631] : memref<10112x144xf32, #tpu.memory_space<vmem_shared>> -> memref<10112x144xf32, #tpu.memory_space<vmem_shared>>
        tpu.wait_indirect_dma semaphore(%arg21 : memref<!tpu.dma_semaphore, #tpu.memory_space<semaphore_mem>>) src(%arg14 : memref<80x144xf32, #tpu.memory_space<vmem>>) dst(%dma_wait3A_632 : memref<10112x144xf32, #tpu.memory_space<vmem_shared>>)
        %dma_start3A_633 = arith.constant 23 : i32
        %dma_start3A_634 = arith.constant 0 : i32
        %dma_start3A_635 = tpu.memref_slice %arg10[%dma_start3A_633, %dma_start3A_634] : memref<25x80xi32, #tpu.memory_space<vmem>> -> memref<1x80xi32, #tpu.memory_space<vmem>>
        %dma_start3A_636 = tpu.memref_squeeze %dma_start3A_635 : memref<1x80xi32, #tpu.memory_space<vmem>> -> memref<80xi32, #tpu.memory_space<vmem>>
        %dma_start3A_637 = arith.constant 0 : i32
        %dma_start3A_638 = arith.constant 0 : i32
        %dma_start3A_639 = tpu.memref_slice %arg6[%dma_start3A_637, %dma_start3A_638] : memref<10000x144xf32, #tpu.memory_space<hbm>> -> memref<10000x144xf32, #tpu.memory_space<hbm>>
        tpu.enqueue_indirect_dma source(%dma_start3A_639 : memref<10000x144xf32, #tpu.memory_space<hbm>>) target(%arg14 : memref<80x144xf32, #tpu.memory_space<vmem>>) offsets(%dma_start3A_636 : memref<80xi32, #tpu.memory_space<vmem>>) semaphore(%arg18 : memref<!tpu.dma_semaphore, #tpu.memory_space<semaphore_mem>>)
        %dma_start3A_640 = arith.constant 21 : i32
        %dma_start3A_641 = arith.constant 0 : i32
        %dma_start3A_642 = tpu.memref_slice %arg11[%dma_start3A_640, %dma_start3A_641] : memref<25x80xi32, #tpu.memory_space<vmem>> -> memref<1x80xi32, #tpu.memory_space<vmem>>
        %dma_start3A_643 = tpu.memref_squeeze %dma_start3A_642 : memref<1x80xi32, #tpu.memory_space<vmem>> -> memref<80xi32, #tpu.memory_space<vmem>>
        %dma_start3A_644 = arith.constant 0 : i32
        %dma_start3A_645 = arith.constant 0 : i32
        %dma_start3A_646 = tpu.memref_slice %arg15[%dma_start3A_644, %dma_start3A_645] : memref<10112x144xf32, #tpu.memory_space<vmem_shared>> -> memref<10112x144xf32, #tpu.memory_space<vmem_shared>>
        tpu.enqueue_indirect_dma source(%arg12 : memref<80x144xf32, #tpu.memory_space<vmem>>) target(%dma_start3A_646 : memref<10112x144xf32, #tpu.memory_space<vmem_shared>>) offsets(%dma_start3A_643 : memref<80xi32, #tpu.memory_space<vmem>>) semaphore(%arg19 : memref<!tpu.dma_semaphore, #tpu.memory_space<semaphore_mem>>) {add = true}
        %dma_wait3A_647 = arith.constant 22 : i32
        %dma_wait3A_648 = arith.constant 0 : i32
        %dma_wait3A_649 = tpu.memref_slice %arg10[%dma_wait3A_647, %dma_wait3A_648] : memref<25x80xi32, #tpu.memory_space<vmem>> -> memref<1x80xi32, #tpu.memory_space<vmem>>
        %dma_wait3A_650 = tpu.memref_squeeze %dma_wait3A_649 : memref<1x80xi32, #tpu.memory_space<vmem>> -> memref<80xi32, #tpu.memory_space<vmem>>
        %dma_wait3A_651 = arith.constant 0 : i32
        %dma_wait3A_652 = arith.constant 0 : i32
        %dma_wait3A_653 = tpu.memref_slice %arg6[%dma_wait3A_651, %dma_wait3A_652] : memref<10000x144xf32, #tpu.memory_space<hbm>> -> memref<10000x144xf32, #tpu.memory_space<hbm>>
        tpu.wait_indirect_dma semaphore(%arg17 : memref<!tpu.dma_semaphore, #tpu.memory_space<semaphore_mem>>) src(%dma_wait3A_653 : memref<10000x144xf32, #tpu.memory_space<hbm>>) dst(%arg13 : memref<80x144xf32, #tpu.memory_space<vmem>>)
        %dma_wait3A_654 = arith.constant 21 : i32
        %dma_wait3A_655 = arith.constant 0 : i32
        %dma_wait3A_656 = tpu.memref_slice %arg11[%dma_wait3A_654, %dma_wait3A_655] : memref<25x80xi32, #tpu.memory_space<vmem>> -> memref<1x80xi32, #tpu.memory_space<vmem>>
        %dma_wait3A_657 = tpu.memref_squeeze %dma_wait3A_656 : memref<1x80xi32, #tpu.memory_space<vmem>> -> memref<80xi32, #tpu.memory_space<vmem>>
        %dma_wait3A_658 = arith.constant 0 : i32
        %dma_wait3A_659 = arith.constant 0 : i32
        %dma_wait3A_660 = tpu.memref_slice %arg15[%dma_wait3A_658, %dma_wait3A_659] : memref<10112x144xf32, #tpu.memory_space<vmem_shared>> -> memref<10112x144xf32, #tpu.memory_space<vmem_shared>>
        tpu.wait_indirect_dma semaphore(%arg19 : memref<!tpu.dma_semaphore, #tpu.memory_space<semaphore_mem>>) src(%arg12 : memref<80x144xf32, #tpu.memory_space<vmem>>) dst(%dma_wait3A_660 : memref<10112x144xf32, #tpu.memory_space<vmem_shared>>)
        %dma_start3A_661 = arith.constant 24 : i32
        %dma_start3A_662 = arith.constant 0 : i32
        %dma_start3A_663 = tpu.memref_slice %arg10[%dma_start3A_661, %dma_start3A_662] : memref<25x80xi32, #tpu.memory_space<vmem>> -> memref<1x80xi32, #tpu.memory_space<vmem>>
        %dma_start3A_664 = tpu.memref_squeeze %dma_start3A_663 : memref<1x80xi32, #tpu.memory_space<vmem>> -> memref<80xi32, #tpu.memory_space<vmem>>
        %dma_start3A_665 = arith.constant 0 : i32
        %dma_start3A_666 = arith.constant 0 : i32
        %dma_start3A_667 = tpu.memref_slice %arg6[%dma_start3A_665, %dma_start3A_666] : memref<10000x144xf32, #tpu.memory_space<hbm>> -> memref<10000x144xf32, #tpu.memory_space<hbm>>
        tpu.enqueue_indirect_dma source(%dma_start3A_667 : memref<10000x144xf32, #tpu.memory_space<hbm>>) target(%arg12 : memref<80x144xf32, #tpu.memory_space<vmem>>) offsets(%dma_start3A_664 : memref<80xi32, #tpu.memory_space<vmem>>) semaphore(%arg16 : memref<!tpu.dma_semaphore, #tpu.memory_space<semaphore_mem>>)
        %dma_start3A_668 = arith.constant 22 : i32
        %dma_start3A_669 = arith.constant 0 : i32
        %dma_start3A_670 = tpu.memref_slice %arg11[%dma_start3A_668, %dma_start3A_669] : memref<25x80xi32, #tpu.memory_space<vmem>> -> memref<1x80xi32, #tpu.memory_space<vmem>>
        %dma_start3A_671 = tpu.memref_squeeze %dma_start3A_670 : memref<1x80xi32, #tpu.memory_space<vmem>> -> memref<80xi32, #tpu.memory_space<vmem>>
        %dma_start3A_672 = arith.constant 0 : i32
        %dma_start3A_673 = arith.constant 0 : i32
        %dma_start3A_674 = tpu.memref_slice %arg15[%dma_start3A_672, %dma_start3A_673] : memref<10112x144xf32, #tpu.memory_space<vmem_shared>> -> memref<10112x144xf32, #tpu.memory_space<vmem_shared>>
        tpu.enqueue_indirect_dma source(%arg13 : memref<80x144xf32, #tpu.memory_space<vmem>>) target(%dma_start3A_674 : memref<10112x144xf32, #tpu.memory_space<vmem_shared>>) offsets(%dma_start3A_671 : memref<80xi32, #tpu.memory_space<vmem>>) semaphore(%arg20 : memref<!tpu.dma_semaphore, #tpu.memory_space<semaphore_mem>>) {add = true}
        %dma_wait3A_675 = arith.constant 23 : i32
        %dma_wait3A_676 = arith.constant 0 : i32
        %dma_wait3A_677 = tpu.memref_slice %arg10[%dma_wait3A_675, %dma_wait3A_676] : memref<25x80xi32, #tpu.memory_space<vmem>> -> memref<1x80xi32, #tpu.memory_space<vmem>>
        %dma_wait3A_678 = tpu.memref_squeeze %dma_wait3A_677 : memref<1x80xi32, #tpu.memory_space<vmem>> -> memref<80xi32, #tpu.memory_space<vmem>>
        %dma_wait3A_679 = arith.constant 0 : i32
        %dma_wait3A_680 = arith.constant 0 : i32
        %dma_wait3A_681 = tpu.memref_slice %arg6[%dma_wait3A_679, %dma_wait3A_680] : memref<10000x144xf32, #tpu.memory_space<hbm>> -> memref<10000x144xf32, #tpu.memory_space<hbm>>
        tpu.wait_indirect_dma semaphore(%arg18 : memref<!tpu.dma_semaphore, #tpu.memory_space<semaphore_mem>>) src(%dma_wait3A_681 : memref<10000x144xf32, #tpu.memory_space<hbm>>) dst(%arg14 : memref<80x144xf32, #tpu.memory_space<vmem>>)
        %dma_start3A_682 = arith.constant 23 : i32
        %dma_start3A_683 = arith.constant 0 : i32
        %dma_start3A_684 = tpu.memref_slice %arg11[%dma_start3A_682, %dma_start3A_683] : memref<25x80xi32, #tpu.memory_space<vmem>> -> memref<1x80xi32, #tpu.memory_space<vmem>>
        %dma_start3A_685 = tpu.memref_squeeze %dma_start3A_684 : memref<1x80xi32, #tpu.memory_space<vmem>> -> memref<80xi32, #tpu.memory_space<vmem>>
        %dma_start3A_686 = arith.constant 0 : i32
        %dma_start3A_687 = arith.constant 0 : i32
        %dma_start3A_688 = tpu.memref_slice %arg15[%dma_start3A_686, %dma_start3A_687] : memref<10112x144xf32, #tpu.memory_space<vmem_shared>> -> memref<10112x144xf32, #tpu.memory_space<vmem_shared>>
        tpu.enqueue_indirect_dma source(%arg14 : memref<80x144xf32, #tpu.memory_space<vmem>>) target(%dma_start3A_688 : memref<10112x144xf32, #tpu.memory_space<vmem_shared>>) offsets(%dma_start3A_685 : memref<80xi32, #tpu.memory_space<vmem>>) semaphore(%arg21 : memref<!tpu.dma_semaphore, #tpu.memory_space<semaphore_mem>>) {add = true}
        %dma_wait3A_689 = arith.constant 24 : i32
        %dma_wait3A_690 = arith.constant 0 : i32
        %dma_wait3A_691 = tpu.memref_slice %arg10[%dma_wait3A_689, %dma_wait3A_690] : memref<25x80xi32, #tpu.memory_space<vmem>> -> memref<1x80xi32, #tpu.memory_space<vmem>>
        %dma_wait3A_692 = tpu.memref_squeeze %dma_wait3A_691 : memref<1x80xi32, #tpu.memory_space<vmem>> -> memref<80xi32, #tpu.memory_space<vmem>>
        %dma_wait3A_693 = arith.constant 0 : i32
        %dma_wait3A_694 = arith.constant 0 : i32
        %dma_wait3A_695 = tpu.memref_slice %arg6[%dma_wait3A_693, %dma_wait3A_694] : memref<10000x144xf32, #tpu.memory_space<hbm>> -> memref<10000x144xf32, #tpu.memory_space<hbm>>
        tpu.wait_indirect_dma semaphore(%arg16 : memref<!tpu.dma_semaphore, #tpu.memory_space<semaphore_mem>>) src(%dma_wait3A_695 : memref<10000x144xf32, #tpu.memory_space<hbm>>) dst(%arg12 : memref<80x144xf32, #tpu.memory_space<vmem>>)
        %dma_start3A_696 = arith.constant 24 : i32
        %dma_start3A_697 = arith.constant 0 : i32
        %dma_start3A_698 = tpu.memref_slice %arg11[%dma_start3A_696, %dma_start3A_697] : memref<25x80xi32, #tpu.memory_space<vmem>> -> memref<1x80xi32, #tpu.memory_space<vmem>>
        %dma_start3A_699 = tpu.memref_squeeze %dma_start3A_698 : memref<1x80xi32, #tpu.memory_space<vmem>> -> memref<80xi32, #tpu.memory_space<vmem>>
        %dma_start3A_700 = arith.constant 0 : i32
        %dma_start3A_701 = arith.constant 0 : i32
        %dma_start3A_702 = tpu.memref_slice %arg15[%dma_start3A_700, %dma_start3A_701] : memref<10112x144xf32, #tpu.memory_space<vmem_shared>> -> memref<10112x144xf32, #tpu.memory_space<vmem_shared>>
        tpu.enqueue_indirect_dma source(%arg12 : memref<80x144xf32, #tpu.memory_space<vmem>>) target(%dma_start3A_702 : memref<10112x144xf32, #tpu.memory_space<vmem_shared>>) offsets(%dma_start3A_699 : memref<80xi32, #tpu.memory_space<vmem>>) semaphore(%arg19 : memref<!tpu.dma_semaphore, #tpu.memory_space<semaphore_mem>>) {add = true}
        %dma_wait3A_703 = arith.constant 22 : i32
        %dma_wait3A_704 = arith.constant 0 : i32
        %dma_wait3A_705 = tpu.memref_slice %arg11[%dma_wait3A_703, %dma_wait3A_704] : memref<25x80xi32, #tpu.memory_space<vmem>> -> memref<1x80xi32, #tpu.memory_space<vmem>>
        %dma_wait3A_706 = tpu.memref_squeeze %dma_wait3A_705 : memref<1x80xi32, #tpu.memory_space<vmem>> -> memref<80xi32, #tpu.memory_space<vmem>>
        %dma_wait3A_707 = arith.constant 0 : i32
        %dma_wait3A_708 = arith.constant 0 : i32
        %dma_wait3A_709 = tpu.memref_slice %arg15[%dma_wait3A_707, %dma_wait3A_708] : memref<10112x144xf32, #tpu.memory_space<vmem_shared>> -> memref<10112x144xf32, #tpu.memory_space<vmem_shared>>
        tpu.wait_indirect_dma semaphore(%arg20 : memref<!tpu.dma_semaphore, #tpu.memory_space<semaphore_mem>>) src(%arg13 : memref<80x144xf32, #tpu.memory_space<vmem>>) dst(%dma_wait3A_709 : memref<10112x144xf32, #tpu.memory_space<vmem_shared>>)
        %dma_wait3A_710 = arith.constant 23 : i32
        %dma_wait3A_711 = arith.constant 0 : i32
        %dma_wait3A_712 = tpu.memref_slice %arg11[%dma_wait3A_710, %dma_wait3A_711] : memref<25x80xi32, #tpu.memory_space<vmem>> -> memref<1x80xi32, #tpu.memory_space<vmem>>
        %dma_wait3A_713 = tpu.memref_squeeze %dma_wait3A_712 : memref<1x80xi32, #tpu.memory_space<vmem>> -> memref<80xi32, #tpu.memory_space<vmem>>
        %dma_wait3A_714 = arith.constant 0 : i32
        %dma_wait3A_715 = arith.constant 0 : i32
        %dma_wait3A_716 = tpu.memref_slice %arg15[%dma_wait3A_714, %dma_wait3A_715] : memref<10112x144xf32, #tpu.memory_space<vmem_shared>> -> memref<10112x144xf32, #tpu.memory_space<vmem_shared>>
        tpu.wait_indirect_dma semaphore(%arg21 : memref<!tpu.dma_semaphore, #tpu.memory_space<semaphore_mem>>) src(%arg14 : memref<80x144xf32, #tpu.memory_space<vmem>>) dst(%dma_wait3A_716 : memref<10112x144xf32, #tpu.memory_space<vmem_shared>>)
        %dma_wait3A_717 = arith.constant 24 : i32
        %dma_wait3A_718 = arith.constant 0 : i32
        %dma_wait3A_719 = tpu.memref_slice %arg11[%dma_wait3A_717, %dma_wait3A_718] : memref<25x80xi32, #tpu.memory_space<vmem>> -> memref<1x80xi32, #tpu.memory_space<vmem>>
        %dma_wait3A_720 = tpu.memref_squeeze %dma_wait3A_719 : memref<1x80xi32, #tpu.memory_space<vmem>> -> memref<80xi32, #tpu.memory_space<vmem>>
        %dma_wait3A_721 = arith.constant 0 : i32
        %dma_wait3A_722 = arith.constant 0 : i32
        %dma_wait3A_723 = tpu.memref_slice %arg15[%dma_wait3A_721, %dma_wait3A_722] : memref<10112x144xf32, #tpu.memory_space<vmem_shared>> -> memref<10112x144xf32, #tpu.memory_space<vmem_shared>>
        tpu.wait_indirect_dma semaphore(%arg19 : memref<!tpu.dma_semaphore, #tpu.memory_space<semaphore_mem>>) src(%arg12 : memref<80x144xf32, #tpu.memory_space<vmem>>) dst(%dma_wait3A_723 : memref<10112x144xf32, #tpu.memory_space<vmem_shared>>)
      }
      %scan3A_15 = arith.constant 10 : i32
      %barrier3A_16 = arith.constant 0 : index
      tpu.barrier barrier_id(%barrier3A_16)
      %mul3A = arith.constant 632 : i32
      %mul3A_17 = arith.muli %arg1, %mul3A : i32
      "tpu.region"() ({
        %run_scoped3A = tpu.sem_alloc : memref<!tpu.dma_semaphore, #tpu.memory_space<semaphore_mem>>
        %dma_start3A = arith.constant 0 : i32
        %dma_start3A_18 = tpu.memref_slice %arg9[%mul3A_17, %dma_start3A] : memref<10112x144xf32, #tpu.memory_space<hbm>> -> memref<632x144xf32, #tpu.memory_space<hbm>>
        %dma_start3A_19 = arith.constant 0 : i32
        %dma_start3A_20 = tpu.memref_slice %arg15[%mul3A_17, %dma_start3A_19] : memref<10112x144xf32, #tpu.memory_space<vmem_shared>> -> memref<632x144xf32, #tpu.memory_space<vmem_shared>>
        tpu.enqueue_dma source(%dma_start3A_20 : memref<632x144xf32, #tpu.memory_space<vmem_shared>>) target(%dma_start3A_18 : memref<632x144xf32, #tpu.memory_space<hbm>>) target_semaphore(%run_scoped3A : memref<!tpu.dma_semaphore, #tpu.memory_space<semaphore_mem>>)
        %dma_wait3A = arith.constant 0 : i32
        %dma_wait3A_21 = tpu.memref_slice %arg9[%mul3A_17, %dma_wait3A] : memref<10112x144xf32, #tpu.memory_space<hbm>> -> memref<632x144xf32, #tpu.memory_space<hbm>>
        %dma_wait3A_22 = arith.constant 0 : i32
        %dma_wait3A_23 = tpu.memref_slice %arg15[%mul3A_17, %dma_wait3A_22] : memref<10112x144xf32, #tpu.memory_space<vmem_shared>> -> memref<632x144xf32, #tpu.memory_space<vmem_shared>>
        tpu.wait_dma2 semaphore(%run_scoped3A : memref<!tpu.dma_semaphore, #tpu.memory_space<semaphore_mem>>) src(%dma_wait3A_23 : memref<632x144xf32, #tpu.memory_space<vmem_shared>>) dst(%dma_wait3A_21 : memref<632x144xf32, #tpu.memory_space<hbm>>)
        tpu.yield
      }) : () -> ()
    } else {
    }
    return
  }
}

module attributes {stable_mosaic.version = 14 : i64} {
  func.func @_tables_body(%arg0: memref<10000x128xf32, #tpu.memory_space<vmem>>, %arg1: memref<1x128xf32, #tpu.memory_space<vmem>>, %arg2: memref<1x128xf32, #tpu.memory_space<vmem>>, %arg3: memref<384x128xf32, #tpu.memory_space<vmem>>, %arg4: memref<1x128xf32, #tpu.memory_space<vmem>>, %arg5: memref<384x128xf32, #tpu.memory_space<vmem>>, %arg6: memref<1x128xf32, #tpu.memory_space<vmem>>, %arg7: memref<384x128xf32, #tpu.memory_space<vmem>>, %arg8: memref<1x128xf32, #tpu.memory_space<vmem>>, %arg9: memref<128x128xf32, #tpu.memory_space<vmem>>, %arg10: memref<384x128xf32, #tpu.memory_space<vmem>>, %arg11: memref<1x128xf32, #tpu.memory_space<vmem>>, %arg12: memref<384x128xf32, #tpu.memory_space<vmem>>, %arg13: memref<1x128xf32, #tpu.memory_space<vmem>>, %arg14: memref<384x128xf32, #tpu.memory_space<vmem>>, %arg15: memref<1x128xf32, #tpu.memory_space<vmem>>, %arg16: memref<128x128xf32, #tpu.memory_space<vmem>>, %arg17: memref<10000x144xf32, #tpu.memory_space<vmem>>, %arg18: memref<10000x144xf32, #tpu.memory_space<vmem>>) attributes {dimension_semantics = [], scalar_prefetch = 0 : i64, scratch_operands = 0 : i64, tpu.core_type = #tpu.core_type<tc>} {
    %get3A = arith.constant 0 : index
    %get3A_0 = arith.constant 0 : index
    %get3A_1 = vector.load %arg0[%get3A, %get3A_0] : memref<10000x128xf32, #tpu.memory_space<vmem>>, vector<10000x128xf32>
    %get3A_2 = arith.constant 0 : index
    %get3A_3 = arith.constant 0 : index
    %get3A_4 = vector.load %arg1[%get3A_2, %get3A_3] : memref<1x128xf32, #tpu.memory_space<vmem>>, vector<1x128xf32>
    %get3A_5 = arith.constant 0 : index
    %get3A_6 = arith.constant 0 : index
    %get3A_7 = vector.load %arg2[%get3A_5, %get3A_6] : memref<1x128xf32, #tpu.memory_space<vmem>>, vector<1x128xf32>
    %iota3A = tpu.iota {dimensions = array<i32: 1>} : vector<10000x16xi32>
    %get3A_8 = arith.constant 0 : index
    %get3A_9 = arith.constant 0 : index
    %get3A_10 = vector.load %arg3[%get3A_8, %get3A_9] : memref<384x128xf32, #tpu.memory_space<vmem>>, vector<384x128xf32>
    %get3A_11 = arith.constant 0 : index
    %get3A_12 = arith.constant 0 : index
    %get3A_13 = vector.load %arg5[%get3A_11, %get3A_12] : memref<384x128xf32, #tpu.memory_space<vmem>>, vector<384x128xf32>
    %get3A_14 = arith.constant 0 : index
    %get3A_15 = arith.constant 0 : index
    %get3A_16 = vector.load %arg7[%get3A_14, %get3A_15] : memref<384x128xf32, #tpu.memory_space<vmem>>, vector<384x128xf32>
    %get3A_17 = arith.constant 0 : index
    %get3A_18 = arith.constant 0 : index
    %get3A_19 = vector.load %arg9[%get3A_17, %get3A_18] : memref<128x128xf32, #tpu.memory_space<vmem>>, vector<128x128xf32>
    %slice3A = vector.extract_strided_slice %get3A_10 {offsets = [0, 0], sizes = [128, 128], strides = [1, 1]} : vector<384x128xf32> to vector<128x128xf32>
    %dot_general3A = arith.constant dense<0.000000e+00> : vector<1x128xf32>
    %dot_general3A_20 = tpu.matmul %get3A_4, %slice3A, %dot_general3A {dimension_numbers = #tpu.dot_dimension_numbers<[1], [0], [0], [1], [0, 0, 1, 1], [], []>, transpose_lhs_hint = false} : vector<1x128xf32>, vector<128x128xf32>, vector<1x128xf32> -> vector<1x128xf32>
    %slice3A_21 = vector.extract_strided_slice %get3A_10 {offsets = [128, 0], sizes = [128, 128], strides = [1, 1]} : vector<384x128xf32> to vector<128x128xf32>
    %dot_general3A_22 = arith.constant dense<0.000000e+00> : vector<1x128xf32>
    %dot_general3A_23 = tpu.matmul %get3A_7, %slice3A_21, %dot_general3A_22 {dimension_numbers = #tpu.dot_dimension_numbers<[1], [0], [0], [1], [0, 0, 1, 1], [], []>, transpose_lhs_hint = false} : vector<1x128xf32>, vector<128x128xf32>, vector<1x128xf32> -> vector<1x128xf32>
    %add3A = arith.addf %dot_general3A_20, %dot_general3A_23 : vector<1x128xf32>
    %get3A_24 = arith.constant 0 : index
    %get3A_25 = arith.constant 0 : index
    %get3A_26 = vector.load %arg4[%get3A_24, %get3A_25] : memref<1x128xf32, #tpu.memory_space<vmem>>, vector<1x128xf32>
    %add3A_27 = arith.addf %add3A, %get3A_26 : vector<1x128xf32>
    %slice3A_28 = vector.extract_strided_slice %get3A_13 {offsets = [0, 0], sizes = [128, 128], strides = [1, 1]} : vector<384x128xf32> to vector<128x128xf32>
    %dot_general3A_29 = arith.constant dense<0.000000e+00> : vector<1x128xf32>
    %dot_general3A_30 = tpu.matmul %get3A_4, %slice3A_28, %dot_general3A_29 {dimension_numbers = #tpu.dot_dimension_numbers<[1], [0], [0], [1], [0, 0, 1, 1], [], []>, transpose_lhs_hint = false} : vector<1x128xf32>, vector<128x128xf32>, vector<1x128xf32> -> vector<1x128xf32>
    %slice3A_31 = vector.extract_strided_slice %get3A_13 {offsets = [128, 0], sizes = [128, 128], strides = [1, 1]} : vector<384x128xf32> to vector<128x128xf32>
    %dot_general3A_32 = arith.constant dense<0.000000e+00> : vector<1x128xf32>
    %dot_general3A_33 = tpu.matmul %get3A_7, %slice3A_31, %dot_general3A_32 {dimension_numbers = #tpu.dot_dimension_numbers<[1], [0], [0], [1], [0, 0, 1, 1], [], []>, transpose_lhs_hint = false} : vector<1x128xf32>, vector<128x128xf32>, vector<1x128xf32> -> vector<1x128xf32>
    %add3A_34 = arith.addf %dot_general3A_30, %dot_general3A_33 : vector<1x128xf32>
    %get3A_35 = arith.constant 0 : index
    %get3A_36 = arith.constant 0 : index
    %get3A_37 = vector.load %arg6[%get3A_35, %get3A_36] : memref<1x128xf32, #tpu.memory_space<vmem>>, vector<1x128xf32>
    %add3A_38 = arith.addf %add3A_34, %get3A_37 : vector<1x128xf32>
    %slice3A_39 = vector.extract_strided_slice %get3A_10 {offsets = [256, 0], sizes = [128, 128], strides = [1, 1]} : vector<384x128xf32> to vector<128x128xf32>
    %dot_general3A_40 = arith.constant dense<0.000000e+00> : vector<10000x128xf32>
    %dot_general3A_41 = tpu.matmul %get3A_1, %slice3A_39, %dot_general3A_40 {dimension_numbers = #tpu.dot_dimension_numbers<[1], [0], [0], [1], [0, 0, 1, 1], [], []>, transpose_lhs_hint = false} : vector<10000x128xf32>, vector<128x128xf32>, vector<10000x128xf32> -> vector<10000x128xf32>
    %add3A_42 = vector.broadcast %add3A_27 : vector<1x128xf32> to vector<10000x128xf32>
    %add3A_43 = arith.addf %dot_general3A_41, %add3A_42 : vector<10000x128xf32>
    %slice3A_44 = vector.extract_strided_slice %get3A_13 {offsets = [256, 0], sizes = [128, 128], strides = [1, 1]} : vector<384x128xf32> to vector<128x128xf32>
    %dot_general3A_45 = arith.constant dense<0.000000e+00> : vector<10000x128xf32>
    %dot_general3A_46 = tpu.matmul %get3A_1, %slice3A_44, %dot_general3A_45 {dimension_numbers = #tpu.dot_dimension_numbers<[1], [0], [0], [1], [0, 0, 1, 1], [], []>, transpose_lhs_hint = false} : vector<10000x128xf32>, vector<128x128xf32>, vector<10000x128xf32> -> vector<10000x128xf32>
    %add3A_47 = vector.broadcast %add3A_38 : vector<1x128xf32> to vector<10000x128xf32>
    %add3A_48 = arith.addf %dot_general3A_46, %add3A_47 : vector<10000x128xf32>
    %mul3A = arith.mulf %add3A_43, %add3A_48 : vector<10000x128xf32>
    %reduce_sum3A = arith.constant dense<0.000000e+00> : vector<10000xf32>
    %reduce_sum3A_49 = vector.multi_reduction <add>, %mul3A, %reduce_sum3A [1] : vector<10000x128xf32> to vector<10000xf32>
    %broadcast_in_dim3A = vector.shape_cast %reduce_sum3A_49 : vector<10000xf32> to vector<10000x1xf32>
    %mul3A_50 = arith.constant 0.0883883461 : f32
    %mul3A_51 = vector.broadcast %mul3A_50 : f32 to vector<10000x1xf32>
    %mul3A_52 = arith.mulf %broadcast_in_dim3A, %mul3A_51 : vector<10000x1xf32>
    %reduce_max3A = vector.shape_cast %mul3A_52 : vector<10000x1xf32> to vector<1x10000x1xf32>
    %reduce_max3A_53 = arith.constant dense<0xFF800000> : vector<1xf32>
    %reduce_max3A_54 = vector.multi_reduction <maximumf>, %reduce_max3A, %reduce_max3A_53 [1, 2] : vector<1x10000x1xf32> to vector<1xf32>
    %reduce_max3A_55 = vector.shape_cast %reduce_max3A_54 : vector<1xf32> to vector<1x1x1xf32>
    %reduce_max3A_56 = vector.extract %reduce_max3A_55[0, 0, 0] : f32 from vector<1x1x1xf32>
    %sub3A = vector.broadcast %reduce_max3A_56 : f32 to vector<10000x1xf32>
    %sub3A_57 = arith.subf %mul3A_52, %sub3A : vector<10000x1xf32>
    %exp3A = math.exp %sub3A_57 : vector<10000x1xf32>
    %slice3A_58 = vector.extract_strided_slice %get3A_16 {offsets = [0, 0], sizes = [128, 128], strides = [1, 1]} : vector<384x128xf32> to vector<128x128xf32>
    %dot_general3A_59 = arith.constant dense<0.000000e+00> : vector<1x128xf32>
    %dot_general3A_60 = tpu.matmul %get3A_4, %slice3A_58, %dot_general3A_59 {dimension_numbers = #tpu.dot_dimension_numbers<[1], [0], [0], [1], [0, 0, 1, 1], [], []>, transpose_lhs_hint = false} : vector<1x128xf32>, vector<128x128xf32>, vector<1x128xf32> -> vector<1x128xf32>
    %slice3A_61 = vector.extract_strided_slice %get3A_16 {offsets = [128, 0], sizes = [128, 128], strides = [1, 1]} : vector<384x128xf32> to vector<128x128xf32>
    %dot_general3A_62 = arith.constant dense<0.000000e+00> : vector<1x128xf32>
    %dot_general3A_63 = tpu.matmul %get3A_7, %slice3A_61, %dot_general3A_62 {dimension_numbers = #tpu.dot_dimension_numbers<[1], [0], [0], [1], [0, 0, 1, 1], [], []>, transpose_lhs_hint = false} : vector<1x128xf32>, vector<128x128xf32>, vector<1x128xf32> -> vector<1x128xf32>
    %add3A_64 = arith.addf %dot_general3A_60, %dot_general3A_63 : vector<1x128xf32>
    %get3A_65 = arith.constant 0 : index
    %get3A_66 = arith.constant 0 : index
    %get3A_67 = vector.load %arg8[%get3A_65, %get3A_66] : memref<1x128xf32, #tpu.memory_space<vmem>>, vector<1x128xf32>
    %add3A_68 = arith.addf %add3A_64, %get3A_67 : vector<1x128xf32>
    %dot_general3A_69 = arith.constant dense<0.000000e+00> : vector<1x128xf32>
    %dot_general3A_70 = tpu.matmul %add3A_68, %get3A_19, %dot_general3A_69 {dimension_numbers = #tpu.dot_dimension_numbers<[1], [0], [0], [1], [0, 0, 1, 1], [], []>, transpose_lhs_hint = false} : vector<1x128xf32>, vector<128x128xf32>, vector<1x128xf32> -> vector<1x128xf32>
    %slice3A_71 = vector.extract_strided_slice %get3A_16 {offsets = [256, 0], sizes = [128, 128], strides = [1, 1]} : vector<384x128xf32> to vector<128x128xf32>
    %dot_general3A_72 = arith.constant dense<0.000000e+00> : vector<128x128xf32>
    %dot_general3A_73 = tpu.matmul %slice3A_71, %get3A_19, %dot_general3A_72 {dimension_numbers = #tpu.dot_dimension_numbers<[1], [0], [0], [1], [0, 0, 1, 1], [], []>, transpose_lhs_hint = false} : vector<128x128xf32>, vector<128x128xf32>, vector<128x128xf32> -> vector<128x128xf32>
    %dot_general3A_74 = arith.constant dense<0.000000e+00> : vector<10000x128xf32>
    %dot_general3A_75 = tpu.matmul %get3A_1, %dot_general3A_73, %dot_general3A_74 {dimension_numbers = #tpu.dot_dimension_numbers<[1], [0], [0], [1], [0, 0, 1, 1], [], []>, transpose_lhs_hint = false} : vector<10000x128xf32>, vector<128x128xf32>, vector<10000x128xf32> -> vector<10000x128xf32>
    %add3A_76 = vector.broadcast %dot_general3A_70 : vector<1x128xf32> to vector<10000x128xf32>
    %add3A_77 = arith.addf %dot_general3A_75, %add3A_76 : vector<10000x128xf32>
    %mul3A_78 = vector.broadcast %exp3A : vector<10000x1xf32> to vector<10000x128xf32>
    %mul3A_79 = arith.mulf %mul3A_78, %add3A_77 : vector<10000x128xf32>
    %swap3A = arith.constant 0 : index
    %swap3A_80 = arith.constant 0 : index
    %swap3A_81 = vector.load %arg17[%swap3A, %swap3A_80] : memref<10000x144xf32, #tpu.memory_space<vmem>>, vector<10000x128xf32>
    tpu.vector_store %arg17[%swap3A, %swap3A_80], %mul3A_79 {strides = array<i32>} : memref<10000x144xf32, #tpu.memory_space<vmem>>, vector<10000x128xf32>,
    %eq3A = arith.constant 0 : i32
    %eq3A_82 = vector.broadcast %eq3A : i32 to vector<10000x16xi32>
    %eq3A_83 = arith.cmpi eq, %iota3A, %eq3A_82 : vector<10000x16xi32>
    %eq3A_84 = arith.constant 1 : i32
    %eq3A_85 = vector.broadcast %eq3A_84 : i32 to vector<10000x16xi32>
    %eq3A_86 = arith.cmpi eq, %iota3A, %eq3A_85 : vector<10000x16xi32>
    %jit3A = arith.constant 1.000000e+00 : f32
    %jit3A_87 = arith.constant 0.000000e+00 : f32
    %broadcast_in_dim3A_88 = vector.broadcast %jit3A : f32 to vector<10000x16xf32>
    %broadcast_in_dim3A_89 = vector.broadcast %jit3A_87 : f32 to vector<10000x16xf32>
    %select_n3A = arith.select %eq3A_86, %broadcast_in_dim3A_88, %broadcast_in_dim3A_89 : vector<10000x16xi1>, vector<10000x16xf32>
    %broadcast_in_dim3A_90 = vector.shape_cast %exp3A : vector<10000x1xf32> to vector<10000x1xf32>
    %broadcast_in_dim3A_91 = vector.broadcast %broadcast_in_dim3A_90 : vector<10000x1xf32> to vector<10000x16xf32>
    %select_n3A_92 = arith.select %eq3A_83, %broadcast_in_dim3A_91, %select_n3A : vector<10000x16xi1>, vector<10000x16xf32>
    %swap3A_93 = arith.constant 0 : index
    %swap3A_94 = arith.constant 128 : index
    %swap3A_95 = vector.load %arg17[%swap3A_93, %swap3A_94] : memref<10000x144xf32, #tpu.memory_space<vmem>>, vector<10000x16xf32>
    tpu.vector_store %arg17[%swap3A_93, %swap3A_94], %select_n3A_92 {strides = array<i32>} : memref<10000x144xf32, #tpu.memory_space<vmem>>, vector<10000x16xf32>,
    %get3A_96 = arith.constant 0 : index
    %get3A_97 = arith.constant 0 : index
    %get3A_98 = vector.load %arg10[%get3A_96, %get3A_97] : memref<384x128xf32, #tpu.memory_space<vmem>>, vector<384x128xf32>
    %get3A_99 = arith.constant 0 : index
    %get3A_100 = arith.constant 0 : index
    %get3A_101 = vector.load %arg12[%get3A_99, %get3A_100] : memref<384x128xf32, #tpu.memory_space<vmem>>, vector<384x128xf32>
    %get3A_102 = arith.constant 0 : index
    %get3A_103 = arith.constant 0 : index
    %get3A_104 = vector.load %arg14[%get3A_102, %get3A_103] : memref<384x128xf32, #tpu.memory_space<vmem>>, vector<384x128xf32>
    %get3A_105 = arith.constant 0 : index
    %get3A_106 = arith.constant 0 : index
    %get3A_107 = vector.load %arg16[%get3A_105, %get3A_106] : memref<128x128xf32, #tpu.memory_space<vmem>>, vector<128x128xf32>
    %slice3A_108 = vector.extract_strided_slice %get3A_98 {offsets = [0, 0], sizes = [128, 128], strides = [1, 1]} : vector<384x128xf32> to vector<128x128xf32>
    %dot_general3A_109 = arith.constant dense<0.000000e+00> : vector<1x128xf32>
    %dot_general3A_110 = tpu.matmul %get3A_4, %slice3A_108, %dot_general3A_109 {dimension_numbers = #tpu.dot_dimension_numbers<[1], [0], [0], [1], [0, 0, 1, 1], [], []>, transpose_lhs_hint = false} : vector<1x128xf32>, vector<128x128xf32>, vector<1x128xf32> -> vector<1x128xf32>
    %slice3A_111 = vector.extract_strided_slice %get3A_98 {offsets = [128, 0], sizes = [128, 128], strides = [1, 1]} : vector<384x128xf32> to vector<128x128xf32>
    %dot_general3A_112 = arith.constant dense<0.000000e+00> : vector<1x128xf32>
    %dot_general3A_113 = tpu.matmul %get3A_7, %slice3A_111, %dot_general3A_112 {dimension_numbers = #tpu.dot_dimension_numbers<[1], [0], [0], [1], [0, 0, 1, 1], [], []>, transpose_lhs_hint = false} : vector<1x128xf32>, vector<128x128xf32>, vector<1x128xf32> -> vector<1x128xf32>
    %add3A_114 = arith.addf %dot_general3A_110, %dot_general3A_113 : vector<1x128xf32>
    %get3A_115 = arith.constant 0 : index
    %get3A_116 = arith.constant 0 : index
    %get3A_117 = vector.load %arg11[%get3A_115, %get3A_116] : memref<1x128xf32, #tpu.memory_space<vmem>>, vector<1x128xf32>
    %add3A_118 = arith.addf %add3A_114, %get3A_117 : vector<1x128xf32>
    %slice3A_119 = vector.extract_strided_slice %get3A_101 {offsets = [0, 0], sizes = [128, 128], strides = [1, 1]} : vector<384x128xf32> to vector<128x128xf32>
    %dot_general3A_120 = arith.constant dense<0.000000e+00> : vector<1x128xf32>
    %dot_general3A_121 = tpu.matmul %get3A_4, %slice3A_119, %dot_general3A_120 {dimension_numbers = #tpu.dot_dimension_numbers<[1], [0], [0], [1], [0, 0, 1, 1], [], []>, transpose_lhs_hint = false} : vector<1x128xf32>, vector<128x128xf32>, vector<1x128xf32> -> vector<1x128xf32>
    %slice3A_122 = vector.extract_strided_slice %get3A_101 {offsets = [128, 0], sizes = [128, 128], strides = [1, 1]} : vector<384x128xf32> to vector<128x128xf32>
    %dot_general3A_123 = arith.constant dense<0.000000e+00> : vector<1x128xf32>
    %dot_general3A_124 = tpu.matmul %get3A_7, %slice3A_122, %dot_general3A_123 {dimension_numbers = #tpu.dot_dimension_numbers<[1], [0], [0], [1], [0, 0, 1, 1], [], []>, transpose_lhs_hint = false} : vector<1x128xf32>, vector<128x128xf32>, vector<1x128xf32> -> vector<1x128xf32>
    %add3A_125 = arith.addf %dot_general3A_121, %dot_general3A_124 : vector<1x128xf32>
    %get3A_126 = arith.constant 0 : index
    %get3A_127 = arith.constant 0 : index
    %get3A_128 = vector.load %arg13[%get3A_126, %get3A_127] : memref<1x128xf32, #tpu.memory_space<vmem>>, vector<1x128xf32>
    %add3A_129 = arith.addf %add3A_125, %get3A_128 : vector<1x128xf32>
    %slice3A_130 = vector.extract_strided_slice %get3A_98 {offsets = [256, 0], sizes = [128, 128], strides = [1, 1]} : vector<384x128xf32> to vector<128x128xf32>
    %dot_general3A_131 = arith.constant dense<0.000000e+00> : vector<10000x128xf32>
    %dot_general3A_132 = tpu.matmul %get3A_1, %slice3A_130, %dot_general3A_131 {dimension_numbers = #tpu.dot_dimension_numbers<[1], [0], [0], [1], [0, 0, 1, 1], [], []>, transpose_lhs_hint = false} : vector<10000x128xf32>, vector<128x128xf32>, vector<10000x128xf32> -> vector<10000x128xf32>
    %add3A_133 = vector.broadcast %add3A_118 : vector<1x128xf32> to vector<10000x128xf32>
    %add3A_134 = arith.addf %dot_general3A_132, %add3A_133 : vector<10000x128xf32>
    %slice3A_135 = vector.extract_strided_slice %get3A_101 {offsets = [256, 0], sizes = [128, 128], strides = [1, 1]} : vector<384x128xf32> to vector<128x128xf32>
    %dot_general3A_136 = arith.constant dense<0.000000e+00> : vector<10000x128xf32>
    %dot_general3A_137 = tpu.matmul %get3A_1, %slice3A_135, %dot_general3A_136 {dimension_numbers = #tpu.dot_dimension_numbers<[1], [0], [0], [1], [0, 0, 1, 1], [], []>, transpose_lhs_hint = false} : vector<10000x128xf32>, vector<128x128xf32>, vector<10000x128xf32> -> vector<10000x128xf32>
    %add3A_138 = vector.broadcast %add3A_129 : vector<1x128xf32> to vector<10000x128xf32>
    %add3A_139 = arith.addf %dot_general3A_137, %add3A_138 : vector<10000x128xf32>
    %mul3A_140 = arith.mulf %add3A_134, %add3A_139 : vector<10000x128xf32>
    %reduce_sum3A_141 = arith.constant dense<0.000000e+00> : vector<10000xf32>
    %reduce_sum3A_142 = vector.multi_reduction <add>, %mul3A_140, %reduce_sum3A_141 [1] : vector<10000x128xf32> to vector<10000xf32>
    %broadcast_in_dim3A_143 = vector.shape_cast %reduce_sum3A_142 : vector<10000xf32> to vector<10000x1xf32>
    %mul3A_144 = arith.constant 0.0883883461 : f32
    %mul3A_145 = vector.broadcast %mul3A_144 : f32 to vector<10000x1xf32>
    %mul3A_146 = arith.mulf %broadcast_in_dim3A_143, %mul3A_145 : vector<10000x1xf32>
    %reduce_max3A_147 = vector.shape_cast %mul3A_146 : vector<10000x1xf32> to vector<1x10000x1xf32>
    %reduce_max3A_148 = arith.constant dense<0xFF800000> : vector<1xf32>
    %reduce_max3A_149 = vector.multi_reduction <maximumf>, %reduce_max3A_147, %reduce_max3A_148 [1, 2] : vector<1x10000x1xf32> to vector<1xf32>
    %reduce_max3A_150 = vector.shape_cast %reduce_max3A_149 : vector<1xf32> to vector<1x1x1xf32>
    %reduce_max3A_151 = vector.extract %reduce_max3A_150[0, 0, 0] : f32 from vector<1x1x1xf32>
    %sub3A_152 = vector.broadcast %reduce_max3A_151 : f32 to vector<10000x1xf32>
    %sub3A_153 = arith.subf %mul3A_146, %sub3A_152 : vector<10000x1xf32>
    %exp3A_154 = math.exp %sub3A_153 : vector<10000x1xf32>
    %slice3A_155 = vector.extract_strided_slice %get3A_104 {offsets = [0, 0], sizes = [128, 128], strides = [1, 1]} : vector<384x128xf32> to vector<128x128xf32>
    %dot_general3A_156 = arith.constant dense<0.000000e+00> : vector<1x128xf32>
    %dot_general3A_157 = tpu.matmul %get3A_4, %slice3A_155, %dot_general3A_156 {dimension_numbers = #tpu.dot_dimension_numbers<[1], [0], [0], [1], [0, 0, 1, 1], [], []>, transpose_lhs_hint = false} : vector<1x128xf32>, vector<128x128xf32>, vector<1x128xf32> -> vector<1x128xf32>
    %slice3A_158 = vector.extract_strided_slice %get3A_104 {offsets = [128, 0], sizes = [128, 128], strides = [1, 1]} : vector<384x128xf32> to vector<128x128xf32>
    %dot_general3A_159 = arith.constant dense<0.000000e+00> : vector<1x128xf32>
    %dot_general3A_160 = tpu.matmul %get3A_7, %slice3A_158, %dot_general3A_159 {dimension_numbers = #tpu.dot_dimension_numbers<[1], [0], [0], [1], [0, 0, 1, 1], [], []>, transpose_lhs_hint = false} : vector<1x128xf32>, vector<128x128xf32>, vector<1x128xf32> -> vector<1x128xf32>
    %add3A_161 = arith.addf %dot_general3A_157, %dot_general3A_160 : vector<1x128xf32>
    %get3A_162 = arith.constant 0 : index
    %get3A_163 = arith.constant 0 : index
    %get3A_164 = vector.load %arg15[%get3A_162, %get3A_163] : memref<1x128xf32, #tpu.memory_space<vmem>>, vector<1x128xf32>
    %add3A_165 = arith.addf %add3A_161, %get3A_164 : vector<1x128xf32>
    %dot_general3A_166 = arith.constant dense<0.000000e+00> : vector<1x128xf32>
    %dot_general3A_167 = tpu.matmul %add3A_165, %get3A_107, %dot_general3A_166 {dimension_numbers = #tpu.dot_dimension_numbers<[1], [0], [0], [1], [0, 0, 1, 1], [], []>, transpose_lhs_hint = false} : vector<1x128xf32>, vector<128x128xf32>, vector<1x128xf32> -> vector<1x128xf32>
    %slice3A_168 = vector.extract_strided_slice %get3A_104 {offsets = [256, 0], sizes = [128, 128], strides = [1, 1]} : vector<384x128xf32> to vector<128x128xf32>
    %dot_general3A_169 = arith.constant dense<0.000000e+00> : vector<128x128xf32>
    %dot_general3A_170 = tpu.matmul %slice3A_168, %get3A_107, %dot_general3A_169 {dimension_numbers = #tpu.dot_dimension_numbers<[1], [0], [0], [1], [0, 0, 1, 1], [], []>, transpose_lhs_hint = false} : vector<128x128xf32>, vector<128x128xf32>, vector<128x128xf32> -> vector<128x128xf32>
    %dot_general3A_171 = arith.constant dense<0.000000e+00> : vector<10000x128xf32>
    %dot_general3A_172 = tpu.matmul %get3A_1, %dot_general3A_170, %dot_general3A_171 {dimension_numbers = #tpu.dot_dimension_numbers<[1], [0], [0], [1], [0, 0, 1, 1], [], []>, transpose_lhs_hint = false} : vector<10000x128xf32>, vector<128x128xf32>, vector<10000x128xf32> -> vector<10000x128xf32>
    %add3A_173 = vector.broadcast %dot_general3A_167 : vector<1x128xf32> to vector<10000x128xf32>
    %add3A_174 = arith.addf %dot_general3A_172, %add3A_173 : vector<10000x128xf32>
    %mul3A_175 = vector.broadcast %exp3A_154 : vector<10000x1xf32> to vector<10000x128xf32>
    %mul3A_176 = arith.mulf %mul3A_175, %add3A_174 : vector<10000x128xf32>
    %swap3A_177 = arith.constant 0 : index
    %swap3A_178 = arith.constant 0 : index
    %swap3A_179 = vector.load %arg18[%swap3A_177, %swap3A_178] : memref<10000x144xf32, #tpu.memory_space<vmem>>, vector<10000x128xf32>
    tpu.vector_store %arg18[%swap3A_177, %swap3A_178], %mul3A_176 {strides = array<i32>} : memref<10000x144xf32, #tpu.memory_space<vmem>>, vector<10000x128xf32>,
    %eq3A_180 = arith.constant 0 : i32
    %eq3A_181 = vector.broadcast %eq3A_180 : i32 to vector<10000x16xi32>
    %eq3A_182 = arith.cmpi eq, %iota3A, %eq3A_181 : vector<10000x16xi32>
    %eq3A_183 = arith.constant 1 : i32
    %eq3A_184 = vector.broadcast %eq3A_183 : i32 to vector<10000x16xi32>
    %eq3A_185 = arith.cmpi eq, %iota3A, %eq3A_184 : vector<10000x16xi32>
    %jit3A_186 = arith.constant 1.000000e+00 : f32
    %jit3A_187 = arith.constant 0.000000e+00 : f32
    %broadcast_in_dim3A_188 = vector.broadcast %jit3A_186 : f32 to vector<10000x16xf32>
    %broadcast_in_dim3A_189 = vector.broadcast %jit3A_187 : f32 to vector<10000x16xf32>
    %select_n3A_190 = arith.select %eq3A_185, %broadcast_in_dim3A_188, %broadcast_in_dim3A_189 : vector<10000x16xi1>, vector<10000x16xf32>
    %broadcast_in_dim3A_191 = vector.shape_cast %exp3A_154 : vector<10000x1xf32> to vector<10000x1xf32>
    %broadcast_in_dim3A_192 = vector.broadcast %broadcast_in_dim3A_191 : vector<10000x1xf32> to vector<10000x16xf32>
    %select_n3A_193 = arith.select %eq3A_182, %broadcast_in_dim3A_192, %select_n3A_190 : vector<10000x16xi1>, vector<10000x16xf32>
    %swap3A_194 = arith.constant 0 : index
    %swap3A_195 = arith.constant 128 : index
    %swap3A_196 = vector.load %arg18[%swap3A_194, %swap3A_195] : memref<10000x144xf32, #tpu.memory_space<vmem>>, vector<10000x16xf32>
    tpu.vector_store %arg18[%swap3A_194, %swap3A_195], %select_n3A_193 {strides = array<i32>} : memref<10000x144xf32, #tpu.memory_space<vmem>>, vector<10000x16xf32>,
    return
  }
}

module attributes {stable_mosaic.version = 14 : i64} {
  func.func @_finalize_body(%arg0: memref<10112x144xf32, #tpu.memory_space<vmem>>, %arg1: memref<10112x144xf32, #tpu.memory_space<vmem>>, %arg2: memref<1x128xf32, #tpu.memory_space<vmem>>, %arg3: memref<1x128xf32, #tpu.memory_space<vmem>>, %arg4: memref<1x128xf32, #tpu.memory_space<vmem>>, %arg5: memref<1x128xf32, #tpu.memory_space<vmem>>, %arg6: memref<1x128xf32, #tpu.memory_space<vmem>>, %arg7: memref<1x128xf32, #tpu.memory_space<vmem>>, %arg8: memref<10000x128xf32, #tpu.memory_space<vmem>>, %arg9: memref<10000x128xf32, #tpu.memory_space<vmem>>) attributes {dimension_semantics = [], scalar_prefetch = 0 : i64, scratch_operands = 0 : i64, tpu.core_type = #tpu.core_type<tc>} {
    %get3A = arith.constant 0 : index
    %get3A_0 = arith.constant 0 : index
    %get3A_1 = vector.load %arg0[%get3A, %get3A_0] : memref<10112x144xf32, #tpu.memory_space<vmem>>, vector<10000x128xf32>
    %get3A_2 = arith.constant 0 : index
    %get3A_3 = arith.constant 128 : index
    %get3A_4 = vector.load %arg0[%get3A_2, %get3A_3] : memref<10112x144xf32, #tpu.memory_space<vmem>>, vector<10000x16xf32>
    %slice3A = vector.extract_strided_slice %get3A_4 {offsets = [0, 0], sizes = [10000, 1], strides = [1, 1]} : vector<10000x16xf32> to vector<10000x1xf32>
    %slice3A_5 = vector.extract_strided_slice %get3A_4 {offsets = [0, 1], sizes = [10000, 1], strides = [1, 1]} : vector<10000x16xf32> to vector<10000x1xf32>
    %get3A_6 = arith.constant 0 : index
    %get3A_7 = arith.constant 0 : index
    %get3A_8 = vector.load %arg2[%get3A_6, %get3A_7] : memref<1x128xf32, #tpu.memory_space<vmem>>, vector<1x128xf32>
    %add3A = arith.constant 1.000000e-16 : f32
    %add3A_9 = vector.broadcast %add3A : f32 to vector<10000x1xf32>
    %add3A_10 = arith.addf %slice3A, %add3A_9 : vector<10000x1xf32>
    %div3A = vector.broadcast %add3A_10 : vector<10000x1xf32> to vector<10000x128xf32>
    %div3A_11 = arith.divf %get3A_1, %div3A : vector<10000x128xf32>
    %add3A_12 = vector.broadcast %get3A_8 : vector<1x128xf32> to vector<10000x128xf32>
    %add3A_13 = arith.addf %add3A_12, %div3A_11 : vector<10000x128xf32>
    %get3A_14 = arith.constant 0 : index
    %get3A_15 = arith.constant 0 : index
    %get3A_16 = vector.load %arg4[%get3A_14, %get3A_15] : memref<1x128xf32, #tpu.memory_space<vmem>>, vector<1x128xf32>
    %mul3A = vector.broadcast %slice3A_5 : vector<10000x1xf32> to vector<10000x128xf32>
    %mul3A_17 = vector.broadcast %get3A_16 : vector<1x128xf32> to vector<10000x128xf32>
    %mul3A_18 = arith.mulf %mul3A, %mul3A_17 : vector<10000x128xf32>
    %add3A_19 = arith.addf %add3A_13, %mul3A_18 : vector<10000x128xf32>
    %reduce_sum3A = arith.constant dense<0.000000e+00> : vector<10000xf32>
    %reduce_sum3A_20 = vector.multi_reduction <add>, %add3A_19, %reduce_sum3A [1] : vector<10000x128xf32> to vector<10000xf32>
    %broadcast_in_dim3A = vector.shape_cast %reduce_sum3A_20 : vector<10000xf32> to vector<10000x1xf32>
    %div3A_21 = arith.constant 1.280000e+02 : f32
    %div3A_22 = vector.broadcast %div3A_21 : f32 to vector<10000x1xf32>
    %div3A_23 = arith.divf %broadcast_in_dim3A, %div3A_22 : vector<10000x1xf32>
    %sub3A = vector.broadcast %div3A_23 : vector<10000x1xf32> to vector<10000x128xf32>
    %sub3A_24 = arith.subf %add3A_19, %sub3A : vector<10000x128xf32>
    %mul3A_25 = arith.mulf %sub3A_24, %sub3A_24 : vector<10000x128xf32>
    %reduce_sum3A_26 = arith.constant dense<0.000000e+00> : vector<10000xf32>
    %reduce_sum3A_27 = vector.multi_reduction <add>, %mul3A_25, %reduce_sum3A_26 [1] : vector<10000x128xf32> to vector<10000xf32>
    %broadcast_in_dim3A_28 = vector.shape_cast %reduce_sum3A_27 : vector<10000xf32> to vector<10000x1xf32>
    %div3A_29 = arith.constant 1.280000e+02 : f32
    %div3A_30 = vector.broadcast %div3A_29 : f32 to vector<10000x1xf32>
    %div3A_31 = arith.divf %broadcast_in_dim3A_28, %div3A_30 : vector<10000x1xf32>
    %add3A_32 = arith.constant 9.99999974E-6 : f32
    %add3A_33 = vector.broadcast %add3A_32 : f32 to vector<10000x1xf32>
    %add3A_34 = arith.addf %div3A_31, %add3A_33 : vector<10000x1xf32>
    %rsqrt3A = math.rsqrt %add3A_34 : vector<10000x1xf32>
    %mul3A_35 = vector.broadcast %rsqrt3A : vector<10000x1xf32> to vector<10000x128xf32>
    %mul3A_36 = arith.mulf %sub3A_24, %mul3A_35 : vector<10000x128xf32>
    %get3A_37 = arith.constant 0 : index
    %get3A_38 = arith.constant 0 : index
    %get3A_39 = vector.load %arg6[%get3A_37, %get3A_38] : memref<1x128xf32, #tpu.memory_space<vmem>>, vector<1x128xf32>
    %mul3A_40 = vector.broadcast %get3A_39 : vector<1x128xf32> to vector<10000x128xf32>
    %mul3A_41 = arith.mulf %mul3A_36, %mul3A_40 : vector<10000x128xf32>
    %get3A_42 = arith.constant 0 : index
    %get3A_43 = arith.constant 0 : index
    %get3A_44 = vector.load %arg7[%get3A_42, %get3A_43] : memref<1x128xf32, #tpu.memory_space<vmem>>, vector<1x128xf32>
    %add3A_45 = vector.broadcast %get3A_44 : vector<1x128xf32> to vector<10000x128xf32>
    %add3A_46 = arith.addf %mul3A_41, %add3A_45 : vector<10000x128xf32>
    %swap3A = arith.constant 0 : index
    %swap3A_47 = arith.constant 0 : index
    %swap3A_48 = vector.load %arg8[%swap3A, %swap3A_47] : memref<10000x128xf32, #tpu.memory_space<vmem>>, vector<10000x128xf32>
    tpu.vector_store %arg8[%swap3A, %swap3A_47], %add3A_46 {strides = array<i32>} : memref<10000x128xf32, #tpu.memory_space<vmem>>, vector<10000x128xf32>,
    %get3A_49 = arith.constant 0 : index
    %get3A_50 = arith.constant 0 : index
    %get3A_51 = vector.load %arg1[%get3A_49, %get3A_50] : memref<10112x144xf32, #tpu.memory_space<vmem>>, vector<10000x128xf32>
    %get3A_52 = arith.constant 0 : index
    %get3A_53 = arith.constant 128 : index
    %get3A_54 = vector.load %arg1[%get3A_52, %get3A_53] : memref<10112x144xf32, #tpu.memory_space<vmem>>, vector<10000x16xf32>
    %slice3A_55 = vector.extract_strided_slice %get3A_54 {offsets = [0, 0], sizes = [10000, 1], strides = [1, 1]} : vector<10000x16xf32> to vector<10000x1xf32>
    %slice3A_56 = vector.extract_strided_slice %get3A_54 {offsets = [0, 1], sizes = [10000, 1], strides = [1, 1]} : vector<10000x16xf32> to vector<10000x1xf32>
    %get3A_57 = arith.constant 0 : index
    %get3A_58 = arith.constant 0 : index
    %get3A_59 = vector.load %arg3[%get3A_57, %get3A_58] : memref<1x128xf32, #tpu.memory_space<vmem>>, vector<1x128xf32>
    %add3A_60 = arith.constant 1.000000e-16 : f32
    %add3A_61 = vector.broadcast %add3A_60 : f32 to vector<10000x1xf32>
    %add3A_62 = arith.addf %slice3A_55, %add3A_61 : vector<10000x1xf32>
    %div3A_63 = vector.broadcast %add3A_62 : vector<10000x1xf32> to vector<10000x128xf32>
    %div3A_64 = arith.divf %get3A_51, %div3A_63 : vector<10000x128xf32>
    %add3A_65 = vector.broadcast %get3A_59 : vector<1x128xf32> to vector<10000x128xf32>
    %add3A_66 = arith.addf %add3A_65, %div3A_64 : vector<10000x128xf32>
    %get3A_67 = arith.constant 0 : index
    %get3A_68 = arith.constant 0 : index
    %get3A_69 = vector.load %arg5[%get3A_67, %get3A_68] : memref<1x128xf32, #tpu.memory_space<vmem>>, vector<1x128xf32>
    %mul3A_70 = vector.broadcast %slice3A_56 : vector<10000x1xf32> to vector<10000x128xf32>
    %mul3A_71 = vector.broadcast %get3A_69 : vector<1x128xf32> to vector<10000x128xf32>
    %mul3A_72 = arith.mulf %mul3A_70, %mul3A_71 : vector<10000x128xf32>
    %add3A_73 = arith.addf %add3A_66, %mul3A_72 : vector<10000x128xf32>
    %reduce_sum3A_74 = arith.constant dense<0.000000e+00> : vector<10000xf32>
    %reduce_sum3A_75 = vector.multi_reduction <add>, %add3A_73, %reduce_sum3A_74 [1] : vector<10000x128xf32> to vector<10000xf32>
    %broadcast_in_dim3A_76 = vector.shape_cast %reduce_sum3A_75 : vector<10000xf32> to vector<10000x1xf32>
    %div3A_77 = arith.constant 1.280000e+02 : f32
    %div3A_78 = vector.broadcast %div3A_77 : f32 to vector<10000x1xf32>
    %div3A_79 = arith.divf %broadcast_in_dim3A_76, %div3A_78 : vector<10000x1xf32>
    %sub3A_80 = vector.broadcast %div3A_79 : vector<10000x1xf32> to vector<10000x128xf32>
    %sub3A_81 = arith.subf %add3A_73, %sub3A_80 : vector<10000x128xf32>
    %mul3A_82 = arith.mulf %sub3A_81, %sub3A_81 : vector<10000x128xf32>
    %reduce_sum3A_83 = arith.constant dense<0.000000e+00> : vector<10000xf32>
    %reduce_sum3A_84 = vector.multi_reduction <add>, %mul3A_82, %reduce_sum3A_83 [1] : vector<10000x128xf32> to vector<10000xf32>
    %broadcast_in_dim3A_85 = vector.shape_cast %reduce_sum3A_84 : vector<10000xf32> to vector<10000x1xf32>
    %div3A_86 = arith.constant 1.280000e+02 : f32
    %div3A_87 = vector.broadcast %div3A_86 : f32 to vector<10000x1xf32>
    %div3A_88 = arith.divf %broadcast_in_dim3A_85, %div3A_87 : vector<10000x1xf32>
    %add3A_89 = arith.constant 9.99999974E-6 : f32
    %add3A_90 = vector.broadcast %add3A_89 : f32 to vector<10000x1xf32>
    %add3A_91 = arith.addf %div3A_88, %add3A_90 : vector<10000x1xf32>
    %rsqrt3A_92 = math.rsqrt %add3A_91 : vector<10000x1xf32>
    %mul3A_93 = vector.broadcast %rsqrt3A_92 : vector<10000x1xf32> to vector<10000x128xf32>
    %mul3A_94 = arith.mulf %sub3A_81, %mul3A_93 : vector<10000x128xf32>
    %get3A_95 = arith.constant 0 : index
    %get3A_96 = arith.constant 0 : index
    %get3A_97 = vector.load %arg6[%get3A_95, %get3A_96] : memref<1x128xf32, #tpu.memory_space<vmem>>, vector<1x128xf32>
    %mul3A_98 = vector.broadcast %get3A_97 : vector<1x128xf32> to vector<10000x128xf32>
    %mul3A_99 = arith.mulf %mul3A_94, %mul3A_98 : vector<10000x128xf32>
    %get3A_100 = arith.constant 0 : index
    %get3A_101 = arith.constant 0 : index
    %get3A_102 = vector.load %arg7[%get3A_100, %get3A_101] : memref<1x128xf32, #tpu.memory_space<vmem>>, vector<1x128xf32>
    %add3A_103 = vector.broadcast %get3A_102 : vector<1x128xf32> to vector<10000x128xf32>
    %add3A_104 = arith.addf %mul3A_99, %add3A_103 : vector<10000x128xf32>
    %swap3A_105 = arith.constant 0 : index
    %swap3A_106 = arith.constant 0 : index
    %swap3A_107 = vector.load %arg9[%swap3A_105, %swap3A_106] : memref<10000x128xf32, #tpu.memory_space<vmem>>, vector<10000x128xf32>
    tpu.vector_store %arg9[%swap3A_105, %swap3A_106], %add3A_104 {strides = array<i32>} : memref<10000x128xf32, #tpu.memory_space<vmem>>, vector<10000x128xf32>,
    return
  }
}

</mosaic_0001>

<sc_bundles>
// kernel: kernel.5.cloned.1.call-start
scs
__scs_entry_jumppad:
0x0: {  	(pc) =	sbr.rel $0x88, $3  }
0x1: {  	(tag) =	ssettag $0x0;
	lr =	simm.s32 $0x1  }
0x2: {  	[smem:$0x3F89] =	sst lr;
	_ =	strace $0xD0000000  }
0x3: {  	_ = 	snop  }
0x4: {  	_ = 	snop  }
0x5: {  	_ = 	snop  }
0x6: {  	_ = 	snop  }
0x7: {  	_ = 	snop  }
__scs_overlays_trampoline_lowered:
0x8: {  	[smem:$0x3F98] =	sst s0  }
0x9: {  	[smem:$0x3F99] =	sst s1  }
0xa: {  	[smem:$0x3F9A] =	sst s2  }
0xb: {  	[smem:$0x3F9B] =	sst s3  }
0xc: {  	[smem:$0x3F9C] =	sst s4  }
0xd: {  	[smem:$0x3F9D] =	sst s5  }
0xe: {  	[smem:$0x3F9E] =	sst s6  }
0xf: {  	[smem:$0x3F9F] =	sst s7  }
0x10: {  	[smem:$0x3FA0] =	sst s8  }
0x11: {  	[smem:$0x3FA1] =	sst s9;
	s0 =	simm.s32 @!p0 $0x0  }
0x12: {  	s1 =	sld [smem:$0x3F87];
	s0 =	simm.s32 @p0 $0x1  }
0x13: {  	[smem:$0x3FA2] =	sst s0;
	s0 =	simm.s32 @!p1 $0x0  }
0x14: {  	s2 =	sld [smem:$0x3F86];
	s0 =	simm.s32 @p1 $0x1  }
0x15: {  	[smem:$0x3FA3] =	sst s0;
	s0 =	simm.s32 @!p2 $0x0  }
0x16: {  	s3 =	sld [smem:$0x3FDB];
	s0 =	simm.s32 @p2 $0x1  }
0x17: {  	s4 =	simm.s32 $0x1BF5;
	[smem:$0x3FA5] =	sst s0  }
0x18: {  	s0 =	sld [smem:$0x3F88];
	_ =	swait.ge [sflag:s4], $0x0  }
0x19: {  	s7 =	sld [smem:$0x3F89]  }
0x1a: {  	s8 =	sadd.s32 $0xFFFFE003, lr  }
0x1b: {  	s9 =	sadd.s32 $0xFFFFFEF7, lr;
	s5 =	simm.s32 $0xFFFFFFFF;
	p2 =	slt.u32 s8, $0xFFFFF086  }
0x1c: {  	p1 =	slt.u32 s9, $0xF7A;
	s5 =	simm.s32 @!p2 $0x0  }
0x1d: {  	s5 =	simm.s32 @p1 $0x1;
	p0 =	seq.s32 s7, s2  }
0x1e: {  	s7 =	smul.u32 @!p0 $0xF7A, s2;
	p2 =	seq.s32 @!p0 s5, $0x0  }
0x1f: {  	s9 =	smul.u32 $0xF7A, s1;
	s8 =	simm.s32 @!p0 $0x1BF5;
	p2 =	por !p2, p0  }
0x20: {  	[sflag:s8] =	ssyncset.s32 @!p0 $0xFFFFF086;
	s6 =	sadd.s32 @!p0 s3, s7;
	s7 =	simm.s32 @!p0 $0x108  }
0x21: {  	s3 =	sadd.s32 s3, s9;
	s6 =	sadd.s32 @!p0 $0x88, s6;
	s7 =	simm.s32 @p2 $0x1082  }
0x22: {  	[simem:s7], [sflag:s8] =	dma.local @!p0 [hbm:s6], $0xF7A  }
0x23: {  	s9 =	sor.u32 $0xD0000000, s2;
	s6 =	simm.s32 $0x108;
	_ =	swait.ge @!p0 [sflag:s8], $0x0  }
0x24: {  	s3 =	sadd.s32 $0x88, s3;
	s6 =	simm.s32 @!p1 $0x1082;
	[sflag:s4] =	ssyncset.s32 $0xFFFFF086  }
0x25: {  	[simem:s6], [sflag:s4] =	dma.local [hbm:s3], $0xF7A  }
0x26: {  	[smem:$0x3F89] =	sst s1;
	(tag) =	ssettag s2;
	_ =	strace s9  }
0x27: {  	s1 =	sld [smem:$0x3F99]  }
0x28: {  	s2 =	sld [smem:$0x3F9A]  }
0x29: {  	s4 =	sld [smem:$0x3F9C]  }
0x2a: {  	p0 =	seq.s32 s5, $0x0;
	s5 =	sld [smem:$0x3F9D]  }
0x2b: {  	s6 =	sld [smem:$0x3F9E]  }
0x2c: {  	s7 =	sld [smem:$0x3F9F]  }
0x2d: {  	s3 =	simm.s32 $0x108;
	s8 =	sld [smem:$0x3FA0]  }
0x2e: {  	s3 =	simm.s32 @!p0 $0x1082;
	s9 =	sld [smem:$0x3FA1]  }
0x2f: {  	lr =	sadd.s32 s0, s3;
	s0 =	sld [smem:$0x3F98]  }
0x30: {  	s3 =	sld [smem:$0x3F9B]  }
0x31: {  	[smem:$0x3FA4] =	sst s10  }
0x32: {  	s10 =	sld [smem:$0x3FA2];
	_ =	sdelay $0x3  }
0x33: {  	p0 =	seq.s32 s10, $0x1;
	s10 =	sld [smem:$0x3FA4];
	_ =	sdelay $0x3  }
0x34: {  	[smem:$0x3FA4] =	sst s10  }
0x35: {  	s10 =	sld [smem:$0x3FA3];
	_ =	sdelay $0x3  }
0x36: {  	p1 =	seq.s32 s10, $0x1;
	s10 =	sld [smem:$0x3FA4];
	_ =	sdelay $0x3  }
0x37: {  	[smem:$0x3FA4] =	sst s10  }
0x38: {  	s10 =	sld [smem:$0x3FA5]  }
0x39: {  	_ = 	snop;
	(pc) =	sbr.ind lr, $3  }
0x3a: {  	_ = 	snop  }
0x3b: {  	_ = 	snop  }
0x3c: {  	p2 =	seq.s32 s10, $0x1;
	s10 =	sld [smem:$0x3FA4]  }
0x3d: {  	_ =	shalt  }
0x3e: {  	_ =	shalt  }
0x3f: {  	_ =	shalt  }
0x40: {  	_ =	shalt  }
0x41: {  	_ =	shalt  }
0x42: {  	_ =	shalt  }
0x43: {  	_ =	shalt  }
0x44: {  	_ =	shalt  }
0x45: {  	_ =	shalt  }
0x46: {  	_ =	shalt  }
0x47: {  	_ =	shalt  }
0x48: {  	_ =	shalt  }
0x49: {  	_ =	shalt  }
0x4a: {  	_ =	shalt  }
0x4b: {  	_ =	shalt  }
0x4c: {  	_ =	shalt  }
0x4d: {  	_ =	shalt  }
0x4e: {  	_ =	shalt  }
0x4f: {  	_ =	shalt  }
0x50: {  	_ =	shalt  }
0x51: {  	_ =	shalt  }
0x52: {  	_ =	shalt  }
0x53: {  	_ =	shalt  }
0x54: {  	_ =	shalt  }
0x55: {  	_ =	shalt  }
0x56: {  	_ =	shalt  }
0x57: {  	_ =	shalt  }
0x58: {  	_ =	shalt  }
0x59: {  	_ =	shalt  }
0x5a: {  	_ =	shalt  }
0x5b: {  	_ =	shalt  }
0x5c: {  	_ =	shalt  }
0x5d: {  	_ =	shalt  }
0x5e: {  	_ =	shalt  }
0x5f: {  	_ =	shalt  }
0x60: {  	_ =	shalt  }
0x61: {  	_ =	shalt  }
0x62: {  	_ =	shalt  }
0x63: {  	_ =	shalt  }
0x64: {  	_ =	shalt  }
0x65: {  	_ =	shalt  }
0x66: {  	_ =	shalt  }
0x67: {  	_ =	shalt  }
0x68: {  	_ =	shalt  }
0x69: {  	_ =	shalt  }
0x6a: {  	_ =	shalt  }
0x6b: {  	_ =	shalt  }
0x6c: {  	_ =	shalt  }
0x6d: {  	_ =	shalt  }
0x6e: {  	_ =	shalt  }
0x6f: {  	_ =	shalt  }
0x70: {  	_ =	shalt  }
0x71: {  	_ =	shalt  }
0x72: {  	_ =	shalt  }
0x73: {  	_ =	shalt  }
0x74: {  	_ =	shalt  }
0x75: {  	_ =	shalt  }
0x76: {  	_ =	shalt  }
0x77: {  	_ =	shalt  }
0x78: {  	_ =	shalt  }
0x79: {  	_ =	shalt  }
0x7a: {  	_ =	shalt  }
0x7b: {  	_ =	shalt  }
0x7c: {  	_ =	shalt  }
0x7d: {  	_ =	shalt  }
0x7e: {  	_ =	shalt  }
0x7f: {  	_ =	shalt  }
0x80: {  	_ =	shalt  }
0x81: {  	_ =	shalt  }
0x82: {  	_ =	shalt  }
0x83: {  	_ =	shalt  }
0x84: {  	_ =	shalt  }
0x85: {  	_ =	shalt  }
0x86: {  	_ =	shalt  }
0x87: {  	_ =	shalt  }
.Lfunc_end0:
.L_simem_size_0:
called_computation_lowered:
.L_overlay_start_0:
0x88: {  	s2 =	sld [smem:$0x3FD9]  }
0x89: {  	s3 =	sld [smem:$0x3FFE];
	_ =	sdelay $0x1  }
0x8a: {  	s1 =	srdreg.scid  }
0x8b: {  	s0 =	sand.u32 $0x1, s1  }
0x8c: {  	s14 =	sshll.u32 s0, $0xA;
	s2 =	sadd.s32 s3, s2  }
0x8d: {  	s2 =	sadd.s32 s2, s14  }
0x8e: {  	[smem:$0x3FB0] =	sst s2  }
0x8f: {  	_ = 	snop  }
0x90: {  	s2 =	sld [smem:$0x3FD0];
	_ =	sdelay $0x2  }
0x91: {  	s15 =	simm.s32 $0xA;
	s4 =	simm.s32 $0x10  }
0x92: {  	[smem:s4], [sflag:s15] =	dma.local [hbm:s2], $0x1  }
0x93: {  	_ =	swait.eq [sflag:s15], $0x1  }
0x94: {  	s16 =	sld [smem:$0x10];
	[sflag:s15] =	ssyncset.done $0x0  }
0x95: {  	s17 =	sld [smem:$0x11];
	[sflag:s15] =	ssyncadd.s32 $0xFFFFFFFF  }
0x96: {  	s18 =	sld [smem:$0x12];
	(tm) =	ssettm $0x1  }
0x97: {  	s5 =	sld [smem:$0x3FFB];
	_ =	sdelay $0x3  }
0x98: {  	_ =	strace s5  }
0x99: {  	s5 =	sld [smem:$0x3FFC];
	_ =	sdelay $0x3  }
0x9a: {  	_ =	strace s5  }
0x9b: {  	s5 =	sld [smem:$0x3FFD];
	_ =	sdelay $0x3  }
0x9c: {  	_ =	strace s5  }
0x9d: {  	_ =	strace $0x8FFFFFFF  }
0x9e: {  	s19 =	sld [smem:$0x3FDB];
	_ =	sdelay $0x1  }
0x9f: {  	s6 =	simm.s32 $_scs_section_size  }
0xa0: {  	s7 =	simm.s32 $_size__tile_overlayer_lowered;
	s8 =	simm.s32 $_tile_overlayer_lowered  }
0xa1: {  	s22 =	simm.s32 $0x1BFF;
	s21 =	sshll.u32 s8, $0x1;
	s5 =	sadd.s32 s6, s19  }
0xa2: {  	s9 =	simm.s32 $0x0;
	s20 =	sshll.u32 s7, $0x1;
	s7 =	sadd.s32 s21, s5  }
0xa3: {  	[timem:s9], [sflag:s22] =	dma.local [hbm:s7], s20  }
0xa4: {  	_ =	swait.ge [sflag:s22], s20  }
0xa5: {  	s6 =	ssub.s32 $0x0, s20;
	[sflag:s22] =	ssyncset.done $0x0  }
0xa6: {  	[sflag:s22] =	ssyncadd.s32 s6;
	_ =	sdelay $0x1  }
0xa7: {  	s23 =	simm.s32 $0x1B8B  }
0xa8: {  	_ =	swait.ge [sflag:s23], $0x1  }
0xa9: {  	[sflag:s23] =	ssyncset.done $0x0  }
0xaa: {  	s25 =	simm.s32 $0x1B8E;
	s24 =	sld [smem:$0x3FFE];
	[sflag:s23] =	ssyncadd.s32 $0xFFFFFFFF  }
0xab: {  	s26 =	simm.s32 $execute0_lowered;
	[smem:$0x3FD2] =	sst s25  }
0xac: {  	s7 =	sshll.u32 s26, $0x1;
	_ =	strace $0x80000046;
	[dreg:$0x1] =	wrdreg $0xFFFFFFFF  }
0xad: {  	s28 =	simm.s32 $_size_execute0_lowered;
	s5 =	sadd.s32 s5, s7;
	[dreg:$0x0] =	wrdreg $0x0  }
0xae: {  	s7 =	sshll.u32 s28, $0x1;
	[dreg:$0x2] =	wrdreg s5  }
0xaf: {  	[dreg:$0x3] =	wrdreg s7  }
0xb0: {  	[dreg:$0x4] =	wrdreg $0xC0  }
0xb1: {  	_ =	task [dreg:s9], $0x5FFFF  }
0xb2: {  	[dreg:$0x1] =	wrdreg $0xFFFFFFFF  }
0xb3: {  	[dreg:$0x0] =	wrdreg $0x60  }
0xb4: {  	[dreg:$0x2] =	wrdreg s16  }
0xb5: {  	[dreg:$0x3] =	wrdreg s17  }
0xb6: {  	[dreg:$0x4] =	wrdreg s18  }
0xb7: {  	[dreg:$0x5] =	wrdreg s24  }
0xb8: {  	[dreg:$0x6] =	wrdreg $0x96A00  }
0xb9: {  	[dreg:$0x7] =	wrdreg $0x9  }
0xba: {  	_ =	task.clear_ibuf [dreg:s9], $0x8FFFF;
	_ =	strace $0x90000046  }
0xbb: {  	s29 =	simm.s32 $0x9;
	_ =	strace $0x80000048  }
0xbc: {  	_ =	swait.ge [sflag:s29], $0x1  }
0xbd: {  	[sflag:s29] =	ssyncadd.s32 $0xFFFFFFFF  }
0xbe: {  	_ =	strace $0x90000048  }
0xbf: {  	_ =	sfence  }
0xc0: {  	s30 =	sld [smem:$0x0];
	_ =	sdelay $0x2  }
0xc1: {  	s31 =	sshll.u32 s1, $0xD;
	s1 =	sshrl.u32 s1, $0x2  }
0xc2: {  	s3 =	sand.u32 $0x4000, s31;
	s1 =	sadd.s32 s1, s30  }
0xc3: {  	s0 =	sor.u32 s3, s0;
	s1 =	sshll.u32 s1, $0x11  }
0xc4: {  	s0 =	sor.u32 s1, s0  }
0xc5: {  	s0 =	sadd.s32 $0x8F2B, s0  }
0xc6: {  	[sflag:s0] =	ssyncadd.remote.s32 $0x1  }
0xc7: {  	_ =	sfence.sel $0xFFFF  }
0xc8: {  	[dreg:$0x0] =	wrdreg $0xFFFFFFFF;
	(pc) =	sbr.abs _section_cstart, $3  }
0xc9: {  	[dreg:$0x1] =	wrdreg $0xFFFFFFFF  }
0xca: {  	_ =	task.clear_ibuf [dreg:s9], $0x2FFFF;
	_ =	strace $0x9FFFFFFF  }
0xcb: {  	(tm) =	ssettm $0x7FFFFFFF  }
tec
execute0_lowered:
.L_overlay_start_1:
0x0: {  	(tag) =	ssettag $0x1  }
0x1: {  	s0 =	rddreg [dreg:$0x0]  }
0x2: {  	s4 =	rddreg [dreg:$0x1]  }
0x3: {  	s6 =	rddreg [dreg:$0x2]  }
0x4: {  	s7 =	rddreg [dreg:$0x3]  }
0x5: {  	s1 =	rddreg [dreg:$0x4];
	s2 =	simm.s32 $0x0;
	s5 =	srdreg.scid  }
0x6: {  	s13 =	stileid.u32;
	s15 =	simm.s32 $0x50;
	s16 =	simm.s32 $0xFA0  }
0x7: {  	s17 =	simm.s32 $0x3CA0;
	s18 =	simm.s32 $0x1;
	s20 =	simm.s32 $0x69A0  }
0x8: {  	s28 =	simm.s32 $0x5;
	s31 =	simm.s32 $0x6;
	s19 =	simm.s32 $0x190  }
0x9: {  	s30 =	simm.s32 $0x960;
	s29 =	simm.s32 $0x0;
	[smem:$0x7FF] =	sst s2  }
0xa: {  	s3 =	sadd.s32 $0x3E00, s7;
	s8 =	sand.u32 $0x1, s5;
	s10 =	smul.u32 $0x16380, s13  }
0xb: {  	s5 =	sadd.s32 $0x52000, s7;
	s11 =	sadd.s32 $0x7E000, s7;
	s12 =	smul.u32 $0x9C4, s13  }
0xc: {  	s14 =	sadd.s32 $0xAA800, s7;
	_ =	strace $0x80000047;
	[dreg:$0x8] =	wrdreg s11  }
0xd: {  	s7 =	sadd.s32 $0xD7000, s7;
	p1 =	sne.s32 s13, $0x0;
	[dreg:$0x9] =	wrdreg s14  }
0xe: {  	s13 =	simm.s32 $0x7;
	s9 =	ssub.s32 $0x2, s8;
	[dreg:$0xa] =	wrdreg s7  }
0xf: {  	p0 =	seq.s32 s8, $0x1;
	s14 =	simm.s32 $0x7D0;
	s8 =	simm.s32 $0x140  }
0x10: {  	s21 =	sshrl.u32 s9, $0x1;
	s23 =	sshrl.u32 s10, $0x3;
	s4 =	sadd.s32 s12, s4  }
0x11: {  	s24 =	sadd.s32 s10, s1;
	s11 =	sadd.s32 s12, s0;
	[dreg:$0xb] =	wrdreg s23  }
0x12: {  	s25 =	sadd.s32 s12, s6;
	s0 =	sshrl.u32 @!p1 s1, $0x3;
	[dreg:$0x6] =	wrdreg s4  }
0x13: {  	s10 =	simm.s32 $0x820;
	s12 =	simm.s32 $0x870;
	[dreg:$0x7] =	wrdreg s25  }
.Ltmp0:
0x14: {  	s22 =	ssub.s32 s9, s21;
	[dreg:$0xd] =	wrdreg s0;
	(pc) =	sbr.rel .LBB2_1-.Ltmp0, $4  }
0x15: {  	s21 =	simm.s32 $0x2;
	s9 =	simm.s32 $0xF0;
	s26 =	sshrl.u32 s24, $0x3  }
0x16: {  	s23 =	simm.s32 $0x8C0;
	s24 =	simm.s32 $0x1E0;
	s25 =	simm.s32 $0x910  }
0x17: {  	s7 =	smax.u32 s22, $0x1;
	s22 =	simm.s32 $0x4;
	[dreg:$0xe] =	wrdreg s26  }
0x18: {  	s26 =	simm.s32 $0x3;
	[dreg:$0xc] =	wrdreg s7;
	s7 =	simm.s32 $0xA0  }
.LBB2_7:
0x19: {  	s4 =	sadd.s32 s0, s11;
	[sflag:s22] =	ssyncadd.s32 $0xFFFFD300  }
0x1a: {  	[tilespmem:s2], [sflag:$0x7] =	stream.linear.gather [hbm4b:s4+s2], $0x7D0, $0x38;
	[tilespmem:$0x1FA20] =	vst v63  }
0x1b: {  	_ =	swait.ge [sflag:s13], $0x7D0  }
0x1c: {  	s7 =	rddreg [dreg:$0x7];
	[sflag:s13] =	ssyncset.done $0x0  }
0x1d: {  	s8 =	sadd.s32 s0, s7;
	[sflag:s13] =	ssyncadd.s32 $0xFFFFF830  }
0x1e: {  	[tilespmem:s14], [sflag:$0x7] =	stream.linear.gather [hbm4b:s8+s2], $0x7D0, $0x38;
	[tilespmem:$0x1FA20] =	vst v63  }
0x1f: {  	_ =	swait.ge [sflag:s13], $0x7D0  }
0x20: {  	[sflag:s13] =	ssyncset.done $0x0  }
0x21: {  	[sflag:s13] =	ssyncadd.s32 $0xFFFFF830  }
0x22: {  	[tilespmem:s16], [sflag:$0x1] =	stream.indirect.gather [hbm4b:s5+s15], $0x90, s2, s15, $0xb8;
	[tilespmem:$0x1FA20] =	vst v63  }
0x23: {  	_ = 	snop  }
0x24: {  	[tilespmem:s17], [sflag:$0x2] =	stream.indirect.gather [hbm4b:s5+s15], $0x90, s15, s15, $0xb8;
	[tilespmem:$0x1FA20] =	vst v63  }
0x25: {  	_ =	swait.ge [sflag:s18], $0x2D00  }
0x26: {  	[sflag:s18] =	ssyncset.done $0x0  }
0x27: {  	[sflag:s18] =	ssyncadd.s32 $0xFFFFD300  }
0x28: {  	[tilespmem:s20], [sflag:$0x3] =	stream.indirect.gather [hbm4b:s5+s15], $0x90, s9, s15, $0xb8;
	[tilespmem:$0x1FA20] =	vst v63  }
0x29: {  	_ = 	snop  }
0x2a: {  	[spmem:s1] =	stream.indirect.scatter.add.f32 [tilespmem:s16], [sflag:$0x4], $0x90, s14, s15, $0xb8;
	[tilespmem:$0x1FA20] =	vst v63  }
0x2b: {  	_ =	swait.ge [sflag:s21], $0x2D00  }
0x2c: {  	[sflag:s21] =	ssyncset.done $0x0  }
0x2d: {  	[sflag:s21] =	ssyncadd.s32 $0xFFFFD300  }
0x2e: {  	_ =	swait.ge [sflag:s22], $0x2D00  }
0x2f: {  	[sflag:s22] =	ssyncset.done $0x0  }
0x30: {  	[sflag:s22] =	ssyncadd.s32 $0xFFFFD300  }
0x31: {  	[tilespmem:s16], [sflag:$0x1] =	stream.indirect.gather [hbm4b:s5+s15], $0x90, s10, s15, $0xb8;
	[tilespmem:$0x1FA20] =	vst v63  }
0x32: {  	_ = 	snop  }
0x33: {  	[spmem:s1] =	stream.indirect.scatter.add.f32 [tilespmem:s17], [sflag:$0x5], $0x90, s12, s15, $0xb8;
	[tilespmem:$0x1FA20] =	vst v63  }
0x34: {  	_ =	swait.ge [sflag:s26], $0x2D00  }
0x35: {  	[sflag:s26] =	ssyncset.done $0x0  }
0x36: {  	[sflag:s26] =	ssyncadd.s32 $0xFFFFD300  }
0x37: {  	_ =	swait.ge [sflag:s28], $0x2D00  }
0x38: {  	[sflag:s28] =	ssyncset.done $0x0  }
0x39: {  	[sflag:s28] =	ssyncadd.s32 $0xFFFFD300  }
0x3a: {  	[tilespmem:s17], [sflag:$0x2] =	stream.indirect.gather [hbm4b:s5+s15], $0x90, s25, s15, $0xb8;
	[tilespmem:$0x1FA20] =	vst v63  }
0x3b: {  	_ = 	snop  }
0x3c: {  	[spmem:s1] =	stream.indirect.scatter.add.f32 [tilespmem:s20], [sflag:$0x6], $0x90, s19, s15, $0xb8;
	[tilespmem:$0x1FA20] =	vst v63  }
0x3d: {  	_ =	swait.ge [sflag:s18], $0x2D00  }
0x3e: {  	[sflag:s18] =	ssyncset.done $0x0  }
0x3f: {  	[sflag:s18] =	ssyncadd.s32 $0xFFFFD300  }
0x40: {  	_ =	swait.ge [sflag:s31], $0x2D00  }
0x41: {  	[sflag:s31] =	ssyncset.done $0x0  }
0x42: {  	[sflag:s31] =	ssyncadd.s32 $0xFFFFD300  }
0x43: {  	[tilespmem:s20], [sflag:$0x3] =	stream.indirect.gather [hbm4b:s5+s15], $0x90, s23, s15, $0xb8;
	[tilespmem:$0x1FA20] =	vst v63  }
0x44: {  	_ = 	snop  }
0x45: {  	[spmem:s1] =	stream.indirect.scatter.add.f32 [tilespmem:s16], [sflag:$0x4], $0x90, s24, s15, $0xb8;
	[tilespmem:$0x1FA20] =	vst v63  }
0x46: {  	_ =	swait.ge [sflag:s21], $0x2D00  }
0x47: {  	[sflag:s21] =	ssyncset.done $0x0  }
0x48: {  	[sflag:s21] =	ssyncadd.s32 $0xFFFFD300  }
0x49: {  	_ =	swait.ge [sflag:s22], $0x2D00  }
0x4a: {  	[sflag:s22] =	ssyncset.done $0x0  }
0x4b: {  	[sflag:s22] =	ssyncadd.s32 $0xFFFFD300  }
0x4c: {  	[tilespmem:s16], [sflag:$0x1] =	stream.indirect.gather [hbm4b:s5+s15], $0x90, s29, s15, $0xb8;
	[tilespmem:$0x1FA20] =	vst v63  }
0x4d: {  	_ = 	snop  }
0x4e: {  	[spmem:s1] =	stream.indirect.scatter.add.f32 [tilespmem:s17], [sflag:$0x5], $0x90, s30, s15, $0xb8;
	[tilespmem:$0x1FA20] =	vst v63  }
0x4f: {  	_ =	swait.ge [sflag:s26], $0x2D00  }
0x50: {  	[sflag:s26] =	ssyncset.done $0x0  }
0x51: {  	[sflag:s26] =	ssyncadd.s32 $0xFFFFD300  }
0x52: {  	_ =	swait.ge [sflag:s28], $0x2D00  }
0x53: {  	[sflag:s28] =	ssyncset.done $0x0  }
0x54: {  	s19 =	simm.s32 $0x230;
	[sflag:s28] =	ssyncadd.s32 $0xFFFFD300  }
0x55: {  	[tilespmem:s17], [sflag:$0x2] =	stream.indirect.gather [hbm4b:s5+s15], $0x90, s19, s15, $0xb8;
	[tilespmem:$0x1FA20] =	vst v63  }
0x56: {  	s23 =	simm.s32 $0x960  }
0x57: {  	[spmem:s1] =	stream.indirect.scatter.add.f32 [tilespmem:s20], [sflag:$0x6], $0x90, s23, s15, $0xb8;
	[tilespmem:$0x1FA20] =	vst v63  }
0x58: {  	_ =	swait.ge [sflag:s18], $0x2D00  }
0x59: {  	[sflag:s18] =	ssyncset.done $0x0  }
0x5a: {  	[sflag:s18] =	ssyncadd.s32 $0xFFFFD300  }
0x5b: {  	_ =	swait.ge [sflag:s31], $0x2D00  }
0x5c: {  	[sflag:s31] =	ssyncset.done $0x0  }
0x5d: {  	[sflag:s31] =	ssyncadd.s32 $0xFFFFD300  }
0x5e: {  	[tilespmem:s20], [sflag:$0x3] =	stream.indirect.gather [hbm4b:s5+s15], $0x90, s6, s15, $0xb8;
	[tilespmem:$0x1FA20] =	vst v63  }
0x5f: {  	s24 =	simm.s32 $0x9B0  }
0x60: {  	[spmem:s1] =	stream.indirect.scatter.add.f32 [tilespmem:s16], [sflag:$0x4], $0x90, s24, s15, $0xb8;
	[tilespmem:$0x1FA20] =	vst v63  }
0x61: {  	_ =	swait.ge [sflag:s21], $0x2D00  }
0x62: {  	[sflag:s21] =	ssyncset.done $0x0  }
0x63: {  	[sflag:s21] =	ssyncadd.s32 $0xFFFFD300  }
0x64: {  	_ =	swait.ge [sflag:s22], $0x2D00  }
0x65: {  	[sflag:s22] =	ssyncset.done $0x0  }
0x66: {  	s25 =	simm.s32 $0x2D0;
	[sflag:s22] =	ssyncadd.s32 $0xFFFFD300  }
0x67: {  	[tilespmem:s16], [sflag:$0x1] =	stream.indirect.gather [hbm4b:s5+s15], $0x90, s25, s15, $0xb8;
	[tilespmem:$0x1FA20] =	vst v63  }
0x68: {  	s4 =	simm.s32 $0xA00  }
0x69: {  	[spmem:s1] =	stream.indirect.scatter.add.f32 [tilespmem:s17], [sflag:$0x5], $0x90, s4, s15, $0xb8;
	[tilespmem:$0x1FA20] =	vst v63  }
0x6a: {  	_ =	swait.ge [sflag:s26], $0x2D00  }
0x6b: {  	[sflag:s26] =	ssyncset.done $0x0  }
0x6c: {  	[sflag:s26] =	ssyncadd.s32 $0xFFFFD300  }
0x6d: {  	_ =	swait.ge [sflag:s28], $0x2D00  }
0x6e: {  	[sflag:s28] =	ssyncset.done $0x0  }
0x6f: {  	s6 =	simm.s32 $0x320;
	[sflag:s28] =	ssyncadd.s32 $0xFFFFD300  }
0x70: {  	[tilespmem:s17], [sflag:$0x2] =	stream.indirect.gather [hbm4b:s5+s15], $0x90, s6, s15, $0xb8;
	[tilespmem:$0x1FA20] =	vst v63  }
0x71: {  	s7 =	simm.s32 $0xA50  }
0x72: {  	[spmem:s1] =	stream.indirect.scatter.add.f32 [tilespmem:s20], [sflag:$0x6], $0x90, s7, s15, $0xb8;
	[tilespmem:$0x1FA20] =	vst v63  }
0x73: {  	_ =	swait.ge [sflag:s18], $0x2D00  }
0x74: {  	[sflag:s18] =	ssyncset.done $0x0  }
0x75: {  	[sflag:s18] =	ssyncadd.s32 $0xFFFFD300  }
0x76: {  	_ =	swait.ge [sflag:s31], $0x2D00  }
0x77: {  	[sflag:s31] =	ssyncset.done $0x0  }
0x78: {  	s8 =	simm.s32 $0x370;
	[sflag:s31] =	ssyncadd.s32 $0xFFFFD300  }
0x79: {  	[tilespmem:s20], [sflag:$0x3] =	stream.indirect.gather [hbm4b:s5+s15], $0x90, s8, s15, $0xb8;
	[tilespmem:$0x1FA20] =	vst v63  }
0x7a: {  	s9 =	simm.s32 $0xAA0  }
0x7b: {  	[spmem:s1] =	stream.indirect.scatter.add.f32 [tilespmem:s16], [sflag:$0x4], $0x90, s9, s15, $0xb8;
	[tilespmem:$0x1FA20] =	vst v63  }
0x7c: {  	_ =	swait.ge [sflag:s21], $0x2D00  }
0x7d: {  	[sflag:s21] =	ssyncset.done $0x0  }
0x7e: {  	[sflag:s21] =	ssyncadd.s32 $0xFFFFD300  }
0x7f: {  	_ =	swait.ge [sflag:s22], $0x2D00  }
0x80: {  	[sflag:s22] =	ssyncset.done $0x0  }
0x81: {  	s10 =	simm.s32 $0x3C0;
	[sflag:s22] =	ssyncadd.s32 $0xFFFFD300  }
0x82: {  	[tilespmem:s16], [sflag:$0x1] =	stream.indirect.gather [hbm4b:s5+s15], $0x90, s10, s15, $0xb8;
	[tilespmem:$0x1FA20] =	vst v63  }
0x83: {  	s12 =	simm.s32 $0xAF0  }
0x84: {  	[spmem:s1] =	stream.indirect.scatter.add.f32 [tilespmem:s17], [sflag:$0x5], $0x90, s12, s15, $0xb8;
	[tilespmem:$0x1FA20] =	vst v63  }
0x85: {  	_ =	swait.ge [sflag:s26], $0x2D00  }
0x86: {  	[sflag:s26] =	ssyncset.done $0x0  }
0x87: {  	[sflag:s26] =	ssyncadd.s32 $0xFFFFD300  }
0x88: {  	_ =	swait.ge [sflag:s28], $0x2D00  }
0x89: {  	[sflag:s28] =	ssyncset.done $0x0  }
0x8a: {  	s19 =	simm.s32 $0x410;
	[sflag:s28] =	ssyncadd.s32 $0xFFFFD300  }
0x8b: {  	[tilespmem:s17], [sflag:$0x2] =	stream.indirect.gather [hbm4b:s5+s15], $0x90, s19, s15, $0xb8;
	[tilespmem:$0x1FA20] =	vst v63  }
0x8c: {  	s23 =	simm.s32 $0xB40  }
0x8d: {  	[spmem:s1] =	stream.indirect.scatter.add.f32 [tilespmem:s20], [sflag:$0x6], $0x90, s23, s15, $0xb8;
	[tilespmem:$0x1FA20] =	vst v63  }
0x8e: {  	_ =	swait.ge [sflag:s18], $0x2D00  }
0x8f: {  	[sflag:s18] =	ssyncset.done $0x0  }
0x90: {  	[sflag:s18] =	ssyncadd.s32 $0xFFFFD300  }
0x91: {  	_ =	swait.ge [sflag:s31], $0x2D00  }
0x92: {  	[sflag:s31] =	ssyncset.done $0x0  }
0x93: {  	s24 =	simm.s32 $0x460;
	[sflag:s31] =	ssyncadd.s32 $0xFFFFD300  }
0x94: {  	[tilespmem:s20], [sflag:$0x3] =	stream.indirect.gather [hbm4b:s5+s15], $0x90, s24, s15, $0xb8;
	[tilespmem:$0x1FA20] =	vst v63  }
0x95: {  	s25 =	simm.s32 $0xB90  }
0x96: {  	[spmem:s1] =	stream.indirect.scatter.add.f32 [tilespmem:s16], [sflag:$0x4], $0x90, s25, s15, $0xb8;
	[tilespmem:$0x1FA20] =	vst v63  }
0x97: {  	_ =	swait.ge [sflag:s21], $0x2D00  }
0x98: {  	[sflag:s21] =	ssyncset.done $0x0  }
0x99: {  	[sflag:s21] =	ssyncadd.s32 $0xFFFFD300  }
0x9a: {  	_ =	swait.ge [sflag:s22], $0x2D00  }
0x9b: {  	[sflag:s22] =	ssyncset.done $0x0  }
0x9c: {  	s4 =	simm.s32 $0x4B0;
	[sflag:s22] =	ssyncadd.s32 $0xFFFFD300  }
0x9d: {  	[tilespmem:s16], [sflag:$0x1] =	stream.indirect.gather [hbm4b:s5+s15], $0x90, s4, s15, $0xb8;
	[tilespmem:$0x1FA20] =	vst v63  }
0x9e: {  	s6 =	simm.s32 $0xBE0  }
0x9f: {  	[spmem:s1] =	stream.indirect.scatter.add.f32 [tilespmem:s17], [sflag:$0x5], $0x90, s6, s15, $0xb8;
	[tilespmem:$0x1FA20] =	vst v63  }
0xa0: {  	_ =	swait.ge [sflag:s26], $0x2D00  }
0xa1: {  	[sflag:s26] =	ssyncset.done $0x0  }
0xa2: {  	[sflag:s26] =	ssyncadd.s32 $0xFFFFD300  }
0xa3: {  	_ =	swait.ge [sflag:s28], $0x2D00  }
0xa4: {  	[sflag:s28] =	ssyncset.done $0x0  }
0xa5: {  	s7 =	simm.s32 $0x500;
	[sflag:s28] =	ssyncadd.s32 $0xFFFFD300  }
0xa6: {  	[tilespmem:s17], [sflag:$0x2] =	stream.indirect.gather [hbm4b:s5+s15], $0x90, s7, s15, $0xb8;
	[tilespmem:$0x1FA20] =	vst v63  }
0xa7: {  	s8 =	simm.s32 $0xC30  }
0xa8: {  	[spmem:s1] =	stream.indirect.scatter.add.f32 [tilespmem:s20], [sflag:$0x6], $0x90, s8, s15, $0xb8;
	[tilespmem:$0x1FA20] =	vst v63  }
0xa9: {  	_ =	swait.ge [sflag:s18], $0x2D00  }
0xaa: {  	[sflag:s18] =	ssyncset.done $0x0  }
0xab: {  	[sflag:s18] =	ssyncadd.s32 $0xFFFFD300  }
0xac: {  	_ =	swait.ge [sflag:s31], $0x2D00  }
0xad: {  	[sflag:s31] =	ssyncset.done $0x0  }
0xae: {  	s9 =	simm.s32 $0x550;
	[sflag:s31] =	ssyncadd.s32 $0xFFFFD300  }
0xaf: {  	[tilespmem:s20], [sflag:$0x3] =	stream.indirect.gather [hbm4b:s5+s15], $0x90, s9, s15, $0xb8;
	[tilespmem:$0x1FA20] =	vst v63  }
0xb0: {  	s10 =	simm.s32 $0xC80  }
0xb1: {  	[spmem:s1] =	stream.indirect.scatter.add.f32 [tilespmem:s16], [sflag:$0x4], $0x90, s10, s15, $0xb8;
	[tilespmem:$0x1FA20] =	vst v63  }
0xb2: {  	_ =	swait.ge [sflag:s21], $0x2D00  }
0xb3: {  	[sflag:s21] =	ssyncset.done $0x0  }
0xb4: {  	[sflag:s21] =	ssyncadd.s32 $0xFFFFD300  }
0xb5: {  	_ =	swait.ge [sflag:s22], $0x2D00  }
0xb6: {  	[sflag:s22] =	ssyncset.done $0x0  }
0xb7: {  	s12 =	simm.s32 $0x5A0;
	[sflag:s22] =	ssyncadd.s32 $0xFFFFD300  }
0xb8: {  	[tilespmem:s16], [sflag:$0x1] =	stream.indirect.gather [hbm4b:s5+s15], $0x90, s12, s15, $0xb8;
	[tilespmem:$0x1FA20] =	vst v63  }
0xb9: {  	s19 =	simm.s32 $0xCD0  }
0xba: {  	[spmem:s1] =	stream.indirect.scatter.add.f32 [tilespmem:s17], [sflag:$0x5], $0x90, s19, s15, $0xb8;
	[tilespmem:$0x1FA20] =	vst v63  }
0xbb: {  	_ =	swait.ge [sflag:s26], $0x2D00  }
0xbc: {  	[sflag:s26] =	ssyncset.done $0x0  }
0xbd: {  	[sflag:s26] =	ssyncadd.s32 $0xFFFFD300  }
0xbe: {  	_ =	swait.ge [sflag:s28], $0x2D00  }
0xbf: {  	[sflag:s28] =	ssyncset.done $0x0  }
0xc0: {  	s23 =	simm.s32 $0x5F0;
	[sflag:s28] =	ssyncadd.s32 $0xFFFFD300  }
0xc1: {  	[tilespmem:s17], [sflag:$0x2] =	stream.indirect.gather [hbm4b:s5+s15], $0x90, s23, s15, $0xb8;
	[tilespmem:$0x1FA20] =	vst v63  }
0xc2: {  	s24 =	simm.s32 $0xD20  }
0xc3: {  	[spmem:s1] =	stream.indirect.scatter.add.f32 [tilespmem:s20], [sflag:$0x6], $0x90, s24, s15, $0xb8;
	[tilespmem:$0x1FA20] =	vst v63  }
0xc4: {  	_ =	swait.ge [sflag:s18], $0x2D00  }
0xc5: {  	[sflag:s18] =	ssyncset.done $0x0  }
0xc6: {  	[sflag:s18] =	ssyncadd.s32 $0xFFFFD300  }
0xc7: {  	_ =	swait.ge [sflag:s31], $0x2D00  }
0xc8: {  	[sflag:s31] =	ssyncset.done $0x0  }
0xc9: {  	s25 =	simm.s32 $0x640;
	[sflag:s31] =	ssyncadd.s32 $0xFFFFD300  }
0xca: {  	[tilespmem:s20], [sflag:$0x3] =	stream.indirect.gather [hbm4b:s5+s15], $0x90, s25, s15, $0xb8;
	[tilespmem:$0x1FA20] =	vst v63  }
0xcb: {  	s4 =	simm.s32 $0xD70  }
0xcc: {  	[spmem:s1] =	stream.indirect.scatter.add.f32 [tilespmem:s16], [sflag:$0x4], $0x90, s4, s15, $0xb8;
	[tilespmem:$0x1FA20] =	vst v63  }
0xcd: {  	_ =	swait.ge [sflag:s21], $0x2D00  }
0xce: {  	[sflag:s21] =	ssyncset.done $0x0  }
0xcf: {  	[sflag:s21] =	ssyncadd.s32 $0xFFFFD300  }
0xd0: {  	_ =	swait.ge [sflag:s22], $0x2D00  }
0xd1: {  	[sflag:s22] =	ssyncset.done $0x0  }
0xd2: {  	s6 =	simm.s32 $0x690;
	[sflag:s22] =	ssyncadd.s32 $0xFFFFD300  }
0xd3: {  	[tilespmem:s16], [sflag:$0x1] =	stream.indirect.gather [hbm4b:s5+s15], $0x90, s6, s15, $0xb8;
	[tilespmem:$0x1FA20] =	vst v63  }
0xd4: {  	s7 =	simm.s32 $0xDC0  }
0xd5: {  	[spmem:s1] =	stream.indirect.scatter.add.f32 [tilespmem:s17], [sflag:$0x5], $0x90, s7, s15, $0xb8;
	[tilespmem:$0x1FA20] =	vst v63  }
0xd6: {  	_ =	swait.ge [sflag:s26], $0x2D00  }
0xd7: {  	[sflag:s26] =	ssyncset.done $0x0  }
0xd8: {  	[sflag:s26] =	ssyncadd.s32 $0xFFFFD300  }
0xd9: {  	_ =	swait.ge [sflag:s28], $0x2D00  }
0xda: {  	[sflag:s28] =	ssyncset.done $0x0  }
0xdb: {  	s8 =	simm.s32 $0x6E0;
	[sflag:s28] =	ssyncadd.s32 $0xFFFFD300  }
0xdc: {  	[tilespmem:s17], [sflag:$0x2] =	stream.indirect.gather [hbm4b:s5+s15], $0x90, s8, s15, $0xb8;
	[tilespmem:$0x1FA20] =	vst v63  }
0xdd: {  	s9 =	simm.s32 $0xE10  }
0xde: {  	[spmem:s1] =	stream.indirect.scatter.add.f32 [tilespmem:s20], [sflag:$0x6], $0x90, s9, s15, $0xb8;
	[tilespmem:$0x1FA20] =	vst v63  }
0xdf: {  	_ =	swait.ge [sflag:s18], $0x2D00  }
0xe0: {  	[sflag:s18] =	ssyncset.done $0x0  }
0xe1: {  	[sflag:s18] =	ssyncadd.s32 $0xFFFFD300  }
0xe2: {  	_ =	swait.ge [sflag:s31], $0x2D00  }
0xe3: {  	[sflag:s31] =	ssyncset.done $0x0  }
0xe4: {  	s10 =	simm.s32 $0x730;
	[sflag:s31] =	ssyncadd.s32 $0xFFFFD300  }
0xe5: {  	[tilespmem:s20], [sflag:$0x3] =	stream.indirect.gather [hbm4b:s5+s15], $0x90, s10, s15, $0xb8;
	[tilespmem:$0x1FA20] =	vst v63  }
0xe6: {  	s12 =	simm.s32 $0xE60  }
0xe7: {  	[spmem:s1] =	stream.indirect.scatter.add.f32 [tilespmem:s16], [sflag:$0x4], $0x90, s12, s15, $0xb8;
	[tilespmem:$0x1FA20] =	vst v63  }
0xe8: {  	_ =	swait.ge [sflag:s21], $0x2D00  }
0xe9: {  	[sflag:s21] =	ssyncset.done $0x0  }
0xea: {  	[sflag:s21] =	ssyncadd.s32 $0xFFFFD300  }
0xeb: {  	_ =	swait.ge [sflag:s22], $0x2D00  }
0xec: {  	[sflag:s22] =	ssyncset.done $0x0  }
0xed: {  	s19 =	simm.s32 $0x780;
	[sflag:s22] =	ssyncadd.s32 $0xFFFFD300  }
0xee: {  	[tilespmem:s16], [sflag:$0x1] =	stream.indirect.gather [hbm4b:s5+s15], $0x90, s19, s15, $0xb8;
	[tilespmem:$0x1FA20] =	vst v63  }
0xef: {  	s23 =	simm.s32 $0xEB0  }
0xf0: {  	[spmem:s1] =	stream.indirect.scatter.add.f32 [tilespmem:s17], [sflag:$0x5], $0x90, s23, s15, $0xb8;
	[tilespmem:$0x1FA20] =	vst v63  }
0xf1: {  	_ =	swait.ge [sflag:s26], $0x2D00  }
0xf2: {  	[sflag:s26] =	ssyncset.done $0x0  }
0xf3: {  	s24 =	simm.s32 $0xF00;
	[sflag:s26] =	ssyncadd.s32 $0xFFFFD300  }
0xf4: {  	[spmem:s1] =	stream.indirect.scatter.add.f32 [tilespmem:s20], [sflag:$0x6], $0x90, s24, s15, $0xb8;
	[tilespmem:$0x1FA20] =	vst v63  }
0xf5: {  	_ =	swait.ge [sflag:s18], $0x2D00  }
0xf6: {  	[sflag:s18] =	ssyncset.done $0x0  }
0xf7: {  	s25 =	simm.s32 $0xF50;
	[sflag:s18] =	ssyncadd.s32 $0xFFFFD300  }
0xf8: {  	[spmem:s1] =	stream.indirect.scatter.add.f32 [tilespmem:s16], [sflag:$0x4], $0x90, s25, s15, $0xb8;
	[tilespmem:$0x1FA20] =	vst v63  }
0xf9: {  	_ =	swait.ge [sflag:s28], $0x2D00  }
0xfa: {  	[sflag:s28] =	ssyncset.done $0x0  }
0xfb: {  	[sflag:s28] =	ssyncadd.s32 $0xFFFFD300  }
0xfc: {  	s30 =	simm.s32 $0x960;
	s7 =	simm.s32 $0xA0;
	_ =	swait.ge [sflag:s31], $0x2D00  }
0xfd: {  	s8 =	simm.s32 $0x140;
	s9 =	simm.s32 $0xF0;
	[sflag:s31] =	ssyncset.done $0x0  }
0xfe: {  	s10 =	simm.s32 $0x820;
	s12 =	simm.s32 $0x870;
	[sflag:s31] =	ssyncadd.s32 $0xFFFFD300  }
0xff: {  	s19 =	simm.s32 $0x190;
	s23 =	simm.s32 $0x8C0;
	_ =	swait.ge [sflag:s22], $0x2D00  }
0x100: {  	s24 =	simm.s32 $0x1E0;
	[sflag:s22] =	ssyncset.done $0x0;
	s0 =	rddreg [dreg:$0xa]  }
0x101: {  	s25 =	simm.s32 $0x910;
	s29 =	rddreg [dreg:$0xf];
	[sflag:s22] =	ssyncadd.s32 $0xFFFFD300  }
.LBB2_8:
0x102: {  	s4 =	stileid.u32  }
0x103: {  	s6 =	rddreg [dreg:$0xb];
	[bflag:$0x0] =	sbarrier.arrive $0xFFFF;
	s4 =	sshll.u32 s4, $0x6  }
0x104: {  	s0 =	sadd.s32 s0, s6;
	s6 =	rddreg [dreg:$0xe];
	s4 =	sor.u32 $0x1C07, s4  }
0x105: {  	[hbm:s0], [sflag:s4] =	dma.local [spmem:s6], $0x2C70  }
0x106: {  	_ =	swait.ge [sflag:s13], $0x2C70  }
0x107: {  	s29 =	sadd.s32 $0x1, s29;
	s6 =	rddreg [dreg:$0xc]  }
0x108: {  	p2 =	sne.s32 s29, s6  }
.Ltmp1:
0x109: {  	_ = 	snop;
	(pc) =	sbr.rel @!p2 .LBB2_9-.Ltmp1, $3  }
0x10a: {  	_ =	sdelay $0x1  }
0x10b: {  	[sflag:s13] =	ssyncset.done $0x0  }
0x10c: {  	[sflag:s13] =	ssyncadd.s32 $0xFFFFD390  }
.LBB2_1:
0x10d: {  	[dreg:$0xf] =	wrdreg s29  }
0x10e: {  	s4 =	rddreg [dreg:$0x8]  }
0x10f: {  	s0 =	simm.s32 @!p1 $0x1C07;
	s6 =	rddreg [dreg:$0xd]  }
0x110: {  	[spmem:s6], [sflag:s0] =	dma.local @!p1 [hbm:s4], $0x2C700  }
0x111: {  	s0 =	simm.s32 @!p1 $0x7  }
.Ltmp2:
0x112: {  	_ =	swait.ge @!p1 [sflag:s0], $0x2C700;
	(pc) =	sbr.rel @!p0 .LBB2_2-.Ltmp2, $4  }
0x113: {  	[sflag:s0] =	ssyncset.done @!p1 $0x0  }
0x114: {  	[sflag:s0] =	ssyncadd.s32 @!p1 $0xFFFD3900  }
0x115: {  	[bflag:$0x0] =	sbarrier.arrive $0xFFFF  }
0x116: {  	s0 =	sadd.s32 $0x0, s11  }
0x117: {  	[tilespmem:s2], [sflag:$0x7] =	stream.linear.gather [hbm4b:s0+s2], $0x7D0, $0x38;
	[tilespmem:$0x1FA20] =	vst v63  }
0x118: {  	_ =	swait.ge [sflag:s13], $0x7D0  }
0x119: {  	s6 =	rddreg [dreg:$0x7];
	[sflag:s13] =	ssyncset.done $0x0  }
0x11a: {  	[sflag:s13] =	ssyncadd.s32 $0xFFFFF830;
	s0 =	sadd.s32 $0x0, s6  }
0x11b: {  	[tilespmem:s14], [sflag:$0x7] =	stream.linear.gather [hbm4b:s0+s2], $0x7D0, $0x38;
	[tilespmem:$0x1FA20] =	vst v63  }
0x11c: {  	_ =	swait.ge [sflag:s13], $0x7D0  }
0x11d: {  	[sflag:s13] =	ssyncset.done $0x0  }
0x11e: {  	[sflag:s13] =	ssyncadd.s32 $0xFFFFF830  }
0x11f: {  	[tilespmem:s16], [sflag:$0x1] =	stream.indirect.gather [hbm4b:s5+s15], $0x90, s2, s15, $0xb8;
	[tilespmem:$0x1FA20] =	vst v63  }
0x120: {  	_ = 	snop  }
0x121: {  	[tilespmem:s17], [sflag:$0x2] =	stream.indirect.gather [hbm4b:s5+s15], $0x90, s15, s15, $0xb8;
	[tilespmem:$0x1FA20] =	vst v63  }
0x122: {  	_ =	swait.ge [sflag:s18], $0x2D00  }
0x123: {  	[sflag:s18] =	ssyncset.done $0x0  }
0x124: {  	[sflag:s18] =	ssyncadd.s32 $0xFFFFD300  }
0x125: {  	[tilespmem:s20], [sflag:$0x3] =	stream.indirect.gather [hbm4b:s5+s15], $0x90, s7, s15, $0xb8;
	[tilespmem:$0x1FA20] =	vst v63  }
0x126: {  	_ = 	snop  }
0x127: {  	[spmem:s1] =	stream.indirect.scatter.add.f32 [tilespmem:s16], [sflag:$0x4], $0x90, s14, s15, $0xb8;
	[tilespmem:$0x1FA20] =	vst v63  }
0x128: {  	_ =	swait.ge [sflag:s21], $0x2D00  }
0x129: {  	[sflag:s21] =	ssyncset.done $0x0  }
0x12a: {  	[sflag:s21] =	ssyncadd.s32 $0xFFFFD300  }
0x12b: {  	_ =	swait.ge [sflag:s22], $0x2D00  }
0x12c: {  	[sflag:s22] =	ssyncset.done $0x0  }
0x12d: {  	[sflag:s22] =	ssyncadd.s32 $0xFFFFD300  }
0x12e: {  	[tilespmem:s16], [sflag:$0x1] =	stream.indirect.gather [hbm4b:s5+s15], $0x90, s9, s15, $0xb8;
	[tilespmem:$0x1FA20] =	vst v63  }
0x12f: {  	_ = 	snop  }
0x130: {  	[spmem:s1] =	stream.indirect.scatter.add.f32 [tilespmem:s17], [sflag:$0x5], $0x90, s10, s15, $0xb8;
	[tilespmem:$0x1FA20] =	vst v63  }
0x131: {  	_ =	swait.ge [sflag:s26], $0x2D00  }
0x132: {  	[sflag:s26] =	ssyncset.done $0x0  }
0x133: {  	[sflag:s26] =	ssyncadd.s32 $0xFFFFD300  }
0x134: {  	_ =	swait.ge [sflag:s28], $0x2D00  }
0x135: {  	[sflag:s28] =	ssyncset.done $0x0  }
0x136: {  	[sflag:s28] =	ssyncadd.s32 $0xFFFFD300  }
0x137: {  	[tilespmem:s17], [sflag:$0x2] =	stream.indirect.gather [hbm4b:s5+s15], $0x90, s8, s15, $0xb8;
	[tilespmem:$0x1FA20] =	vst v63  }
0x138: {  	_ = 	snop  }
0x139: {  	[spmem:s1] =	stream.indirect.scatter.add.f32 [tilespmem:s20], [sflag:$0x6], $0x90, s12, s15, $0xb8;
	[tilespmem:$0x1FA20] =	vst v63  }
0x13a: {  	_ =	swait.ge [sflag:s18], $0x2D00  }
0x13b: {  	[sflag:s18] =	ssyncset.done $0x0  }
0x13c: {  	[sflag:s18] =	ssyncadd.s32 $0xFFFFD300  }
0x13d: {  	_ =	swait.ge [sflag:s31], $0x2D00  }
0x13e: {  	[sflag:s31] =	ssyncset.done $0x0  }
0x13f: {  	[sflag:s31] =	ssyncadd.s32 $0xFFFFD300  }
0x140: {  	[tilespmem:s20], [sflag:$0x3] =	stream.indirect.gather [hbm4b:s5+s15], $0x90, s19, s15, $0xb8;
	[tilespmem:$0x1FA20] =	vst v63  }
0x141: {  	_ = 	snop  }
0x142: {  	[spmem:s1] =	stream.indirect.scatter.add.f32 [tilespmem:s16], [sflag:$0x4], $0x90, s23, s15, $0xb8;
	[tilespmem:$0x1FA20] =	vst v63  }
0x143: {  	_ =	swait.ge [sflag:s21], $0x2D00  }
0x144: {  	[sflag:s21] =	ssyncset.done $0x0  }
0x145: {  	[sflag:s21] =	ssyncadd.s32 $0xFFFFD300  }
0x146: {  	_ =	swait.ge [sflag:s22], $0x2D00  }
0x147: {  	[sflag:s22] =	ssyncset.done $0x0  }
0x148: {  	[sflag:s22] =	ssyncadd.s32 $0xFFFFD300  }
0x149: {  	[tilespmem:s16], [sflag:$0x1] =	stream.indirect.gather [hbm4b:s5+s15], $0x90, s24, s15, $0xb8;
	[tilespmem:$0x1FA20] =	vst v63  }
0x14a: {  	_ = 	snop  }
0x14b: {  	[spmem:s1] =	stream.indirect.scatter.add.f32 [tilespmem:s17], [sflag:$0x5], $0x90, s25, s15, $0xb8;
	[tilespmem:$0x1FA20] =	vst v63  }
0x14c: {  	_ =	swait.ge [sflag:s26], $0x2D00  }
0x14d: {  	[sflag:s26] =	ssyncset.done $0x0  }
0x14e: {  	[sflag:s26] =	ssyncadd.s32 $0xFFFFD300  }
0x14f: {  	_ =	swait.ge [sflag:s28], $0x2D00  }
0x150: {  	[sflag:s28] =	ssyncset.done $0x0  }
0x151: {  	s19 =	simm.s32 $0x230;
	[sflag:s28] =	ssyncadd.s32 $0xFFFFD300  }
0x152: {  	[tilespmem:s17], [sflag:$0x2] =	stream.indirect.gather [hbm4b:s5+s15], $0x90, s19, s15, $0xb8;
	[tilespmem:$0x1FA20] =	vst v63  }
0x153: {  	_ = 	snop  }
0x154: {  	[spmem:s1] =	stream.indirect.scatter.add.f32 [tilespmem:s20], [sflag:$0x6], $0x90, s30, s15, $0xb8;
	[tilespmem:$0x1FA20] =	vst v63  }
0x155: {  	_ =	swait.ge [sflag:s18], $0x2D00  }
0x156: {  	[sflag:s18] =	ssyncset.done $0x0  }
0x157: {  	[sflag:s18] =	ssyncadd.s32 $0xFFFFD300  }
0x158: {  	_ =	swait.ge [sflag:s31], $0x2D00  }
0x159: {  	[sflag:s31] =	ssyncset.done $0x0  }
0x15a: {  	s23 =	simm.s32 $0x280;
	[sflag:s31] =	ssyncadd.s32 $0xFFFFD300  }
0x15b: {  	[tilespmem:s20], [sflag:$0x3] =	stream.indirect.gather [hbm4b:s5+s15], $0x90, s23, s15, $0xb8;
	[tilespmem:$0x1FA20] =	vst v63  }
0x15c: {  	s24 =	simm.s32 $0x9B0  }
0x15d: {  	[spmem:s1] =	stream.indirect.scatter.add.f32 [tilespmem:s16], [sflag:$0x4], $0x90, s24, s15, $0xb8;
	[tilespmem:$0x1FA20] =	vst v63  }
0x15e: {  	_ =	swait.ge [sflag:s21], $0x2D00  }
0x15f: {  	[sflag:s21] =	ssyncset.done $0x0  }
0x160: {  	[sflag:s21] =	ssyncadd.s32 $0xFFFFD300  }
0x161: {  	_ =	swait.ge [sflag:s22], $0x2D00  }
0x162: {  	[sflag:s22] =	ssyncset.done $0x0  }
0x163: {  	s25 =	simm.s32 $0x2D0;
	[sflag:s22] =	ssyncadd.s32 $0xFFFFD300  }
0x164: {  	[tilespmem:s16], [sflag:$0x1] =	stream.indirect.gather [hbm4b:s5+s15], $0x90, s25, s15, $0xb8;
	[tilespmem:$0x1FA20] =	vst v63  }
0x165: {  	s4 =	simm.s32 $0xA00  }
0x166: {  	[spmem:s1] =	stream.indirect.scatter.add.f32 [tilespmem:s17], [sflag:$0x5], $0x90, s4, s15, $0xb8;
	[tilespmem:$0x1FA20] =	vst v63  }
0x167: {  	_ =	swait.ge [sflag:s26], $0x2D00  }
0x168: {  	[sflag:s26] =	ssyncset.done $0x0  }
0x169: {  	[sflag:s26] =	ssyncadd.s32 $0xFFFFD300  }
0x16a: {  	_ =	swait.ge [sflag:s28], $0x2D00  }
0x16b: {  	[sflag:s28] =	ssyncset.done $0x0  }
0x16c: {  	s6 =	simm.s32 $0x320;
	[sflag:s28] =	ssyncadd.s32 $0xFFFFD300  }
0x16d: {  	[tilespmem:s17], [sflag:$0x2] =	stream.indirect.gather [hbm4b:s5+s15], $0x90, s6, s15, $0xb8;
	[tilespmem:$0x1FA20] =	vst v63  }
0x16e: {  	s7 =	simm.s32 $0xA50  }
0x16f: {  	[spmem:s1] =	stream.indirect.scatter.add.f32 [tilespmem:s20], [sflag:$0x6], $0x90, s7, s15, $0xb8;
	[tilespmem:$0x1FA20] =	vst v63  }
0x170: {  	_ =	swait.ge [sflag:s18], $0x2D00  }
0x171: {  	[sflag:s18] =	ssyncset.done $0x0  }
0x172: {  	[sflag:s18] =	ssyncadd.s32 $0xFFFFD300  }
0x173: {  	_ =	swait.ge [sflag:s31], $0x2D00  }
0x174: {  	[sflag:s31] =	ssyncset.done $0x0  }
0x175: {  	s8 =	simm.s32 $0x370;
	[sflag:s31] =	ssyncadd.s32 $0xFFFFD300  }
0x176: {  	[tilespmem:s20], [sflag:$0x3] =	stream.indirect.gather [hbm4b:s5+s15], $0x90, s8, s15, $0xb8;
	[tilespmem:$0x1FA20] =	vst v63  }
0x177: {  	s9 =	simm.s32 $0xAA0  }
0x178: {  	[spmem:s1] =	stream.indirect.scatter.add.f32 [tilespmem:s16], [sflag:$0x4], $0x90, s9, s15, $0xb8;
	[tilespmem:$0x1FA20] =	vst v63  }
0x179: {  	_ =	swait.ge [sflag:s21], $0x2D00  }
0x17a: {  	[sflag:s21] =	ssyncset.done $0x0  }
0x17b: {  	[sflag:s21] =	ssyncadd.s32 $0xFFFFD300  }
0x17c: {  	_ =	swait.ge [sflag:s22], $0x2D00  }
0x17d: {  	[sflag:s22] =	ssyncset.done $0x0  }
0x17e: {  	s10 =	simm.s32 $0x3C0;
	[sflag:s22] =	ssyncadd.s32 $0xFFFFD300  }
0x17f: {  	[tilespmem:s16], [sflag:$0x1] =	stream.indirect.gather [hbm4b:s5+s15], $0x90, s10, s15, $0xb8;
	[tilespmem:$0x1FA20] =	vst v63  }
0x180: {  	s12 =	simm.s32 $0xAF0  }
0x181: {  	[spmem:s1] =	stream.indirect.scatter.add.f32 [tilespmem:s17], [sflag:$0x5], $0x90, s12, s15, $0xb8;
	[tilespmem:$0x1FA20] =	vst v63  }
0x182: {  	_ =	swait.ge [sflag:s26], $0x2D00  }
0x183: {  	[sflag:s26] =	ssyncset.done $0x0  }
0x184: {  	[sflag:s26] =	ssyncadd.s32 $0xFFFFD300  }
0x185: {  	_ =	swait.ge [sflag:s28], $0x2D00  }
0x186: {  	[sflag:s28] =	ssyncset.done $0x0  }
0x187: {  	s19 =	simm.s32 $0x410;
	[sflag:s28] =	ssyncadd.s32 $0xFFFFD300  }
0x188: {  	[tilespmem:s17], [sflag:$0x2] =	stream.indirect.gather [hbm4b:s5+s15], $0x90, s19, s15, $0xb8;
	[tilespmem:$0x1FA20] =	vst v63  }
0x189: {  	s23 =	simm.s32 $0xB40  }
0x18a: {  	[spmem:s1] =	stream.indirect.scatter.add.f32 [tilespmem:s20], [sflag:$0x6], $0x90, s23, s15, $0xb8;
	[tilespmem:$0x1FA20] =	vst v63  }
0x18b: {  	_ =	swait.ge [sflag:s18], $0x2D00  }
0x18c: {  	[sflag:s18] =	ssyncset.done $0x0  }
0x18d: {  	[sflag:s18] =	ssyncadd.s32 $0xFFFFD300  }
0x18e: {  	_ =	swait.ge [sflag:s31], $0x2D00  }
0x18f: {  	[sflag:s31] =	ssyncset.done $0x0  }
0x190: {  	s24 =	simm.s32 $0x460;
	[sflag:s31] =	ssyncadd.s32 $0xFFFFD300  }
0x191: {  	[tilespmem:s20], [sflag:$0x3] =	stream.indirect.gather [hbm4b:s5+s15], $0x90, s24, s15, $0xb8;
	[tilespmem:$0x1FA20] =	vst v63  }
0x192: {  	s25 =	simm.s32 $0xB90  }
0x193: {  	[spmem:s1] =	stream.indirect.scatter.add.f32 [tilespmem:s16], [sflag:$0x4], $0x90, s25, s15, $0xb8;
	[tilespmem:$0x1FA20] =	vst v63  }
0x194: {  	_ =	swait.ge [sflag:s21], $0x2D00  }
0x195: {  	[sflag:s21] =	ssyncset.done $0x0  }
0x196: {  	[sflag:s21] =	ssyncadd.s32 $0xFFFFD300  }
0x197: {  	_ =	swait.ge [sflag:s22], $0x2D00  }
0x198: {  	[sflag:s22] =	ssyncset.done $0x0  }
0x199: {  	s4 =	simm.s32 $0x4B0;
	[sflag:s22] =	ssyncadd.s32 $0xFFFFD300  }
0x19a: {  	[tilespmem:s16], [sflag:$0x1] =	stream.indirect.gather [hbm4b:s5+s15], $0x90, s4, s15, $0xb8;
	[tilespmem:$0x1FA20] =	vst v63  }
0x19b: {  	s6 =	simm.s32 $0xBE0  }
0x19c: {  	[spmem:s1] =	stream.indirect.scatter.add.f32 [tilespmem:s17], [sflag:$0x5], $0x90, s6, s15, $0xb8;
	[tilespmem:$0x1FA20] =	vst v63  }
0x19d: {  	_ =	swait.ge [sflag:s26], $0x2D00  }
0x19e: {  	[sflag:s26] =	ssyncset.done $0x0  }
0x19f: {  	[sflag:s26] =	ssyncadd.s32 $0xFFFFD300  }
0x1a0: {  	_ =	swait.ge [sflag:s28], $0x2D00  }
0x1a1: {  	[sflag:s28] =	ssyncset.done $0x0  }
0x1a2: {  	s7 =	simm.s32 $0x500;
	[sflag:s28] =	ssyncadd.s32 $0xFFFFD300  }
0x1a3: {  	[tilespmem:s17], [sflag:$0x2] =	stream.indirect.gather [hbm4b:s5+s15], $0x90, s7, s15, $0xb8;
	[tilespmem:$0x1FA20] =	vst v63  }
0x1a4: {  	s8 =	simm.s32 $0xC30  }
0x1a5: {  	[spmem:s1] =	stream.indirect.scatter.add.f32 [tilespmem:s20], [sflag:$0x6], $0x90, s8, s15, $0xb8;
	[tilespmem:$0x1FA20] =	vst v63  }
0x1a6: {  	_ =	swait.ge [sflag:s18], $0x2D00  }
0x1a7: {  	[sflag:s18] =	ssyncset.done $0x0  }
0x1a8: {  	[sflag:s18] =	ssyncadd.s32 $0xFFFFD300  }
0x1a9: {  	_ =	swait.ge [sflag:s31], $0x2D00  }
0x1aa: {  	[sflag:s31] =	ssyncset.done $0x0  }
0x1ab: {  	s9 =	simm.s32 $0x550;
	[sflag:s31] =	ssyncadd.s32 $0xFFFFD300  }
0x1ac: {  	[tilespmem:s20], [sflag:$0x3] =	stream.indirect.gather [hbm4b:s5+s15], $0x90, s9, s15, $0xb8;
	[tilespmem:$0x1FA20] =	vst v63  }
0x1ad: {  	s10 =	simm.s32 $0xC80  }
0x1ae: {  	[spmem:s1] =	stream.indirect.scatter.add.f32 [tilespmem:s16], [sflag:$0x4], $0x90, s10, s15, $0xb8;
	[tilespmem:$0x1FA20] =	vst v63  }
0x1af: {  	_ =	swait.ge [sflag:s21], $0x2D00  }
0x1b0: {  	[sflag:s21] =	ssyncset.done $0x0  }
0x1b1: {  	[sflag:s21] =	ssyncadd.s32 $0xFFFFD300  }
0x1b2: {  	_ =	swait.ge [sflag:s22], $0x2D00  }
0x1b3: {  	[sflag:s22] =	ssyncset.done $0x0  }
0x1b4: {  	s12 =	simm.s32 $0x5A0;
	[sflag:s22] =	ssyncadd.s32 $0xFFFFD300  }
0x1b5: {  	[tilespmem:s16], [sflag:$0x1] =	stream.indirect.gather [hbm4b:s5+s15], $0x90, s12, s15, $0xb8;
	[tilespmem:$0x1FA20] =	vst v63  }
0x1b6: {  	s19 =	simm.s32 $0xCD0  }
0x1b7: {  	[spmem:s1] =	stream.indirect.scatter.add.f32 [tilespmem:s17], [sflag:$0x5], $0x90, s19, s15, $0xb8;
	[tilespmem:$0x1FA20] =	vst v63  }
0x1b8: {  	_ =	swait.ge [sflag:s26], $0x2D00  }
0x1b9: {  	[sflag:s26] =	ssyncset.done $0x0  }
0x1ba: {  	[sflag:s26] =	ssyncadd.s32 $0xFFFFD300  }
0x1bb: {  	_ =	swait.ge [sflag:s28], $0x2D00  }
0x1bc: {  	[sflag:s28] =	ssyncset.done $0x0  }
0x1bd: {  	s23 =	simm.s32 $0x5F0;
	[sflag:s28] =	ssyncadd.s32 $0xFFFFD300  }
0x1be: {  	[tilespmem:s17], [sflag:$0x2] =	stream.indirect.gather [hbm4b:s5+s15], $0x90, s23, s15, $0xb8;
	[tilespmem:$0x1FA20] =	vst v63  }
0x1bf: {  	s24 =	simm.s32 $0xD20  }
0x1c0: {  	[spmem:s1] =	stream.indirect.scatter.add.f32 [tilespmem:s20], [sflag:$0x6], $0x90, s24, s15, $0xb8;
	[tilespmem:$0x1FA20] =	vst v63  }
0x1c1: {  	_ =	swait.ge [sflag:s18], $0x2D00  }
0x1c2: {  	[sflag:s18] =	ssyncset.done $0x0  }
0x1c3: {  	[sflag:s18] =	ssyncadd.s32 $0xFFFFD300  }
0x1c4: {  	_ =	swait.ge [sflag:s31], $0x2D00  }
0x1c5: {  	[sflag:s31] =	ssyncset.done $0x0  }
0x1c6: {  	s25 =	simm.s32 $0x640;
	[sflag:s31] =	ssyncadd.s32 $0xFFFFD300  }
0x1c7: {  	[tilespmem:s20], [sflag:$0x3] =	stream.indirect.gather [hbm4b:s5+s15], $0x90, s25, s15, $0xb8;
	[tilespmem:$0x1FA20] =	vst v63  }
0x1c8: {  	s4 =	simm.s32 $0xD70  }
0x1c9: {  	[spmem:s1] =	stream.indirect.scatter.add.f32 [tilespmem:s16], [sflag:$0x4], $0x90, s4, s15, $0xb8;
	[tilespmem:$0x1FA20] =	vst v63  }
0x1ca: {  	_ =	swait.ge [sflag:s21], $0x2D00  }
0x1cb: {  	[sflag:s21] =	ssyncset.done $0x0  }
0x1cc: {  	[sflag:s21] =	ssyncadd.s32 $0xFFFFD300  }
0x1cd: {  	_ =	swait.ge [sflag:s22], $0x2D00  }
0x1ce: {  	[sflag:s22] =	ssyncset.done $0x0  }
0x1cf: {  	s6 =	simm.s32 $0x690;
	[sflag:s22] =	ssyncadd.s32 $0xFFFFD300  }
0x1d0: {  	[tilespmem:s16], [sflag:$0x1] =	stream.indirect.gather [hbm4b:s5+s15], $0x90, s6, s15, $0xb8;
	[tilespmem:$0x1FA20] =	vst v63  }
0x1d1: {  	s7 =	simm.s32 $0xDC0  }
0x1d2: {  	[spmem:s1] =	stream.indirect.scatter.add.f32 [tilespmem:s17], [sflag:$0x5], $0x90, s7, s15, $0xb8;
	[tilespmem:$0x1FA20] =	vst v63  }
0x1d3: {  	_ =	swait.ge [sflag:s26], $0x2D00  }
0x1d4: {  	[sflag:s26] =	ssyncset.done $0x0  }
0x1d5: {  	[sflag:s26] =	ssyncadd.s32 $0xFFFFD300  }
0x1d6: {  	_ =	swait.ge [sflag:s28], $0x2D00  }
0x1d7: {  	[sflag:s28] =	ssyncset.done $0x0  }
0x1d8: {  	s8 =	simm.s32 $0x6E0;
	[sflag:s28] =	ssyncadd.s32 $0xFFFFD300  }
0x1d9: {  	[tilespmem:s17], [sflag:$0x2] =	stream.indirect.gather [hbm4b:s5+s15], $0x90, s8, s15, $0xb8;
	[tilespmem:$0x1FA20] =	vst v63  }
0x1da: {  	s9 =	simm.s32 $0xE10  }
0x1db: {  	[spmem:s1] =	stream.indirect.scatter.add.f32 [tilespmem:s20], [sflag:$0x6], $0x90, s9, s15, $0xb8;
	[tilespmem:$0x1FA20] =	vst v63  }
0x1dc: {  	_ =	swait.ge [sflag:s18], $0x2D00  }
0x1dd: {  	[sflag:s18] =	ssyncset.done $0x0  }
0x1de: {  	[sflag:s18] =	ssyncadd.s32 $0xFFFFD300  }
0x1df: {  	_ =	swait.ge [sflag:s31], $0x2D00  }
0x1e0: {  	[sflag:s31] =	ssyncset.done $0x0  }
0x1e1: {  	s10 =	simm.s32 $0x730;
	[sflag:s31] =	ssyncadd.s32 $0xFFFFD300  }
0x1e2: {  	[tilespmem:s20], [sflag:$0x3] =	stream.indirect.gather [hbm4b:s5+s15], $0x90, s10, s15, $0xb8;
	[tilespmem:$0x1FA20] =	vst v63  }
0x1e3: {  	s12 =	simm.s32 $0xE60  }
0x1e4: {  	[spmem:s1] =	stream.indirect.scatter.add.f32 [tilespmem:s16], [sflag:$0x4], $0x90, s12, s15, $0xb8;
	[tilespmem:$0x1FA20] =	vst v63  }
0x1e5: {  	_ =	swait.ge [sflag:s21], $0x2D00  }
0x1e6: {  	[sflag:s21] =	ssyncset.done $0x0  }
0x1e7: {  	[sflag:s21] =	ssyncadd.s32 $0xFFFFD300  }
0x1e8: {  	_ =	swait.ge [sflag:s22], $0x2D00  }
0x1e9: {  	[sflag:s22] =	ssyncset.done $0x0  }
0x1ea: {  	s19 =	simm.s32 $0x780;
	[sflag:s22] =	ssyncadd.s32 $0xFFFFD300  }
0x1eb: {  	[tilespmem:s16], [sflag:$0x1] =	stream.indirect.gather [hbm4b:s5+s15], $0x90, s19, s15, $0xb8;
	[tilespmem:$0x1FA20] =	vst v63  }
0x1ec: {  	s23 =	simm.s32 $0xEB0  }
0x1ed: {  	[spmem:s1] =	stream.indirect.scatter.add.f32 [tilespmem:s17], [sflag:$0x5], $0x90, s23, s15, $0xb8;
	[tilespmem:$0x1FA20] =	vst v63  }
0x1ee: {  	_ =	swait.ge [sflag:s26], $0x2D00  }
0x1ef: {  	[sflag:s26] =	ssyncset.done $0x0  }
0x1f0: {  	s24 =	simm.s32 $0xF00;
	[sflag:s26] =	ssyncadd.s32 $0xFFFFD300  }
0x1f1: {  	[spmem:s1] =	stream.indirect.scatter.add.f32 [tilespmem:s20], [sflag:$0x6], $0x90, s24, s15, $0xb8;
	[tilespmem:$0x1FA20] =	vst v63  }
0x1f2: {  	_ =	swait.ge [sflag:s18], $0x2D00  }
0x1f3: {  	[sflag:s18] =	ssyncset.done $0x0  }
0x1f4: {  	s25 =	simm.s32 $0xF50;
	[sflag:s18] =	ssyncadd.s32 $0xFFFFD300  }
0x1f5: {  	[spmem:s1] =	stream.indirect.scatter.add.f32 [tilespmem:s16], [sflag:$0x4], $0x90, s25, s15, $0xb8;
	[tilespmem:$0x1FA20] =	vst v63  }
0x1f6: {  	_ =	swait.ge [sflag:s28], $0x2D00  }
0x1f7: {  	[sflag:s28] =	ssyncset.done $0x0  }
0x1f8: {  	s29 =	simm.s32 $0x1E0;
	[sflag:s28] =	ssyncadd.s32 $0xFFFFD300  }
0x1f9: {  	s0 =	simm.s32 $0xFA;
	s30 =	simm.s32 $0x910;
	_ =	swait.ge [sflag:s31], $0x2D00  }
0x1fa: {  	s8 =	simm.s32 $0x1F4;
	s9 =	simm.s32 $0xA0;
	[sflag:s31] =	ssyncset.done $0x0  }
0x1fb: {  	s10 =	simm.s32 $0xF0;
	s12 =	simm.s32 $0x820;
	[sflag:s31] =	ssyncadd.s32 $0xFFFFD300  }
0x1fc: {  	s19 =	simm.s32 $0x870;
	s23 =	simm.s32 $0x190;
	_ =	swait.ge [sflag:s22], $0x2D00  }
0x1fd: {  	s24 =	simm.s32 $0x8C0;
	s25 =	simm.s32 $0x140;
	[sflag:s22] =	ssyncset.done $0x0  }
.LBB2_6:
0x1fe: {  	s4 =	sadd.s32 s0, s11;
	[sflag:s22] =	ssyncadd.s32 $0xFFFFD300  }
0x1ff: {  	[tilespmem:s2], [sflag:$0x7] =	stream.linear.gather [hbm4b:s4+s2], $0x7D0, $0x38;
	[tilespmem:$0x1FA20] =	vst v63  }
0x200: {  	s6 =	smov.u32 s8;
	s7 =	sadd.s32 $0xFA, s8;
	_ =	swait.ge [sflag:s13], $0x7D0  }
0x201: {  	p2 =	sne.s32 s8, $0x8CA;
	s8 =	rddreg [dreg:$0x7];
	[sflag:s13] =	ssyncset.done $0x0  }
0x202: {  	[sflag:s13] =	ssyncadd.s32 $0xFFFFF830;
	s4 =	sadd.s32 s0, s8  }
0x203: {  	[tilespmem:s14], [sflag:$0x7] =	stream.linear.gather [hbm4b:s4+s2], $0x7D0, $0x38;
	[tilespmem:$0x1FA20] =	vst v63  }
0x204: {  	_ =	swait.ge [sflag:s13], $0x7D0  }
0x205: {  	[sflag:s13] =	ssyncset.done $0x0  }
0x206: {  	[sflag:s13] =	ssyncadd.s32 $0xFFFFF830  }
0x207: {  	[tilespmem:s16], [sflag:$0x1] =	stream.indirect.gather [hbm4b:s5+s15], $0x90, s2, s15, $0xb8;
	[tilespmem:$0x1FA20] =	vst v63  }
0x208: {  	_ = 	snop  }
0x209: {  	[tilespmem:s17], [sflag:$0x2] =	stream.indirect.gather [hbm4b:s5+s15], $0x90, s15, s15, $0xb8;
	[tilespmem:$0x1FA20] =	vst v63  }
0x20a: {  	_ =	swait.ge [sflag:s18], $0x2D00  }
0x20b: {  	[sflag:s18] =	ssyncset.done $0x0  }
0x20c: {  	[sflag:s18] =	ssyncadd.s32 $0xFFFFD300  }
0x20d: {  	[tilespmem:s20], [sflag:$0x3] =	stream.indirect.gather [hbm4b:s5+s15], $0x90, s9, s15, $0xb8;
	[tilespmem:$0x1FA20] =	vst v63  }
0x20e: {  	_ = 	snop  }
0x20f: {  	[spmem:s1] =	stream.indirect.scatter.add.f32 [tilespmem:s16], [sflag:$0x4], $0x90, s14, s15, $0xb8;
	[tilespmem:$0x1FA20] =	vst v63  }
0x210: {  	_ =	swait.ge [sflag:s21], $0x2D00  }
0x211: {  	[sflag:s21] =	ssyncset.done $0x0  }
0x212: {  	[sflag:s21] =	ssyncadd.s32 $0xFFFFD300  }
0x213: {  	_ =	swait.ge [sflag:s22], $0x2D00  }
0x214: {  	[sflag:s22] =	ssyncset.done $0x0  }
0x215: {  	[sflag:s22] =	ssyncadd.s32 $0xFFFFD300  }
0x216: {  	[tilespmem:s16], [sflag:$0x1] =	stream.indirect.gather [hbm4b:s5+s15], $0x90, s10, s15, $0xb8;
	[tilespmem:$0x1FA20] =	vst v63  }
0x217: {  	_ = 	snop  }
0x218: {  	[spmem:s1] =	stream.indirect.scatter.add.f32 [tilespmem:s17], [sflag:$0x5], $0x90, s12, s15, $0xb8;
	[tilespmem:$0x1FA20] =	vst v63  }
0x219: {  	_ =	swait.ge [sflag:s26], $0x2D00  }
0x21a: {  	[sflag:s26] =	ssyncset.done $0x0  }
0x21b: {  	[sflag:s26] =	ssyncadd.s32 $0xFFFFD300  }
0x21c: {  	_ =	swait.ge [sflag:s28], $0x2D00  }
0x21d: {  	[sflag:s28] =	ssyncset.done $0x0  }
0x21e: {  	[sflag:s28] =	ssyncadd.s32 $0xFFFFD300  }
0x21f: {  	[tilespmem:s17], [sflag:$0x2] =	stream.indirect.gather [hbm4b:s5+s15], $0x90, s25, s15, $0xb8;
	[tilespmem:$0x1FA20] =	vst v63  }
0x220: {  	_ = 	snop  }
0x221: {  	[spmem:s1] =	stream.indirect.scatter.add.f32 [tilespmem:s20], [sflag:$0x6], $0x90, s19, s15, $0xb8;
	[tilespmem:$0x1FA20] =	vst v63  }
0x222: {  	_ =	swait.ge [sflag:s18], $0x2D00  }
0x223: {  	[sflag:s18] =	ssyncset.done $0x0  }
0x224: {  	[sflag:s18] =	ssyncadd.s32 $0xFFFFD300  }
0x225: {  	_ =	swait.ge [sflag:s31], $0x2D00  }
0x226: {  	[sflag:s31] =	ssyncset.done $0x0  }
0x227: {  	[sflag:s31] =	ssyncadd.s32 $0xFFFFD300  }
0x228: {  	[tilespmem:s20], [sflag:$0x3] =	stream.indirect.gather [hbm4b:s5+s15], $0x90, s23, s15, $0xb8;
	[tilespmem:$0x1FA20] =	vst v63  }
0x229: {  	_ = 	snop  }
0x22a: {  	[spmem:s1] =	stream.indirect.scatter.add.f32 [tilespmem:s16], [sflag:$0x4], $0x90, s24, s15, $0xb8;
	[tilespmem:$0x1FA20] =	vst v63  }
0x22b: {  	_ =	swait.ge [sflag:s21], $0x2D00  }
0x22c: {  	[sflag:s21] =	ssyncset.done $0x0  }
0x22d: {  	[sflag:s21] =	ssyncadd.s32 $0xFFFFD300  }
0x22e: {  	_ =	swait.ge [sflag:s22], $0x2D00  }
0x22f: {  	[sflag:s22] =	ssyncset.done $0x0  }
0x230: {  	[sflag:s22] =	ssyncadd.s32 $0xFFFFD300  }
0x231: {  	[tilespmem:s16], [sflag:$0x1] =	stream.indirect.gather [hbm4b:s5+s15], $0x90, s29, s15, $0xb8;
	[tilespmem:$0x1FA20] =	vst v63  }
0x232: {  	_ = 	snop  }
0x233: {  	[spmem:s1] =	stream.indirect.scatter.add.f32 [tilespmem:s17], [sflag:$0x5], $0x90, s30, s15, $0xb8;
	[tilespmem:$0x1FA20] =	vst v63  }
0x234: {  	_ =	swait.ge [sflag:s26], $0x2D00  }
0x235: {  	[sflag:s26] =	ssyncset.done $0x0  }
0x236: {  	[sflag:s26] =	ssyncadd.s32 $0xFFFFD300  }
0x237: {  	_ =	swait.ge [sflag:s28], $0x2D00  }
0x238: {  	[sflag:s28] =	ssyncset.done $0x0  }
0x239: {  	s8 =	simm.s32 $0x230;
	[sflag:s28] =	ssyncadd.s32 $0xFFFFD300  }
0x23a: {  	[tilespmem:s17], [sflag:$0x2] =	stream.indirect.gather [hbm4b:s5+s15], $0x90, s8, s15, $0xb8;
	[tilespmem:$0x1FA20] =	vst v63  }
0x23b: {  	s8 =	simm.s32 $0x960  }
0x23c: {  	[spmem:s1] =	stream.indirect.scatter.add.f32 [tilespmem:s20], [sflag:$0x6], $0x90, s8, s15, $0xb8;
	[tilespmem:$0x1FA20] =	vst v63  }
0x23d: {  	_ =	swait.ge [sflag:s18], $0x2D00  }
0x23e: {  	[sflag:s18] =	ssyncset.done $0x0  }
0x23f: {  	[sflag:s18] =	ssyncadd.s32 $0xFFFFD300  }
0x240: {  	_ =	swait.ge [sflag:s31], $0x2D00  }
0x241: {  	[sflag:s31] =	ssyncset.done $0x0  }
0x242: {  	s0 =	smov.u32 s6;
	s6 =	simm.s32 $0x280;
	[sflag:s31] =	ssyncadd.s32 $0xFFFFD300  }
0x243: {  	[tilespmem:s20], [sflag:$0x3] =	stream.indirect.gather [hbm4b:s5+s15], $0x90, s6, s15, $0xb8;
	[tilespmem:$0x1FA20] =	vst v63  }
0x244: {  	s8 =	simm.s32 $0x9B0  }
0x245: {  	[spmem:s1] =	stream.indirect.scatter.add.f32 [tilespmem:s16], [sflag:$0x4], $0x90, s8, s15, $0xb8;
	[tilespmem:$0x1FA20] =	vst v63  }
0x246: {  	_ =	swait.ge [sflag:s21], $0x2D00  }
0x247: {  	[sflag:s21] =	ssyncset.done $0x0  }
0x248: {  	[sflag:s21] =	ssyncadd.s32 $0xFFFFD300  }
0x249: {  	_ =	swait.ge [sflag:s22], $0x2D00  }
0x24a: {  	[sflag:s22] =	ssyncset.done $0x0  }
0x24b: {  	s8 =	simm.s32 $0x2D0;
	[sflag:s22] =	ssyncadd.s32 $0xFFFFD300  }
0x24c: {  	[tilespmem:s16], [sflag:$0x1] =	stream.indirect.gather [hbm4b:s5+s15], $0x90, s8, s15, $0xb8;
	[tilespmem:$0x1FA20] =	vst v63  }
0x24d: {  	s8 =	simm.s32 $0xA00  }
0x24e: {  	[spmem:s1] =	stream.indirect.scatter.add.f32 [tilespmem:s17], [sflag:$0x5], $0x90, s8, s15, $0xb8;
	[tilespmem:$0x1FA20] =	vst v63  }
0x24f: {  	_ =	swait.ge [sflag:s26], $0x2D00  }
0x250: {  	[sflag:s26] =	ssyncset.done $0x0  }
0x251: {  	[sflag:s26] =	ssyncadd.s32 $0xFFFFD300  }
0x252: {  	_ =	swait.ge [sflag:s28], $0x2D00  }
0x253: {  	[sflag:s28] =	ssyncset.done $0x0  }
0x254: {  	s8 =	simm.s32 $0x320;
	[sflag:s28] =	ssyncadd.s32 $0xFFFFD300  }
0x255: {  	[tilespmem:s17], [sflag:$0x2] =	stream.indirect.gather [hbm4b:s5+s15], $0x90, s8, s15, $0xb8;
	[tilespmem:$0x1FA20] =	vst v63  }
0x256: {  	s8 =	simm.s32 $0xA50  }
0x257: {  	[spmem:s1] =	stream.indirect.scatter.add.f32 [tilespmem:s20], [sflag:$0x6], $0x90, s8, s15, $0xb8;
	[tilespmem:$0x1FA20] =	vst v63  }
0x258: {  	_ =	swait.ge [sflag:s18], $0x2D00  }
0x259: {  	[sflag:s18] =	ssyncset.done $0x0  }
0x25a: {  	[sflag:s18] =	ssyncadd.s32 $0xFFFFD300  }
0x25b: {  	_ =	swait.ge [sflag:s31], $0x2D00  }
0x25c: {  	[sflag:s31] =	ssyncset.done $0x0  }
0x25d: {  	s8 =	simm.s32 $0x370;
	[sflag:s31] =	ssyncadd.s32 $0xFFFFD300  }
0x25e: {  	[tilespmem:s20], [sflag:$0x3] =	stream.indirect.gather [hbm4b:s5+s15], $0x90, s8, s15, $0xb8;
	[tilespmem:$0x1FA20] =	vst v63  }
0x25f: {  	s8 =	simm.s32 $0xAA0  }
0x260: {  	[spmem:s1] =	stream.indirect.scatter.add.f32 [tilespmem:s16], [sflag:$0x4], $0x90, s8, s15, $0xb8;
	[tilespmem:$0x1FA20] =	vst v63  }
0x261: {  	_ =	swait.ge [sflag:s21], $0x2D00  }
0x262: {  	[sflag:s21] =	ssyncset.done $0x0  }
0x263: {  	[sflag:s21] =	ssyncadd.s32 $0xFFFFD300  }
0x264: {  	_ =	swait.ge [sflag:s22], $0x2D00  }
0x265: {  	[sflag:s22] =	ssyncset.done $0x0  }
0x266: {  	s8 =	simm.s32 $0x3C0;
	[sflag:s22] =	ssyncadd.s32 $0xFFFFD300  }
0x267: {  	[tilespmem:s16], [sflag:$0x1] =	stream.indirect.gather [hbm4b:s5+s15], $0x90, s8, s15, $0xb8;
	[tilespmem:$0x1FA20] =	vst v63  }
0x268: {  	s8 =	simm.s32 $0xAF0  }
0x269: {  	[spmem:s1] =	stream.indirect.scatter.add.f32 [tilespmem:s17], [sflag:$0x5], $0x90, s8, s15, $0xb8;
	[tilespmem:$0x1FA20] =	vst v63  }
0x26a: {  	_ =	swait.ge [sflag:s26], $0x2D00  }
0x26b: {  	[sflag:s26] =	ssyncset.done $0x0  }
0x26c: {  	[sflag:s26] =	ssyncadd.s32 $0xFFFFD300  }
0x26d: {  	_ =	swait.ge [sflag:s28], $0x2D00  }
0x26e: {  	[sflag:s28] =	ssyncset.done $0x0  }
0x26f: {  	s8 =	simm.s32 $0x410;
	[sflag:s28] =	ssyncadd.s32 $0xFFFFD300  }
0x270: {  	[tilespmem:s17], [sflag:$0x2] =	stream.indirect.gather [hbm4b:s5+s15], $0x90, s8, s15, $0xb8;
	[tilespmem:$0x1FA20] =	vst v63  }
0x271: {  	s8 =	simm.s32 $0xB40  }
0x272: {  	[spmem:s1] =	stream.indirect.scatter.add.f32 [tilespmem:s20], [sflag:$0x6], $0x90, s8, s15, $0xb8;
	[tilespmem:$0x1FA20] =	vst v63  }
0x273: {  	_ =	swait.ge [sflag:s18], $0x2D00  }
0x274: {  	[sflag:s18] =	ssyncset.done $0x0  }
0x275: {  	[sflag:s18] =	ssyncadd.s32 $0xFFFFD300  }
0x276: {  	_ =	swait.ge [sflag:s31], $0x2D00  }
0x277: {  	[sflag:s31] =	ssyncset.done $0x0  }
0x278: {  	s8 =	simm.s32 $0x460;
	[sflag:s31] =	ssyncadd.s32 $0xFFFFD300  }
0x279: {  	[tilespmem:s20], [sflag:$0x3] =	stream.indirect.gather [hbm4b:s5+s15], $0x90, s8, s15, $0xb8;
	[tilespmem:$0x1FA20] =	vst v63  }
0x27a: {  	s8 =	simm.s32 $0xB90  }
0x27b: {  	[spmem:s1] =	stream.indirect.scatter.add.f32 [tilespmem:s16], [sflag:$0x4], $0x90, s8, s15, $0xb8;
	[tilespmem:$0x1FA20] =	vst v63  }
0x27c: {  	_ =	swait.ge [sflag:s21], $0x2D00  }
0x27d: {  	[sflag:s21] =	ssyncset.done $0x0  }
0x27e: {  	[sflag:s21] =	ssyncadd.s32 $0xFFFFD300  }
0x27f: {  	_ =	swait.ge [sflag:s22], $0x2D00  }
0x280: {  	[sflag:s22] =	ssyncset.done $0x0  }
0x281: {  	s8 =	simm.s32 $0x4B0;
	[sflag:s22] =	ssyncadd.s32 $0xFFFFD300  }
0x282: {  	[tilespmem:s16], [sflag:$0x1] =	stream.indirect.gather [hbm4b:s5+s15], $0x90, s8, s15, $0xb8;
	[tilespmem:$0x1FA20] =	vst v63  }
0x283: {  	s8 =	simm.s32 $0xBE0  }
0x284: {  	[spmem:s1] =	stream.indirect.scatter.add.f32 [tilespmem:s17], [sflag:$0x5], $0x90, s8, s15, $0xb8;
	[tilespmem:$0x1FA20] =	vst v63  }
0x285: {  	_ =	swait.ge [sflag:s26], $0x2D00  }
0x286: {  	[sflag:s26] =	ssyncset.done $0x0  }
0x287: {  	[sflag:s26] =	ssyncadd.s32 $0xFFFFD300  }
0x288: {  	_ =	swait.ge [sflag:s28], $0x2D00  }
0x289: {  	[sflag:s28] =	ssyncset.done $0x0  }
0x28a: {  	s8 =	simm.s32 $0x500;
	[sflag:s28] =	ssyncadd.s32 $0xFFFFD300  }
0x28b: {  	[tilespmem:s17], [sflag:$0x2] =	stream.indirect.gather [hbm4b:s5+s15], $0x90, s8, s15, $0xb8;
	[tilespmem:$0x1FA20] =	vst v63  }
0x28c: {  	s8 =	simm.s32 $0xC30  }
0x28d: {  	[spmem:s1] =	stream.indirect.scatter.add.f32 [tilespmem:s20], [sflag:$0x6], $0x90, s8, s15, $0xb8;
	[tilespmem:$0x1FA20] =	vst v63  }
0x28e: {  	_ =	swait.ge [sflag:s18], $0x2D00  }
0x28f: {  	[sflag:s18] =	ssyncset.done $0x0  }
0x290: {  	[sflag:s18] =	ssyncadd.s32 $0xFFFFD300  }
0x291: {  	_ =	swait.ge [sflag:s31], $0x2D00  }
0x292: {  	[sflag:s31] =	ssyncset.done $0x0  }
0x293: {  	s8 =	simm.s32 $0x550;
	[sflag:s31] =	ssyncadd.s32 $0xFFFFD300  }
0x294: {  	[tilespmem:s20], [sflag:$0x3] =	stream.indirect.gather [hbm4b:s5+s15], $0x90, s8, s15, $0xb8;
	[tilespmem:$0x1FA20] =	vst v63  }
0x295: {  	s8 =	simm.s32 $0xC80  }
0x296: {  	[spmem:s1] =	stream.indirect.scatter.add.f32 [tilespmem:s16], [sflag:$0x4], $0x90, s8, s15, $0xb8;
	[tilespmem:$0x1FA20] =	vst v63  }
0x297: {  	_ =	swait.ge [sflag:s21], $0x2D00  }
0x298: {  	[sflag:s21] =	ssyncset.done $0x0  }
0x299: {  	[sflag:s21] =	ssyncadd.s32 $0xFFFFD300  }
0x29a: {  	_ =	swait.ge [sflag:s22], $0x2D00  }
0x29b: {  	[sflag:s22] =	ssyncset.done $0x0  }
0x29c: {  	s8 =	simm.s32 $0x5A0;
	[sflag:s22] =	ssyncadd.s32 $0xFFFFD300  }
0x29d: {  	[tilespmem:s16], [sflag:$0x1] =	stream.indirect.gather [hbm4b:s5+s15], $0x90, s8, s15, $0xb8;
	[tilespmem:$0x1FA20] =	vst v63  }
0x29e: {  	s8 =	simm.s32 $0xCD0  }
0x29f: {  	[spmem:s1] =	stream.indirect.scatter.add.f32 [tilespmem:s17], [sflag:$0x5], $0x90, s8, s15, $0xb8;
	[tilespmem:$0x1FA20] =	vst v63  }
0x2a0: {  	_ =	swait.ge [sflag:s26], $0x2D00  }
0x2a1: {  	[sflag:s26] =	ssyncset.done $0x0  }
0x2a2: {  	[sflag:s26] =	ssyncadd.s32 $0xFFFFD300  }
0x2a3: {  	_ =	swait.ge [sflag:s28], $0x2D00  }
0x2a4: {  	[sflag:s28] =	ssyncset.done $0x0  }
0x2a5: {  	s8 =	simm.s32 $0x5F0;
	[sflag:s28] =	ssyncadd.s32 $0xFFFFD300  }
0x2a6: {  	[tilespmem:s17], [sflag:$0x2] =	stream.indirect.gather [hbm4b:s5+s15], $0x90, s8, s15, $0xb8;
	[tilespmem:$0x1FA20] =	vst v63  }
0x2a7: {  	s8 =	simm.s32 $0xD20  }
0x2a8: {  	[spmem:s1] =	stream.indirect.scatter.add.f32 [tilespmem:s20], [sflag:$0x6], $0x90, s8, s15, $0xb8;
	[tilespmem:$0x1FA20] =	vst v63  }
0x2a9: {  	_ =	swait.ge [sflag:s18], $0x2D00  }
0x2aa: {  	[sflag:s18] =	ssyncset.done $0x0  }
0x2ab: {  	[sflag:s18] =	ssyncadd.s32 $0xFFFFD300  }
0x2ac: {  	_ =	swait.ge [sflag:s31], $0x2D00  }
0x2ad: {  	[sflag:s31] =	ssyncset.done $0x0  }
0x2ae: {  	s8 =	simm.s32 $0x640;
	[sflag:s31] =	ssyncadd.s32 $0xFFFFD300  }
0x2af: {  	[tilespmem:s20], [sflag:$0x3] =	stream.indirect.gather [hbm4b:s5+s15], $0x90, s8, s15, $0xb8;
	[tilespmem:$0x1FA20] =	vst v63  }
0x2b0: {  	s8 =	simm.s32 $0xD70  }
0x2b1: {  	[spmem:s1] =	stream.indirect.scatter.add.f32 [tilespmem:s16], [sflag:$0x4], $0x90, s8, s15, $0xb8;
	[tilespmem:$0x1FA20] =	vst v63  }
0x2b2: {  	_ =	swait.ge [sflag:s21], $0x2D00  }
0x2b3: {  	[sflag:s21] =	ssyncset.done $0x0  }
0x2b4: {  	[sflag:s21] =	ssyncadd.s32 $0xFFFFD300  }
0x2b5: {  	_ =	swait.ge [sflag:s22], $0x2D00  }
0x2b6: {  	[sflag:s22] =	ssyncset.done $0x0  }
0x2b7: {  	s8 =	simm.s32 $0x690;
	[sflag:s22] =	ssyncadd.s32 $0xFFFFD300  }
0x2b8: {  	[tilespmem:s16], [sflag:$0x1] =	stream.indirect.gather [hbm4b:s5+s15], $0x90, s8, s15, $0xb8;
	[tilespmem:$0x1FA20] =	vst v63  }
0x2b9: {  	s8 =	simm.s32 $0xDC0  }
0x2ba: {  	[spmem:s1] =	stream.indirect.scatter.add.f32 [tilespmem:s17], [sflag:$0x5], $0x90, s8, s15, $0xb8;
	[tilespmem:$0x1FA20] =	vst v63  }
0x2bb: {  	_ =	swait.ge [sflag:s26], $0x2D00  }
0x2bc: {  	[sflag:s26] =	ssyncset.done $0x0  }
0x2bd: {  	[sflag:s26] =	ssyncadd.s32 $0xFFFFD300  }
0x2be: {  	_ =	swait.ge [sflag:s28], $0x2D00  }
0x2bf: {  	[sflag:s28] =	ssyncset.done $0x0  }
0x2c0: {  	s8 =	simm.s32 $0x6E0;
	[sflag:s28] =	ssyncadd.s32 $0xFFFFD300  }
0x2c1: {  	[tilespmem:s17], [sflag:$0x2] =	stream.indirect.gather [hbm4b:s5+s15], $0x90, s8, s15, $0xb8;
	[tilespmem:$0x1FA20] =	vst v63  }
0x2c2: {  	s8 =	simm.s32 $0xE10  }
0x2c3: {  	[spmem:s1] =	stream.indirect.scatter.add.f32 [tilespmem:s20], [sflag:$0x6], $0x90, s8, s15, $0xb8;
	[tilespmem:$0x1FA20] =	vst v63  }
0x2c4: {  	_ =	swait.ge [sflag:s18], $0x2D00  }
0x2c5: {  	[sflag:s18] =	ssyncset.done $0x0  }
0x2c6: {  	[sflag:s18] =	ssyncadd.s32 $0xFFFFD300  }
0x2c7: {  	_ =	swait.ge [sflag:s31], $0x2D00  }
0x2c8: {  	[sflag:s31] =	ssyncset.done $0x0  }
0x2c9: {  	s8 =	simm.s32 $0x730;
	[sflag:s31] =	ssyncadd.s32 $0xFFFFD300  }
0x2ca: {  	[tilespmem:s20], [sflag:$0x3] =	stream.indirect.gather [hbm4b:s5+s15], $0x90, s8, s15, $0xb8;
	[tilespmem:$0x1FA20] =	vst v63  }
0x2cb: {  	s8 =	simm.s32 $0xE60  }
0x2cc: {  	[spmem:s1] =	stream.indirect.scatter.add.f32 [tilespmem:s16], [sflag:$0x4], $0x90, s8, s15, $0xb8;
	[tilespmem:$0x1FA20] =	vst v63  }
0x2cd: {  	_ =	swait.ge [sflag:s21], $0x2D00  }
0x2ce: {  	[sflag:s21] =	ssyncset.done $0x0  }
0x2cf: {  	[sflag:s21] =	ssyncadd.s32 $0xFFFFD300  }
0x2d0: {  	_ =	swait.ge [sflag:s22], $0x2D00  }
0x2d1: {  	[sflag:s22] =	ssyncset.done $0x0  }
0x2d2: {  	s8 =	simm.s32 $0x780;
	[sflag:s22] =	ssyncadd.s32 $0xFFFFD300  }
0x2d3: {  	[tilespmem:s16], [sflag:$0x1] =	stream.indirect.gather [hbm4b:s5+s15], $0x90, s8, s15, $0xb8;
	[tilespmem:$0x1FA20] =	vst v63  }
0x2d4: {  	s8 =	simm.s32 $0xEB0  }
0x2d5: {  	[spmem:s1] =	stream.indirect.scatter.add.f32 [tilespmem:s17], [sflag:$0x5], $0x90, s8, s15, $0xb8;
	[tilespmem:$0x1FA20] =	vst v63  }
0x2d6: {  	_ =	swait.ge [sflag:s26], $0x2D00  }
0x2d7: {  	[sflag:s26] =	ssyncset.done $0x0  }
0x2d8: {  	s8 =	simm.s32 $0xF00;
	[sflag:s26] =	ssyncadd.s32 $0xFFFFD300  }
0x2d9: {  	[spmem:s1] =	stream.indirect.scatter.add.f32 [tilespmem:s20], [sflag:$0x6], $0x90, s8, s15, $0xb8;
	[tilespmem:$0x1FA20] =	vst v63  }
0x2da: {  	_ =	swait.ge [sflag:s18], $0x2D00  }
0x2db: {  	[sflag:s18] =	ssyncset.done $0x0  }
0x2dc: {  	s8 =	simm.s32 $0xF50;
	[sflag:s18] =	ssyncadd.s32 $0xFFFFD300  }
0x2dd: {  	[spmem:s1] =	stream.indirect.scatter.add.f32 [tilespmem:s16], [sflag:$0x4], $0x90, s8, s15, $0xb8;
	[tilespmem:$0x1FA20] =	vst v63  }
0x2de: {  	_ =	swait.ge [sflag:s28], $0x2D00  }
0x2df: {  	[sflag:s28] =	ssyncset.done $0x0  }
0x2e0: {  	[sflag:s28] =	ssyncadd.s32 $0xFFFFD300  }
.Ltmp3:
0x2e1: {  	_ =	swait.ge [sflag:s31], $0x2D00;
	(pc) =	sbr.rel @p2 .LBB2_6-.Ltmp3, $4  }
0x2e2: {  	[sflag:s31] =	ssyncset.done $0x0  }
0x2e3: {  	[sflag:s31] =	ssyncadd.s32 $0xFFFFD300  }
0x2e4: {  	_ =	swait.ge [sflag:s22], $0x2D00  }
0x2e5: {  	s8 =	smov.u32 s7;
	[sflag:s22] =	ssyncset.done $0x0  }
.Ltmp4:
0x2e6: {  	_ = 	snop;
	(pc) =	sbr.rel .LBB2_7-.Ltmp4, $1  }
0x2e7: {  	_ =	sdelay $0x3  }
.LBB2_2:
0x2e8: {  	[tilespmem:s2], [sflag:$0x7] =	stream.linear.gather [hbm4b:s0+s2], $0x7D0, $0x38;
	[tilespmem:$0x1FA20] =	vst v63  }
0x2e9: {  	_ =	swait.ge [sflag:s13], $0x7D0  }
0x2ea: {  	s6 =	rddreg [dreg:$0x6];
	[sflag:s13] =	ssyncset.done $0x0  }
0x2eb: {  	[sflag:s13] =	ssyncadd.s32 $0xFFFFF830;
	s0 =	sadd.s32 $0x0, s6  }
0x2ec: {  	[tilespmem:s14], [sflag:$0x7] =	stream.linear.gather [hbm4b:s0+s2], $0x7D0, $0x38;
	[tilespmem:$0x1FA20] =	vst v63  }
0x2ed: {  	_ =	swait.ge [sflag:s13], $0x7D0  }
0x2ee: {  	[sflag:s13] =	ssyncset.done $0x0  }
0x2ef: {  	[sflag:s13] =	ssyncadd.s32 $0xFFFFF830  }
0x2f0: {  	[tilespmem:s16], [sflag:$0x1] =	stream.indirect.gather [hbm4b:s3+s15], $0x90, s2, s15, $0xb8;
	[tilespmem:$0x1FA20] =	vst v63  }
0x2f1: {  	_ = 	snop  }
0x2f2: {  	[tilespmem:s17], [sflag:$0x2] =	stream.indirect.gather [hbm4b:s3+s15], $0x90, s15, s15, $0xb8;
	[tilespmem:$0x1FA20] =	vst v63  }
0x2f3: {  	_ =	swait.ge [sflag:s18], $0x2D00  }
0x2f4: {  	[sflag:s18] =	ssyncset.done $0x0  }
0x2f5: {  	[sflag:s18] =	ssyncadd.s32 $0xFFFFD300  }
0x2f6: {  	[tilespmem:s20], [sflag:$0x3] =	stream.indirect.gather [hbm4b:s3+s15], $0x90, s7, s15, $0xb8;
	[tilespmem:$0x1FA20] =	vst v63  }
0x2f7: {  	_ = 	snop  }
0x2f8: {  	[spmem:s1] =	stream.indirect.scatter.add.f32 [tilespmem:s16], [sflag:$0x4], $0x90, s14, s15, $0xb8;
	[tilespmem:$0x1FA20] =	vst v63  }
0x2f9: {  	_ =	swait.ge [sflag:s21], $0x2D00  }
0x2fa: {  	[sflag:s21] =	ssyncset.done $0x0  }
0x2fb: {  	[sflag:s21] =	ssyncadd.s32 $0xFFFFD300  }
0x2fc: {  	_ =	swait.ge [sflag:s22], $0x2D00  }
0x2fd: {  	[sflag:s22] =	ssyncset.done $0x0  }
0x2fe: {  	[sflag:s22] =	ssyncadd.s32 $0xFFFFD300  }
0x2ff: {  	[tilespmem:s16], [sflag:$0x1] =	stream.indirect.gather [hbm4b:s3+s15], $0x90, s9, s15, $0xb8;
	[tilespmem:$0x1FA20] =	vst v63  }
0x300: {  	_ = 	snop  }
0x301: {  	[spmem:s1] =	stream.indirect.scatter.add.f32 [tilespmem:s17], [sflag:$0x5], $0x90, s10, s15, $0xb8;
	[tilespmem:$0x1FA20] =	vst v63  }
0x302: {  	_ =	swait.ge [sflag:s26], $0x2D00  }
0x303: {  	[sflag:s26] =	ssyncset.done $0x0  }
0x304: {  	[sflag:s26] =	ssyncadd.s32 $0xFFFFD300  }
0x305: {  	_ =	swait.ge [sflag:s28], $0x2D00  }
0x306: {  	[sflag:s28] =	ssyncset.done $0x0  }
0x307: {  	[sflag:s28] =	ssyncadd.s32 $0xFFFFD300  }
0x308: {  	[tilespmem:s17], [sflag:$0x2] =	stream.indirect.gather [hbm4b:s3+s15], $0x90, s8, s15, $0xb8;
	[tilespmem:$0x1FA20] =	vst v63  }
0x309: {  	_ = 	snop  }
0x30a: {  	[spmem:s1] =	stream.indirect.scatter.add.f32 [tilespmem:s20], [sflag:$0x6], $0x90, s12, s15, $0xb8;
	[tilespmem:$0x1FA20] =	vst v63  }
0x30b: {  	_ =	swait.ge [sflag:s18], $0x2D00  }
0x30c: {  	[sflag:s18] =	ssyncset.done $0x0  }
0x30d: {  	[sflag:s18] =	ssyncadd.s32 $0xFFFFD300  }
0x30e: {  	_ =	swait.ge [sflag:s31], $0x2D00  }
0x30f: {  	[sflag:s31] =	ssyncset.done $0x0  }
0x310: {  	[sflag:s31] =	ssyncadd.s32 $0xFFFFD300  }
0x311: {  	[tilespmem:s20], [sflag:$0x3] =	stream.indirect.gather [hbm4b:s3+s15], $0x90, s19, s15, $0xb8;
	[tilespmem:$0x1FA20] =	vst v63  }
0x312: {  	_ = 	snop  }
0x313: {  	[spmem:s1] =	stream.indirect.scatter.add.f32 [tilespmem:s16], [sflag:$0x4], $0x90, s23, s15, $0xb8;
	[tilespmem:$0x1FA20] =	vst v63  }
0x314: {  	_ =	swait.ge [sflag:s21], $0x2D00  }
0x315: {  	[sflag:s21] =	ssyncset.done $0x0  }
0x316: {  	[sflag:s21] =	ssyncadd.s32 $0xFFFFD300  }
0x317: {  	_ =	swait.ge [sflag:s22], $0x2D00  }
0x318: {  	[sflag:s22] =	ssyncset.done $0x0  }
0x319: {  	[sflag:s22] =	ssyncadd.s32 $0xFFFFD300  }
0x31a: {  	[tilespmem:s16], [sflag:$0x1] =	stream.indirect.gather [hbm4b:s3+s15], $0x90, s24, s15, $0xb8;
	[tilespmem:$0x1FA20] =	vst v63  }
0x31b: {  	_ = 	snop  }
0x31c: {  	[spmem:s1] =	stream.indirect.scatter.add.f32 [tilespmem:s17], [sflag:$0x5], $0x90, s25, s15, $0xb8;
	[tilespmem:$0x1FA20] =	vst v63  }
0x31d: {  	_ =	swait.ge [sflag:s26], $0x2D00  }
0x31e: {  	[sflag:s26] =	ssyncset.done $0x0  }
0x31f: {  	[sflag:s26] =	ssyncadd.s32 $0xFFFFD300  }
0x320: {  	_ =	swait.ge [sflag:s28], $0x2D00  }
0x321: {  	[sflag:s28] =	ssyncset.done $0x0  }
0x322: {  	s19 =	simm.s32 $0x230;
	[sflag:s28] =	ssyncadd.s32 $0xFFFFD300  }
0x323: {  	[tilespmem:s17], [sflag:$0x2] =	stream.indirect.gather [hbm4b:s3+s15], $0x90, s19, s15, $0xb8;
	[tilespmem:$0x1FA20] =	vst v63  }
0x324: {  	_ = 	snop  }
0x325: {  	[spmem:s1] =	stream.indirect.scatter.add.f32 [tilespmem:s20], [sflag:$0x6], $0x90, s30, s15, $0xb8;
	[tilespmem:$0x1FA20] =	vst v63  }
0x326: {  	_ =	swait.ge [sflag:s18], $0x2D00  }
0x327: {  	[sflag:s18] =	ssyncset.done $0x0  }
0x328: {  	[sflag:s18] =	ssyncadd.s32 $0xFFFFD300  }
0x329: {  	_ =	swait.ge [sflag:s31], $0x2D00  }
0x32a: {  	[sflag:s31] =	ssyncset.done $0x0  }
0x32b: {  	s23 =	simm.s32 $0x280;
	[sflag:s31] =	ssyncadd.s32 $0xFFFFD300  }
0x32c: {  	[tilespmem:s20], [sflag:$0x3] =	stream.indirect.gather [hbm4b:s3+s15], $0x90, s23, s15, $0xb8;
	[tilespmem:$0x1FA20] =	vst v63  }
0x32d: {  	s24 =	simm.s32 $0x9B0  }
0x32e: {  	[spmem:s1] =	stream.indirect.scatter.add.f32 [tilespmem:s16], [sflag:$0x4], $0x90, s24, s15, $0xb8;
	[tilespmem:$0x1FA20] =	vst v63  }
0x32f: {  	_ =	swait.ge [sflag:s21], $0x2D00  }
0x330: {  	[sflag:s21] =	ssyncset.done $0x0  }
0x331: {  	[sflag:s21] =	ssyncadd.s32 $0xFFFFD300  }
0x332: {  	_ =	swait.ge [sflag:s22], $0x2D00  }
0x333: {  	[sflag:s22] =	ssyncset.done $0x0  }
0x334: {  	s25 =	simm.s32 $0x2D0;
	[sflag:s22] =	ssyncadd.s32 $0xFFFFD300  }
0x335: {  	[tilespmem:s16], [sflag:$0x1] =	stream.indirect.gather [hbm4b:s3+s15], $0x90, s25, s15, $0xb8;
	[tilespmem:$0x1FA20] =	vst v63  }
0x336: {  	s4 =	simm.s32 $0xA00  }
0x337: {  	[spmem:s1] =	stream.indirect.scatter.add.f32 [tilespmem:s17], [sflag:$0x5], $0x90, s4, s15, $0xb8;
	[tilespmem:$0x1FA20] =	vst v63  }
0x338: {  	_ =	swait.ge [sflag:s26], $0x2D00  }
0x339: {  	[sflag:s26] =	ssyncset.done $0x0  }
0x33a: {  	[sflag:s26] =	ssyncadd.s32 $0xFFFFD300  }
0x33b: {  	_ =	swait.ge [sflag:s28], $0x2D00  }
0x33c: {  	[sflag:s28] =	ssyncset.done $0x0  }
0x33d: {  	s6 =	simm.s32 $0x320;
	[sflag:s28] =	ssyncadd.s32 $0xFFFFD300  }
0x33e: {  	[tilespmem:s17], [sflag:$0x2] =	stream.indirect.gather [hbm4b:s3+s15], $0x90, s6, s15, $0xb8;
	[tilespmem:$0x1FA20] =	vst v63  }
0x33f: {  	s7 =	simm.s32 $0xA50  }
0x340: {  	[spmem:s1] =	stream.indirect.scatter.add.f32 [tilespmem:s20], [sflag:$0x6], $0x90, s7, s15, $0xb8;
	[tilespmem:$0x1FA20] =	vst v63  }
0x341: {  	_ =	swait.ge [sflag:s18], $0x2D00  }
0x342: {  	[sflag:s18] =	ssyncset.done $0x0  }
0x343: {  	[sflag:s18] =	ssyncadd.s32 $0xFFFFD300  }
0x344: {  	_ =	swait.ge [sflag:s31], $0x2D00  }
0x345: {  	[sflag:s31] =	ssyncset.done $0x0  }
0x346: {  	s8 =	simm.s32 $0x370;
	[sflag:s31] =	ssyncadd.s32 $0xFFFFD300  }
0x347: {  	[tilespmem:s20], [sflag:$0x3] =	stream.indirect.gather [hbm4b:s3+s15], $0x90, s8, s15, $0xb8;
	[tilespmem:$0x1FA20] =	vst v63  }
0x348: {  	s9 =	simm.s32 $0xAA0  }
0x349: {  	[spmem:s1] =	stream.indirect.scatter.add.f32 [tilespmem:s16], [sflag:$0x4], $0x90, s9, s15, $0xb8;
	[tilespmem:$0x1FA20] =	vst v63  }
0x34a: {  	_ =	swait.ge [sflag:s21], $0x2D00  }
0x34b: {  	[sflag:s21] =	ssyncset.done $0x0  }
0x34c: {  	[sflag:s21] =	ssyncadd.s32 $0xFFFFD300  }
0x34d: {  	_ =	swait.ge [sflag:s22], $0x2D00  }
0x34e: {  	[sflag:s22] =	ssyncset.done $0x0  }
0x34f: {  	s10 =	simm.s32 $0x3C0;
	[sflag:s22] =	ssyncadd.s32 $0xFFFFD300  }
0x350: {  	[tilespmem:s16], [sflag:$0x1] =	stream.indirect.gather [hbm4b:s3+s15], $0x90, s10, s15, $0xb8;
	[tilespmem:$0x1FA20] =	vst v63  }
0x351: {  	s12 =	simm.s32 $0xAF0  }
0x352: {  	[spmem:s1] =	stream.indirect.scatter.add.f32 [tilespmem:s17], [sflag:$0x5], $0x90, s12, s15, $0xb8;
	[tilespmem:$0x1FA20] =	vst v63  }
0x353: {  	_ =	swait.ge [sflag:s26], $0x2D00  }
0x354: {  	[sflag:s26] =	ssyncset.done $0x0  }
0x355: {  	[sflag:s26] =	ssyncadd.s32 $0xFFFFD300  }
0x356: {  	_ =	swait.ge [sflag:s28], $0x2D00  }
0x357: {  	[sflag:s28] =	ssyncset.done $0x0  }
0x358: {  	s19 =	simm.s32 $0x410;
	[sflag:s28] =	ssyncadd.s32 $0xFFFFD300  }
0x359: {  	[tilespmem:s17], [sflag:$0x2] =	stream.indirect.gather [hbm4b:s3+s15], $0x90, s19, s15, $0xb8;
	[tilespmem:$0x1FA20] =	vst v63  }
0x35a: {  	s23 =	simm.s32 $0xB40  }
0x35b: {  	[spmem:s1] =	stream.indirect.scatter.add.f32 [tilespmem:s20], [sflag:$0x6], $0x90, s23, s15, $0xb8;
	[tilespmem:$0x1FA20] =	vst v63  }
0x35c: {  	_ =	swait.ge [sflag:s18], $0x2D00  }
0x35d: {  	[sflag:s18] =	ssyncset.done $0x0  }
0x35e: {  	[sflag:s18] =	ssyncadd.s32 $0xFFFFD300  }
0x35f: {  	_ =	swait.ge [sflag:s31], $0x2D00  }
0x360: {  	[sflag:s31] =	ssyncset.done $0x0  }
0x361: {  	s24 =	simm.s32 $0x460;
	[sflag:s31] =	ssyncadd.s32 $0xFFFFD300  }
0x362: {  	[tilespmem:s20], [sflag:$0x3] =	stream.indirect.gather [hbm4b:s3+s15], $0x90, s24, s15, $0xb8;
	[tilespmem:$0x1FA20] =	vst v63  }
0x363: {  	s25 =	simm.s32 $0xB90  }
0x364: {  	[spmem:s1] =	stream.indirect.scatter.add.f32 [tilespmem:s16], [sflag:$0x4], $0x90, s25, s15, $0xb8;
	[tilespmem:$0x1FA20] =	vst v63  }
0x365: {  	_ =	swait.ge [sflag:s21], $0x2D00  }
0x366: {  	[sflag:s21] =	ssyncset.done $0x0  }
0x367: {  	[sflag:s21] =	ssyncadd.s32 $0xFFFFD300  }
0x368: {  	_ =	swait.ge [sflag:s22], $0x2D00  }
0x369: {  	[sflag:s22] =	ssyncset.done $0x0  }
0x36a: {  	s4 =	simm.s32 $0x4B0;
	[sflag:s22] =	ssyncadd.s32 $0xFFFFD300  }
0x36b: {  	[tilespmem:s16], [sflag:$0x1] =	stream.indirect.gather [hbm4b:s3+s15], $0x90, s4, s15, $0xb8;
	[tilespmem:$0x1FA20] =	vst v63  }
0x36c: {  	s6 =	simm.s32 $0xBE0  }
0x36d: {  	[spmem:s1] =	stream.indirect.scatter.add.f32 [tilespmem:s17], [sflag:$0x5], $0x90, s6, s15, $0xb8;
	[tilespmem:$0x1FA20] =	vst v63  }
0x36e: {  	_ =	swait.ge [sflag:s26], $0x2D00  }
0x36f: {  	[sflag:s26] =	ssyncset.done $0x0  }
0x370: {  	[sflag:s26] =	ssyncadd.s32 $0xFFFFD300  }
0x371: {  	_ =	swait.ge [sflag:s28], $0x2D00  }
0x372: {  	[sflag:s28] =	ssyncset.done $0x0  }
0x373: {  	s7 =	simm.s32 $0x500;
	[sflag:s28] =	ssyncadd.s32 $0xFFFFD300  }
0x374: {  	[tilespmem:s17], [sflag:$0x2] =	stream.indirect.gather [hbm4b:s3+s15], $0x90, s7, s15, $0xb8;
	[tilespmem:$0x1FA20] =	vst v63  }
0x375: {  	s8 =	simm.s32 $0xC30  }
0x376: {  	[spmem:s1] =	stream.indirect.scatter.add.f32 [tilespmem:s20], [sflag:$0x6], $0x90, s8, s15, $0xb8;
	[tilespmem:$0x1FA20] =	vst v63  }
0x377: {  	_ =	swait.ge [sflag:s18], $0x2D00  }
0x378: {  	[sflag:s18] =	ssyncset.done $0x0  }
0x379: {  	[sflag:s18] =	ssyncadd.s32 $0xFFFFD300  }
0x37a: {  	_ =	swait.ge [sflag:s31], $0x2D00  }
0x37b: {  	[sflag:s31] =	ssyncset.done $0x0  }
0x37c: {  	s9 =	simm.s32 $0x550;
	[sflag:s31] =	ssyncadd.s32 $0xFFFFD300  }
0x37d: {  	[tilespmem:s20], [sflag:$0x3] =	stream.indirect.gather [hbm4b:s3+s15], $0x90, s9, s15, $0xb8;
	[tilespmem:$0x1FA20] =	vst v63  }
0x37e: {  	s10 =	simm.s32 $0xC80  }
0x37f: {  	[spmem:s1] =	stream.indirect.scatter.add.f32 [tilespmem:s16], [sflag:$0x4], $0x90, s10, s15, $0xb8;
	[tilespmem:$0x1FA20] =	vst v63  }
0x380: {  	_ =	swait.ge [sflag:s21], $0x2D00  }
0x381: {  	[sflag:s21] =	ssyncset.done $0x0  }
0x382: {  	[sflag:s21] =	ssyncadd.s32 $0xFFFFD300  }
0x383: {  	_ =	swait.ge [sflag:s22], $0x2D00  }
0x384: {  	[sflag:s22] =	ssyncset.done $0x0  }
0x385: {  	s12 =	simm.s32 $0x5A0;
	[sflag:s22] =	ssyncadd.s32 $0xFFFFD300  }
0x386: {  	[tilespmem:s16], [sflag:$0x1] =	stream.indirect.gather [hbm4b:s3+s15], $0x90, s12, s15, $0xb8;
	[tilespmem:$0x1FA20] =	vst v63  }
0x387: {  	s19 =	simm.s32 $0xCD0  }
0x388: {  	[spmem:s1] =	stream.indirect.scatter.add.f32 [tilespmem:s17], [sflag:$0x5], $0x90, s19, s15, $0xb8;
	[tilespmem:$0x1FA20] =	vst v63  }
0x389: {  	_ =	swait.ge [sflag:s26], $0x2D00  }
0x38a: {  	[sflag:s26] =	ssyncset.done $0x0  }
0x38b: {  	[sflag:s26] =	ssyncadd.s32 $0xFFFFD300  }
0x38c: {  	_ =	swait.ge [sflag:s28], $0x2D00  }
0x38d: {  	[sflag:s28] =	ssyncset.done $0x0  }
0x38e: {  	s23 =	simm.s32 $0x5F0;
	[sflag:s28] =	ssyncadd.s32 $0xFFFFD300  }
0x38f: {  	[tilespmem:s17], [sflag:$0x2] =	stream.indirect.gather [hbm4b:s3+s15], $0x90, s23, s15, $0xb8;
	[tilespmem:$0x1FA20] =	vst v63  }
0x390: {  	s24 =	simm.s32 $0xD20  }
0x391: {  	[spmem:s1] =	stream.indirect.scatter.add.f32 [tilespmem:s20], [sflag:$0x6], $0x90, s24, s15, $0xb8;
	[tilespmem:$0x1FA20] =	vst v63  }
0x392: {  	_ =	swait.ge [sflag:s18], $0x2D00  }
0x393: {  	[sflag:s18] =	ssyncset.done $0x0  }
0x394: {  	[sflag:s18] =	ssyncadd.s32 $0xFFFFD300  }
0x395: {  	_ =	swait.ge [sflag:s31], $0x2D00  }
0x396: {  	[sflag:s31] =	ssyncset.done $0x0  }
0x397: {  	s25 =	simm.s32 $0x640;
	[sflag:s31] =	ssyncadd.s32 $0xFFFFD300  }
0x398: {  	[tilespmem:s20], [sflag:$0x3] =	stream.indirect.gather [hbm4b:s3+s15], $0x90, s25, s15, $0xb8;
	[tilespmem:$0x1FA20] =	vst v63  }
0x399: {  	s4 =	simm.s32 $0xD70  }
0x39a: {  	[spmem:s1] =	stream.indirect.scatter.add.f32 [tilespmem:s16], [sflag:$0x4], $0x90, s4, s15, $0xb8;
	[tilespmem:$0x1FA20] =	vst v63  }
0x39b: {  	_ =	swait.ge [sflag:s21], $0x2D00  }
0x39c: {  	[sflag:s21] =	ssyncset.done $0x0  }
0x39d: {  	[sflag:s21] =	ssyncadd.s32 $0xFFFFD300  }
0x39e: {  	_ =	swait.ge [sflag:s22], $0x2D00  }
0x39f: {  	[sflag:s22] =	ssyncset.done $0x0  }
0x3a0: {  	s6 =	simm.s32 $0x690;
	[sflag:s22] =	ssyncadd.s32 $0xFFFFD300  }
0x3a1: {  	[tilespmem:s16], [sflag:$0x1] =	stream.indirect.gather [hbm4b:s3+s15], $0x90, s6, s15, $0xb8;
	[tilespmem:$0x1FA20] =	vst v63  }
0x3a2: {  	s7 =	simm.s32 $0xDC0  }
0x3a3: {  	[spmem:s1] =	stream.indirect.scatter.add.f32 [tilespmem:s17], [sflag:$0x5], $0x90, s7, s15, $0xb8;
	[tilespmem:$0x1FA20] =	vst v63  }
0x3a4: {  	_ =	swait.ge [sflag:s26], $0x2D00  }
0x3a5: {  	[sflag:s26] =	ssyncset.done $0x0  }
0x3a6: {  	[sflag:s26] =	ssyncadd.s32 $0xFFFFD300  }
0x3a7: {  	_ =	swait.ge [sflag:s28], $0x2D00  }
0x3a8: {  	[sflag:s28] =	ssyncset.done $0x0  }
0x3a9: {  	s8 =	simm.s32 $0x6E0;
	[sflag:s28] =	ssyncadd.s32 $0xFFFFD300  }
0x3aa: {  	[tilespmem:s17], [sflag:$0x2] =	stream.indirect.gather [hbm4b:s3+s15], $0x90, s8, s15, $0xb8;
	[tilespmem:$0x1FA20] =	vst v63  }
0x3ab: {  	s9 =	simm.s32 $0xE10  }
0x3ac: {  	[spmem:s1] =	stream.indirect.scatter.add.f32 [tilespmem:s20], [sflag:$0x6], $0x90, s9, s15, $0xb8;
	[tilespmem:$0x1FA20] =	vst v63  }
0x3ad: {  	_ =	swait.ge [sflag:s18], $0x2D00  }
0x3ae: {  	[sflag:s18] =	ssyncset.done $0x0  }
0x3af: {  	[sflag:s18] =	ssyncadd.s32 $0xFFFFD300  }
0x3b0: {  	_ =	swait.ge [sflag:s31], $0x2D00  }
0x3b1: {  	[sflag:s31] =	ssyncset.done $0x0  }
0x3b2: {  	s10 =	simm.s32 $0x730;
	[sflag:s31] =	ssyncadd.s32 $0xFFFFD300  }
0x3b3: {  	[tilespmem:s20], [sflag:$0x3] =	stream.indirect.gather [hbm4b:s3+s15], $0x90, s10, s15, $0xb8;
	[tilespmem:$0x1FA20] =	vst v63  }
0x3b4: {  	s12 =	simm.s32 $0xE60  }
0x3b5: {  	[spmem:s1] =	stream.indirect.scatter.add.f32 [tilespmem:s16], [sflag:$0x4], $0x90, s12, s15, $0xb8;
	[tilespmem:$0x1FA20] =	vst v63  }
0x3b6: {  	_ =	swait.ge [sflag:s21], $0x2D00  }
0x3b7: {  	[sflag:s21] =	ssyncset.done $0x0  }
0x3b8: {  	[sflag:s21] =	ssyncadd.s32 $0xFFFFD300  }
0x3b9: {  	_ =	swait.ge [sflag:s22], $0x2D00  }
0x3ba: {  	[sflag:s22] =	ssyncset.done $0x0  }
0x3bb: {  	s19 =	simm.s32 $0x780;
	[sflag:s22] =	ssyncadd.s32 $0xFFFFD300  }
0x3bc: {  	[tilespmem:s16], [sflag:$0x1] =	stream.indirect.gather [hbm4b:s3+s15], $0x90, s19, s15, $0xb8;
	[tilespmem:$0x1FA20] =	vst v63  }
0x3bd: {  	s23 =	simm.s32 $0xEB0  }
0x3be: {  	[spmem:s1] =	stream.indirect.scatter.add.f32 [tilespmem:s17], [sflag:$0x5], $0x90, s23, s15, $0xb8;
	[tilespmem:$0x1FA20] =	vst v63  }
0x3bf: {  	_ =	swait.ge [sflag:s26], $0x2D00  }
0x3c0: {  	[sflag:s26] =	ssyncset.done $0x0  }
0x3c1: {  	s24 =	simm.s32 $0xF00;
	[sflag:s26] =	ssyncadd.s32 $0xFFFFD300  }
0x3c2: {  	[spmem:s1] =	stream.indirect.scatter.add.f32 [tilespmem:s20], [sflag:$0x6], $0x90, s24, s15, $0xb8;
	[tilespmem:$0x1FA20] =	vst v63  }
0x3c3: {  	_ =	swait.ge [sflag:s18], $0x2D00  }
0x3c4: {  	[sflag:s18] =	ssyncset.done $0x0  }
0x3c5: {  	s25 =	simm.s32 $0xF50;
	[sflag:s18] =	ssyncadd.s32 $0xFFFFD300  }
0x3c6: {  	[spmem:s1] =	stream.indirect.scatter.add.f32 [tilespmem:s16], [sflag:$0x4], $0x90, s25, s15, $0xb8;
	[tilespmem:$0x1FA20] =	vst v63  }
0x3c7: {  	_ =	swait.ge [sflag:s28], $0x2D00  }
0x3c8: {  	[sflag:s28] =	ssyncset.done $0x0  }
0x3c9: {  	s29 =	simm.s32 $0x1E0;
	[sflag:s28] =	ssyncadd.s32 $0xFFFFD300  }
0x3ca: {  	s0 =	simm.s32 $0xFA;
	s30 =	simm.s32 $0x910;
	_ =	swait.ge [sflag:s31], $0x2D00  }
0x3cb: {  	s7 =	simm.s32 $0x1F4;
	s9 =	simm.s32 $0xA0;
	[sflag:s31] =	ssyncset.done $0x0  }
0x3cc: {  	s10 =	simm.s32 $0xF0;
	s12 =	simm.s32 $0x820;
	[sflag:s31] =	ssyncadd.s32 $0xFFFFD300  }
0x3cd: {  	s19 =	simm.s32 $0x870;
	s23 =	simm.s32 $0x190;
	_ =	swait.ge [sflag:s22], $0x2D00  }
0x3ce: {  	s24 =	simm.s32 $0x8C0;
	s25 =	simm.s32 $0x140;
	[sflag:s22] =	ssyncset.done $0x0  }
.LBB2_3:
0x3cf: {  	s4 =	sadd.s32 s0, s11;
	[sflag:s22] =	ssyncadd.s32 $0xFFFFD300  }
0x3d0: {  	[tilespmem:s2], [sflag:$0x7] =	stream.linear.gather [hbm4b:s4+s2], $0x7D0, $0x38;
	[tilespmem:$0x1FA20] =	vst v63  }
0x3d1: {  	s6 =	smov.u32 s7;
	s8 =	sadd.s32 $0xFA, s7;
	_ =	swait.ge [sflag:s13], $0x7D0  }
0x3d2: {  	p2 =	seq.s32 s7, $0x8CA;
	s7 =	rddreg [dreg:$0x6];
	[sflag:s13] =	ssyncset.done $0x0  }
0x3d3: {  	[sflag:s13] =	ssyncadd.s32 $0xFFFFF830;
	s4 =	sadd.s32 s0, s7  }
0x3d4: {  	[tilespmem:s14], [sflag:$0x7] =	stream.linear.gather [hbm4b:s4+s2], $0x7D0, $0x38;
	[tilespmem:$0x1FA20] =	vst v63  }
0x3d5: {  	_ =	swait.ge [sflag:s13], $0x7D0  }
0x3d6: {  	[sflag:s13] =	ssyncset.done $0x0  }
0x3d7: {  	[sflag:s13] =	ssyncadd.s32 $0xFFFFF830  }
0x3d8: {  	[tilespmem:s16], [sflag:$0x1] =	stream.indirect.gather [hbm4b:s3+s15], $0x90, s2, s15, $0xb8;
	[tilespmem:$0x1FA20] =	vst v63  }
0x3d9: {  	_ = 	snop  }
0x3da: {  	[tilespmem:s17], [sflag:$0x2] =	stream.indirect.gather [hbm4b:s3+s15], $0x90, s15, s15, $0xb8;
	[tilespmem:$0x1FA20] =	vst v63  }
0x3db: {  	_ =	swait.ge [sflag:s18], $0x2D00  }
0x3dc: {  	[sflag:s18] =	ssyncset.done $0x0  }
0x3dd: {  	[sflag:s18] =	ssyncadd.s32 $0xFFFFD300  }
0x3de: {  	[tilespmem:s20], [sflag:$0x3] =	stream.indirect.gather [hbm4b:s3+s15], $0x90, s9, s15, $0xb8;
	[tilespmem:$0x1FA20] =	vst v63  }
0x3df: {  	_ = 	snop  }
0x3e0: {  	[spmem:s1] =	stream.indirect.scatter.add.f32 [tilespmem:s16], [sflag:$0x4], $0x90, s14, s15, $0xb8;
	[tilespmem:$0x1FA20] =	vst v63  }
0x3e1: {  	_ =	swait.ge [sflag:s21], $0x2D00  }
0x3e2: {  	[sflag:s21] =	ssyncset.done $0x0  }
0x3e3: {  	[sflag:s21] =	ssyncadd.s32 $0xFFFFD300  }
0x3e4: {  	_ =	swait.ge [sflag:s22], $0x2D00  }
0x3e5: {  	[sflag:s22] =	ssyncset.done $0x0  }
0x3e6: {  	[sflag:s22] =	ssyncadd.s32 $0xFFFFD300  }
0x3e7: {  	[tilespmem:s16], [sflag:$0x1] =	stream.indirect.gather [hbm4b:s3+s15], $0x90, s10, s15, $0xb8;
	[tilespmem:$0x1FA20] =	vst v63  }
0x3e8: {  	_ = 	snop  }
0x3e9: {  	[spmem:s1] =	stream.indirect.scatter.add.f32 [tilespmem:s17], [sflag:$0x5], $0x90, s12, s15, $0xb8;
	[tilespmem:$0x1FA20] =	vst v63  }
0x3ea: {  	_ =	swait.ge [sflag:s26], $0x2D00  }
0x3eb: {  	[sflag:s26] =	ssyncset.done $0x0  }
0x3ec: {  	[sflag:s26] =	ssyncadd.s32 $0xFFFFD300  }
0x3ed: {  	_ =	swait.ge [sflag:s28], $0x2D00  }
0x3ee: {  	[sflag:s28] =	ssyncset.done $0x0  }
0x3ef: {  	[sflag:s28] =	ssyncadd.s32 $0xFFFFD300  }
0x3f0: {  	[tilespmem:s17], [sflag:$0x2] =	stream.indirect.gather [hbm4b:s3+s15], $0x90, s25, s15, $0xb8;
	[tilespmem:$0x1FA20] =	vst v63  }
0x3f1: {  	_ = 	snop  }
0x3f2: {  	[spmem:s1] =	stream.indirect.scatter.add.f32 [tilespmem:s20], [sflag:$0x6], $0x90, s19, s15, $0xb8;
	[tilespmem:$0x1FA20] =	vst v63  }
0x3f3: {  	_ =	swait.ge [sflag:s18], $0x2D00  }
0x3f4: {  	[sflag:s18] =	ssyncset.done $0x0  }
0x3f5: {  	[sflag:s18] =	ssyncadd.s32 $0xFFFFD300  }
0x3f6: {  	_ =	swait.ge [sflag:s31], $0x2D00  }
0x3f7: {  	[sflag:s31] =	ssyncset.done $0x0  }
0x3f8: {  	[sflag:s31] =	ssyncadd.s32 $0xFFFFD300  }
0x3f9: {  	[tilespmem:s20], [sflag:$0x3] =	stream.indirect.gather [hbm4b:s3+s15], $0x90, s23, s15, $0xb8;
	[tilespmem:$0x1FA20] =	vst v63  }
0x3fa: {  	_ = 	snop  }
0x3fb: {  	[spmem:s1] =	stream.indirect.scatter.add.f32 [tilespmem:s16], [sflag:$0x4], $0x90, s24, s15, $0xb8;
	[tilespmem:$0x1FA20] =	vst v63  }
0x3fc: {  	_ =	swait.ge [sflag:s21], $0x2D00  }
0x3fd: {  	[sflag:s21] =	ssyncset.done $0x0  }
0x3fe: {  	[sflag:s21] =	ssyncadd.s32 $0xFFFFD300  }
0x3ff: {  	_ =	swait.ge [sflag:s22], $0x2D00  }
0x400: {  	[sflag:s22] =	ssyncset.done $0x0  }
0x401: {  	[sflag:s22] =	ssyncadd.s32 $0xFFFFD300  }
0x402: {  	[tilespmem:s16], [sflag:$0x1] =	stream.indirect.gather [hbm4b:s3+s15], $0x90, s29, s15, $0xb8;
	[tilespmem:$0x1FA20] =	vst v63  }
0x403: {  	_ = 	snop  }
0x404: {  	[spmem:s1] =	stream.indirect.scatter.add.f32 [tilespmem:s17], [sflag:$0x5], $0x90, s30, s15, $0xb8;
	[tilespmem:$0x1FA20] =	vst v63  }
0x405: {  	_ =	swait.ge [sflag:s26], $0x2D00  }
0x406: {  	[sflag:s26] =	ssyncset.done $0x0  }
0x407: {  	[sflag:s26] =	ssyncadd.s32 $0xFFFFD300  }
0x408: {  	_ =	swait.ge [sflag:s28], $0x2D00  }
0x409: {  	[sflag:s28] =	ssyncset.done $0x0  }
0x40a: {  	s7 =	simm.s32 $0x230;
	[sflag:s28] =	ssyncadd.s32 $0xFFFFD300  }
0x40b: {  	[tilespmem:s17], [sflag:$0x2] =	stream.indirect.gather [hbm4b:s3+s15], $0x90, s7, s15, $0xb8;
	[tilespmem:$0x1FA20] =	vst v63  }
0x40c: {  	s7 =	simm.s32 $0x960  }
0x40d: {  	[spmem:s1] =	stream.indirect.scatter.add.f32 [tilespmem:s20], [sflag:$0x6], $0x90, s7, s15, $0xb8;
	[tilespmem:$0x1FA20] =	vst v63  }
0x40e: {  	_ =	swait.ge [sflag:s18], $0x2D00  }
0x40f: {  	[sflag:s18] =	ssyncset.done $0x0  }
0x410: {  	[sflag:s18] =	ssyncadd.s32 $0xFFFFD300  }
0x411: {  	_ =	swait.ge [sflag:s31], $0x2D00  }
0x412: {  	[sflag:s31] =	ssyncset.done $0x0  }
0x413: {  	s0 =	smov.u32 s6;
	s6 =	simm.s32 $0x280;
	[sflag:s31] =	ssyncadd.s32 $0xFFFFD300  }
0x414: {  	[tilespmem:s20], [sflag:$0x3] =	stream.indirect.gather [hbm4b:s3+s15], $0x90, s6, s15, $0xb8;
	[tilespmem:$0x1FA20] =	vst v63  }
0x415: {  	s7 =	simm.s32 $0x9B0  }
0x416: {  	[spmem:s1] =	stream.indirect.scatter.add.f32 [tilespmem:s16], [sflag:$0x4], $0x90, s7, s15, $0xb8;
	[tilespmem:$0x1FA20] =	vst v63  }
0x417: {  	_ =	swait.ge [sflag:s21], $0x2D00  }
0x418: {  	[sflag:s21] =	ssyncset.done $0x0  }
0x419: {  	[sflag:s21] =	ssyncadd.s32 $0xFFFFD300  }
0x41a: {  	_ =	swait.ge [sflag:s22], $0x2D00  }
0x41b: {  	[sflag:s22] =	ssyncset.done $0x0  }
0x41c: {  	s7 =	simm.s32 $0x2D0;
	[sflag:s22] =	ssyncadd.s32 $0xFFFFD300  }
0x41d: {  	[tilespmem:s16], [sflag:$0x1] =	stream.indirect.gather [hbm4b:s3+s15], $0x90, s7, s15, $0xb8;
	[tilespmem:$0x1FA20] =	vst v63  }
0x41e: {  	s7 =	simm.s32 $0xA00  }
0x41f: {  	[spmem:s1] =	stream.indirect.scatter.add.f32 [tilespmem:s17], [sflag:$0x5], $0x90, s7, s15, $0xb8;
	[tilespmem:$0x1FA20] =	vst v63  }
0x420: {  	_ =	swait.ge [sflag:s26], $0x2D00  }
0x421: {  	[sflag:s26] =	ssyncset.done $0x0  }
0x422: {  	[sflag:s26] =	ssyncadd.s32 $0xFFFFD300  }
0x423: {  	_ =	swait.ge [sflag:s28], $0x2D00  }
0x424: {  	[sflag:s28] =	ssyncset.done $0x0  }
0x425: {  	s7 =	simm.s32 $0x320;
	[sflag:s28] =	ssyncadd.s32 $0xFFFFD300  }
0x426: {  	[tilespmem:s17], [sflag:$0x2] =	stream.indirect.gather [hbm4b:s3+s15], $0x90, s7, s15, $0xb8;
	[tilespmem:$0x1FA20] =	vst v63  }
0x427: {  	s7 =	simm.s32 $0xA50  }
0x428: {  	[spmem:s1] =	stream.indirect.scatter.add.f32 [tilespmem:s20], [sflag:$0x6], $0x90, s7, s15, $0xb8;
	[tilespmem:$0x1FA20] =	vst v63  }
0x429: {  	_ =	swait.ge [sflag:s18], $0x2D00  }
0x42a: {  	[sflag:s18] =	ssyncset.done $0x0  }
0x42b: {  	[sflag:s18] =	ssyncadd.s32 $0xFFFFD300  }
0x42c: {  	_ =	swait.ge [sflag:s31], $0x2D00  }
0x42d: {  	[sflag:s31] =	ssyncset.done $0x0  }
0x42e: {  	s7 =	simm.s32 $0x370;
	[sflag:s31] =	ssyncadd.s32 $0xFFFFD300  }
0x42f: {  	[tilespmem:s20], [sflag:$0x3] =	stream.indirect.gather [hbm4b:s3+s15], $0x90, s7, s15, $0xb8;
	[tilespmem:$0x1FA20] =	vst v63  }
0x430: {  	s7 =	simm.s32 $0xAA0  }
0x431: {  	[spmem:s1] =	stream.indirect.scatter.add.f32 [tilespmem:s16], [sflag:$0x4], $0x90, s7, s15, $0xb8;
	[tilespmem:$0x1FA20] =	vst v63  }
0x432: {  	_ =	swait.ge [sflag:s21], $0x2D00  }
0x433: {  	[sflag:s21] =	ssyncset.done $0x0  }
0x434: {  	[sflag:s21] =	ssyncadd.s32 $0xFFFFD300  }
0x435: {  	_ =	swait.ge [sflag:s22], $0x2D00  }
0x436: {  	[sflag:s22] =	ssyncset.done $0x0  }
0x437: {  	s7 =	simm.s32 $0x3C0;
	[sflag:s22] =	ssyncadd.s32 $0xFFFFD300  }
0x438: {  	[tilespmem:s16], [sflag:$0x1] =	stream.indirect.gather [hbm4b:s3+s15], $0x90, s7, s15, $0xb8;
	[tilespmem:$0x1FA20] =	vst v63  }
0x439: {  	s7 =	simm.s32 $0xAF0  }
0x43a: {  	[spmem:s1] =	stream.indirect.scatter.add.f32 [tilespmem:s17], [sflag:$0x5], $0x90, s7, s15, $0xb8;
	[tilespmem:$0x1FA20] =	vst v63  }
0x43b: {  	_ =	swait.ge [sflag:s26], $0x2D00  }
0x43c: {  	[sflag:s26] =	ssyncset.done $0x0  }
0x43d: {  	[sflag:s26] =	ssyncadd.s32 $0xFFFFD300  }
0x43e: {  	_ =	swait.ge [sflag:s28], $0x2D00  }
0x43f: {  	[sflag:s28] =	ssyncset.done $0x0  }
0x440: {  	s7 =	simm.s32 $0x410;
	[sflag:s28] =	ssyncadd.s32 $0xFFFFD300  }
0x441: {  	[tilespmem:s17], [sflag:$0x2] =	stream.indirect.gather [hbm4b:s3+s15], $0x90, s7, s15, $0xb8;
	[tilespmem:$0x1FA20] =	vst v63  }
0x442: {  	s7 =	simm.s32 $0xB40  }
0x443: {  	[spmem:s1] =	stream.indirect.scatter.add.f32 [tilespmem:s20], [sflag:$0x6], $0x90, s7, s15, $0xb8;
	[tilespmem:$0x1FA20] =	vst v63  }
0x444: {  	_ =	swait.ge [sflag:s18], $0x2D00  }
0x445: {  	[sflag:s18] =	ssyncset.done $0x0  }
0x446: {  	[sflag:s18] =	ssyncadd.s32 $0xFFFFD300  }
0x447: {  	_ =	swait.ge [sflag:s31], $0x2D00  }
0x448: {  	[sflag:s31] =	ssyncset.done $0x0  }
0x449: {  	s7 =	simm.s32 $0x460;
	[sflag:s31] =	ssyncadd.s32 $0xFFFFD300  }
0x44a: {  	[tilespmem:s20], [sflag:$0x3] =	stream.indirect.gather [hbm4b:s3+s15], $0x90, s7, s15, $0xb8;
	[tilespmem:$0x1FA20] =	vst v63  }
0x44b: {  	s7 =	simm.s32 $0xB90  }
0x44c: {  	[spmem:s1] =	stream.indirect.scatter.add.f32 [tilespmem:s16], [sflag:$0x4], $0x90, s7, s15, $0xb8;
	[tilespmem:$0x1FA20] =	vst v63  }
0x44d: {  	_ =	swait.ge [sflag:s21], $0x2D00  }
0x44e: {  	[sflag:s21] =	ssyncset.done $0x0  }
0x44f: {  	[sflag:s21] =	ssyncadd.s32 $0xFFFFD300  }
0x450: {  	_ =	swait.ge [sflag:s22], $0x2D00  }
0x451: {  	[sflag:s22] =	ssyncset.done $0x0  }
0x452: {  	s7 =	simm.s32 $0x4B0;
	[sflag:s22] =	ssyncadd.s32 $0xFFFFD300  }
0x453: {  	[tilespmem:s16], [sflag:$0x1] =	stream.indirect.gather [hbm4b:s3+s15], $0x90, s7, s15, $0xb8;
	[tilespmem:$0x1FA20] =	vst v63  }
0x454: {  	s7 =	simm.s32 $0xBE0  }
0x455: {  	[spmem:s1] =	stream.indirect.scatter.add.f32 [tilespmem:s17], [sflag:$0x5], $0x90, s7, s15, $0xb8;
	[tilespmem:$0x1FA20] =	vst v63  }
0x456: {  	_ =	swait.ge [sflag:s26], $0x2D00  }
0x457: {  	[sflag:s26] =	ssyncset.done $0x0  }
0x458: {  	[sflag:s26] =	ssyncadd.s32 $0xFFFFD300  }
0x459: {  	_ =	swait.ge [sflag:s28], $0x2D00  }
0x45a: {  	[sflag:s28] =	ssyncset.done $0x0  }
0x45b: {  	s7 =	simm.s32 $0x500;
	[sflag:s28] =	ssyncadd.s32 $0xFFFFD300  }
0x45c: {  	[tilespmem:s17], [sflag:$0x2] =	stream.indirect.gather [hbm4b:s3+s15], $0x90, s7, s15, $0xb8;
	[tilespmem:$0x1FA20] =	vst v63  }
0x45d: {  	s7 =	simm.s32 $0xC30  }
0x45e: {  	[spmem:s1] =	stream.indirect.scatter.add.f32 [tilespmem:s20], [sflag:$0x6], $0x90, s7, s15, $0xb8;
	[tilespmem:$0x1FA20] =	vst v63  }
0x45f: {  	_ =	swait.ge [sflag:s18], $0x2D00  }
0x460: {  	[sflag:s18] =	ssyncset.done $0x0  }
0x461: {  	[sflag:s18] =	ssyncadd.s32 $0xFFFFD300  }
0x462: {  	_ =	swait.ge [sflag:s31], $0x2D00  }
0x463: {  	[sflag:s31] =	ssyncset.done $0x0  }
0x464: {  	s7 =	simm.s32 $0x550;
	[sflag:s31] =	ssyncadd.s32 $0xFFFFD300  }
0x465: {  	[tilespmem:s20], [sflag:$0x3] =	stream.indirect.gather [hbm4b:s3+s15], $0x90, s7, s15, $0xb8;
	[tilespmem:$0x1FA20] =	vst v63  }
0x466: {  	s7 =	simm.s32 $0xC80  }
0x467: {  	[spmem:s1] =	stream.indirect.scatter.add.f32 [tilespmem:s16], [sflag:$0x4], $0x90, s7, s15, $0xb8;
	[tilespmem:$0x1FA20] =	vst v63  }
0x468: {  	_ =	swait.ge [sflag:s21], $0x2D00  }
0x469: {  	[sflag:s21] =	ssyncset.done $0x0  }
0x46a: {  	[sflag:s21] =	ssyncadd.s32 $0xFFFFD300  }
0x46b: {  	_ =	swait.ge [sflag:s22], $0x2D00  }
0x46c: {  	[sflag:s22] =	ssyncset.done $0x0  }
0x46d: {  	s7 =	simm.s32 $0x5A0;
	[sflag:s22] =	ssyncadd.s32 $0xFFFFD300  }
0x46e: {  	[tilespmem:s16], [sflag:$0x1] =	stream.indirect.gather [hbm4b:s3+s15], $0x90, s7, s15, $0xb8;
	[tilespmem:$0x1FA20] =	vst v63  }
0x46f: {  	s7 =	simm.s32 $0xCD0  }
0x470: {  	[spmem:s1] =	stream.indirect.scatter.add.f32 [tilespmem:s17], [sflag:$0x5], $0x90, s7, s15, $0xb8;
	[tilespmem:$0x1FA20] =	vst v63  }
0x471: {  	_ =	swait.ge [sflag:s26], $0x2D00  }
0x472: {  	[sflag:s26] =	ssyncset.done $0x0  }
0x473: {  	[sflag:s26] =	ssyncadd.s32 $0xFFFFD300  }
0x474: {  	_ =	swait.ge [sflag:s28], $0x2D00  }
0x475: {  	[sflag:s28] =	ssyncset.done $0x0  }
0x476: {  	s7 =	simm.s32 $0x5F0;
	[sflag:s28] =	ssyncadd.s32 $0xFFFFD300  }
0x477: {  	[tilespmem:s17], [sflag:$0x2] =	stream.indirect.gather [hbm4b:s3+s15], $0x90, s7, s15, $0xb8;
	[tilespmem:$0x1FA20] =	vst v63  }
0x478: {  	s7 =	simm.s32 $0xD20  }
0x479: {  	[spmem:s1] =	stream.indirect.scatter.add.f32 [tilespmem:s20], [sflag:$0x6], $0x90, s7, s15, $0xb8;
	[tilespmem:$0x1FA20] =	vst v63  }
0x47a: {  	_ =	swait.ge [sflag:s18], $0x2D00  }
0x47b: {  	[sflag:s18] =	ssyncset.done $0x0  }
0x47c: {  	[sflag:s18] =	ssyncadd.s32 $0xFFFFD300  }
0x47d: {  	_ =	swait.ge [sflag:s31], $0x2D00  }
0x47e: {  	[sflag:s31] =	ssyncset.done $0x0  }
0x47f: {  	s7 =	simm.s32 $0x640;
	[sflag:s31] =	ssyncadd.s32 $0xFFFFD300  }
0x480: {  	[tilespmem:s20], [sflag:$0x3] =	stream.indirect.gather [hbm4b:s3+s15], $0x90, s7, s15, $0xb8;
	[tilespmem:$0x1FA20] =	vst v63  }
0x481: {  	s7 =	simm.s32 $0xD70  }
0x482: {  	[spmem:s1] =	stream.indirect.scatter.add.f32 [tilespmem:s16], [sflag:$0x4], $0x90, s7, s15, $0xb8;
	[tilespmem:$0x1FA20] =	vst v63  }
0x483: {  	_ =	swait.ge [sflag:s21], $0x2D00  }
0x484: {  	[sflag:s21] =	ssyncset.done $0x0  }
0x485: {  	[sflag:s21] =	ssyncadd.s32 $0xFFFFD300  }
0x486: {  	_ =	swait.ge [sflag:s22], $0x2D00  }
0x487: {  	[sflag:s22] =	ssyncset.done $0x0  }
0x488: {  	s7 =	simm.s32 $0x690;
	[sflag:s22] =	ssyncadd.s32 $0xFFFFD300  }
0x489: {  	[tilespmem:s16], [sflag:$0x1] =	stream.indirect.gather [hbm4b:s3+s15], $0x90, s7, s15, $0xb8;
	[tilespmem:$0x1FA20] =	vst v63  }
0x48a: {  	s7 =	simm.s32 $0xDC0  }
0x48b: {  	[spmem:s1] =	stream.indirect.scatter.add.f32 [tilespmem:s17], [sflag:$0x5], $0x90, s7, s15, $0xb8;
	[tilespmem:$0x1FA20] =	vst v63  }
0x48c: {  	_ =	swait.ge [sflag:s26], $0x2D00  }
0x48d: {  	[sflag:s26] =	ssyncset.done $0x0  }
0x48e: {  	[sflag:s26] =	ssyncadd.s32 $0xFFFFD300  }
0x48f: {  	_ =	swait.ge [sflag:s28], $0x2D00  }
0x490: {  	[sflag:s28] =	ssyncset.done $0x0  }
0x491: {  	s7 =	simm.s32 $0x6E0;
	[sflag:s28] =	ssyncadd.s32 $0xFFFFD300  }
0x492: {  	[tilespmem:s17], [sflag:$0x2] =	stream.indirect.gather [hbm4b:s3+s15], $0x90, s7, s15, $0xb8;
	[tilespmem:$0x1FA20] =	vst v63  }
0x493: {  	s7 =	simm.s32 $0xE10  }
0x494: {  	[spmem:s1] =	stream.indirect.scatter.add.f32 [tilespmem:s20], [sflag:$0x6], $0x90, s7, s15, $0xb8;
	[tilespmem:$0x1FA20] =	vst v63  }
0x495: {  	_ =	swait.ge [sflag:s18], $0x2D00  }
0x496: {  	[sflag:s18] =	ssyncset.done $0x0  }
0x497: {  	[sflag:s18] =	ssyncadd.s32 $0xFFFFD300  }
0x498: {  	_ =	swait.ge [sflag:s31], $0x2D00  }
0x499: {  	[sflag:s31] =	ssyncset.done $0x0  }
0x49a: {  	s7 =	simm.s32 $0x730;
	[sflag:s31] =	ssyncadd.s32 $0xFFFFD300  }
0x49b: {  	[tilespmem:s20], [sflag:$0x3] =	stream.indirect.gather [hbm4b:s3+s15], $0x90, s7, s15, $0xb8;
	[tilespmem:$0x1FA20] =	vst v63  }
0x49c: {  	s7 =	simm.s32 $0xE60  }
0x49d: {  	[spmem:s1] =	stream.indirect.scatter.add.f32 [tilespmem:s16], [sflag:$0x4], $0x90, s7, s15, $0xb8;
	[tilespmem:$0x1FA20] =	vst v63  }
0x49e: {  	_ =	swait.ge [sflag:s21], $0x2D00  }
0x49f: {  	[sflag:s21] =	ssyncset.done $0x0  }
0x4a0: {  	[sflag:s21] =	ssyncadd.s32 $0xFFFFD300  }
0x4a1: {  	_ =	swait.ge [sflag:s22], $0x2D00  }
0x4a2: {  	[sflag:s22] =	ssyncset.done $0x0  }
0x4a3: {  	s7 =	simm.s32 $0x780;
	[sflag:s22] =	ssyncadd.s32 $0xFFFFD300  }
0x4a4: {  	[tilespmem:s16], [sflag:$0x1] =	stream.indirect.gather [hbm4b:s3+s15], $0x90, s7, s15, $0xb8;
	[tilespmem:$0x1FA20] =	vst v63  }
0x4a5: {  	s7 =	simm.s32 $0xEB0  }
0x4a6: {  	[spmem:s1] =	stream.indirect.scatter.add.f32 [tilespmem:s17], [sflag:$0x5], $0x90, s7, s15, $0xb8;
	[tilespmem:$0x1FA20] =	vst v63  }
0x4a7: {  	_ =	swait.ge [sflag:s26], $0x2D00  }
0x4a8: {  	[sflag:s26] =	ssyncset.done $0x0  }
0x4a9: {  	s7 =	simm.s32 $0xF00;
	[sflag:s26] =	ssyncadd.s32 $0xFFFFD300  }
0x4aa: {  	[spmem:s1] =	stream.indirect.scatter.add.f32 [tilespmem:s20], [sflag:$0x6], $0x90, s7, s15, $0xb8;
	[tilespmem:$0x1FA20] =	vst v63  }
0x4ab: {  	_ =	swait.ge [sflag:s18], $0x2D00  }
0x4ac: {  	[sflag:s18] =	ssyncset.done $0x0  }
0x4ad: {  	s7 =	simm.s32 $0xF50;
	[sflag:s18] =	ssyncadd.s32 $0xFFFFD300  }
0x4ae: {  	[spmem:s1] =	stream.indirect.scatter.add.f32 [tilespmem:s16], [sflag:$0x4], $0x90, s7, s15, $0xb8;
	[tilespmem:$0x1FA20] =	vst v63  }
0x4af: {  	_ =	swait.ge [sflag:s28], $0x2D00  }
0x4b0: {  	[sflag:s28] =	ssyncset.done $0x0  }
0x4b1: {  	[sflag:s28] =	ssyncadd.s32 $0xFFFFD300  }
.Ltmp5:
0x4b2: {  	_ =	swait.ge [sflag:s31], $0x2D00;
	(pc) =	sbr.rel @!p2 .LBB2_3-.Ltmp5, $4  }
0x4b3: {  	[sflag:s31] =	ssyncset.done $0x0  }
0x4b4: {  	[sflag:s31] =	ssyncadd.s32 $0xFFFFD300  }
0x4b5: {  	_ =	swait.ge [sflag:s22], $0x2D00  }
0x4b6: {  	s7 =	smov.u32 s8;
	[sflag:s22] =	ssyncset.done $0x0  }
0x4b7: {  	s4 =	sadd.s32 s0, s11;
	[sflag:s22] =	ssyncadd.s32 $0xFFFFD300  }
0x4b8: {  	[tilespmem:s2], [sflag:$0x7] =	stream.linear.gather [hbm4b:s4+s2], $0x7D0, $0x38;
	[tilespmem:$0x1FA20] =	vst v63  }
0x4b9: {  	_ =	swait.ge [sflag:s13], $0x7D0  }
0x4ba: {  	s7 =	rddreg [dreg:$0x6];
	[sflag:s13] =	ssyncset.done $0x0  }
0x4bb: {  	s8 =	sadd.s32 s0, s7;
	[sflag:s13] =	ssyncadd.s32 $0xFFFFF830  }
0x4bc: {  	[tilespmem:s14], [sflag:$0x7] =	stream.linear.gather [hbm4b:s8+s2], $0x7D0, $0x38;
	[tilespmem:$0x1FA20] =	vst v63  }
0x4bd: {  	_ =	swait.ge [sflag:s13], $0x7D0  }
0x4be: {  	[sflag:s13] =	ssyncset.done $0x0  }
0x4bf: {  	[sflag:s13] =	ssyncadd.s32 $0xFFFFF830  }
0x4c0: {  	[tilespmem:s16], [sflag:$0x1] =	stream.indirect.gather [hbm4b:s3+s15], $0x90, s2, s15, $0xb8;
	[tilespmem:$0x1FA20] =	vst v63  }
0x4c1: {  	_ = 	snop  }
0x4c2: {  	[tilespmem:s17], [sflag:$0x2] =	stream.indirect.gather [hbm4b:s3+s15], $0x90, s15, s15, $0xb8;
	[tilespmem:$0x1FA20] =	vst v63  }
0x4c3: {  	_ =	swait.ge [sflag:s18], $0x2D00  }
0x4c4: {  	[sflag:s18] =	ssyncset.done $0x0  }
0x4c5: {  	[sflag:s18] =	ssyncadd.s32 $0xFFFFD300  }
0x4c6: {  	[tilespmem:s20], [sflag:$0x3] =	stream.indirect.gather [hbm4b:s3+s15], $0x90, s9, s15, $0xb8;
	[tilespmem:$0x1FA20] =	vst v63  }
0x4c7: {  	_ = 	snop  }
0x4c8: {  	[spmem:s1] =	stream.indirect.scatter.add.f32 [tilespmem:s16], [sflag:$0x4], $0x90, s14, s15, $0xb8;
	[tilespmem:$0x1FA20] =	vst v63  }
0x4c9: {  	_ =	swait.ge [sflag:s21], $0x2D00  }
0x4ca: {  	[sflag:s21] =	ssyncset.done $0x0  }
0x4cb: {  	[sflag:s21] =	ssyncadd.s32 $0xFFFFD300  }
0x4cc: {  	_ =	swait.ge [sflag:s22], $0x2D00  }
0x4cd: {  	[sflag:s22] =	ssyncset.done $0x0  }
0x4ce: {  	[sflag:s22] =	ssyncadd.s32 $0xFFFFD300  }
0x4cf: {  	[tilespmem:s16], [sflag:$0x1] =	stream.indirect.gather [hbm4b:s3+s15], $0x90, s10, s15, $0xb8;
	[tilespmem:$0x1FA20] =	vst v63  }
0x4d0: {  	_ = 	snop  }
0x4d1: {  	[spmem:s1] =	stream.indirect.scatter.add.f32 [tilespmem:s17], [sflag:$0x5], $0x90, s12, s15, $0xb8;
	[tilespmem:$0x1FA20] =	vst v63  }
0x4d2: {  	_ =	swait.ge [sflag:s26], $0x2D00  }
0x4d3: {  	[sflag:s26] =	ssyncset.done $0x0  }
0x4d4: {  	[sflag:s26] =	ssyncadd.s32 $0xFFFFD300  }
0x4d5: {  	_ =	swait.ge [sflag:s28], $0x2D00  }
0x4d6: {  	[sflag:s28] =	ssyncset.done $0x0  }
0x4d7: {  	[sflag:s28] =	ssyncadd.s32 $0xFFFFD300  }
0x4d8: {  	[tilespmem:s17], [sflag:$0x2] =	stream.indirect.gather [hbm4b:s3+s15], $0x90, s25, s15, $0xb8;
	[tilespmem:$0x1FA20] =	vst v63  }
0x4d9: {  	_ = 	snop  }
0x4da: {  	[spmem:s1] =	stream.indirect.scatter.add.f32 [tilespmem:s20], [sflag:$0x6], $0x90, s19, s15, $0xb8;
	[tilespmem:$0x1FA20] =	vst v63  }
0x4db: {  	_ =	swait.ge [sflag:s18], $0x2D00  }
0x4dc: {  	[sflag:s18] =	ssyncset.done $0x0  }
0x4dd: {  	[sflag:s18] =	ssyncadd.s32 $0xFFFFD300  }
0x4de: {  	_ =	swait.ge [sflag:s31], $0x2D00  }
0x4df: {  	[sflag:s31] =	ssyncset.done $0x0  }
0x4e0: {  	[sflag:s31] =	ssyncadd.s32 $0xFFFFD300  }
0x4e1: {  	[tilespmem:s20], [sflag:$0x3] =	stream.indirect.gather [hbm4b:s3+s15], $0x90, s23, s15, $0xb8;
	[tilespmem:$0x1FA20] =	vst v63  }
0x4e2: {  	_ = 	snop  }
0x4e3: {  	[spmem:s1] =	stream.indirect.scatter.add.f32 [tilespmem:s16], [sflag:$0x4], $0x90, s24, s15, $0xb8;
	[tilespmem:$0x1FA20] =	vst v63  }
0x4e4: {  	_ =	swait.ge [sflag:s21], $0x2D00  }
0x4e5: {  	[sflag:s21] =	ssyncset.done $0x0  }
0x4e6: {  	[sflag:s21] =	ssyncadd.s32 $0xFFFFD300  }
0x4e7: {  	_ =	swait.ge [sflag:s22], $0x2D00  }
0x4e8: {  	[sflag:s22] =	ssyncset.done $0x0  }
0x4e9: {  	[sflag:s22] =	ssyncadd.s32 $0xFFFFD300  }
0x4ea: {  	[tilespmem:s16], [sflag:$0x1] =	stream.indirect.gather [hbm4b:s3+s15], $0x90, s29, s15, $0xb8;
	[tilespmem:$0x1FA20] =	vst v63  }
0x4eb: {  	_ = 	snop  }
0x4ec: {  	[spmem:s1] =	stream.indirect.scatter.add.f32 [tilespmem:s17], [sflag:$0x5], $0x90, s30, s15, $0xb8;
	[tilespmem:$0x1FA20] =	vst v63  }
0x4ed: {  	_ =	swait.ge [sflag:s26], $0x2D00  }
0x4ee: {  	[sflag:s26] =	ssyncset.done $0x0  }
0x4ef: {  	[sflag:s26] =	ssyncadd.s32 $0xFFFFD300  }
0x4f0: {  	_ =	swait.ge [sflag:s28], $0x2D00  }
0x4f1: {  	[sflag:s28] =	ssyncset.done $0x0  }
0x4f2: {  	s19 =	simm.s32 $0x230;
	[sflag:s28] =	ssyncadd.s32 $0xFFFFD300  }
0x4f3: {  	[tilespmem:s17], [sflag:$0x2] =	stream.indirect.gather [hbm4b:s3+s15], $0x90, s19, s15, $0xb8;
	[tilespmem:$0x1FA20] =	vst v63  }
0x4f4: {  	s23 =	simm.s32 $0x960  }
0x4f5: {  	[spmem:s1] =	stream.indirect.scatter.add.f32 [tilespmem:s20], [sflag:$0x6], $0x90, s23, s15, $0xb8;
	[tilespmem:$0x1FA20] =	vst v63  }
0x4f6: {  	_ =	swait.ge [sflag:s18], $0x2D00  }
0x4f7: {  	[sflag:s18] =	ssyncset.done $0x0  }
0x4f8: {  	[sflag:s18] =	ssyncadd.s32 $0xFFFFD300  }
0x4f9: {  	_ =	swait.ge [sflag:s31], $0x2D00  }
0x4fa: {  	[sflag:s31] =	ssyncset.done $0x0  }
0x4fb: {  	[sflag:s31] =	ssyncadd.s32 $0xFFFFD300  }
0x4fc: {  	[tilespmem:s20], [sflag:$0x3] =	stream.indirect.gather [hbm4b:s3+s15], $0x90, s6, s15, $0xb8;
	[tilespmem:$0x1FA20] =	vst v63  }
0x4fd: {  	s24 =	simm.s32 $0x9B0  }
0x4fe: {  	[spmem:s1] =	stream.indirect.scatter.add.f32 [tilespmem:s16], [sflag:$0x4], $0x90, s24, s15, $0xb8;
	[tilespmem:$0x1FA20] =	vst v63  }
0x4ff: {  	_ =	swait.ge [sflag:s21], $0x2D00  }
0x500: {  	[sflag:s21] =	ssyncset.done $0x0  }
0x501: {  	[sflag:s21] =	ssyncadd.s32 $0xFFFFD300  }
0x502: {  	_ =	swait.ge [sflag:s22], $0x2D00  }
0x503: {  	[sflag:s22] =	ssyncset.done $0x0  }
0x504: {  	s25 =	simm.s32 $0x2D0;
	[sflag:s22] =	ssyncadd.s32 $0xFFFFD300  }
0x505: {  	[tilespmem:s16], [sflag:$0x1] =	stream.indirect.gather [hbm4b:s3+s15], $0x90, s25, s15, $0xb8;
	[tilespmem:$0x1FA20] =	vst v63  }
0x506: {  	s4 =	simm.s32 $0xA00  }
0x507: {  	[spmem:s1] =	stream.indirect.scatter.add.f32 [tilespmem:s17], [sflag:$0x5], $0x90, s4, s15, $0xb8;
	[tilespmem:$0x1FA20] =	vst v63  }
0x508: {  	_ =	swait.ge [sflag:s26], $0x2D00  }
0x509: {  	[sflag:s26] =	ssyncset.done $0x0  }
0x50a: {  	[sflag:s26] =	ssyncadd.s32 $0xFFFFD300  }
0x50b: {  	_ =	swait.ge [sflag:s28], $0x2D00  }
0x50c: {  	[sflag:s28] =	ssyncset.done $0x0  }
0x50d: {  	s6 =	simm.s32 $0x320;
	[sflag:s28] =	ssyncadd.s32 $0xFFFFD300  }
0x50e: {  	[tilespmem:s17], [sflag:$0x2] =	stream.indirect.gather [hbm4b:s3+s15], $0x90, s6, s15, $0xb8;
	[tilespmem:$0x1FA20] =	vst v63  }
0x50f: {  	s7 =	simm.s32 $0xA50  }
0x510: {  	[spmem:s1] =	stream.indirect.scatter.add.f32 [tilespmem:s20], [sflag:$0x6], $0x90, s7, s15, $0xb8;
	[tilespmem:$0x1FA20] =	vst v63  }
0x511: {  	_ =	swait.ge [sflag:s18], $0x2D00  }
0x512: {  	[sflag:s18] =	ssyncset.done $0x0  }
0x513: {  	[sflag:s18] =	ssyncadd.s32 $0xFFFFD300  }
0x514: {  	_ =	swait.ge [sflag:s31], $0x2D00  }
0x515: {  	[sflag:s31] =	ssyncset.done $0x0  }
0x516: {  	s8 =	simm.s32 $0x370;
	[sflag:s31] =	ssyncadd.s32 $0xFFFFD300  }
0x517: {  	[tilespmem:s20], [sflag:$0x3] =	stream.indirect.gather [hbm4b:s3+s15], $0x90, s8, s15, $0xb8;
	[tilespmem:$0x1FA20] =	vst v63  }
0x518: {  	s9 =	simm.s32 $0xAA0  }
0x519: {  	[spmem:s1] =	stream.indirect.scatter.add.f32 [tilespmem:s16], [sflag:$0x4], $0x90, s9, s15, $0xb8;
	[tilespmem:$0x1FA20] =	vst v63  }
0x51a: {  	_ =	swait.ge [sflag:s21], $0x2D00  }
0x51b: {  	[sflag:s21] =	ssyncset.done $0x0  }
0x51c: {  	[sflag:s21] =	ssyncadd.s32 $0xFFFFD300  }
0x51d: {  	_ =	swait.ge [sflag:s22], $0x2D00  }
0x51e: {  	[sflag:s22] =	ssyncset.done $0x0  }
0x51f: {  	s10 =	simm.s32 $0x3C0;
	[sflag:s22] =	ssyncadd.s32 $0xFFFFD300  }
0x520: {  	[tilespmem:s16], [sflag:$0x1] =	stream.indirect.gather [hbm4b:s3+s15], $0x90, s10, s15, $0xb8;
	[tilespmem:$0x1FA20] =	vst v63  }
0x521: {  	s12 =	simm.s32 $0xAF0  }
0x522: {  	[spmem:s1] =	stream.indirect.scatter.add.f32 [tilespmem:s17], [sflag:$0x5], $0x90, s12, s15, $0xb8;
	[tilespmem:$0x1FA20] =	vst v63  }
0x523: {  	_ =	swait.ge [sflag:s26], $0x2D00  }
0x524: {  	[sflag:s26] =	ssyncset.done $0x0  }
0x525: {  	[sflag:s26] =	ssyncadd.s32 $0xFFFFD300  }
0x526: {  	_ =	swait.ge [sflag:s28], $0x2D00  }
0x527: {  	[sflag:s28] =	ssyncset.done $0x0  }
0x528: {  	s19 =	simm.s32 $0x410;
	[sflag:s28] =	ssyncadd.s32 $0xFFFFD300  }
0x529: {  	[tilespmem:s17], [sflag:$0x2] =	stream.indirect.gather [hbm4b:s3+s15], $0x90, s19, s15, $0xb8;
	[tilespmem:$0x1FA20] =	vst v63  }
0x52a: {  	s23 =	simm.s32 $0xB40  }
0x52b: {  	[spmem:s1] =	stream.indirect.scatter.add.f32 [tilespmem:s20], [sflag:$0x6], $0x90, s23, s15, $0xb8;
	[tilespmem:$0x1FA20] =	vst v63  }
0x52c: {  	_ =	swait.ge [sflag:s18], $0x2D00  }
0x52d: {  	[sflag:s18] =	ssyncset.done $0x0  }
0x52e: {  	[sflag:s18] =	ssyncadd.s32 $0xFFFFD300  }
0x52f: {  	_ =	swait.ge [sflag:s31], $0x2D00  }
0x530: {  	[sflag:s31] =	ssyncset.done $0x0  }
0x531: {  	s24 =	simm.s32 $0x460;
	[sflag:s31] =	ssyncadd.s32 $0xFFFFD300  }
0x532: {  	[tilespmem:s20], [sflag:$0x3] =	stream.indirect.gather [hbm4b:s3+s15], $0x90, s24, s15, $0xb8;
	[tilespmem:$0x1FA20] =	vst v63  }
0x533: {  	s25 =	simm.s32 $0xB90  }
0x534: {  	[spmem:s1] =	stream.indirect.scatter.add.f32 [tilespmem:s16], [sflag:$0x4], $0x90, s25, s15, $0xb8;
	[tilespmem:$0x1FA20] =	vst v63  }
0x535: {  	_ =	swait.ge [sflag:s21], $0x2D00  }
0x536: {  	[sflag:s21] =	ssyncset.done $0x0  }
0x537: {  	[sflag:s21] =	ssyncadd.s32 $0xFFFFD300  }
0x538: {  	_ =	swait.ge [sflag:s22], $0x2D00  }
0x539: {  	[sflag:s22] =	ssyncset.done $0x0  }
0x53a: {  	s4 =	simm.s32 $0x4B0;
	[sflag:s22] =	ssyncadd.s32 $0xFFFFD300  }
0x53b: {  	[tilespmem:s16], [sflag:$0x1] =	stream.indirect.gather [hbm4b:s3+s15], $0x90, s4, s15, $0xb8;
	[tilespmem:$0x1FA20] =	vst v63  }
0x53c: {  	s6 =	simm.s32 $0xBE0  }
0x53d: {  	[spmem:s1] =	stream.indirect.scatter.add.f32 [tilespmem:s17], [sflag:$0x5], $0x90, s6, s15, $0xb8;
	[tilespmem:$0x1FA20] =	vst v63  }
0x53e: {  	_ =	swait.ge [sflag:s26], $0x2D00  }
0x53f: {  	[sflag:s26] =	ssyncset.done $0x0  }
0x540: {  	[sflag:s26] =	ssyncadd.s32 $0xFFFFD300  }
0x541: {  	_ =	swait.ge [sflag:s28], $0x2D00  }
0x542: {  	[sflag:s28] =	ssyncset.done $0x0  }
0x543: {  	s7 =	simm.s32 $0x500;
	[sflag:s28] =	ssyncadd.s32 $0xFFFFD300  }
0x544: {  	[tilespmem:s17], [sflag:$0x2] =	stream.indirect.gather [hbm4b:s3+s15], $0x90, s7, s15, $0xb8;
	[tilespmem:$0x1FA20] =	vst v63  }
0x545: {  	s8 =	simm.s32 $0xC30  }
0x546: {  	[spmem:s1] =	stream.indirect.scatter.add.f32 [tilespmem:s20], [sflag:$0x6], $0x90, s8, s15, $0xb8;
	[tilespmem:$0x1FA20] =	vst v63  }
0x547: {  	_ =	swait.ge [sflag:s18], $0x2D00  }
0x548: {  	[sflag:s18] =	ssyncset.done $0x0  }
0x549: {  	[sflag:s18] =	ssyncadd.s32 $0xFFFFD300  }
0x54a: {  	_ =	swait.ge [sflag:s31], $0x2D00  }
0x54b: {  	[sflag:s31] =	ssyncset.done $0x0  }
0x54c: {  	s9 =	simm.s32 $0x550;
	[sflag:s31] =	ssyncadd.s32 $0xFFFFD300  }
0x54d: {  	[tilespmem:s20], [sflag:$0x3] =	stream.indirect.gather [hbm4b:s3+s15], $0x90, s9, s15, $0xb8;
	[tilespmem:$0x1FA20] =	vst v63  }
0x54e: {  	s10 =	simm.s32 $0xC80  }
0x54f: {  	[spmem:s1] =	stream.indirect.scatter.add.f32 [tilespmem:s16], [sflag:$0x4], $0x90, s10, s15, $0xb8;
	[tilespmem:$0x1FA20] =	vst v63  }
0x550: {  	_ =	swait.ge [sflag:s21], $0x2D00  }
0x551: {  	[sflag:s21] =	ssyncset.done $0x0  }
0x552: {  	[sflag:s21] =	ssyncadd.s32 $0xFFFFD300  }
0x553: {  	_ =	swait.ge [sflag:s22], $0x2D00  }
0x554: {  	[sflag:s22] =	ssyncset.done $0x0  }
0x555: {  	s12 =	simm.s32 $0x5A0;
	[sflag:s22] =	ssyncadd.s32 $0xFFFFD300  }
0x556: {  	[tilespmem:s16], [sflag:$0x1] =	stream.indirect.gather [hbm4b:s3+s15], $0x90, s12, s15, $0xb8;
	[tilespmem:$0x1FA20] =	vst v63  }
0x557: {  	s19 =	simm.s32 $0xCD0  }
0x558: {  	[spmem:s1] =	stream.indirect.scatter.add.f32 [tilespmem:s17], [sflag:$0x5], $0x90, s19, s15, $0xb8;
	[tilespmem:$0x1FA20] =	vst v63  }
0x559: {  	_ =	swait.ge [sflag:s26], $0x2D00  }
0x55a: {  	[sflag:s26] =	ssyncset.done $0x0  }
0x55b: {  	[sflag:s26] =	ssyncadd.s32 $0xFFFFD300  }
0x55c: {  	_ =	swait.ge [sflag:s28], $0x2D00  }
0x55d: {  	[sflag:s28] =	ssyncset.done $0x0  }
0x55e: {  	s23 =	simm.s32 $0x5F0;
	[sflag:s28] =	ssyncadd.s32 $0xFFFFD300  }
0x55f: {  	[tilespmem:s17], [sflag:$0x2] =	stream.indirect.gather [hbm4b:s3+s15], $0x90, s23, s15, $0xb8;
	[tilespmem:$0x1FA20] =	vst v63  }
0x560: {  	s24 =	simm.s32 $0xD20  }
0x561: {  	[spmem:s1] =	stream.indirect.scatter.add.f32 [tilespmem:s20], [sflag:$0x6], $0x90, s24, s15, $0xb8;
	[tilespmem:$0x1FA20] =	vst v63  }
0x562: {  	_ =	swait.ge [sflag:s18], $0x2D00  }
0x563: {  	[sflag:s18] =	ssyncset.done $0x0  }
0x564: {  	[sflag:s18] =	ssyncadd.s32 $0xFFFFD300  }
0x565: {  	_ =	swait.ge [sflag:s31], $0x2D00  }
0x566: {  	[sflag:s31] =	ssyncset.done $0x0  }
0x567: {  	s25 =	simm.s32 $0x640;
	[sflag:s31] =	ssyncadd.s32 $0xFFFFD300  }
0x568: {  	[tilespmem:s20], [sflag:$0x3] =	stream.indirect.gather [hbm4b:s3+s15], $0x90, s25, s15, $0xb8;
	[tilespmem:$0x1FA20] =	vst v63  }
0x569: {  	s4 =	simm.s32 $0xD70  }
0x56a: {  	[spmem:s1] =	stream.indirect.scatter.add.f32 [tilespmem:s16], [sflag:$0x4], $0x90, s4, s15, $0xb8;
	[tilespmem:$0x1FA20] =	vst v63  }
0x56b: {  	_ =	swait.ge [sflag:s21], $0x2D00  }
0x56c: {  	[sflag:s21] =	ssyncset.done $0x0  }
0x56d: {  	[sflag:s21] =	ssyncadd.s32 $0xFFFFD300  }
0x56e: {  	_ =	swait.ge [sflag:s22], $0x2D00  }
0x56f: {  	[sflag:s22] =	ssyncset.done $0x0  }
0x570: {  	s6 =	simm.s32 $0x690;
	[sflag:s22] =	ssyncadd.s32 $0xFFFFD300  }
0x571: {  	[tilespmem:s16], [sflag:$0x1] =	stream.indirect.gather [hbm4b:s3+s15], $0x90, s6, s15, $0xb8;
	[tilespmem:$0x1FA20] =	vst v63  }
0x572: {  	s7 =	simm.s32 $0xDC0  }
0x573: {  	[spmem:s1] =	stream.indirect.scatter.add.f32 [tilespmem:s17], [sflag:$0x5], $0x90, s7, s15, $0xb8;
	[tilespmem:$0x1FA20] =	vst v63  }
0x574: {  	_ =	swait.ge [sflag:s26], $0x2D00  }
0x575: {  	[sflag:s26] =	ssyncset.done $0x0  }
0x576: {  	[sflag:s26] =	ssyncadd.s32 $0xFFFFD300  }
0x577: {  	_ =	swait.ge [sflag:s28], $0x2D00  }
0x578: {  	[sflag:s28] =	ssyncset.done $0x0  }
0x579: {  	s8 =	simm.s32 $0x6E0;
	[sflag:s28] =	ssyncadd.s32 $0xFFFFD300  }
0x57a: {  	[tilespmem:s17], [sflag:$0x2] =	stream.indirect.gather [hbm4b:s3+s15], $0x90, s8, s15, $0xb8;
	[tilespmem:$0x1FA20] =	vst v63  }
0x57b: {  	s9 =	simm.s32 $0xE10  }
0x57c: {  	[spmem:s1] =	stream.indirect.scatter.add.f32 [tilespmem:s20], [sflag:$0x6], $0x90, s9, s15, $0xb8;
	[tilespmem:$0x1FA20] =	vst v63  }
0x57d: {  	_ =	swait.ge [sflag:s18], $0x2D00  }
0x57e: {  	[sflag:s18] =	ssyncset.done $0x0  }
0x57f: {  	[sflag:s18] =	ssyncadd.s32 $0xFFFFD300  }
0x580: {  	_ =	swait.ge [sflag:s31], $0x2D00  }
0x581: {  	[sflag:s31] =	ssyncset.done $0x0  }
0x582: {  	s10 =	simm.s32 $0x730;
	[sflag:s31] =	ssyncadd.s32 $0xFFFFD300  }
0x583: {  	[tilespmem:s20], [sflag:$0x3] =	stream.indirect.gather [hbm4b:s3+s15], $0x90, s10, s15, $0xb8;
	[tilespmem:$0x1FA20] =	vst v63  }
0x584: {  	s12 =	simm.s32 $0xE60  }
0x585: {  	[spmem:s1] =	stream.indirect.scatter.add.f32 [tilespmem:s16], [sflag:$0x4], $0x90, s12, s15, $0xb8;
	[tilespmem:$0x1FA20] =	vst v63  }
0x586: {  	_ =	swait.ge [sflag:s21], $0x2D00  }
0x587: {  	[sflag:s21] =	ssyncset.done $0x0  }
0x588: {  	[sflag:s21] =	ssyncadd.s32 $0xFFFFD300  }
0x589: {  	_ =	swait.ge [sflag:s22], $0x2D00  }
0x58a: {  	[sflag:s22] =	ssyncset.done $0x0  }
0x58b: {  	s19 =	simm.s32 $0x780;
	[sflag:s22] =	ssyncadd.s32 $0xFFFFD300  }
0x58c: {  	[tilespmem:s16], [sflag:$0x1] =	stream.indirect.gather [hbm4b:s3+s15], $0x90, s19, s15, $0xb8;
	[tilespmem:$0x1FA20] =	vst v63  }
0x58d: {  	s23 =	simm.s32 $0xEB0  }
0x58e: {  	[spmem:s1] =	stream.indirect.scatter.add.f32 [tilespmem:s17], [sflag:$0x5], $0x90, s23, s15, $0xb8;
	[tilespmem:$0x1FA20] =	vst v63  }
0x58f: {  	_ =	swait.ge [sflag:s26], $0x2D00  }
0x590: {  	[sflag:s26] =	ssyncset.done $0x0  }
0x591: {  	s24 =	simm.s32 $0xF00;
	[sflag:s26] =	ssyncadd.s32 $0xFFFFD300  }
0x592: {  	[spmem:s1] =	stream.indirect.scatter.add.f32 [tilespmem:s20], [sflag:$0x6], $0x90, s24, s15, $0xb8;
	[tilespmem:$0x1FA20] =	vst v63  }
0x593: {  	_ =	swait.ge [sflag:s18], $0x2D00  }
0x594: {  	[sflag:s18] =	ssyncset.done $0x0  }
0x595: {  	s25 =	simm.s32 $0xF50;
	[sflag:s18] =	ssyncadd.s32 $0xFFFFD300  }
0x596: {  	[spmem:s1] =	stream.indirect.scatter.add.f32 [tilespmem:s16], [sflag:$0x4], $0x90, s25, s15, $0xb8;
	[tilespmem:$0x1FA20] =	vst v63  }
0x597: {  	_ =	swait.ge [sflag:s28], $0x2D00  }
0x598: {  	[sflag:s28] =	ssyncset.done $0x0  }
0x599: {  	s30 =	simm.s32 $0x960;
	[sflag:s28] =	ssyncadd.s32 $0xFFFFD300  }
0x59a: {  	s7 =	simm.s32 $0xA0;
	s8 =	simm.s32 $0x140;
	_ =	swait.ge [sflag:s31], $0x2D00  }
.Ltmp6:
0x59b: {  	s9 =	simm.s32 $0xF0;
	[sflag:s31] =	ssyncset.done $0x0;
	(pc) =	sbr.rel .LBB2_8-.Ltmp6, $4  }
0x59c: {  	s10 =	simm.s32 $0x820;
	s12 =	simm.s32 $0x870;
	[sflag:s31] =	ssyncadd.s32 $0xFFFFD300  }
0x59d: {  	s19 =	simm.s32 $0x190;
	s23 =	simm.s32 $0x8C0;
	_ =	swait.ge [sflag:s22], $0x2D00  }
0x59e: {  	s24 =	simm.s32 $0x1E0;
	[sflag:s22] =	ssyncset.done $0x0;
	s0 =	rddreg [dreg:$0x9]  }
0x59f: {  	s25 =	simm.s32 $0x910;
	s29 =	rddreg [dreg:$0xf];
	[sflag:s22] =	ssyncadd.s32 $0xFFFFD300  }
.LBB2_9:
0x5a0: {  	_ =	sfence.sel $0x180000  }
0x5a1: {  	[bflag:$0x0] =	sbarrier.arrive $0xFFFF  }
0x5a2: {  	_ =	strace $0x90000047  }
0x5a3: {  	[bflag:$0x2] =	sbarrier.arrive $0xFFFF  }
0x5a4: {  	s0 =	rddreg [dreg:$0x5]  }
0x5a5: {  	s0 =	sadd.s32 @!p1 $0x100000, s0  }
0x5a6: {  	[sflag:s0] =	ssyncadd.tile.s32 @!p1 $0x1;
	_ =	shalt  }
.Lfunc_end2:
_tile_overlayer_lowered:
.L_overlay_start_2:
0x5a7: {  	(tag) =	ssettag $0x2  }
0x5a8: {  	s0 =	rddreg [dreg:$0x0];
	s2 =	stileid.u32  }
0x5a9: {  	s1 =	rddreg [dreg:$0x1];
	p0 =	sne.s32 s2, $0x0  }
0x5aa: {  	s3 =	rddreg [dreg:$0x2];
	[bflag:$0x3] =	sbarrier.arrive $0xFFFF;
	s2 =	simm.s32 @!p0 $0x1C07  }
0x5ab: {  	[timem:s3], [sflag:s2] =	dma.local @!p0 [hbm:s0], s1  }
0x5ac: {  	s0 =	simm.s32 @!p0 $0x7  }
0x5ad: {  	_ =	swait.ge @!p0 [sflag:s0], s1  }
0x5ae: {  	s1 =	ssub.s32 @!p0 $0x0, s1;
	[sflag:s0] =	ssyncset.done @!p0 $0x0  }
0x5af: {  	[sflag:s0] =	ssyncadd.s32 @!p0 s1  }
0x5b0: {  	[bflag:$0x3] =	sbarrier.arrive $0xFFFF  }
0x5b1: {  	_ =	shalt  }

</sc_bundles>
